<compile_context>
chip_gen: v7x
topology: tpu7x:2x2x1
jax: 0.10.2.dev20260603
libtpu: 0.0.44.dev20260713+nightly
codegen_flags: <defaults>
</compile_context>

<pallas_src>
import functools

import jax
import jax.numpy as jnp
from jax import lax
from jax.experimental import pallas as pl
from jax.experimental.pallas import tpu as pltpu
from jax.experimental.pallas import tpu_sc as plsc

N = 10000
E = 320000
D = 128

NP = 10240
TRASH = 10000
K = 128
TILES = 32
CHUNKS = 79
EP = TILES * CHUNKS * K
EPT = CHUNKS * K
ROWS_PT = NP // TILES * 2
DEGW = 128


def _zero_vmem(ref, nrows, ncols):
    per_row = ncols // 16

    def body(i, carry):
        ref[i // per_row, pl.ds((i % per_row) * 16, 16)] = jnp.zeros((16,), jnp.float32)
        return carry

    lax.fori_loop(0, nrows * per_row, body, 0)


def _fill_ones_vmem(ref, nrows, ncols):
    per_row = ncols // 16

    def body(i, carry):
        ref[i // per_row, pl.ds((i % per_row) * 16, 16)] = jnp.ones((16,), jnp.float32)
        return carry

    lax.fori_loop(0, nrows * per_row, body, 0)


@functools.lru_cache(maxsize=None)
def _sc_kernels():
    mesh = plsc.VectorSubcoreMesh(
        core_axis_name="c", subcore_axis_name="s", num_cores=2,
        num_subcores=16)

    @functools.partial(
        pl.kernel,
        out_type=jax.ShapeDtypeStruct((2, NP, DEGW), jnp.float32),
        mesh=mesh,
        scratch_types=[
            pltpu.VMEM((K,), jnp.int32),
            pltpu.VMEM((K, DEGW), jnp.float32),
            pltpu.VMEM((64, DEGW), jnp.float32),
            pltpu.VMEM_SHARED((NP, DEGW), jnp.float32),
        ],
    )
    def deg_kernel(dst_hbm, out_hbm, didx, ones_v, zb, acc):
        cid = lax.axis_index("c")
        sid = lax.axis_index("s")

        _zero_vmem(zb, 64, DEGW)
        _fill_ones_vmem(ones_v, K, DEGW)
        for t in range(ROWS_PT // 64):
            pltpu.sync_copy(zb, acc.at[pl.ds(sid * ROWS_PT + t * 64, 64), :])
        plsc.subcore_barrier()

        ebase = (cid * 16 + sid) * EPT

        def chunk(c, carry):
            pltpu.sync_copy(dst_hbm.at[pl.ds(ebase + c * K, K)], didx)
            pltpu.sync_copy(ones_v, acc.at[didx], add=True)
            return carry

        lax.fori_loop(0, CHUNKS, chunk, 0)
        plsc.subcore_barrier()

        for t in range(ROWS_PT // 64):
            r = sid * ROWS_PT + t * 64
            pltpu.sync_copy(acc.at[pl.ds(r, 64), :], zb)
            pltpu.sync_copy(zb, out_hbm.at[cid, pl.ds(r, 64), :])

    @functools.partial(
        pl.kernel,
        out_type=jax.ShapeDtypeStruct((2, NP, D), jnp.float32),
        mesh=mesh,
        scratch_types=[
            pltpu.VMEM((K,), jnp.int32),
            pltpu.VMEM((K,), jnp.int32),
            pltpu.VMEM((K, D), jnp.float32),
            pltpu.VMEM((64, D), jnp.float32),
            pltpu.VMEM_SHARED((NP, D), jnp.float32),
            pltpu.SemaphoreType.DMA,
        ],
    )
    def agg_kernel(xt_hbm, src_hbm, dst_hbm, out_hbm, sidx, didx, rows, zb,
                   acc, sem):
        cid = lax.axis_index("c")
        sid = lax.axis_index("s")

        _zero_vmem(zb, 64, D)
        for t in range(ROWS_PT // 64):
            pltpu.sync_copy(zb, acc.at[pl.ds(sid * ROWS_PT + t * 64, 64), :])
        plsc.subcore_barrier()

        ebase = (cid * 16 + sid) * EPT

        def chunk(c, carry):
            b = ebase + c * K
            pltpu.sync_copy(src_hbm.at[pl.ds(b, K)], sidx)
            pltpu.sync_copy(dst_hbm.at[pl.ds(b, K)], didx)
            pltpu.async_copy(xt_hbm.at[sidx], rows, sem).wait()
            pltpu.sync_copy(rows, acc.at[didx], add=True)
            return carry

        lax.fori_loop(0, CHUNKS, chunk, 0)
        plsc.subcore_barrier()

        for t in range(ROWS_PT // K):
            r = sid * ROWS_PT + t * K
            pltpu.sync_copy(acc.at[pl.ds(r, K), :], rows)
            pltpu.sync_copy(rows, out_hbm.at[cid, pl.ds(r, K), :])

    return deg_kernel, agg_kernel


_RB = 400


def _prep_body(dp0_ref, dp1_ref, x_ref, dinv_ref, xt_ref):
    deg = dp0_ref[:, :1] + dp1_ref[:, :1] + 1.0
    dv = lax.rsqrt(jnp.maximum(deg, 1.0))
    dinv_ref[...] = dv
    xt_ref[...] = dv * x_ref[...]


def _tc_prep(degp, x):
    return pl.pallas_call(
        _prep_body,
        grid=(N // _RB,),
        in_specs=[
            pl.BlockSpec((_RB, DEGW), lambda i: (i, 0)),
            pl.BlockSpec((_RB, DEGW), lambda i: (i, 0)),
            pl.BlockSpec((_RB, D), lambda i: (i, 0)),
        ],
        out_specs=[
            pl.BlockSpec((_RB, 1), lambda i: (i, 0)),
            pl.BlockSpec((_RB, D), lambda i: (i, 0)),
        ],
        out_shape=[
            jax.ShapeDtypeStruct((N, 1), jnp.float32),
            jax.ShapeDtypeStruct((N, D), jnp.float32),
        ],
    )(degp[0], degp[1], x)


def _layer_body(relu, emit_xt, p0_ref, p1_ref, x_ref, dinv_ref, w_ref, b_ref,
                out_ref, xt_ref=None):
    dv = dinv_ref[...]
    z = dv * (p0_ref[...] + p1_ref[...]) + (dv * dv) * x_ref[...]
    h = jnp.dot(z, w_ref[...], preferred_element_type=jnp.float32) + b_ref[...]
    if relu:
        h = jnp.maximum(h, 0.0)
    out_ref[...] = h
    if emit_xt:
        xt_ref[...] = dv * h


def _tc_layer(p, x, dinv, w, b, relu, emit_xt):
    c = w.shape[1]
    out_shape = [jax.ShapeDtypeStruct((N, c), jnp.float32)]
    out_specs = [pl.BlockSpec((_RB, c), lambda i: (i, 0))]
    if emit_xt:
        out_shape.append(jax.ShapeDtypeStruct((N, c), jnp.float32))
        out_specs.append(pl.BlockSpec((_RB, c), lambda i: (i, 0)))
    res = pl.pallas_call(
        functools.partial(_layer_body, relu, emit_xt),
        grid=(N // _RB,),
        in_specs=[
            pl.BlockSpec((_RB, D), lambda i: (i, 0)),
            pl.BlockSpec((_RB, D), lambda i: (i, 0)),
            pl.BlockSpec((_RB, D), lambda i: (i, 0)),
            pl.BlockSpec((_RB, 1), lambda i: (i, 0)),
            pl.BlockSpec((D, c), lambda i: (0, 0)),
            pl.BlockSpec((1, c), lambda i: (0, 0)),
        ],
        out_specs=out_specs,
        out_shape=out_shape,
    )(p[0, :N], p[1, :N], x, dinv, w, b.reshape(1, c))
    return res if emit_xt else res[0]


def kernel(edge_emb_eq1, edge_index, W_enc0, b_enc0, W_enc1, b_enc1,
           W_sh, b_sh, W_mu, b_mu, W_lv, b_lv):
    src = jnp.concatenate(
        [edge_index[0], jnp.zeros((EP - E,), edge_index.dtype)])
    dst = jnp.concatenate(
        [edge_index[1], jnp.full((EP - E,), TRASH, edge_index.dtype)])

    deg_kernel, agg_kernel = _sc_kernels()
    degp = deg_kernel(dst)
    dinv, xt0 = _tc_prep(degp, edge_emb_eq1)

    p1 = agg_kernel(xt0, src, dst)
    x1, xt1 = _tc_layer(p1, edge_emb_eq1, dinv, W_enc0, b_enc0, False, True)
    p2 = agg_kernel(xt1, src, dst)
    x2, xt2 = _tc_layer(p2, x1, dinv, W_enc1, b_enc1, False, True)
    p3 = agg_kernel(xt2, src, dst)
    x3, xt3 = _tc_layer(p3, x2, dinv, W_sh, b_sh, True, True)
    p4 = agg_kernel(xt3, src, dst)
    wcat = jnp.concatenate([W_mu, W_lv], axis=1)
    bcat = jnp.concatenate([b_mu, b_lv])
    out = _tc_layer(p4, x3, dinv, wcat, bcat, False, False)
    return (out[:, :D], out[:, D:])

# --- scband reference (transcript-rebuilt; emitter-appended) ---
"""Pipeline reference for scband-gcnencoder-54288386621490 (READ-ONLY COPY).

The authoritative reference and input builder live on the scoring server;
editing this copy changes nothing except your own understanding.
"""

import jax, jax.numpy as jnp
import numpy as np

N = 10000
E = 320000
D = 128


def setup_inputs(seed: int = 0) -> dict:
    key = jax.random.key(seed)
    ks = jax.random.split(key, 12)
    s = 1.0 / np.sqrt(D)
    inp = {}
    inp["edge_emb_eq1"] = jax.random.normal(ks[0], (N, D), dtype=jnp.float32)
    inp["edge_index"] = jax.random.randint(ks[1], (2, E), 0, N, dtype=jnp.int32)
    inp["W_enc0"] = jax.random.normal(ks[2], (D, D), dtype=jnp.float32) * s
    inp["b_enc0"] = jnp.zeros((D,), dtype=jnp.float32)
    inp["W_enc1"] = jax.random.normal(ks[3], (D, D), dtype=jnp.float32) * s
    inp["b_enc1"] = jnp.zeros((D,), dtype=jnp.float32)
    inp["W_sh"] = jax.random.normal(ks[4], (D, D), dtype=jnp.float32) * s
    inp["b_sh"] = jnp.zeros((D,), dtype=jnp.float32)
    inp["W_mu"] = jax.random.normal(ks[5], (D, D), dtype=jnp.float32) * s
    inp["b_mu"] = jnp.zeros((D,), dtype=jnp.float32)
    inp["W_lv"] = jax.random.normal(ks[6], (D, D), dtype=jnp.float32) * s
    inp["b_lv"] = jnp.zeros((D,), dtype=jnp.float32)
    return inp


def _gcn_conv(x, W, b, src, dst, norm):
    # GCNConv (eval mode, dropout inactive): x' = D^-1/2 (A+I) D^-1/2 (x W) + b
    h = x @ W
    msg = h[src] * norm[:, None]          # gather by src + edge normalization
    out = jax.ops.segment_sum(msg, dst, num_segments=N)  # scatter-add by dst
    return out + b


def reference(edge_emb_eq1, edge_index, W_enc0, b_enc0, W_enc1, b_enc1, W_sh, b_sh, W_mu, b_mu, W_lv, b_lv):
    loop = jnp.arange(N, dtype=edge_index.dtype)
    src = jnp.concatenate([edge_index[0], loop])
    dst = jnp.concatenate([edge_index[1], loop])
    deg = jax.ops.segment_sum(jnp.ones_like(src, dtype=jnp.float32), dst, num_segments=N)
    dinv = jax.lax.rsqrt(jnp.maximum(deg, 1.0))
    norm = dinv[src] * dinv[dst]

    x = edge_emb_eq1
    # encoder: 2 stacked GCNConv layers, no activation, .flatten(1) is a no-op on 2D
    x = _gcn_conv(x, W_enc0, b_enc0, src, dst, norm)
    x = _gcn_conv(x, W_enc1, b_enc1, src, dst, norm)
    x = jax.nn.relu(_gcn_conv(x, W_sh, b_sh, src, dst, norm))
    mu = _gcn_conv(x, W_mu, b_mu, src, dst, norm)
    logvar = _gcn_conv(x, W_lv, b_lv, src, dst, norm)
    return (mu, logvar)

if __name__ == "__main__":
    import jax
    _d = setup_inputs()
    print(jax.jit(kernel)(*tuple(_d.values())))

</pallas_src>

<mosaic_0001>
#map = affine_map<(d0, d1) -> (0, 0)>
#map1 = affine_map<(d0, d1) -> (0)>
#map2 = affine_map<(d0, d1) -> (0, 0, 0)>
module attributes {stable_mosaic.version = 14 : i64} {
  func.func @agg_kernel(%arg0: i32, %arg1: i32, %arg2: memref<10000x128xf32, #tpu.memory_space<hbm>>, %arg3: memref<323584xi32, #tpu.memory_space<hbm>>, %arg4: memref<323584xi32, #tpu.memory_space<hbm>>, %arg5: memref<2x10240x128xf32, #tpu.memory_space<hbm>>, %arg6: memref<128xi32, #tpu.memory_space<vmem>>, %arg7: memref<128xi32, #tpu.memory_space<vmem>>, %arg8: memref<128x128xf32, #tpu.memory_space<vmem>>, %arg9: memref<64x128xf32, #tpu.memory_space<vmem>>, %arg10: memref<10240x128xf32, #tpu.memory_space<vmem_shared>>, %arg11: memref<!tpu.dma_semaphore, #tpu.memory_space<semaphore_mem>>) attributes {dimension_semantics = [#tpu.dimension_semantics<core_parallel>, #tpu.dimension_semantics<subcore_parallel>], iteration_bounds = array<i64: 2, 16>, scalar_prefetch = 0 : i64, scratch_operands = 6 : i64, tpu.core_type = #tpu.core_type<sc_vector_subcore>, window_params = [{transform_indices = #map}, {transform_indices = #map1}, {transform_indices = #map1}, {transform_indices = #map2}]} {
    %scan3A = arith.constant 0 : i32
    %scan3A_0 = arith.constant 0 : i32
    %scan3A_1 = arith.constant 512 : i32
    %scan3A_2 = arith.addi %scan3A_0, %scan3A_1 : i32
    %scan3A_3 = arith.constant 1 : i32
    scf.for %scan3A_75 = %scan3A_0 to %scan3A_2 step %scan3A_3  : i32 {
      %broadcast_in_dim3A = arith.constant 0.000000e+00 : f32
      %broadcast_in_dim3A_76 = vector.broadcast %broadcast_in_dim3A : f32 to vector<16xf32>
      %jit3A = arith.constant 8 : i32
      %div3A = arith.divsi %scan3A_75, %jit3A : i32
      %sign3A = arith.constant 0 : i32
      %sign3A_77 = arith.cmpi sgt, %scan3A_75, %sign3A : i32
      %sign3A_78 = arith.extui %sign3A_77 : i1 to i32
      %sign3A_79 = arith.constant 0 : i32
      %sign3A_80 = arith.cmpi slt, %scan3A_75, %sign3A_79 : i32
      %sign3A_81 = arith.extui %sign3A_80 : i1 to i32
      %sign3A_82 = arith.subi %sign3A_78, %sign3A_81 : i32
      %sign3A_83 = arith.constant 0 : i32
      %sign3A_84 = arith.cmpi sgt, %jit3A, %sign3A_83 : i32
      %sign3A_85 = arith.extui %sign3A_84 : i1 to i32
      %sign3A_86 = arith.constant 0 : i32
      %sign3A_87 = arith.cmpi slt, %jit3A, %sign3A_86 : i32
      %sign3A_88 = arith.extui %sign3A_87 : i1 to i32
      %sign3A_89 = arith.subi %sign3A_85, %sign3A_88 : i32
      %ne3A = arith.cmpi ne, %sign3A_82, %sign3A_89 : i32
      %rem3A = arith.remsi %scan3A_75, %jit3A : i32
      %ne3A_90 = arith.constant 0 : i32
      %ne3A_91 = arith.cmpi ne, %rem3A, %ne3A_90 : i32
      %and3A = arith.andi %ne3A, %ne3A_91 : i1
      %sub3A = arith.constant 1 : i32
      %sub3A_92 = arith.subi %div3A, %sub3A : i32
      %select_n3A = arith.select %and3A, %sub3A_92, %div3A : i32
      %jit3A_93 = arith.constant 8 : i32
      %eq3A = arith.constant 0 : i32
      %eq3A_94 = arith.cmpi eq, %jit3A_93, %eq3A : i32
      %jit3A_95 = arith.constant 1 : i32
      %select_n3A_96 = arith.select %eq3A_94, %jit3A_95, %jit3A_93 : i32
      %rem3A_97 = arith.remsi %scan3A_75, %select_n3A_96 : i32
      %ne3A_98 = arith.constant 0 : i32
      %ne3A_99 = arith.cmpi ne, %rem3A_97, %ne3A_98 : i32
      %lt3A = arith.constant 0 : i32
      %lt3A_100 = arith.cmpi slt, %rem3A_97, %lt3A : i32
      %lt3A_101 = arith.constant 0 : i32
      %lt3A_102 = arith.cmpi slt, %select_n3A_96, %lt3A_101 : i32
      %ne3A_103 = arith.xori %lt3A_100, %lt3A_102 : i1
      %and3A_104 = arith.andi %ne3A_103, %ne3A_99 : i1
      %add3A_105 = arith.addi %rem3A_97, %select_n3A_96 : i32
      %select_n3A_106 = arith.select %and3A_104, %add3A_105, %rem3A_97 : i32
      %mul3A_107 = arith.constant 16 : i32
      %mul3A_108 = arith.muli %select_n3A_106, %mul3A_107 : i32
      %swap3A = arith.index_cast %select_n3A : i32 to index
      %swap3A_109 = arith.index_cast %mul3A_108 : i32 to index
      %swap3A_110 = tpu.vector_load %arg9[%swap3A, %swap3A_109] {strides = array<i32>} : memref<64x128xf32, #tpu.memory_space<vmem>>, vector<1x16xf32>,
      %swap3A_111 = vector.shape_cast %swap3A_110 : vector<1x16xf32> to vector<16xf32>
      %swap3A_112 = vector.shape_cast %broadcast_in_dim3A_76 : vector<16xf32> to vector<1x16xf32>
      tpu.vector_store %arg9[%swap3A, %swap3A_109], %swap3A_112 {strides = array<i32>} : memref<64x128xf32, #tpu.memory_space<vmem>>, vector<1x16xf32>,
    }
    %scan3A_4 = arith.constant 512 : i32
    %mul3A = arith.constant 640 : i32
    %mul3A_5 = arith.muli %arg1, %mul3A : i32
    %add3A = arith.constant 0 : i32
    %add3A_6 = arith.addi %mul3A_5, %add3A : i32
    "tpu.region"() ({
      %run_scoped3A = tpu.sem_alloc : memref<!tpu.dma_semaphore, #tpu.memory_space<semaphore_mem>>
      %dma_start3A = arith.constant 0 : i32
      %dma_start3A_75 = tpu.memref_slice %arg10[%add3A_6, %dma_start3A] : memref<10240x128xf32, #tpu.memory_space<vmem_shared>> -> memref<64x128xf32, #tpu.memory_space<vmem_shared>>
      %dma_start3A_76 = arith.constant 0 : i32
      %dma_start3A_77 = tpu.memref_slice %arg10[%add3A_6, %dma_start3A_76] : memref<10240x128xf32, #tpu.memory_space<vmem_shared>> -> memref<64x128xf32, #tpu.memory_space<vmem_shared>>
      tpu.enqueue_dma source(%arg9 : memref<64x128xf32, #tpu.memory_space<vmem>>) target(%dma_start3A_77 : memref<64x128xf32, #tpu.memory_space<vmem_shared>>) target_semaphore(%run_scoped3A : memref<!tpu.dma_semaphore, #tpu.memory_space<semaphore_mem>>)
      %dma_wait3A = arith.constant 0 : i32
      %dma_wait3A_78 = tpu.memref_slice %arg10[%add3A_6, %dma_wait3A] : memref<10240x128xf32, #tpu.memory_space<vmem_shared>> -> memref<64x128xf32, #tpu.memory_space<vmem_shared>>
      %dma_wait3A_79 = arith.constant 0 : i32
      %dma_wait3A_80 = tpu.memref_slice %arg10[%add3A_6, %dma_wait3A_79] : memref<10240x128xf32, #tpu.memory_space<vmem_shared>> -> memref<64x128xf32, #tpu.memory_space<vmem_shared>>
      tpu.wait_dma2 semaphore(%run_scoped3A : memref<!tpu.dma_semaphore, #tpu.memory_space<semaphore_mem>>) src(%arg9 : memref<64x128xf32, #tpu.memory_space<vmem>>) dst(%dma_wait3A_80 : memref<64x128xf32, #tpu.memory_space<vmem_shared>>)
      tpu.yield
    }) : () -> ()
    %mul3A_7 = arith.constant 640 : i32
    %mul3A_8 = arith.muli %arg1, %mul3A_7 : i32
    %add3A_9 = arith.constant 64 : i32
    %add3A_10 = arith.addi %mul3A_8, %add3A_9 : i32
    "tpu.region"() ({
      %run_scoped3A = tpu.sem_alloc : memref<!tpu.dma_semaphore, #tpu.memory_space<semaphore_mem>>
      %dma_start3A = arith.constant 0 : i32
      %dma_start3A_75 = tpu.memref_slice %arg10[%add3A_10, %dma_start3A] : memref<10240x128xf32, #tpu.memory_space<vmem_shared>> -> memref<64x128xf32, #tpu.memory_space<vmem_shared>>
      %dma_start3A_76 = arith.constant 0 : i32
      %dma_start3A_77 = tpu.memref_slice %arg10[%add3A_10, %dma_start3A_76] : memref<10240x128xf32, #tpu.memory_space<vmem_shared>> -> memref<64x128xf32, #tpu.memory_space<vmem_shared>>
      tpu.enqueue_dma source(%arg9 : memref<64x128xf32, #tpu.memory_space<vmem>>) target(%dma_start3A_77 : memref<64x128xf32, #tpu.memory_space<vmem_shared>>) target_semaphore(%run_scoped3A : memref<!tpu.dma_semaphore, #tpu.memory_space<semaphore_mem>>)
      %dma_wait3A = arith.constant 0 : i32
      %dma_wait3A_78 = tpu.memref_slice %arg10[%add3A_10, %dma_wait3A] : memref<10240x128xf32, #tpu.memory_space<vmem_shared>> -> memref<64x128xf32, #tpu.memory_space<vmem_shared>>
      %dma_wait3A_79 = arith.constant 0 : i32
      %dma_wait3A_80 = tpu.memref_slice %arg10[%add3A_10, %dma_wait3A_79] : memref<10240x128xf32, #tpu.memory_space<vmem_shared>> -> memref<64x128xf32, #tpu.memory_space<vmem_shared>>
      tpu.wait_dma2 semaphore(%run_scoped3A : memref<!tpu.dma_semaphore, #tpu.memory_space<semaphore_mem>>) src(%arg9 : memref<64x128xf32, #tpu.memory_space<vmem>>) dst(%dma_wait3A_80 : memref<64x128xf32, #tpu.memory_space<vmem_shared>>)
      tpu.yield
    }) : () -> ()
    %mul3A_11 = arith.constant 640 : i32
    %mul3A_12 = arith.muli %arg1, %mul3A_11 : i32
    %add3A_13 = arith.constant 128 : i32
    %add3A_14 = arith.addi %mul3A_12, %add3A_13 : i32
    "tpu.region"() ({
      %run_scoped3A = tpu.sem_alloc : memref<!tpu.dma_semaphore, #tpu.memory_space<semaphore_mem>>
      %dma_start3A = arith.constant 0 : i32
      %dma_start3A_75 = tpu.memref_slice %arg10[%add3A_14, %dma_start3A] : memref<10240x128xf32, #tpu.memory_space<vmem_shared>> -> memref<64x128xf32, #tpu.memory_space<vmem_shared>>
      %dma_start3A_76 = arith.constant 0 : i32
      %dma_start3A_77 = tpu.memref_slice %arg10[%add3A_14, %dma_start3A_76] : memref<10240x128xf32, #tpu.memory_space<vmem_shared>> -> memref<64x128xf32, #tpu.memory_space<vmem_shared>>
      tpu.enqueue_dma source(%arg9 : memref<64x128xf32, #tpu.memory_space<vmem>>) target(%dma_start3A_77 : memref<64x128xf32, #tpu.memory_space<vmem_shared>>) target_semaphore(%run_scoped3A : memref<!tpu.dma_semaphore, #tpu.memory_space<semaphore_mem>>)
      %dma_wait3A = arith.constant 0 : i32
      %dma_wait3A_78 = tpu.memref_slice %arg10[%add3A_14, %dma_wait3A] : memref<10240x128xf32, #tpu.memory_space<vmem_shared>> -> memref<64x128xf32, #tpu.memory_space<vmem_shared>>
      %dma_wait3A_79 = arith.constant 0 : i32
      %dma_wait3A_80 = tpu.memref_slice %arg10[%add3A_14, %dma_wait3A_79] : memref<10240x128xf32, #tpu.memory_space<vmem_shared>> -> memref<64x128xf32, #tpu.memory_space<vmem_shared>>
      tpu.wait_dma2 semaphore(%run_scoped3A : memref<!tpu.dma_semaphore, #tpu.memory_space<semaphore_mem>>) src(%arg9 : memref<64x128xf32, #tpu.memory_space<vmem>>) dst(%dma_wait3A_80 : memref<64x128xf32, #tpu.memory_space<vmem_shared>>)
      tpu.yield
    }) : () -> ()
    %mul3A_15 = arith.constant 640 : i32
    %mul3A_16 = arith.muli %arg1, %mul3A_15 : i32
    %add3A_17 = arith.constant 192 : i32
    %add3A_18 = arith.addi %mul3A_16, %add3A_17 : i32
    "tpu.region"() ({
      %run_scoped3A = tpu.sem_alloc : memref<!tpu.dma_semaphore, #tpu.memory_space<semaphore_mem>>
      %dma_start3A = arith.constant 0 : i32
      %dma_start3A_75 = tpu.memref_slice %arg10[%add3A_18, %dma_start3A] : memref<10240x128xf32, #tpu.memory_space<vmem_shared>> -> memref<64x128xf32, #tpu.memory_space<vmem_shared>>
      %dma_start3A_76 = arith.constant 0 : i32
      %dma_start3A_77 = tpu.memref_slice %arg10[%add3A_18, %dma_start3A_76] : memref<10240x128xf32, #tpu.memory_space<vmem_shared>> -> memref<64x128xf32, #tpu.memory_space<vmem_shared>>
      tpu.enqueue_dma source(%arg9 : memref<64x128xf32, #tpu.memory_space<vmem>>) target(%dma_start3A_77 : memref<64x128xf32, #tpu.memory_space<vmem_shared>>) target_semaphore(%run_scoped3A : memref<!tpu.dma_semaphore, #tpu.memory_space<semaphore_mem>>)
      %dma_wait3A = arith.constant 0 : i32
      %dma_wait3A_78 = tpu.memref_slice %arg10[%add3A_18, %dma_wait3A] : memref<10240x128xf32, #tpu.memory_space<vmem_shared>> -> memref<64x128xf32, #tpu.memory_space<vmem_shared>>
      %dma_wait3A_79 = arith.constant 0 : i32
      %dma_wait3A_80 = tpu.memref_slice %arg10[%add3A_18, %dma_wait3A_79] : memref<10240x128xf32, #tpu.memory_space<vmem_shared>> -> memref<64x128xf32, #tpu.memory_space<vmem_shared>>
      tpu.wait_dma2 semaphore(%run_scoped3A : memref<!tpu.dma_semaphore, #tpu.memory_space<semaphore_mem>>) src(%arg9 : memref<64x128xf32, #tpu.memory_space<vmem>>) dst(%dma_wait3A_80 : memref<64x128xf32, #tpu.memory_space<vmem_shared>>)
      tpu.yield
    }) : () -> ()
    %mul3A_19 = arith.constant 640 : i32
    %mul3A_20 = arith.muli %arg1, %mul3A_19 : i32
    %add3A_21 = arith.constant 256 : i32
    %add3A_22 = arith.addi %mul3A_20, %add3A_21 : i32
    "tpu.region"() ({
      %run_scoped3A = tpu.sem_alloc : memref<!tpu.dma_semaphore, #tpu.memory_space<semaphore_mem>>
      %dma_start3A = arith.constant 0 : i32
      %dma_start3A_75 = tpu.memref_slice %arg10[%add3A_22, %dma_start3A] : memref<10240x128xf32, #tpu.memory_space<vmem_shared>> -> memref<64x128xf32, #tpu.memory_space<vmem_shared>>
      %dma_start3A_76 = arith.constant 0 : i32
      %dma_start3A_77 = tpu.memref_slice %arg10[%add3A_22, %dma_start3A_76] : memref<10240x128xf32, #tpu.memory_space<vmem_shared>> -> memref<64x128xf32, #tpu.memory_space<vmem_shared>>
      tpu.enqueue_dma source(%arg9 : memref<64x128xf32, #tpu.memory_space<vmem>>) target(%dma_start3A_77 : memref<64x128xf32, #tpu.memory_space<vmem_shared>>) target_semaphore(%run_scoped3A : memref<!tpu.dma_semaphore, #tpu.memory_space<semaphore_mem>>)
      %dma_wait3A = arith.constant 0 : i32
      %dma_wait3A_78 = tpu.memref_slice %arg10[%add3A_22, %dma_wait3A] : memref<10240x128xf32, #tpu.memory_space<vmem_shared>> -> memref<64x128xf32, #tpu.memory_space<vmem_shared>>
      %dma_wait3A_79 = arith.constant 0 : i32
      %dma_wait3A_80 = tpu.memref_slice %arg10[%add3A_22, %dma_wait3A_79] : memref<10240x128xf32, #tpu.memory_space<vmem_shared>> -> memref<64x128xf32, #tpu.memory_space<vmem_shared>>
      tpu.wait_dma2 semaphore(%run_scoped3A : memref<!tpu.dma_semaphore, #tpu.memory_space<semaphore_mem>>) src(%arg9 : memref<64x128xf32, #tpu.memory_space<vmem>>) dst(%dma_wait3A_80 : memref<64x128xf32, #tpu.memory_space<vmem_shared>>)
      tpu.yield
    }) : () -> ()
    %mul3A_23 = arith.constant 640 : i32
    %mul3A_24 = arith.muli %arg1, %mul3A_23 : i32
    %add3A_25 = arith.constant 320 : i32
    %add3A_26 = arith.addi %mul3A_24, %add3A_25 : i32
    "tpu.region"() ({
      %run_scoped3A = tpu.sem_alloc : memref<!tpu.dma_semaphore, #tpu.memory_space<semaphore_mem>>
      %dma_start3A = arith.constant 0 : i32
      %dma_start3A_75 = tpu.memref_slice %arg10[%add3A_26, %dma_start3A] : memref<10240x128xf32, #tpu.memory_space<vmem_shared>> -> memref<64x128xf32, #tpu.memory_space<vmem_shared>>
      %dma_start3A_76 = arith.constant 0 : i32
      %dma_start3A_77 = tpu.memref_slice %arg10[%add3A_26, %dma_start3A_76] : memref<10240x128xf32, #tpu.memory_space<vmem_shared>> -> memref<64x128xf32, #tpu.memory_space<vmem_shared>>
      tpu.enqueue_dma source(%arg9 : memref<64x128xf32, #tpu.memory_space<vmem>>) target(%dma_start3A_77 : memref<64x128xf32, #tpu.memory_space<vmem_shared>>) target_semaphore(%run_scoped3A : memref<!tpu.dma_semaphore, #tpu.memory_space<semaphore_mem>>)
      %dma_wait3A = arith.constant 0 : i32
      %dma_wait3A_78 = tpu.memref_slice %arg10[%add3A_26, %dma_wait3A] : memref<10240x128xf32, #tpu.memory_space<vmem_shared>> -> memref<64x128xf32, #tpu.memory_space<vmem_shared>>
      %dma_wait3A_79 = arith.constant 0 : i32
      %dma_wait3A_80 = tpu.memref_slice %arg10[%add3A_26, %dma_wait3A_79] : memref<10240x128xf32, #tpu.memory_space<vmem_shared>> -> memref<64x128xf32, #tpu.memory_space<vmem_shared>>
      tpu.wait_dma2 semaphore(%run_scoped3A : memref<!tpu.dma_semaphore, #tpu.memory_space<semaphore_mem>>) src(%arg9 : memref<64x128xf32, #tpu.memory_space<vmem>>) dst(%dma_wait3A_80 : memref<64x128xf32, #tpu.memory_space<vmem_shared>>)
      tpu.yield
    }) : () -> ()
    %mul3A_27 = arith.constant 640 : i32
    %mul3A_28 = arith.muli %arg1, %mul3A_27 : i32
    %add3A_29 = arith.constant 384 : i32
    %add3A_30 = arith.addi %mul3A_28, %add3A_29 : i32
    "tpu.region"() ({
      %run_scoped3A = tpu.sem_alloc : memref<!tpu.dma_semaphore, #tpu.memory_space<semaphore_mem>>
      %dma_start3A = arith.constant 0 : i32
      %dma_start3A_75 = tpu.memref_slice %arg10[%add3A_30, %dma_start3A] : memref<10240x128xf32, #tpu.memory_space<vmem_shared>> -> memref<64x128xf32, #tpu.memory_space<vmem_shared>>
      %dma_start3A_76 = arith.constant 0 : i32
      %dma_start3A_77 = tpu.memref_slice %arg10[%add3A_30, %dma_start3A_76] : memref<10240x128xf32, #tpu.memory_space<vmem_shared>> -> memref<64x128xf32, #tpu.memory_space<vmem_shared>>
      tpu.enqueue_dma source(%arg9 : memref<64x128xf32, #tpu.memory_space<vmem>>) target(%dma_start3A_77 : memref<64x128xf32, #tpu.memory_space<vmem_shared>>) target_semaphore(%run_scoped3A : memref<!tpu.dma_semaphore, #tpu.memory_space<semaphore_mem>>)
      %dma_wait3A = arith.constant 0 : i32
      %dma_wait3A_78 = tpu.memref_slice %arg10[%add3A_30, %dma_wait3A] : memref<10240x128xf32, #tpu.memory_space<vmem_shared>> -> memref<64x128xf32, #tpu.memory_space<vmem_shared>>
      %dma_wait3A_79 = arith.constant 0 : i32
      %dma_wait3A_80 = tpu.memref_slice %arg10[%add3A_30, %dma_wait3A_79] : memref<10240x128xf32, #tpu.memory_space<vmem_shared>> -> memref<64x128xf32, #tpu.memory_space<vmem_shared>>
      tpu.wait_dma2 semaphore(%run_scoped3A : memref<!tpu.dma_semaphore, #tpu.memory_space<semaphore_mem>>) src(%arg9 : memref<64x128xf32, #tpu.memory_space<vmem>>) dst(%dma_wait3A_80 : memref<64x128xf32, #tpu.memory_space<vmem_shared>>)
      tpu.yield
    }) : () -> ()
    %mul3A_31 = arith.constant 640 : i32
    %mul3A_32 = arith.muli %arg1, %mul3A_31 : i32
    %add3A_33 = arith.constant 448 : i32
    %add3A_34 = arith.addi %mul3A_32, %add3A_33 : i32
    "tpu.region"() ({
      %run_scoped3A = tpu.sem_alloc : memref<!tpu.dma_semaphore, #tpu.memory_space<semaphore_mem>>
      %dma_start3A = arith.constant 0 : i32
      %dma_start3A_75 = tpu.memref_slice %arg10[%add3A_34, %dma_start3A] : memref<10240x128xf32, #tpu.memory_space<vmem_shared>> -> memref<64x128xf32, #tpu.memory_space<vmem_shared>>
      %dma_start3A_76 = arith.constant 0 : i32
      %dma_start3A_77 = tpu.memref_slice %arg10[%add3A_34, %dma_start3A_76] : memref<10240x128xf32, #tpu.memory_space<vmem_shared>> -> memref<64x128xf32, #tpu.memory_space<vmem_shared>>
      tpu.enqueue_dma source(%arg9 : memref<64x128xf32, #tpu.memory_space<vmem>>) target(%dma_start3A_77 : memref<64x128xf32, #tpu.memory_space<vmem_shared>>) target_semaphore(%run_scoped3A : memref<!tpu.dma_semaphore, #tpu.memory_space<semaphore_mem>>)
      %dma_wait3A = arith.constant 0 : i32
      %dma_wait3A_78 = tpu.memref_slice %arg10[%add3A_34, %dma_wait3A] : memref<10240x128xf32, #tpu.memory_space<vmem_shared>> -> memref<64x128xf32, #tpu.memory_space<vmem_shared>>
      %dma_wait3A_79 = arith.constant 0 : i32
      %dma_wait3A_80 = tpu.memref_slice %arg10[%add3A_34, %dma_wait3A_79] : memref<10240x128xf32, #tpu.memory_space<vmem_shared>> -> memref<64x128xf32, #tpu.memory_space<vmem_shared>>
      tpu.wait_dma2 semaphore(%run_scoped3A : memref<!tpu.dma_semaphore, #tpu.memory_space<semaphore_mem>>) src(%arg9 : memref<64x128xf32, #tpu.memory_space<vmem>>) dst(%dma_wait3A_80 : memref<64x128xf32, #tpu.memory_space<vmem_shared>>)
      tpu.yield
    }) : () -> ()
    %mul3A_35 = arith.constant 640 : i32
    %mul3A_36 = arith.muli %arg1, %mul3A_35 : i32
    %add3A_37 = arith.constant 512 : i32
    %add3A_38 = arith.addi %mul3A_36, %add3A_37 : i32
    "tpu.region"() ({
      %run_scoped3A = tpu.sem_alloc : memref<!tpu.dma_semaphore, #tpu.memory_space<semaphore_mem>>
      %dma_start3A = arith.constant 0 : i32
      %dma_start3A_75 = tpu.memref_slice %arg10[%add3A_38, %dma_start3A] : memref<10240x128xf32, #tpu.memory_space<vmem_shared>> -> memref<64x128xf32, #tpu.memory_space<vmem_shared>>
      %dma_start3A_76 = arith.constant 0 : i32
      %dma_start3A_77 = tpu.memref_slice %arg10[%add3A_38, %dma_start3A_76] : memref<10240x128xf32, #tpu.memory_space<vmem_shared>> -> memref<64x128xf32, #tpu.memory_space<vmem_shared>>
      tpu.enqueue_dma source(%arg9 : memref<64x128xf32, #tpu.memory_space<vmem>>) target(%dma_start3A_77 : memref<64x128xf32, #tpu.memory_space<vmem_shared>>) target_semaphore(%run_scoped3A : memref<!tpu.dma_semaphore, #tpu.memory_space<semaphore_mem>>)
      %dma_wait3A = arith.constant 0 : i32
      %dma_wait3A_78 = tpu.memref_slice %arg10[%add3A_38, %dma_wait3A] : memref<10240x128xf32, #tpu.memory_space<vmem_shared>> -> memref<64x128xf32, #tpu.memory_space<vmem_shared>>
      %dma_wait3A_79 = arith.constant 0 : i32
      %dma_wait3A_80 = tpu.memref_slice %arg10[%add3A_38, %dma_wait3A_79] : memref<10240x128xf32, #tpu.memory_space<vmem_shared>> -> memref<64x128xf32, #tpu.memory_space<vmem_shared>>
      tpu.wait_dma2 semaphore(%run_scoped3A : memref<!tpu.dma_semaphore, #tpu.memory_space<semaphore_mem>>) src(%arg9 : memref<64x128xf32, #tpu.memory_space<vmem>>) dst(%dma_wait3A_80 : memref<64x128xf32, #tpu.memory_space<vmem_shared>>)
      tpu.yield
    }) : () -> ()
    %mul3A_39 = arith.constant 640 : i32
    %mul3A_40 = arith.muli %arg1, %mul3A_39 : i32
    %add3A_41 = arith.constant 576 : i32
    %add3A_42 = arith.addi %mul3A_40, %add3A_41 : i32
    "tpu.region"() ({
      %run_scoped3A = tpu.sem_alloc : memref<!tpu.dma_semaphore, #tpu.memory_space<semaphore_mem>>
      %dma_start3A = arith.constant 0 : i32
      %dma_start3A_75 = tpu.memref_slice %arg10[%add3A_42, %dma_start3A] : memref<10240x128xf32, #tpu.memory_space<vmem_shared>> -> memref<64x128xf32, #tpu.memory_space<vmem_shared>>
      %dma_start3A_76 = arith.constant 0 : i32
      %dma_start3A_77 = tpu.memref_slice %arg10[%add3A_42, %dma_start3A_76] : memref<10240x128xf32, #tpu.memory_space<vmem_shared>> -> memref<64x128xf32, #tpu.memory_space<vmem_shared>>
      tpu.enqueue_dma source(%arg9 : memref<64x128xf32, #tpu.memory_space<vmem>>) target(%dma_start3A_77 : memref<64x128xf32, #tpu.memory_space<vmem_shared>>) target_semaphore(%run_scoped3A : memref<!tpu.dma_semaphore, #tpu.memory_space<semaphore_mem>>)
      %dma_wait3A = arith.constant 0 : i32
      %dma_wait3A_78 = tpu.memref_slice %arg10[%add3A_42, %dma_wait3A] : memref<10240x128xf32, #tpu.memory_space<vmem_shared>> -> memref<64x128xf32, #tpu.memory_space<vmem_shared>>
      %dma_wait3A_79 = arith.constant 0 : i32
      %dma_wait3A_80 = tpu.memref_slice %arg10[%add3A_42, %dma_wait3A_79] : memref<10240x128xf32, #tpu.memory_space<vmem_shared>> -> memref<64x128xf32, #tpu.memory_space<vmem_shared>>
      tpu.wait_dma2 semaphore(%run_scoped3A : memref<!tpu.dma_semaphore, #tpu.memory_space<semaphore_mem>>) src(%arg9 : memref<64x128xf32, #tpu.memory_space<vmem>>) dst(%dma_wait3A_80 : memref<64x128xf32, #tpu.memory_space<vmem_shared>>)
      tpu.yield
    }) : () -> ()
    %barrier3A = arith.constant 0 : index
    tpu.barrier barrier_id(%barrier3A)
    %mul3A_43 = arith.constant 16 : i32
    %mul3A_44 = arith.muli %arg0, %mul3A_43 : i32
    %add3A_45 = arith.addi %mul3A_44, %arg1 : i32
    %mul3A_46 = arith.constant 10112 : i32
    %mul3A_47 = arith.muli %add3A_45, %mul3A_46 : i32
    %scan3A_48 = arith.constant 0 : i32
    %scan3A_49 = arith.constant 0 : i32
    %scan3A_50 = arith.constant 79 : i32
    %scan3A_51 = arith.addi %scan3A_49, %scan3A_50 : i32
    %scan3A_52 = arith.constant 1 : i32
    scf.for %scan3A_75 = %scan3A_49 to %scan3A_51 step %scan3A_52  : i32 {
      %mul3A_76 = arith.constant 128 : i32
      %mul3A_77 = arith.muli %scan3A_75, %mul3A_76 : i32
      %add3A_78 = arith.addi %mul3A_47, %mul3A_77 : i32
      "tpu.region"() ({
        %run_scoped3A = tpu.sem_alloc : memref<!tpu.dma_semaphore, #tpu.memory_space<semaphore_mem>>
        %dma_start3A_83 = tpu.memref_slice %arg3[%add3A_78] : memref<323584xi32, #tpu.memory_space<hbm>> -> memref<128xi32, #tpu.memory_space<hbm>>
        %dma_start3A_84 = tpu.memref_slice %arg3[%add3A_78] : memref<323584xi32, #tpu.memory_space<hbm>> -> memref<128xi32, #tpu.memory_space<hbm>>
        tpu.enqueue_dma source(%dma_start3A_84 : memref<128xi32, #tpu.memory_space<hbm>>) target(%arg6 : memref<128xi32, #tpu.memory_space<vmem>>) target_semaphore(%run_scoped3A : memref<!tpu.dma_semaphore, #tpu.memory_space<semaphore_mem>>)
        %dma_wait3A_85 = tpu.memref_slice %arg3[%add3A_78] : memref<323584xi32, #tpu.memory_space<hbm>> -> memref<128xi32, #tpu.memory_space<hbm>>
        %dma_wait3A_86 = tpu.memref_slice %arg3[%add3A_78] : memref<323584xi32, #tpu.memory_space<hbm>> -> memref<128xi32, #tpu.memory_space<hbm>>
        tpu.wait_dma2 semaphore(%run_scoped3A : memref<!tpu.dma_semaphore, #tpu.memory_space<semaphore_mem>>) src(%dma_wait3A_86 : memref<128xi32, #tpu.memory_space<hbm>>) dst(%arg6 : memref<128xi32, #tpu.memory_space<vmem>>)
        tpu.yield
      }) : () -> ()
      "tpu.region"() ({
        %run_scoped3A = tpu.sem_alloc : memref<!tpu.dma_semaphore, #tpu.memory_space<semaphore_mem>>
        %dma_start3A_83 = tpu.memref_slice %arg4[%add3A_78] : memref<323584xi32, #tpu.memory_space<hbm>> -> memref<128xi32, #tpu.memory_space<hbm>>
        %dma_start3A_84 = tpu.memref_slice %arg4[%add3A_78] : memref<323584xi32, #tpu.memory_space<hbm>> -> memref<128xi32, #tpu.memory_space<hbm>>
        tpu.enqueue_dma source(%dma_start3A_84 : memref<128xi32, #tpu.memory_space<hbm>>) target(%arg7 : memref<128xi32, #tpu.memory_space<vmem>>) target_semaphore(%run_scoped3A : memref<!tpu.dma_semaphore, #tpu.memory_space<semaphore_mem>>)
        %dma_wait3A_85 = tpu.memref_slice %arg4[%add3A_78] : memref<323584xi32, #tpu.memory_space<hbm>> -> memref<128xi32, #tpu.memory_space<hbm>>
        %dma_wait3A_86 = tpu.memref_slice %arg4[%add3A_78] : memref<323584xi32, #tpu.memory_space<hbm>> -> memref<128xi32, #tpu.memory_space<hbm>>
        tpu.wait_dma2 semaphore(%run_scoped3A : memref<!tpu.dma_semaphore, #tpu.memory_space<semaphore_mem>>) src(%dma_wait3A_86 : memref<128xi32, #tpu.memory_space<hbm>>) dst(%arg7 : memref<128xi32, #tpu.memory_space<vmem>>)
        tpu.yield
      }) : () -> ()
      %dma_start3A = arith.constant 0 : i32
      %dma_start3A_79 = arith.constant 0 : i32
      %dma_start3A_80 = tpu.memref_slice %arg2[%dma_start3A, %dma_start3A_79] : memref<10000x128xf32, #tpu.memory_space<hbm>> -> memref<10000x128xf32, #tpu.memory_space<hbm>>
      tpu.enqueue_indirect_dma source(%dma_start3A_80 : memref<10000x128xf32, #tpu.memory_space<hbm>>) target(%arg8 : memref<128x128xf32, #tpu.memory_space<vmem>>) offsets(%arg6 : memref<128xi32, #tpu.memory_space<vmem>>) semaphore(%arg11 : memref<!tpu.dma_semaphore, #tpu.memory_space<semaphore_mem>>)
      %dma_wait3A = arith.constant 0 : i32
      %dma_wait3A_81 = arith.constant 0 : i32
      %dma_wait3A_82 = tpu.memref_slice %arg2[%dma_wait3A, %dma_wait3A_81] : memref<10000x128xf32, #tpu.memory_space<hbm>> -> memref<10000x128xf32, #tpu.memory_space<hbm>>
      tpu.wait_indirect_dma semaphore(%arg11 : memref<!tpu.dma_semaphore, #tpu.memory_space<semaphore_mem>>) src(%dma_wait3A_82 : memref<10000x128xf32, #tpu.memory_space<hbm>>) dst(%arg8 : memref<128x128xf32, #tpu.memory_space<vmem>>)
      "tpu.region"() ({
        %run_scoped3A = tpu.sem_alloc : memref<!tpu.dma_semaphore, #tpu.memory_space<semaphore_mem>>
        %dma_start3A_83 = arith.constant 0 : i32
        %dma_start3A_84 = arith.constant 0 : i32
        %dma_start3A_85 = tpu.memref_slice %arg10[%dma_start3A_83, %dma_start3A_84] : memref<10240x128xf32, #tpu.memory_space<vmem_shared>> -> memref<10240x128xf32, #tpu.memory_space<vmem_shared>>
        tpu.enqueue_indirect_dma source(%arg8 : memref<128x128xf32, #tpu.memory_space<vmem>>) target(%dma_start3A_85 : memref<10240x128xf32, #tpu.memory_space<vmem_shared>>) offsets(%arg7 : memref<128xi32, #tpu.memory_space<vmem>>) semaphore(%run_scoped3A : memref<!tpu.dma_semaphore, #tpu.memory_space<semaphore_mem>>) {add = true}
        %dma_wait3A_86 = arith.constant 0 : i32
        %dma_wait3A_87 = arith.constant 0 : i32
        %dma_wait3A_88 = tpu.memref_slice %arg10[%dma_wait3A_86, %dma_wait3A_87] : memref<10240x128xf32, #tpu.memory_space<vmem_shared>> -> memref<10240x128xf32, #tpu.memory_space<vmem_shared>>
        tpu.wait_indirect_dma semaphore(%run_scoped3A : memref<!tpu.dma_semaphore, #tpu.memory_space<semaphore_mem>>) src(%arg8 : memref<128x128xf32, #tpu.memory_space<vmem>>) dst(%dma_wait3A_88 : memref<10240x128xf32, #tpu.memory_space<vmem_shared>>)
        tpu.yield
      }) : () -> ()
    }
    %scan3A_53 = arith.constant 79 : i32
    %barrier3A_54 = arith.constant 0 : index
    tpu.barrier barrier_id(%barrier3A_54)
    %mul3A_55 = arith.constant 640 : i32
    %mul3A_56 = arith.muli %arg1, %mul3A_55 : i32
    %add3A_57 = arith.constant 0 : i32
    %add3A_58 = arith.addi %mul3A_56, %add3A_57 : i32
    "tpu.region"() ({
      %run_scoped3A = tpu.sem_alloc : memref<!tpu.dma_semaphore, #tpu.memory_space<semaphore_mem>>
      %dma_start3A = arith.constant 0 : i32
      %dma_start3A_75 = tpu.memref_slice %arg10[%add3A_58, %dma_start3A] : memref<10240x128xf32, #tpu.memory_space<vmem_shared>> -> memref<128x128xf32, #tpu.memory_space<vmem_shared>>
      %dma_start3A_76 = arith.constant 0 : i32
      %dma_start3A_77 = tpu.memref_slice %arg10[%add3A_58, %dma_start3A_76] : memref<10240x128xf32, #tpu.memory_space<vmem_shared>> -> memref<128x128xf32, #tpu.memory_space<vmem_shared>>
      tpu.enqueue_dma source(%dma_start3A_77 : memref<128x128xf32, #tpu.memory_space<vmem_shared>>) target(%arg8 : memref<128x128xf32, #tpu.memory_space<vmem>>) target_semaphore(%run_scoped3A : memref<!tpu.dma_semaphore, #tpu.memory_space<semaphore_mem>>)
      %dma_wait3A = arith.constant 0 : i32
      %dma_wait3A_78 = tpu.memref_slice %arg10[%add3A_58, %dma_wait3A] : memref<10240x128xf32, #tpu.memory_space<vmem_shared>> -> memref<128x128xf32, #tpu.memory_space<vmem_shared>>
      %dma_wait3A_79 = arith.constant 0 : i32
      %dma_wait3A_80 = tpu.memref_slice %arg10[%add3A_58, %dma_wait3A_79] : memref<10240x128xf32, #tpu.memory_space<vmem_shared>> -> memref<128x128xf32, #tpu.memory_space<vmem_shared>>
      tpu.wait_dma2 semaphore(%run_scoped3A : memref<!tpu.dma_semaphore, #tpu.memory_space<semaphore_mem>>) src(%dma_wait3A_80 : memref<128x128xf32, #tpu.memory_space<vmem_shared>>) dst(%arg8 : memref<128x128xf32, #tpu.memory_space<vmem>>)
      tpu.yield
    }) : () -> ()
    "tpu.region"() ({
      %run_scoped3A = tpu.sem_alloc : memref<!tpu.dma_semaphore, #tpu.memory_space<semaphore_mem>>
      %dma_start3A = arith.constant 0 : i32
      %dma_start3A_75 = tpu.memref_slice %arg5[%arg0, %add3A_58, %dma_start3A] : memref<2x10240x128xf32, #tpu.memory_space<hbm>> -> memref<1x128x128xf32, #tpu.memory_space<hbm>>
      %dma_start3A_76 = tpu.memref_squeeze %dma_start3A_75 : memref<1x128x128xf32, #tpu.memory_space<hbm>> -> memref<128x128xf32, #tpu.memory_space<hbm>>
      %dma_start3A_77 = arith.constant 0 : i32
      %dma_start3A_78 = tpu.memref_slice %arg5[%arg0, %add3A_58, %dma_start3A_77] : memref<2x10240x128xf32, #tpu.memory_space<hbm>> -> memref<1x128x128xf32, #tpu.memory_space<hbm>>
      %dma_start3A_79 = tpu.memref_squeeze %dma_start3A_78 : memref<1x128x128xf32, #tpu.memory_space<hbm>> -> memref<128x128xf32, #tpu.memory_space<hbm>>
      tpu.enqueue_dma source(%arg8 : memref<128x128xf32, #tpu.memory_space<vmem>>) target(%dma_start3A_79 : memref<128x128xf32, #tpu.memory_space<hbm>>) target_semaphore(%run_scoped3A : memref<!tpu.dma_semaphore, #tpu.memory_space<semaphore_mem>>)
      %dma_wait3A = arith.constant 0 : i32
      %dma_wait3A_80 = tpu.memref_slice %arg5[%arg0, %add3A_58, %dma_wait3A] : memref<2x10240x128xf32, #tpu.memory_space<hbm>> -> memref<1x128x128xf32, #tpu.memory_space<hbm>>
      %dma_wait3A_81 = tpu.memref_squeeze %dma_wait3A_80 : memref<1x128x128xf32, #tpu.memory_space<hbm>> -> memref<128x128xf32, #tpu.memory_space<hbm>>
      %dma_wait3A_82 = arith.constant 0 : i32
      %dma_wait3A_83 = tpu.memref_slice %arg5[%arg0, %add3A_58, %dma_wait3A_82] : memref<2x10240x128xf32, #tpu.memory_space<hbm>> -> memref<1x128x128xf32, #tpu.memory_space<hbm>>
      %dma_wait3A_84 = tpu.memref_squeeze %dma_wait3A_83 : memref<1x128x128xf32, #tpu.memory_space<hbm>> -> memref<128x128xf32, #tpu.memory_space<hbm>>
      tpu.wait_dma2 semaphore(%run_scoped3A : memref<!tpu.dma_semaphore, #tpu.memory_space<semaphore_mem>>) src(%arg8 : memref<128x128xf32, #tpu.memory_space<vmem>>) dst(%dma_wait3A_84 : memref<128x128xf32, #tpu.memory_space<hbm>>)
      tpu.yield
    }) : () -> ()
    %mul3A_59 = arith.constant 640 : i32
    %mul3A_60 = arith.muli %arg1, %mul3A_59 : i32
    %add3A_61 = arith.constant 128 : i32
    %add3A_62 = arith.addi %mul3A_60, %add3A_61 : i32
    "tpu.region"() ({
      %run_scoped3A = tpu.sem_alloc : memref<!tpu.dma_semaphore, #tpu.memory_space<semaphore_mem>>
      %dma_start3A = arith.constant 0 : i32
      %dma_start3A_75 = tpu.memref_slice %arg10[%add3A_62, %dma_start3A] : memref<10240x128xf32, #tpu.memory_space<vmem_shared>> -> memref<128x128xf32, #tpu.memory_space<vmem_shared>>
      %dma_start3A_76 = arith.constant 0 : i32
      %dma_start3A_77 = tpu.memref_slice %arg10[%add3A_62, %dma_start3A_76] : memref<10240x128xf32, #tpu.memory_space<vmem_shared>> -> memref<128x128xf32, #tpu.memory_space<vmem_shared>>
      tpu.enqueue_dma source(%dma_start3A_77 : memref<128x128xf32, #tpu.memory_space<vmem_shared>>) target(%arg8 : memref<128x128xf32, #tpu.memory_space<vmem>>) target_semaphore(%run_scoped3A : memref<!tpu.dma_semaphore, #tpu.memory_space<semaphore_mem>>)
      %dma_wait3A = arith.constant 0 : i32
      %dma_wait3A_78 = tpu.memref_slice %arg10[%add3A_62, %dma_wait3A] : memref<10240x128xf32, #tpu.memory_space<vmem_shared>> -> memref<128x128xf32, #tpu.memory_space<vmem_shared>>
      %dma_wait3A_79 = arith.constant 0 : i32
      %dma_wait3A_80 = tpu.memref_slice %arg10[%add3A_62, %dma_wait3A_79] : memref<10240x128xf32, #tpu.memory_space<vmem_shared>> -> memref<128x128xf32, #tpu.memory_space<vmem_shared>>
      tpu.wait_dma2 semaphore(%run_scoped3A : memref<!tpu.dma_semaphore, #tpu.memory_space<semaphore_mem>>) src(%dma_wait3A_80 : memref<128x128xf32, #tpu.memory_space<vmem_shared>>) dst(%arg8 : memref<128x128xf32, #tpu.memory_space<vmem>>)
      tpu.yield
    }) : () -> ()
    "tpu.region"() ({
      %run_scoped3A = tpu.sem_alloc : memref<!tpu.dma_semaphore, #tpu.memory_space<semaphore_mem>>
      %dma_start3A = arith.constant 0 : i32
      %dma_start3A_75 = tpu.memref_slice %arg5[%arg0, %add3A_62, %dma_start3A] : memref<2x10240x128xf32, #tpu.memory_space<hbm>> -> memref<1x128x128xf32, #tpu.memory_space<hbm>>
      %dma_start3A_76 = tpu.memref_squeeze %dma_start3A_75 : memref<1x128x128xf32, #tpu.memory_space<hbm>> -> memref<128x128xf32, #tpu.memory_space<hbm>>
      %dma_start3A_77 = arith.constant 0 : i32
      %dma_start3A_78 = tpu.memref_slice %arg5[%arg0, %add3A_62, %dma_start3A_77] : memref<2x10240x128xf32, #tpu.memory_space<hbm>> -> memref<1x128x128xf32, #tpu.memory_space<hbm>>
      %dma_start3A_79 = tpu.memref_squeeze %dma_start3A_78 : memref<1x128x128xf32, #tpu.memory_space<hbm>> -> memref<128x128xf32, #tpu.memory_space<hbm>>
      tpu.enqueue_dma source(%arg8 : memref<128x128xf32, #tpu.memory_space<vmem>>) target(%dma_start3A_79 : memref<128x128xf32, #tpu.memory_space<hbm>>) target_semaphore(%run_scoped3A : memref<!tpu.dma_semaphore, #tpu.memory_space<semaphore_mem>>)
      %dma_wait3A = arith.constant 0 : i32
      %dma_wait3A_80 = tpu.memref_slice %arg5[%arg0, %add3A_62, %dma_wait3A] : memref<2x10240x128xf32, #tpu.memory_space<hbm>> -> memref<1x128x128xf32, #tpu.memory_space<hbm>>
      %dma_wait3A_81 = tpu.memref_squeeze %dma_wait3A_80 : memref<1x128x128xf32, #tpu.memory_space<hbm>> -> memref<128x128xf32, #tpu.memory_space<hbm>>
      %dma_wait3A_82 = arith.constant 0 : i32
      %dma_wait3A_83 = tpu.memref_slice %arg5[%arg0, %add3A_62, %dma_wait3A_82] : memref<2x10240x128xf32, #tpu.memory_space<hbm>> -> memref<1x128x128xf32, #tpu.memory_space<hbm>>
      %dma_wait3A_84 = tpu.memref_squeeze %dma_wait3A_83 : memref<1x128x128xf32, #tpu.memory_space<hbm>> -> memref<128x128xf32, #tpu.memory_space<hbm>>
      tpu.wait_dma2 semaphore(%run_scoped3A : memref<!tpu.dma_semaphore, #tpu.memory_space<semaphore_mem>>) src(%arg8 : memref<128x128xf32, #tpu.memory_space<vmem>>) dst(%dma_wait3A_84 : memref<128x128xf32, #tpu.memory_space<hbm>>)
      tpu.yield
    }) : () -> ()
    %mul3A_63 = arith.constant 640 : i32
    %mul3A_64 = arith.muli %arg1, %mul3A_63 : i32
    %add3A_65 = arith.constant 256 : i32
    %add3A_66 = arith.addi %mul3A_64, %add3A_65 : i32
    "tpu.region"() ({
      %run_scoped3A = tpu.sem_alloc : memref<!tpu.dma_semaphore, #tpu.memory_space<semaphore_mem>>
      %dma_start3A = arith.constant 0 : i32
      %dma_start3A_75 = tpu.memref_slice %arg10[%add3A_66, %dma_start3A] : memref<10240x128xf32, #tpu.memory_space<vmem_shared>> -> memref<128x128xf32, #tpu.memory_space<vmem_shared>>
      %dma_start3A_76 = arith.constant 0 : i32
      %dma_start3A_77 = tpu.memref_slice %arg10[%add3A_66, %dma_start3A_76] : memref<10240x128xf32, #tpu.memory_space<vmem_shared>> -> memref<128x128xf32, #tpu.memory_space<vmem_shared>>
      tpu.enqueue_dma source(%dma_start3A_77 : memref<128x128xf32, #tpu.memory_space<vmem_shared>>) target(%arg8 : memref<128x128xf32, #tpu.memory_space<vmem>>) target_semaphore(%run_scoped3A : memref<!tpu.dma_semaphore, #tpu.memory_space<semaphore_mem>>)
      %dma_wait3A = arith.constant 0 : i32
      %dma_wait3A_78 = tpu.memref_slice %arg10[%add3A_66, %dma_wait3A] : memref<10240x128xf32, #tpu.memory_space<vmem_shared>> -> memref<128x128xf32, #tpu.memory_space<vmem_shared>>
      %dma_wait3A_79 = arith.constant 0 : i32
      %dma_wait3A_80 = tpu.memref_slice %arg10[%add3A_66, %dma_wait3A_79] : memref<10240x128xf32, #tpu.memory_space<vmem_shared>> -> memref<128x128xf32, #tpu.memory_space<vmem_shared>>
      tpu.wait_dma2 semaphore(%run_scoped3A : memref<!tpu.dma_semaphore, #tpu.memory_space<semaphore_mem>>) src(%dma_wait3A_80 : memref<128x128xf32, #tpu.memory_space<vmem_shared>>) dst(%arg8 : memref<128x128xf32, #tpu.memory_space<vmem>>)
      tpu.yield
    }) : () -> ()
    "tpu.region"() ({
      %run_scoped3A = tpu.sem_alloc : memref<!tpu.dma_semaphore, #tpu.memory_space<semaphore_mem>>
      %dma_start3A = arith.constant 0 : i32
      %dma_start3A_75 = tpu.memref_slice %arg5[%arg0, %add3A_66, %dma_start3A] : memref<2x10240x128xf32, #tpu.memory_space<hbm>> -> memref<1x128x128xf32, #tpu.memory_space<hbm>>
      %dma_start3A_76 = tpu.memref_squeeze %dma_start3A_75 : memref<1x128x128xf32, #tpu.memory_space<hbm>> -> memref<128x128xf32, #tpu.memory_space<hbm>>
      %dma_start3A_77 = arith.constant 0 : i32
      %dma_start3A_78 = tpu.memref_slice %arg5[%arg0, %add3A_66, %dma_start3A_77] : memref<2x10240x128xf32, #tpu.memory_space<hbm>> -> memref<1x128x128xf32, #tpu.memory_space<hbm>>
      %dma_start3A_79 = tpu.memref_squeeze %dma_start3A_78 : memref<1x128x128xf32, #tpu.memory_space<hbm>> -> memref<128x128xf32, #tpu.memory_space<hbm>>
      tpu.enqueue_dma source(%arg8 : memref<128x128xf32, #tpu.memory_space<vmem>>) target(%dma_start3A_79 : memref<128x128xf32, #tpu.memory_space<hbm>>) target_semaphore(%run_scoped3A : memref<!tpu.dma_semaphore, #tpu.memory_space<semaphore_mem>>)
      %dma_wait3A = arith.constant 0 : i32
      %dma_wait3A_80 = tpu.memref_slice %arg5[%arg0, %add3A_66, %dma_wait3A] : memref<2x10240x128xf32, #tpu.memory_space<hbm>> -> memref<1x128x128xf32, #tpu.memory_space<hbm>>
      %dma_wait3A_81 = tpu.memref_squeeze %dma_wait3A_80 : memref<1x128x128xf32, #tpu.memory_space<hbm>> -> memref<128x128xf32, #tpu.memory_space<hbm>>
      %dma_wait3A_82 = arith.constant 0 : i32
      %dma_wait3A_83 = tpu.memref_slice %arg5[%arg0, %add3A_66, %dma_wait3A_82] : memref<2x10240x128xf32, #tpu.memory_space<hbm>> -> memref<1x128x128xf32, #tpu.memory_space<hbm>>
      %dma_wait3A_84 = tpu.memref_squeeze %dma_wait3A_83 : memref<1x128x128xf32, #tpu.memory_space<hbm>> -> memref<128x128xf32, #tpu.memory_space<hbm>>
      tpu.wait_dma2 semaphore(%run_scoped3A : memref<!tpu.dma_semaphore, #tpu.memory_space<semaphore_mem>>) src(%arg8 : memref<128x128xf32, #tpu.memory_space<vmem>>) dst(%dma_wait3A_84 : memref<128x128xf32, #tpu.memory_space<hbm>>)
      tpu.yield
    }) : () -> ()
    %mul3A_67 = arith.constant 640 : i32
    %mul3A_68 = arith.muli %arg1, %mul3A_67 : i32
    %add3A_69 = arith.constant 384 : i32
    %add3A_70 = arith.addi %mul3A_68, %add3A_69 : i32
    "tpu.region"() ({
      %run_scoped3A = tpu.sem_alloc : memref<!tpu.dma_semaphore, #tpu.memory_space<semaphore_mem>>
      %dma_start3A = arith.constant 0 : i32
      %dma_start3A_75 = tpu.memref_slice %arg10[%add3A_70, %dma_start3A] : memref<10240x128xf32, #tpu.memory_space<vmem_shared>> -> memref<128x128xf32, #tpu.memory_space<vmem_shared>>
      %dma_start3A_76 = arith.constant 0 : i32
      %dma_start3A_77 = tpu.memref_slice %arg10[%add3A_70, %dma_start3A_76] : memref<10240x128xf32, #tpu.memory_space<vmem_shared>> -> memref<128x128xf32, #tpu.memory_space<vmem_shared>>
      tpu.enqueue_dma source(%dma_start3A_77 : memref<128x128xf32, #tpu.memory_space<vmem_shared>>) target(%arg8 : memref<128x128xf32, #tpu.memory_space<vmem>>) target_semaphore(%run_scoped3A : memref<!tpu.dma_semaphore, #tpu.memory_space<semaphore_mem>>)
      %dma_wait3A = arith.constant 0 : i32
      %dma_wait3A_78 = tpu.memref_slice %arg10[%add3A_70, %dma_wait3A] : memref<10240x128xf32, #tpu.memory_space<vmem_shared>> -> memref<128x128xf32, #tpu.memory_space<vmem_shared>>
      %dma_wait3A_79 = arith.constant 0 : i32
      %dma_wait3A_80 = tpu.memref_slice %arg10[%add3A_70, %dma_wait3A_79] : memref<10240x128xf32, #tpu.memory_space<vmem_shared>> -> memref<128x128xf32, #tpu.memory_space<vmem_shared>>
      tpu.wait_dma2 semaphore(%run_scoped3A : memref<!tpu.dma_semaphore, #tpu.memory_space<semaphore_mem>>) src(%dma_wait3A_80 : memref<128x128xf32, #tpu.memory_space<vmem_shared>>) dst(%arg8 : memref<128x128xf32, #tpu.memory_space<vmem>>)
      tpu.yield
    }) : () -> ()
    "tpu.region"() ({
      %run_scoped3A = tpu.sem_alloc : memref<!tpu.dma_semaphore, #tpu.memory_space<semaphore_mem>>
      %dma_start3A = arith.constant 0 : i32
      %dma_start3A_75 = tpu.memref_slice %arg5[%arg0, %add3A_70, %dma_start3A] : memref<2x10240x128xf32, #tpu.memory_space<hbm>> -> memref<1x128x128xf32, #tpu.memory_space<hbm>>
      %dma_start3A_76 = tpu.memref_squeeze %dma_start3A_75 : memref<1x128x128xf32, #tpu.memory_space<hbm>> -> memref<128x128xf32, #tpu.memory_space<hbm>>
      %dma_start3A_77 = arith.constant 0 : i32
      %dma_start3A_78 = tpu.memref_slice %arg5[%arg0, %add3A_70, %dma_start3A_77] : memref<2x10240x128xf32, #tpu.memory_space<hbm>> -> memref<1x128x128xf32, #tpu.memory_space<hbm>>
      %dma_start3A_79 = tpu.memref_squeeze %dma_start3A_78 : memref<1x128x128xf32, #tpu.memory_space<hbm>> -> memref<128x128xf32, #tpu.memory_space<hbm>>
      tpu.enqueue_dma source(%arg8 : memref<128x128xf32, #tpu.memory_space<vmem>>) target(%dma_start3A_79 : memref<128x128xf32, #tpu.memory_space<hbm>>) target_semaphore(%run_scoped3A : memref<!tpu.dma_semaphore, #tpu.memory_space<semaphore_mem>>)
      %dma_wait3A = arith.constant 0 : i32
      %dma_wait3A_80 = tpu.memref_slice %arg5[%arg0, %add3A_70, %dma_wait3A] : memref<2x10240x128xf32, #tpu.memory_space<hbm>> -> memref<1x128x128xf32, #tpu.memory_space<hbm>>
      %dma_wait3A_81 = tpu.memref_squeeze %dma_wait3A_80 : memref<1x128x128xf32, #tpu.memory_space<hbm>> -> memref<128x128xf32, #tpu.memory_space<hbm>>
      %dma_wait3A_82 = arith.constant 0 : i32
      %dma_wait3A_83 = tpu.memref_slice %arg5[%arg0, %add3A_70, %dma_wait3A_82] : memref<2x10240x128xf32, #tpu.memory_space<hbm>> -> memref<1x128x128xf32, #tpu.memory_space<hbm>>
      %dma_wait3A_84 = tpu.memref_squeeze %dma_wait3A_83 : memref<1x128x128xf32, #tpu.memory_space<hbm>> -> memref<128x128xf32, #tpu.memory_space<hbm>>
      tpu.wait_dma2 semaphore(%run_scoped3A : memref<!tpu.dma_semaphore, #tpu.memory_space<semaphore_mem>>) src(%arg8 : memref<128x128xf32, #tpu.memory_space<vmem>>) dst(%dma_wait3A_84 : memref<128x128xf32, #tpu.memory_space<hbm>>)
      tpu.yield
    }) : () -> ()
    %mul3A_71 = arith.constant 640 : i32
    %mul3A_72 = arith.muli %arg1, %mul3A_71 : i32
    %add3A_73 = arith.constant 512 : i32
    %add3A_74 = arith.addi %mul3A_72, %add3A_73 : i32
    "tpu.region"() ({
      %run_scoped3A = tpu.sem_alloc : memref<!tpu.dma_semaphore, #tpu.memory_space<semaphore_mem>>
      %dma_start3A = arith.constant 0 : i32
      %dma_start3A_75 = tpu.memref_slice %arg10[%add3A_74, %dma_start3A] : memref<10240x128xf32, #tpu.memory_space<vmem_shared>> -> memref<128x128xf32, #tpu.memory_space<vmem_shared>>
      %dma_start3A_76 = arith.constant 0 : i32
      %dma_start3A_77 = tpu.memref_slice %arg10[%add3A_74, %dma_start3A_76] : memref<10240x128xf32, #tpu.memory_space<vmem_shared>> -> memref<128x128xf32, #tpu.memory_space<vmem_shared>>
      tpu.enqueue_dma source(%dma_start3A_77 : memref<128x128xf32, #tpu.memory_space<vmem_shared>>) target(%arg8 : memref<128x128xf32, #tpu.memory_space<vmem>>) target_semaphore(%run_scoped3A : memref<!tpu.dma_semaphore, #tpu.memory_space<semaphore_mem>>)
      %dma_wait3A = arith.constant 0 : i32
      %dma_wait3A_78 = tpu.memref_slice %arg10[%add3A_74, %dma_wait3A] : memref<10240x128xf32, #tpu.memory_space<vmem_shared>> -> memref<128x128xf32, #tpu.memory_space<vmem_shared>>
      %dma_wait3A_79 = arith.constant 0 : i32
      %dma_wait3A_80 = tpu.memref_slice %arg10[%add3A_74, %dma_wait3A_79] : memref<10240x128xf32, #tpu.memory_space<vmem_shared>> -> memref<128x128xf32, #tpu.memory_space<vmem_shared>>
      tpu.wait_dma2 semaphore(%run_scoped3A : memref<!tpu.dma_semaphore, #tpu.memory_space<semaphore_mem>>) src(%dma_wait3A_80 : memref<128x128xf32, #tpu.memory_space<vmem_shared>>) dst(%arg8 : memref<128x128xf32, #tpu.memory_space<vmem>>)
      tpu.yield
    }) : () -> ()
    "tpu.region"() ({
      %run_scoped3A = tpu.sem_alloc : memref<!tpu.dma_semaphore, #tpu.memory_space<semaphore_mem>>
      %dma_start3A = arith.constant 0 : i32
      %dma_start3A_75 = tpu.memref_slice %arg5[%arg0, %add3A_74, %dma_start3A] : memref<2x10240x128xf32, #tpu.memory_space<hbm>> -> memref<1x128x128xf32, #tpu.memory_space<hbm>>
      %dma_start3A_76 = tpu.memref_squeeze %dma_start3A_75 : memref<1x128x128xf32, #tpu.memory_space<hbm>> -> memref<128x128xf32, #tpu.memory_space<hbm>>
      %dma_start3A_77 = arith.constant 0 : i32
      %dma_start3A_78 = tpu.memref_slice %arg5[%arg0, %add3A_74, %dma_start3A_77] : memref<2x10240x128xf32, #tpu.memory_space<hbm>> -> memref<1x128x128xf32, #tpu.memory_space<hbm>>
      %dma_start3A_79 = tpu.memref_squeeze %dma_start3A_78 : memref<1x128x128xf32, #tpu.memory_space<hbm>> -> memref<128x128xf32, #tpu.memory_space<hbm>>
      tpu.enqueue_dma source(%arg8 : memref<128x128xf32, #tpu.memory_space<vmem>>) target(%dma_start3A_79 : memref<128x128xf32, #tpu.memory_space<hbm>>) target_semaphore(%run_scoped3A : memref<!tpu.dma_semaphore, #tpu.memory_space<semaphore_mem>>)
      %dma_wait3A = arith.constant 0 : i32
      %dma_wait3A_80 = tpu.memref_slice %arg5[%arg0, %add3A_74, %dma_wait3A] : memref<2x10240x128xf32, #tpu.memory_space<hbm>> -> memref<1x128x128xf32, #tpu.memory_space<hbm>>
      %dma_wait3A_81 = tpu.memref_squeeze %dma_wait3A_80 : memref<1x128x128xf32, #tpu.memory_space<hbm>> -> memref<128x128xf32, #tpu.memory_space<hbm>>
      %dma_wait3A_82 = arith.constant 0 : i32
      %dma_wait3A_83 = tpu.memref_slice %arg5[%arg0, %add3A_74, %dma_wait3A_82] : memref<2x10240x128xf32, #tpu.memory_space<hbm>> -> memref<1x128x128xf32, #tpu.memory_space<hbm>>
      %dma_wait3A_84 = tpu.memref_squeeze %dma_wait3A_83 : memref<1x128x128xf32, #tpu.memory_space<hbm>> -> memref<128x128xf32, #tpu.memory_space<hbm>>
      tpu.wait_dma2 semaphore(%run_scoped3A : memref<!tpu.dma_semaphore, #tpu.memory_space<semaphore_mem>>) src(%arg8 : memref<128x128xf32, #tpu.memory_space<vmem>>) dst(%dma_wait3A_84 : memref<128x128xf32, #tpu.memory_space<hbm>>)
      tpu.yield
    }) : () -> ()
    return
  }
}

#map = affine_map<(d0, d1) -> (0, 0)>
#map1 = affine_map<(d0, d1) -> (0)>
#map2 = affine_map<(d0, d1) -> (0, 0, 0)>
module attributes {stable_mosaic.version = 14 : i64} {
  func.func @agg_kernel(%arg0: i32, %arg1: i32, %arg2: memref<10000x128xf32, #tpu.memory_space<hbm>>, %arg3: memref<323584xi32, #tpu.memory_space<hbm>>, %arg4: memref<323584xi32, #tpu.memory_space<hbm>>, %arg5: memref<2x10240x128xf32, #tpu.memory_space<hbm>>, %arg6: memref<128xi32, #tpu.memory_space<vmem>>, %arg7: memref<128xi32, #tpu.memory_space<vmem>>, %arg8: memref<128x128xf32, #tpu.memory_space<vmem>>, %arg9: memref<64x128xf32, #tpu.memory_space<vmem>>, %arg10: memref<10240x128xf32, #tpu.memory_space<vmem_shared>>, %arg11: memref<!tpu.dma_semaphore, #tpu.memory_space<semaphore_mem>>) attributes {dimension_semantics = [#tpu.dimension_semantics<core_parallel>, #tpu.dimension_semantics<subcore_parallel>], iteration_bounds = array<i64: 2, 16>, scalar_prefetch = 0 : i64, scratch_operands = 6 : i64, tpu.core_type = #tpu.core_type<sc_vector_subcore>, window_params = [{transform_indices = #map}, {transform_indices = #map1}, {transform_indices = #map1}, {transform_indices = #map2}]} {
    %scan3A = arith.constant 0 : i32
    %scan3A_0 = arith.constant 0 : i32
    %scan3A_1 = arith.constant 512 : i32
    %scan3A_2 = arith.addi %scan3A_0, %scan3A_1 : i32
    %scan3A_3 = arith.constant 1 : i32
    scf.for %scan3A_75 = %scan3A_0 to %scan3A_2 step %scan3A_3  : i32 {
      %broadcast_in_dim3A = arith.constant 0.000000e+00 : f32
      %broadcast_in_dim3A_76 = vector.broadcast %broadcast_in_dim3A : f32 to vector<16xf32>
      %jit3A = arith.constant 8 : i32
      %div3A = arith.divsi %scan3A_75, %jit3A : i32
      %sign3A = arith.constant 0 : i32
      %sign3A_77 = arith.cmpi sgt, %scan3A_75, %sign3A : i32
      %sign3A_78 = arith.extui %sign3A_77 : i1 to i32
      %sign3A_79 = arith.constant 0 : i32
      %sign3A_80 = arith.cmpi slt, %scan3A_75, %sign3A_79 : i32
      %sign3A_81 = arith.extui %sign3A_80 : i1 to i32
      %sign3A_82 = arith.subi %sign3A_78, %sign3A_81 : i32
      %sign3A_83 = arith.constant 0 : i32
      %sign3A_84 = arith.cmpi sgt, %jit3A, %sign3A_83 : i32
      %sign3A_85 = arith.extui %sign3A_84 : i1 to i32
      %sign3A_86 = arith.constant 0 : i32
      %sign3A_87 = arith.cmpi slt, %jit3A, %sign3A_86 : i32
      %sign3A_88 = arith.extui %sign3A_87 : i1 to i32
      %sign3A_89 = arith.subi %sign3A_85, %sign3A_88 : i32
      %ne3A = arith.cmpi ne, %sign3A_82, %sign3A_89 : i32
      %rem3A = arith.remsi %scan3A_75, %jit3A : i32
      %ne3A_90 = arith.constant 0 : i32
      %ne3A_91 = arith.cmpi ne, %rem3A, %ne3A_90 : i32
      %and3A = arith.andi %ne3A, %ne3A_91 : i1
      %sub3A = arith.constant 1 : i32
      %sub3A_92 = arith.subi %div3A, %sub3A : i32
      %select_n3A = arith.select %and3A, %sub3A_92, %div3A : i32
      %jit3A_93 = arith.constant 8 : i32
      %eq3A = arith.constant 0 : i32
      %eq3A_94 = arith.cmpi eq, %jit3A_93, %eq3A : i32
      %jit3A_95 = arith.constant 1 : i32
      %select_n3A_96 = arith.select %eq3A_94, %jit3A_95, %jit3A_93 : i32
      %rem3A_97 = arith.remsi %scan3A_75, %select_n3A_96 : i32
      %ne3A_98 = arith.constant 0 : i32
      %ne3A_99 = arith.cmpi ne, %rem3A_97, %ne3A_98 : i32
      %lt3A = arith.constant 0 : i32
      %lt3A_100 = arith.cmpi slt, %rem3A_97, %lt3A : i32
      %lt3A_101 = arith.constant 0 : i32
      %lt3A_102 = arith.cmpi slt, %select_n3A_96, %lt3A_101 : i32
      %ne3A_103 = arith.xori %lt3A_100, %lt3A_102 : i1
      %and3A_104 = arith.andi %ne3A_103, %ne3A_99 : i1
      %add3A_105 = arith.addi %rem3A_97, %select_n3A_96 : i32
      %select_n3A_106 = arith.select %and3A_104, %add3A_105, %rem3A_97 : i32
      %mul3A_107 = arith.constant 16 : i32
      %mul3A_108 = arith.muli %select_n3A_106, %mul3A_107 : i32
      %swap3A = arith.index_cast %select_n3A : i32 to index
      %swap3A_109 = arith.index_cast %mul3A_108 : i32 to index
      %swap3A_110 = tpu.vector_load %arg9[%swap3A, %swap3A_109] {strides = array<i32>} : memref<64x128xf32, #tpu.memory_space<vmem>>, vector<1x16xf32>,
      %swap3A_111 = vector.shape_cast %swap3A_110 : vector<1x16xf32> to vector<16xf32>
      %swap3A_112 = vector.shape_cast %broadcast_in_dim3A_76 : vector<16xf32> to vector<1x16xf32>
      tpu.vector_store %arg9[%swap3A, %swap3A_109], %swap3A_112 {strides = array<i32>} : memref<64x128xf32, #tpu.memory_space<vmem>>, vector<1x16xf32>,
    }
    %scan3A_4 = arith.constant 512 : i32
    %mul3A = arith.constant 640 : i32
    %mul3A_5 = arith.muli %arg1, %mul3A : i32
    %add3A = arith.constant 0 : i32
    %add3A_6 = arith.addi %mul3A_5, %add3A : i32
    "tpu.region"() ({
      %run_scoped3A = tpu.sem_alloc : memref<!tpu.dma_semaphore, #tpu.memory_space<semaphore_mem>>
      %dma_start3A = arith.constant 0 : i32
      %dma_start3A_75 = tpu.memref_slice %arg10[%add3A_6, %dma_start3A] : memref<10240x128xf32, #tpu.memory_space<vmem_shared>> -> memref<64x128xf32, #tpu.memory_space<vmem_shared>>
      %dma_start3A_76 = arith.constant 0 : i32
      %dma_start3A_77 = tpu.memref_slice %arg10[%add3A_6, %dma_start3A_76] : memref<10240x128xf32, #tpu.memory_space<vmem_shared>> -> memref<64x128xf32, #tpu.memory_space<vmem_shared>>
      tpu.enqueue_dma source(%arg9 : memref<64x128xf32, #tpu.memory_space<vmem>>) target(%dma_start3A_77 : memref<64x128xf32, #tpu.memory_space<vmem_shared>>) target_semaphore(%run_scoped3A : memref<!tpu.dma_semaphore, #tpu.memory_space<semaphore_mem>>)
      %dma_wait3A = arith.constant 0 : i32
      %dma_wait3A_78 = tpu.memref_slice %arg10[%add3A_6, %dma_wait3A] : memref<10240x128xf32, #tpu.memory_space<vmem_shared>> -> memref<64x128xf32, #tpu.memory_space<vmem_shared>>
      %dma_wait3A_79 = arith.constant 0 : i32
      %dma_wait3A_80 = tpu.memref_slice %arg10[%add3A_6, %dma_wait3A_79] : memref<10240x128xf32, #tpu.memory_space<vmem_shared>> -> memref<64x128xf32, #tpu.memory_space<vmem_shared>>
      tpu.wait_dma2 semaphore(%run_scoped3A : memref<!tpu.dma_semaphore, #tpu.memory_space<semaphore_mem>>) src(%arg9 : memref<64x128xf32, #tpu.memory_space<vmem>>) dst(%dma_wait3A_80 : memref<64x128xf32, #tpu.memory_space<vmem_shared>>)
      tpu.yield
    }) : () -> ()
    %mul3A_7 = arith.constant 640 : i32
    %mul3A_8 = arith.muli %arg1, %mul3A_7 : i32
    %add3A_9 = arith.constant 64 : i32
    %add3A_10 = arith.addi %mul3A_8, %add3A_9 : i32
    "tpu.region"() ({
      %run_scoped3A = tpu.sem_alloc : memref<!tpu.dma_semaphore, #tpu.memory_space<semaphore_mem>>
      %dma_start3A = arith.constant 0 : i32
      %dma_start3A_75 = tpu.memref_slice %arg10[%add3A_10, %dma_start3A] : memref<10240x128xf32, #tpu.memory_space<vmem_shared>> -> memref<64x128xf32, #tpu.memory_space<vmem_shared>>
      %dma_start3A_76 = arith.constant 0 : i32
      %dma_start3A_77 = tpu.memref_slice %arg10[%add3A_10, %dma_start3A_76] : memref<10240x128xf32, #tpu.memory_space<vmem_shared>> -> memref<64x128xf32, #tpu.memory_space<vmem_shared>>
      tpu.enqueue_dma source(%arg9 : memref<64x128xf32, #tpu.memory_space<vmem>>) target(%dma_start3A_77 : memref<64x128xf32, #tpu.memory_space<vmem_shared>>) target_semaphore(%run_scoped3A : memref<!tpu.dma_semaphore, #tpu.memory_space<semaphore_mem>>)
      %dma_wait3A = arith.constant 0 : i32
      %dma_wait3A_78 = tpu.memref_slice %arg10[%add3A_10, %dma_wait3A] : memref<10240x128xf32, #tpu.memory_space<vmem_shared>> -> memref<64x128xf32, #tpu.memory_space<vmem_shared>>
      %dma_wait3A_79 = arith.constant 0 : i32
      %dma_wait3A_80 = tpu.memref_slice %arg10[%add3A_10, %dma_wait3A_79] : memref<10240x128xf32, #tpu.memory_space<vmem_shared>> -> memref<64x128xf32, #tpu.memory_space<vmem_shared>>
      tpu.wait_dma2 semaphore(%run_scoped3A : memref<!tpu.dma_semaphore, #tpu.memory_space<semaphore_mem>>) src(%arg9 : memref<64x128xf32, #tpu.memory_space<vmem>>) dst(%dma_wait3A_80 : memref<64x128xf32, #tpu.memory_space<vmem_shared>>)
      tpu.yield
    }) : () -> ()
    %mul3A_11 = arith.constant 640 : i32
    %mul3A_12 = arith.muli %arg1, %mul3A_11 : i32
    %add3A_13 = arith.constant 128 : i32
    %add3A_14 = arith.addi %mul3A_12, %add3A_13 : i32
    "tpu.region"() ({
      %run_scoped3A = tpu.sem_alloc : memref<!tpu.dma_semaphore, #tpu.memory_space<semaphore_mem>>
      %dma_start3A = arith.constant 0 : i32
      %dma_start3A_75 = tpu.memref_slice %arg10[%add3A_14, %dma_start3A] : memref<10240x128xf32, #tpu.memory_space<vmem_shared>> -> memref<64x128xf32, #tpu.memory_space<vmem_shared>>
      %dma_start3A_76 = arith.constant 0 : i32
      %dma_start3A_77 = tpu.memref_slice %arg10[%add3A_14, %dma_start3A_76] : memref<10240x128xf32, #tpu.memory_space<vmem_shared>> -> memref<64x128xf32, #tpu.memory_space<vmem_shared>>
      tpu.enqueue_dma source(%arg9 : memref<64x128xf32, #tpu.memory_space<vmem>>) target(%dma_start3A_77 : memref<64x128xf32, #tpu.memory_space<vmem_shared>>) target_semaphore(%run_scoped3A : memref<!tpu.dma_semaphore, #tpu.memory_space<semaphore_mem>>)
      %dma_wait3A = arith.constant 0 : i32
      %dma_wait3A_78 = tpu.memref_slice %arg10[%add3A_14, %dma_wait3A] : memref<10240x128xf32, #tpu.memory_space<vmem_shared>> -> memref<64x128xf32, #tpu.memory_space<vmem_shared>>
      %dma_wait3A_79 = arith.constant 0 : i32
      %dma_wait3A_80 = tpu.memref_slice %arg10[%add3A_14, %dma_wait3A_79] : memref<10240x128xf32, #tpu.memory_space<vmem_shared>> -> memref<64x128xf32, #tpu.memory_space<vmem_shared>>
      tpu.wait_dma2 semaphore(%run_scoped3A : memref<!tpu.dma_semaphore, #tpu.memory_space<semaphore_mem>>) src(%arg9 : memref<64x128xf32, #tpu.memory_space<vmem>>) dst(%dma_wait3A_80 : memref<64x128xf32, #tpu.memory_space<vmem_shared>>)
      tpu.yield
    }) : () -> ()
    %mul3A_15 = arith.constant 640 : i32
    %mul3A_16 = arith.muli %arg1, %mul3A_15 : i32
    %add3A_17 = arith.constant 192 : i32
    %add3A_18 = arith.addi %mul3A_16, %add3A_17 : i32
    "tpu.region"() ({
      %run_scoped3A = tpu.sem_alloc : memref<!tpu.dma_semaphore, #tpu.memory_space<semaphore_mem>>
      %dma_start3A = arith.constant 0 : i32
      %dma_start3A_75 = tpu.memref_slice %arg10[%add3A_18, %dma_start3A] : memref<10240x128xf32, #tpu.memory_space<vmem_shared>> -> memref<64x128xf32, #tpu.memory_space<vmem_shared>>
      %dma_start3A_76 = arith.constant 0 : i32
      %dma_start3A_77 = tpu.memref_slice %arg10[%add3A_18, %dma_start3A_76] : memref<10240x128xf32, #tpu.memory_space<vmem_shared>> -> memref<64x128xf32, #tpu.memory_space<vmem_shared>>
      tpu.enqueue_dma source(%arg9 : memref<64x128xf32, #tpu.memory_space<vmem>>) target(%dma_start3A_77 : memref<64x128xf32, #tpu.memory_space<vmem_shared>>) target_semaphore(%run_scoped3A : memref<!tpu.dma_semaphore, #tpu.memory_space<semaphore_mem>>)
      %dma_wait3A = arith.constant 0 : i32
      %dma_wait3A_78 = tpu.memref_slice %arg10[%add3A_18, %dma_wait3A] : memref<10240x128xf32, #tpu.memory_space<vmem_shared>> -> memref<64x128xf32, #tpu.memory_space<vmem_shared>>
      %dma_wait3A_79 = arith.constant 0 : i32
      %dma_wait3A_80 = tpu.memref_slice %arg10[%add3A_18, %dma_wait3A_79] : memref<10240x128xf32, #tpu.memory_space<vmem_shared>> -> memref<64x128xf32, #tpu.memory_space<vmem_shared>>
      tpu.wait_dma2 semaphore(%run_scoped3A : memref<!tpu.dma_semaphore, #tpu.memory_space<semaphore_mem>>) src(%arg9 : memref<64x128xf32, #tpu.memory_space<vmem>>) dst(%dma_wait3A_80 : memref<64x128xf32, #tpu.memory_space<vmem_shared>>)
      tpu.yield
    }) : () -> ()
    %mul3A_19 = arith.constant 640 : i32
    %mul3A_20 = arith.muli %arg1, %mul3A_19 : i32
    %add3A_21 = arith.constant 256 : i32
    %add3A_22 = arith.addi %mul3A_20, %add3A_21 : i32
    "tpu.region"() ({
      %run_scoped3A = tpu.sem_alloc : memref<!tpu.dma_semaphore, #tpu.memory_space<semaphore_mem>>
      %dma_start3A = arith.constant 0 : i32
      %dma_start3A_75 = tpu.memref_slice %arg10[%add3A_22, %dma_start3A] : memref<10240x128xf32, #tpu.memory_space<vmem_shared>> -> memref<64x128xf32, #tpu.memory_space<vmem_shared>>
      %dma_start3A_76 = arith.constant 0 : i32
      %dma_start3A_77 = tpu.memref_slice %arg10[%add3A_22, %dma_start3A_76] : memref<10240x128xf32, #tpu.memory_space<vmem_shared>> -> memref<64x128xf32, #tpu.memory_space<vmem_shared>>
      tpu.enqueue_dma source(%arg9 : memref<64x128xf32, #tpu.memory_space<vmem>>) target(%dma_start3A_77 : memref<64x128xf32, #tpu.memory_space<vmem_shared>>) target_semaphore(%run_scoped3A : memref<!tpu.dma_semaphore, #tpu.memory_space<semaphore_mem>>)
      %dma_wait3A = arith.constant 0 : i32
      %dma_wait3A_78 = tpu.memref_slice %arg10[%add3A_22, %dma_wait3A] : memref<10240x128xf32, #tpu.memory_space<vmem_shared>> -> memref<64x128xf32, #tpu.memory_space<vmem_shared>>
      %dma_wait3A_79 = arith.constant 0 : i32
      %dma_wait3A_80 = tpu.memref_slice %arg10[%add3A_22, %dma_wait3A_79] : memref<10240x128xf32, #tpu.memory_space<vmem_shared>> -> memref<64x128xf32, #tpu.memory_space<vmem_shared>>
      tpu.wait_dma2 semaphore(%run_scoped3A : memref<!tpu.dma_semaphore, #tpu.memory_space<semaphore_mem>>) src(%arg9 : memref<64x128xf32, #tpu.memory_space<vmem>>) dst(%dma_wait3A_80 : memref<64x128xf32, #tpu.memory_space<vmem_shared>>)
      tpu.yield
    }) : () -> ()
    %mul3A_23 = arith.constant 640 : i32
    %mul3A_24 = arith.muli %arg1, %mul3A_23 : i32
    %add3A_25 = arith.constant 320 : i32
    %add3A_26 = arith.addi %mul3A_24, %add3A_25 : i32
    "tpu.region"() ({
      %run_scoped3A = tpu.sem_alloc : memref<!tpu.dma_semaphore, #tpu.memory_space<semaphore_mem>>
      %dma_start3A = arith.constant 0 : i32
      %dma_start3A_75 = tpu.memref_slice %arg10[%add3A_26, %dma_start3A] : memref<10240x128xf32, #tpu.memory_space<vmem_shared>> -> memref<64x128xf32, #tpu.memory_space<vmem_shared>>
      %dma_start3A_76 = arith.constant 0 : i32
      %dma_start3A_77 = tpu.memref_slice %arg10[%add3A_26, %dma_start3A_76] : memref<10240x128xf32, #tpu.memory_space<vmem_shared>> -> memref<64x128xf32, #tpu.memory_space<vmem_shared>>
      tpu.enqueue_dma source(%arg9 : memref<64x128xf32, #tpu.memory_space<vmem>>) target(%dma_start3A_77 : memref<64x128xf32, #tpu.memory_space<vmem_shared>>) target_semaphore(%run_scoped3A : memref<!tpu.dma_semaphore, #tpu.memory_space<semaphore_mem>>)
      %dma_wait3A = arith.constant 0 : i32
      %dma_wait3A_78 = tpu.memref_slice %arg10[%add3A_26, %dma_wait3A] : memref<10240x128xf32, #tpu.memory_space<vmem_shared>> -> memref<64x128xf32, #tpu.memory_space<vmem_shared>>
      %dma_wait3A_79 = arith.constant 0 : i32
      %dma_wait3A_80 = tpu.memref_slice %arg10[%add3A_26, %dma_wait3A_79] : memref<10240x128xf32, #tpu.memory_space<vmem_shared>> -> memref<64x128xf32, #tpu.memory_space<vmem_shared>>
      tpu.wait_dma2 semaphore(%run_scoped3A : memref<!tpu.dma_semaphore, #tpu.memory_space<semaphore_mem>>) src(%arg9 : memref<64x128xf32, #tpu.memory_space<vmem>>) dst(%dma_wait3A_80 : memref<64x128xf32, #tpu.memory_space<vmem_shared>>)
      tpu.yield
    }) : () -> ()
    %mul3A_27 = arith.constant 640 : i32
    %mul3A_28 = arith.muli %arg1, %mul3A_27 : i32
    %add3A_29 = arith.constant 384 : i32
    %add3A_30 = arith.addi %mul3A_28, %add3A_29 : i32
    "tpu.region"() ({
      %run_scoped3A = tpu.sem_alloc : memref<!tpu.dma_semaphore, #tpu.memory_space<semaphore_mem>>
      %dma_start3A = arith.constant 0 : i32
      %dma_start3A_75 = tpu.memref_slice %arg10[%add3A_30, %dma_start3A] : memref<10240x128xf32, #tpu.memory_space<vmem_shared>> -> memref<64x128xf32, #tpu.memory_space<vmem_shared>>
      %dma_start3A_76 = arith.constant 0 : i32
      %dma_start3A_77 = tpu.memref_slice %arg10[%add3A_30, %dma_start3A_76] : memref<10240x128xf32, #tpu.memory_space<vmem_shared>> -> memref<64x128xf32, #tpu.memory_space<vmem_shared>>
      tpu.enqueue_dma source(%arg9 : memref<64x128xf32, #tpu.memory_space<vmem>>) target(%dma_start3A_77 : memref<64x128xf32, #tpu.memory_space<vmem_shared>>) target_semaphore(%run_scoped3A : memref<!tpu.dma_semaphore, #tpu.memory_space<semaphore_mem>>)
      %dma_wait3A = arith.constant 0 : i32
      %dma_wait3A_78 = tpu.memref_slice %arg10[%add3A_30, %dma_wait3A] : memref<10240x128xf32, #tpu.memory_space<vmem_shared>> -> memref<64x128xf32, #tpu.memory_space<vmem_shared>>
      %dma_wait3A_79 = arith.constant 0 : i32
      %dma_wait3A_80 = tpu.memref_slice %arg10[%add3A_30, %dma_wait3A_79] : memref<10240x128xf32, #tpu.memory_space<vmem_shared>> -> memref<64x128xf32, #tpu.memory_space<vmem_shared>>
      tpu.wait_dma2 semaphore(%run_scoped3A : memref<!tpu.dma_semaphore, #tpu.memory_space<semaphore_mem>>) src(%arg9 : memref<64x128xf32, #tpu.memory_space<vmem>>) dst(%dma_wait3A_80 : memref<64x128xf32, #tpu.memory_space<vmem_shared>>)
      tpu.yield
    }) : () -> ()
    %mul3A_31 = arith.constant 640 : i32
    %mul3A_32 = arith.muli %arg1, %mul3A_31 : i32
    %add3A_33 = arith.constant 448 : i32
    %add3A_34 = arith.addi %mul3A_32, %add3A_33 : i32
    "tpu.region"() ({
      %run_scoped3A = tpu.sem_alloc : memref<!tpu.dma_semaphore, #tpu.memory_space<semaphore_mem>>
      %dma_start3A = arith.constant 0 : i32
      %dma_start3A_75 = tpu.memref_slice %arg10[%add3A_34, %dma_start3A] : memref<10240x128xf32, #tpu.memory_space<vmem_shared>> -> memref<64x128xf32, #tpu.memory_space<vmem_shared>>
      %dma_start3A_76 = arith.constant 0 : i32
      %dma_start3A_77 = tpu.memref_slice %arg10[%add3A_34, %dma_start3A_76] : memref<10240x128xf32, #tpu.memory_space<vmem_shared>> -> memref<64x128xf32, #tpu.memory_space<vmem_shared>>
      tpu.enqueue_dma source(%arg9 : memref<64x128xf32, #tpu.memory_space<vmem>>) target(%dma_start3A_77 : memref<64x128xf32, #tpu.memory_space<vmem_shared>>) target_semaphore(%run_scoped3A : memref<!tpu.dma_semaphore, #tpu.memory_space<semaphore_mem>>)
      %dma_wait3A = arith.constant 0 : i32
      %dma_wait3A_78 = tpu.memref_slice %arg10[%add3A_34, %dma_wait3A] : memref<10240x128xf32, #tpu.memory_space<vmem_shared>> -> memref<64x128xf32, #tpu.memory_space<vmem_shared>>
      %dma_wait3A_79 = arith.constant 0 : i32
      %dma_wait3A_80 = tpu.memref_slice %arg10[%add3A_34, %dma_wait3A_79] : memref<10240x128xf32, #tpu.memory_space<vmem_shared>> -> memref<64x128xf32, #tpu.memory_space<vmem_shared>>
      tpu.wait_dma2 semaphore(%run_scoped3A : memref<!tpu.dma_semaphore, #tpu.memory_space<semaphore_mem>>) src(%arg9 : memref<64x128xf32, #tpu.memory_space<vmem>>) dst(%dma_wait3A_80 : memref<64x128xf32, #tpu.memory_space<vmem_shared>>)
      tpu.yield
    }) : () -> ()
    %mul3A_35 = arith.constant 640 : i32
    %mul3A_36 = arith.muli %arg1, %mul3A_35 : i32
    %add3A_37 = arith.constant 512 : i32
    %add3A_38 = arith.addi %mul3A_36, %add3A_37 : i32
    "tpu.region"() ({
      %run_scoped3A = tpu.sem_alloc : memref<!tpu.dma_semaphore, #tpu.memory_space<semaphore_mem>>
      %dma_start3A = arith.constant 0 : i32
      %dma_start3A_75 = tpu.memref_slice %arg10[%add3A_38, %dma_start3A] : memref<10240x128xf32, #tpu.memory_space<vmem_shared>> -> memref<64x128xf32, #tpu.memory_space<vmem_shared>>
      %dma_start3A_76 = arith.constant 0 : i32
      %dma_start3A_77 = tpu.memref_slice %arg10[%add3A_38, %dma_start3A_76] : memref<10240x128xf32, #tpu.memory_space<vmem_shared>> -> memref<64x128xf32, #tpu.memory_space<vmem_shared>>
      tpu.enqueue_dma source(%arg9 : memref<64x128xf32, #tpu.memory_space<vmem>>) target(%dma_start3A_77 : memref<64x128xf32, #tpu.memory_space<vmem_shared>>) target_semaphore(%run_scoped3A : memref<!tpu.dma_semaphore, #tpu.memory_space<semaphore_mem>>)
      %dma_wait3A = arith.constant 0 : i32
      %dma_wait3A_78 = tpu.memref_slice %arg10[%add3A_38, %dma_wait3A] : memref<10240x128xf32, #tpu.memory_space<vmem_shared>> -> memref<64x128xf32, #tpu.memory_space<vmem_shared>>
      %dma_wait3A_79 = arith.constant 0 : i32
      %dma_wait3A_80 = tpu.memref_slice %arg10[%add3A_38, %dma_wait3A_79] : memref<10240x128xf32, #tpu.memory_space<vmem_shared>> -> memref<64x128xf32, #tpu.memory_space<vmem_shared>>
      tpu.wait_dma2 semaphore(%run_scoped3A : memref<!tpu.dma_semaphore, #tpu.memory_space<semaphore_mem>>) src(%arg9 : memref<64x128xf32, #tpu.memory_space<vmem>>) dst(%dma_wait3A_80 : memref<64x128xf32, #tpu.memory_space<vmem_shared>>)
      tpu.yield
    }) : () -> ()
    %mul3A_39 = arith.constant 640 : i32
    %mul3A_40 = arith.muli %arg1, %mul3A_39 : i32
    %add3A_41 = arith.constant 576 : i32
    %add3A_42 = arith.addi %mul3A_40, %add3A_41 : i32
    "tpu.region"() ({
      %run_scoped3A = tpu.sem_alloc : memref<!tpu.dma_semaphore, #tpu.memory_space<semaphore_mem>>
      %dma_start3A = arith.constant 0 : i32
      %dma_start3A_75 = tpu.memref_slice %arg10[%add3A_42, %dma_start3A] : memref<10240x128xf32, #tpu.memory_space<vmem_shared>> -> memref<64x128xf32, #tpu.memory_space<vmem_shared>>
      %dma_start3A_76 = arith.constant 0 : i32
      %dma_start3A_77 = tpu.memref_slice %arg10[%add3A_42, %dma_start3A_76] : memref<10240x128xf32, #tpu.memory_space<vmem_shared>> -> memref<64x128xf32, #tpu.memory_space<vmem_shared>>
      tpu.enqueue_dma source(%arg9 : memref<64x128xf32, #tpu.memory_space<vmem>>) target(%dma_start3A_77 : memref<64x128xf32, #tpu.memory_space<vmem_shared>>) target_semaphore(%run_scoped3A : memref<!tpu.dma_semaphore, #tpu.memory_space<semaphore_mem>>)
      %dma_wait3A = arith.constant 0 : i32
      %dma_wait3A_78 = tpu.memref_slice %arg10[%add3A_42, %dma_wait3A] : memref<10240x128xf32, #tpu.memory_space<vmem_shared>> -> memref<64x128xf32, #tpu.memory_space<vmem_shared>>
      %dma_wait3A_79 = arith.constant 0 : i32
      %dma_wait3A_80 = tpu.memref_slice %arg10[%add3A_42, %dma_wait3A_79] : memref<10240x128xf32, #tpu.memory_space<vmem_shared>> -> memref<64x128xf32, #tpu.memory_space<vmem_shared>>
      tpu.wait_dma2 semaphore(%run_scoped3A : memref<!tpu.dma_semaphore, #tpu.memory_space<semaphore_mem>>) src(%arg9 : memref<64x128xf32, #tpu.memory_space<vmem>>) dst(%dma_wait3A_80 : memref<64x128xf32, #tpu.memory_space<vmem_shared>>)
      tpu.yield
    }) : () -> ()
    %barrier3A = arith.constant 0 : index
    tpu.barrier barrier_id(%barrier3A)
    %mul3A_43 = arith.constant 16 : i32
    %mul3A_44 = arith.muli %arg0, %mul3A_43 : i32
    %add3A_45 = arith.addi %mul3A_44, %arg1 : i32
    %mul3A_46 = arith.constant 10112 : i32
    %mul3A_47 = arith.muli %add3A_45, %mul3A_46 : i32
    %scan3A_48 = arith.constant 0 : i32
    %scan3A_49 = arith.constant 0 : i32
    %scan3A_50 = arith.constant 79 : i32
    %scan3A_51 = arith.addi %scan3A_49, %scan3A_50 : i32
    %scan3A_52 = arith.constant 1 : i32
    scf.for %scan3A_75 = %scan3A_49 to %scan3A_51 step %scan3A_52  : i32 {
      %mul3A_76 = arith.constant 128 : i32
      %mul3A_77 = arith.muli %scan3A_75, %mul3A_76 : i32
      %add3A_78 = arith.addi %mul3A_47, %mul3A_77 : i32
      "tpu.region"() ({
        %run_scoped3A = tpu.sem_alloc : memref<!tpu.dma_semaphore, #tpu.memory_space<semaphore_mem>>
        %dma_start3A_83 = tpu.memref_slice %arg3[%add3A_78] : memref<323584xi32, #tpu.memory_space<hbm>> -> memref<128xi32, #tpu.memory_space<hbm>>
        %dma_start3A_84 = tpu.memref_slice %arg3[%add3A_78] : memref<323584xi32, #tpu.memory_space<hbm>> -> memref<128xi32, #tpu.memory_space<hbm>>
        tpu.enqueue_dma source(%dma_start3A_84 : memref<128xi32, #tpu.memory_space<hbm>>) target(%arg6 : memref<128xi32, #tpu.memory_space<vmem>>) target_semaphore(%run_scoped3A : memref<!tpu.dma_semaphore, #tpu.memory_space<semaphore_mem>>)
        %dma_wait3A_85 = tpu.memref_slice %arg3[%add3A_78] : memref<323584xi32, #tpu.memory_space<hbm>> -> memref<128xi32, #tpu.memory_space<hbm>>
        %dma_wait3A_86 = tpu.memref_slice %arg3[%add3A_78] : memref<323584xi32, #tpu.memory_space<hbm>> -> memref<128xi32, #tpu.memory_space<hbm>>
        tpu.wait_dma2 semaphore(%run_scoped3A : memref<!tpu.dma_semaphore, #tpu.memory_space<semaphore_mem>>) src(%dma_wait3A_86 : memref<128xi32, #tpu.memory_space<hbm>>) dst(%arg6 : memref<128xi32, #tpu.memory_space<vmem>>)
        tpu.yield
      }) : () -> ()
      "tpu.region"() ({
        %run_scoped3A = tpu.sem_alloc : memref<!tpu.dma_semaphore, #tpu.memory_space<semaphore_mem>>
        %dma_start3A_83 = tpu.memref_slice %arg4[%add3A_78] : memref<323584xi32, #tpu.memory_space<hbm>> -> memref<128xi32, #tpu.memory_space<hbm>>
        %dma_start3A_84 = tpu.memref_slice %arg4[%add3A_78] : memref<323584xi32, #tpu.memory_space<hbm>> -> memref<128xi32, #tpu.memory_space<hbm>>
        tpu.enqueue_dma source(%dma_start3A_84 : memref<128xi32, #tpu.memory_space<hbm>>) target(%arg7 : memref<128xi32, #tpu.memory_space<vmem>>) target_semaphore(%run_scoped3A : memref<!tpu.dma_semaphore, #tpu.memory_space<semaphore_mem>>)
        %dma_wait3A_85 = tpu.memref_slice %arg4[%add3A_78] : memref<323584xi32, #tpu.memory_space<hbm>> -> memref<128xi32, #tpu.memory_space<hbm>>
        %dma_wait3A_86 = tpu.memref_slice %arg4[%add3A_78] : memref<323584xi32, #tpu.memory_space<hbm>> -> memref<128xi32, #tpu.memory_space<hbm>>
        tpu.wait_dma2 semaphore(%run_scoped3A : memref<!tpu.dma_semaphore, #tpu.memory_space<semaphore_mem>>) src(%dma_wait3A_86 : memref<128xi32, #tpu.memory_space<hbm>>) dst(%arg7 : memref<128xi32, #tpu.memory_space<vmem>>)
        tpu.yield
      }) : () -> ()
      %dma_start3A = arith.constant 0 : i32
      %dma_start3A_79 = arith.constant 0 : i32
      %dma_start3A_80 = tpu.memref_slice %arg2[%dma_start3A, %dma_start3A_79] : memref<10000x128xf32, #tpu.memory_space<hbm>> -> memref<10000x128xf32, #tpu.memory_space<hbm>>
      tpu.enqueue_indirect_dma source(%dma_start3A_80 : memref<10000x128xf32, #tpu.memory_space<hbm>>) target(%arg8 : memref<128x128xf32, #tpu.memory_space<vmem>>) offsets(%arg6 : memref<128xi32, #tpu.memory_space<vmem>>) semaphore(%arg11 : memref<!tpu.dma_semaphore, #tpu.memory_space<semaphore_mem>>)
      %dma_wait3A = arith.constant 0 : i32
      %dma_wait3A_81 = arith.constant 0 : i32
      %dma_wait3A_82 = tpu.memref_slice %arg2[%dma_wait3A, %dma_wait3A_81] : memref<10000x128xf32, #tpu.memory_space<hbm>> -> memref<10000x128xf32, #tpu.memory_space<hbm>>
      tpu.wait_indirect_dma semaphore(%arg11 : memref<!tpu.dma_semaphore, #tpu.memory_space<semaphore_mem>>) src(%dma_wait3A_82 : memref<10000x128xf32, #tpu.memory_space<hbm>>) dst(%arg8 : memref<128x128xf32, #tpu.memory_space<vmem>>)
      "tpu.region"() ({
        %run_scoped3A = tpu.sem_alloc : memref<!tpu.dma_semaphore, #tpu.memory_space<semaphore_mem>>
        %dma_start3A_83 = arith.constant 0 : i32
        %dma_start3A_84 = arith.constant 0 : i32
        %dma_start3A_85 = tpu.memref_slice %arg10[%dma_start3A_83, %dma_start3A_84] : memref<10240x128xf32, #tpu.memory_space<vmem_shared>> -> memref<10240x128xf32, #tpu.memory_space<vmem_shared>>
        tpu.enqueue_indirect_dma source(%arg8 : memref<128x128xf32, #tpu.memory_space<vmem>>) target(%dma_start3A_85 : memref<10240x128xf32, #tpu.memory_space<vmem_shared>>) offsets(%arg7 : memref<128xi32, #tpu.memory_space<vmem>>) semaphore(%run_scoped3A : memref<!tpu.dma_semaphore, #tpu.memory_space<semaphore_mem>>) {add = true}
        %dma_wait3A_86 = arith.constant 0 : i32
        %dma_wait3A_87 = arith.constant 0 : i32
        %dma_wait3A_88 = tpu.memref_slice %arg10[%dma_wait3A_86, %dma_wait3A_87] : memref<10240x128xf32, #tpu.memory_space<vmem_shared>> -> memref<10240x128xf32, #tpu.memory_space<vmem_shared>>
        tpu.wait_indirect_dma semaphore(%run_scoped3A : memref<!tpu.dma_semaphore, #tpu.memory_space<semaphore_mem>>) src(%arg8 : memref<128x128xf32, #tpu.memory_space<vmem>>) dst(%dma_wait3A_88 : memref<10240x128xf32, #tpu.memory_space<vmem_shared>>)
        tpu.yield
      }) : () -> ()
    }
    %scan3A_53 = arith.constant 79 : i32
    %barrier3A_54 = arith.constant 0 : index
    tpu.barrier barrier_id(%barrier3A_54)
    %mul3A_55 = arith.constant 640 : i32
    %mul3A_56 = arith.muli %arg1, %mul3A_55 : i32
    %add3A_57 = arith.constant 0 : i32
    %add3A_58 = arith.addi %mul3A_56, %add3A_57 : i32
    "tpu.region"() ({
      %run_scoped3A = tpu.sem_alloc : memref<!tpu.dma_semaphore, #tpu.memory_space<semaphore_mem>>
      %dma_start3A = arith.constant 0 : i32
      %dma_start3A_75 = tpu.memref_slice %arg10[%add3A_58, %dma_start3A] : memref<10240x128xf32, #tpu.memory_space<vmem_shared>> -> memref<128x128xf32, #tpu.memory_space<vmem_shared>>
      %dma_start3A_76 = arith.constant 0 : i32
      %dma_start3A_77 = tpu.memref_slice %arg10[%add3A_58, %dma_start3A_76] : memref<10240x128xf32, #tpu.memory_space<vmem_shared>> -> memref<128x128xf32, #tpu.memory_space<vmem_shared>>
      tpu.enqueue_dma source(%dma_start3A_77 : memref<128x128xf32, #tpu.memory_space<vmem_shared>>) target(%arg8 : memref<128x128xf32, #tpu.memory_space<vmem>>) target_semaphore(%run_scoped3A : memref<!tpu.dma_semaphore, #tpu.memory_space<semaphore_mem>>)
      %dma_wait3A = arith.constant 0 : i32
      %dma_wait3A_78 = tpu.memref_slice %arg10[%add3A_58, %dma_wait3A] : memref<10240x128xf32, #tpu.memory_space<vmem_shared>> -> memref<128x128xf32, #tpu.memory_space<vmem_shared>>
      %dma_wait3A_79 = arith.constant 0 : i32
      %dma_wait3A_80 = tpu.memref_slice %arg10[%add3A_58, %dma_wait3A_79] : memref<10240x128xf32, #tpu.memory_space<vmem_shared>> -> memref<128x128xf32, #tpu.memory_space<vmem_shared>>
      tpu.wait_dma2 semaphore(%run_scoped3A : memref<!tpu.dma_semaphore, #tpu.memory_space<semaphore_mem>>) src(%dma_wait3A_80 : memref<128x128xf32, #tpu.memory_space<vmem_shared>>) dst(%arg8 : memref<128x128xf32, #tpu.memory_space<vmem>>)
      tpu.yield
    }) : () -> ()
    "tpu.region"() ({
      %run_scoped3A = tpu.sem_alloc : memref<!tpu.dma_semaphore, #tpu.memory_space<semaphore_mem>>
      %dma_start3A = arith.constant 0 : i32
      %dma_start3A_75 = tpu.memref_slice %arg5[%arg0, %add3A_58, %dma_start3A] : memref<2x10240x128xf32, #tpu.memory_space<hbm>> -> memref<1x128x128xf32, #tpu.memory_space<hbm>>
      %dma_start3A_76 = tpu.memref_squeeze %dma_start3A_75 : memref<1x128x128xf32, #tpu.memory_space<hbm>> -> memref<128x128xf32, #tpu.memory_space<hbm>>
      %dma_start3A_77 = arith.constant 0 : i32
      %dma_start3A_78 = tpu.memref_slice %arg5[%arg0, %add3A_58, %dma_start3A_77] : memref<2x10240x128xf32, #tpu.memory_space<hbm>> -> memref<1x128x128xf32, #tpu.memory_space<hbm>>
      %dma_start3A_79 = tpu.memref_squeeze %dma_start3A_78 : memref<1x128x128xf32, #tpu.memory_space<hbm>> -> memref<128x128xf32, #tpu.memory_space<hbm>>
      tpu.enqueue_dma source(%arg8 : memref<128x128xf32, #tpu.memory_space<vmem>>) target(%dma_start3A_79 : memref<128x128xf32, #tpu.memory_space<hbm>>) target_semaphore(%run_scoped3A : memref<!tpu.dma_semaphore, #tpu.memory_space<semaphore_mem>>)
      %dma_wait3A = arith.constant 0 : i32
      %dma_wait3A_80 = tpu.memref_slice %arg5[%arg0, %add3A_58, %dma_wait3A] : memref<2x10240x128xf32, #tpu.memory_space<hbm>> -> memref<1x128x128xf32, #tpu.memory_space<hbm>>
      %dma_wait3A_81 = tpu.memref_squeeze %dma_wait3A_80 : memref<1x128x128xf32, #tpu.memory_space<hbm>> -> memref<128x128xf32, #tpu.memory_space<hbm>>
      %dma_wait3A_82 = arith.constant 0 : i32
      %dma_wait3A_83 = tpu.memref_slice %arg5[%arg0, %add3A_58, %dma_wait3A_82] : memref<2x10240x128xf32, #tpu.memory_space<hbm>> -> memref<1x128x128xf32, #tpu.memory_space<hbm>>
      %dma_wait3A_84 = tpu.memref_squeeze %dma_wait3A_83 : memref<1x128x128xf32, #tpu.memory_space<hbm>> -> memref<128x128xf32, #tpu.memory_space<hbm>>
      tpu.wait_dma2 semaphore(%run_scoped3A : memref<!tpu.dma_semaphore, #tpu.memory_space<semaphore_mem>>) src(%arg8 : memref<128x128xf32, #tpu.memory_space<vmem>>) dst(%dma_wait3A_84 : memref<128x128xf32, #tpu.memory_space<hbm>>)
      tpu.yield
    }) : () -> ()
    %mul3A_59 = arith.constant 640 : i32
    %mul3A_60 = arith.muli %arg1, %mul3A_59 : i32
    %add3A_61 = arith.constant 128 : i32
    %add3A_62 = arith.addi %mul3A_60, %add3A_61 : i32
    "tpu.region"() ({
      %run_scoped3A = tpu.sem_alloc : memref<!tpu.dma_semaphore, #tpu.memory_space<semaphore_mem>>
      %dma_start3A = arith.constant 0 : i32
      %dma_start3A_75 = tpu.memref_slice %arg10[%add3A_62, %dma_start3A] : memref<10240x128xf32, #tpu.memory_space<vmem_shared>> -> memref<128x128xf32, #tpu.memory_space<vmem_shared>>
      %dma_start3A_76 = arith.constant 0 : i32
      %dma_start3A_77 = tpu.memref_slice %arg10[%add3A_62, %dma_start3A_76] : memref<10240x128xf32, #tpu.memory_space<vmem_shared>> -> memref<128x128xf32, #tpu.memory_space<vmem_shared>>
      tpu.enqueue_dma source(%dma_start3A_77 : memref<128x128xf32, #tpu.memory_space<vmem_shared>>) target(%arg8 : memref<128x128xf32, #tpu.memory_space<vmem>>) target_semaphore(%run_scoped3A : memref<!tpu.dma_semaphore, #tpu.memory_space<semaphore_mem>>)
      %dma_wait3A = arith.constant 0 : i32
      %dma_wait3A_78 = tpu.memref_slice %arg10[%add3A_62, %dma_wait3A] : memref<10240x128xf32, #tpu.memory_space<vmem_shared>> -> memref<128x128xf32, #tpu.memory_space<vmem_shared>>
      %dma_wait3A_79 = arith.constant 0 : i32
      %dma_wait3A_80 = tpu.memref_slice %arg10[%add3A_62, %dma_wait3A_79] : memref<10240x128xf32, #tpu.memory_space<vmem_shared>> -> memref<128x128xf32, #tpu.memory_space<vmem_shared>>
      tpu.wait_dma2 semaphore(%run_scoped3A : memref<!tpu.dma_semaphore, #tpu.memory_space<semaphore_mem>>) src(%dma_wait3A_80 : memref<128x128xf32, #tpu.memory_space<vmem_shared>>) dst(%arg8 : memref<128x128xf32, #tpu.memory_space<vmem>>)
      tpu.yield
    }) : () -> ()
    "tpu.region"() ({
      %run_scoped3A = tpu.sem_alloc : memref<!tpu.dma_semaphore, #tpu.memory_space<semaphore_mem>>
      %dma_start3A = arith.constant 0 : i32
      %dma_start3A_75 = tpu.memref_slice %arg5[%arg0, %add3A_62, %dma_start3A] : memref<2x10240x128xf32, #tpu.memory_space<hbm>> -> memref<1x128x128xf32, #tpu.memory_space<hbm>>
      %dma_start3A_76 = tpu.memref_squeeze %dma_start3A_75 : memref<1x128x128xf32, #tpu.memory_space<hbm>> -> memref<128x128xf32, #tpu.memory_space<hbm>>
      %dma_start3A_77 = arith.constant 0 : i32
      %dma_start3A_78 = tpu.memref_slice %arg5[%arg0, %add3A_62, %dma_start3A_77] : memref<2x10240x128xf32, #tpu.memory_space<hbm>> -> memref<1x128x128xf32, #tpu.memory_space<hbm>>
      %dma_start3A_79 = tpu.memref_squeeze %dma_start3A_78 : memref<1x128x128xf32, #tpu.memory_space<hbm>> -> memref<128x128xf32, #tpu.memory_space<hbm>>
      tpu.enqueue_dma source(%arg8 : memref<128x128xf32, #tpu.memory_space<vmem>>) target(%dma_start3A_79 : memref<128x128xf32, #tpu.memory_space<hbm>>) target_semaphore(%run_scoped3A : memref<!tpu.dma_semaphore, #tpu.memory_space<semaphore_mem>>)
      %dma_wait3A = arith.constant 0 : i32
      %dma_wait3A_80 = tpu.memref_slice %arg5[%arg0, %add3A_62, %dma_wait3A] : memref<2x10240x128xf32, #tpu.memory_space<hbm>> -> memref<1x128x128xf32, #tpu.memory_space<hbm>>
      %dma_wait3A_81 = tpu.memref_squeeze %dma_wait3A_80 : memref<1x128x128xf32, #tpu.memory_space<hbm>> -> memref<128x128xf32, #tpu.memory_space<hbm>>
      %dma_wait3A_82 = arith.constant 0 : i32
      %dma_wait3A_83 = tpu.memref_slice %arg5[%arg0, %add3A_62, %dma_wait3A_82] : memref<2x10240x128xf32, #tpu.memory_space<hbm>> -> memref<1x128x128xf32, #tpu.memory_space<hbm>>
      %dma_wait3A_84 = tpu.memref_squeeze %dma_wait3A_83 : memref<1x128x128xf32, #tpu.memory_space<hbm>> -> memref<128x128xf32, #tpu.memory_space<hbm>>
      tpu.wait_dma2 semaphore(%run_scoped3A : memref<!tpu.dma_semaphore, #tpu.memory_space<semaphore_mem>>) src(%arg8 : memref<128x128xf32, #tpu.memory_space<vmem>>) dst(%dma_wait3A_84 : memref<128x128xf32, #tpu.memory_space<hbm>>)
      tpu.yield
    }) : () -> ()
    %mul3A_63 = arith.constant 640 : i32
    %mul3A_64 = arith.muli %arg1, %mul3A_63 : i32
    %add3A_65 = arith.constant 256 : i32
    %add3A_66 = arith.addi %mul3A_64, %add3A_65 : i32
    "tpu.region"() ({
      %run_scoped3A = tpu.sem_alloc : memref<!tpu.dma_semaphore, #tpu.memory_space<semaphore_mem>>
      %dma_start3A = arith.constant 0 : i32
      %dma_start3A_75 = tpu.memref_slice %arg10[%add3A_66, %dma_start3A] : memref<10240x128xf32, #tpu.memory_space<vmem_shared>> -> memref<128x128xf32, #tpu.memory_space<vmem_shared>>
      %dma_start3A_76 = arith.constant 0 : i32
      %dma_start3A_77 = tpu.memref_slice %arg10[%add3A_66, %dma_start3A_76] : memref<10240x128xf32, #tpu.memory_space<vmem_shared>> -> memref<128x128xf32, #tpu.memory_space<vmem_shared>>
      tpu.enqueue_dma source(%dma_start3A_77 : memref<128x128xf32, #tpu.memory_space<vmem_shared>>) target(%arg8 : memref<128x128xf32, #tpu.memory_space<vmem>>) target_semaphore(%run_scoped3A : memref<!tpu.dma_semaphore, #tpu.memory_space<semaphore_mem>>)
      %dma_wait3A = arith.constant 0 : i32
      %dma_wait3A_78 = tpu.memref_slice %arg10[%add3A_66, %dma_wait3A] : memref<10240x128xf32, #tpu.memory_space<vmem_shared>> -> memref<128x128xf32, #tpu.memory_space<vmem_shared>>
      %dma_wait3A_79 = arith.constant 0 : i32
      %dma_wait3A_80 = tpu.memref_slice %arg10[%add3A_66, %dma_wait3A_79] : memref<10240x128xf32, #tpu.memory_space<vmem_shared>> -> memref<128x128xf32, #tpu.memory_space<vmem_shared>>
      tpu.wait_dma2 semaphore(%run_scoped3A : memref<!tpu.dma_semaphore, #tpu.memory_space<semaphore_mem>>) src(%dma_wait3A_80 : memref<128x128xf32, #tpu.memory_space<vmem_shared>>) dst(%arg8 : memref<128x128xf32, #tpu.memory_space<vmem>>)
      tpu.yield
    }) : () -> ()
    "tpu.region"() ({
      %run_scoped3A = tpu.sem_alloc : memref<!tpu.dma_semaphore, #tpu.memory_space<semaphore_mem>>
      %dma_start3A = arith.constant 0 : i32
      %dma_start3A_75 = tpu.memref_slice %arg5[%arg0, %add3A_66, %dma_start3A] : memref<2x10240x128xf32, #tpu.memory_space<hbm>> -> memref<1x128x128xf32, #tpu.memory_space<hbm>>
      %dma_start3A_76 = tpu.memref_squeeze %dma_start3A_75 : memref<1x128x128xf32, #tpu.memory_space<hbm>> -> memref<128x128xf32, #tpu.memory_space<hbm>>
      %dma_start3A_77 = arith.constant 0 : i32
      %dma_start3A_78 = tpu.memref_slice %arg5[%arg0, %add3A_66, %dma_start3A_77] : memref<2x10240x128xf32, #tpu.memory_space<hbm>> -> memref<1x128x128xf32, #tpu.memory_space<hbm>>
      %dma_start3A_79 = tpu.memref_squeeze %dma_start3A_78 : memref<1x128x128xf32, #tpu.memory_space<hbm>> -> memref<128x128xf32, #tpu.memory_space<hbm>>
      tpu.enqueue_dma source(%arg8 : memref<128x128xf32, #tpu.memory_space<vmem>>) target(%dma_start3A_79 : memref<128x128xf32, #tpu.memory_space<hbm>>) target_semaphore(%run_scoped3A : memref<!tpu.dma_semaphore, #tpu.memory_space<semaphore_mem>>)
      %dma_wait3A = arith.constant 0 : i32
      %dma_wait3A_80 = tpu.memref_slice %arg5[%arg0, %add3A_66, %dma_wait3A] : memref<2x10240x128xf32, #tpu.memory_space<hbm>> -> memref<1x128x128xf32, #tpu.memory_space<hbm>>
      %dma_wait3A_81 = tpu.memref_squeeze %dma_wait3A_80 : memref<1x128x128xf32, #tpu.memory_space<hbm>> -> memref<128x128xf32, #tpu.memory_space<hbm>>
      %dma_wait3A_82 = arith.constant 0 : i32
      %dma_wait3A_83 = tpu.memref_slice %arg5[%arg0, %add3A_66, %dma_wait3A_82] : memref<2x10240x128xf32, #tpu.memory_space<hbm>> -> memref<1x128x128xf32, #tpu.memory_space<hbm>>
      %dma_wait3A_84 = tpu.memref_squeeze %dma_wait3A_83 : memref<1x128x128xf32, #tpu.memory_space<hbm>> -> memref<128x128xf32, #tpu.memory_space<hbm>>
      tpu.wait_dma2 semaphore(%run_scoped3A : memref<!tpu.dma_semaphore, #tpu.memory_space<semaphore_mem>>) src(%arg8 : memref<128x128xf32, #tpu.memory_space<vmem>>) dst(%dma_wait3A_84 : memref<128x128xf32, #tpu.memory_space<hbm>>)
      tpu.yield
    }) : () -> ()
    %mul3A_67 = arith.constant 640 : i32
    %mul3A_68 = arith.muli %arg1, %mul3A_67 : i32
    %add3A_69 = arith.constant 384 : i32
    %add3A_70 = arith.addi %mul3A_68, %add3A_69 : i32
    "tpu.region"() ({
      %run_scoped3A = tpu.sem_alloc : memref<!tpu.dma_semaphore, #tpu.memory_space<semaphore_mem>>
      %dma_start3A = arith.constant 0 : i32
      %dma_start3A_75 = tpu.memref_slice %arg10[%add3A_70, %dma_start3A] : memref<10240x128xf32, #tpu.memory_space<vmem_shared>> -> memref<128x128xf32, #tpu.memory_space<vmem_shared>>
      %dma_start3A_76 = arith.constant 0 : i32
      %dma_start3A_77 = tpu.memref_slice %arg10[%add3A_70, %dma_start3A_76] : memref<10240x128xf32, #tpu.memory_space<vmem_shared>> -> memref<128x128xf32, #tpu.memory_space<vmem_shared>>
      tpu.enqueue_dma source(%dma_start3A_77 : memref<128x128xf32, #tpu.memory_space<vmem_shared>>) target(%arg8 : memref<128x128xf32, #tpu.memory_space<vmem>>) target_semaphore(%run_scoped3A : memref<!tpu.dma_semaphore, #tpu.memory_space<semaphore_mem>>)
      %dma_wait3A = arith.constant 0 : i32
      %dma_wait3A_78 = tpu.memref_slice %arg10[%add3A_70, %dma_wait3A] : memref<10240x128xf32, #tpu.memory_space<vmem_shared>> -> memref<128x128xf32, #tpu.memory_space<vmem_shared>>
      %dma_wait3A_79 = arith.constant 0 : i32
      %dma_wait3A_80 = tpu.memref_slice %arg10[%add3A_70, %dma_wait3A_79] : memref<10240x128xf32, #tpu.memory_space<vmem_shared>> -> memref<128x128xf32, #tpu.memory_space<vmem_shared>>
      tpu.wait_dma2 semaphore(%run_scoped3A : memref<!tpu.dma_semaphore, #tpu.memory_space<semaphore_mem>>) src(%dma_wait3A_80 : memref<128x128xf32, #tpu.memory_space<vmem_shared>>) dst(%arg8 : memref<128x128xf32, #tpu.memory_space<vmem>>)
      tpu.yield
    }) : () -> ()
    "tpu.region"() ({
      %run_scoped3A = tpu.sem_alloc : memref<!tpu.dma_semaphore, #tpu.memory_space<semaphore_mem>>
      %dma_start3A = arith.constant 0 : i32
      %dma_start3A_75 = tpu.memref_slice %arg5[%arg0, %add3A_70, %dma_start3A] : memref<2x10240x128xf32, #tpu.memory_space<hbm>> -> memref<1x128x128xf32, #tpu.memory_space<hbm>>
      %dma_start3A_76 = tpu.memref_squeeze %dma_start3A_75 : memref<1x128x128xf32, #tpu.memory_space<hbm>> -> memref<128x128xf32, #tpu.memory_space<hbm>>
      %dma_start3A_77 = arith.constant 0 : i32
      %dma_start3A_78 = tpu.memref_slice %arg5[%arg0, %add3A_70, %dma_start3A_77] : memref<2x10240x128xf32, #tpu.memory_space<hbm>> -> memref<1x128x128xf32, #tpu.memory_space<hbm>>
      %dma_start3A_79 = tpu.memref_squeeze %dma_start3A_78 : memref<1x128x128xf32, #tpu.memory_space<hbm>> -> memref<128x128xf32, #tpu.memory_space<hbm>>
      tpu.enqueue_dma source(%arg8 : memref<128x128xf32, #tpu.memory_space<vmem>>) target(%dma_start3A_79 : memref<128x128xf32, #tpu.memory_space<hbm>>) target_semaphore(%run_scoped3A : memref<!tpu.dma_semaphore, #tpu.memory_space<semaphore_mem>>)
      %dma_wait3A = arith.constant 0 : i32
      %dma_wait3A_80 = tpu.memref_slice %arg5[%arg0, %add3A_70, %dma_wait3A] : memref<2x10240x128xf32, #tpu.memory_space<hbm>> -> memref<1x128x128xf32, #tpu.memory_space<hbm>>
      %dma_wait3A_81 = tpu.memref_squeeze %dma_wait3A_80 : memref<1x128x128xf32, #tpu.memory_space<hbm>> -> memref<128x128xf32, #tpu.memory_space<hbm>>
      %dma_wait3A_82 = arith.constant 0 : i32
      %dma_wait3A_83 = tpu.memref_slice %arg5[%arg0, %add3A_70, %dma_wait3A_82] : memref<2x10240x128xf32, #tpu.memory_space<hbm>> -> memref<1x128x128xf32, #tpu.memory_space<hbm>>
      %dma_wait3A_84 = tpu.memref_squeeze %dma_wait3A_83 : memref<1x128x128xf32, #tpu.memory_space<hbm>> -> memref<128x128xf32, #tpu.memory_space<hbm>>
      tpu.wait_dma2 semaphore(%run_scoped3A : memref<!tpu.dma_semaphore, #tpu.memory_space<semaphore_mem>>) src(%arg8 : memref<128x128xf32, #tpu.memory_space<vmem>>) dst(%dma_wait3A_84 : memref<128x128xf32, #tpu.memory_space<hbm>>)
      tpu.yield
    }) : () -> ()
    %mul3A_71 = arith.constant 640 : i32
    %mul3A_72 = arith.muli %arg1, %mul3A_71 : i32
    %add3A_73 = arith.constant 512 : i32
    %add3A_74 = arith.addi %mul3A_72, %add3A_73 : i32
    "tpu.region"() ({
      %run_scoped3A = tpu.sem_alloc : memref<!tpu.dma_semaphore, #tpu.memory_space<semaphore_mem>>
      %dma_start3A = arith.constant 0 : i32
      %dma_start3A_75 = tpu.memref_slice %arg10[%add3A_74, %dma_start3A] : memref<10240x128xf32, #tpu.memory_space<vmem_shared>> -> memref<128x128xf32, #tpu.memory_space<vmem_shared>>
      %dma_start3A_76 = arith.constant 0 : i32
      %dma_start3A_77 = tpu.memref_slice %arg10[%add3A_74, %dma_start3A_76] : memref<10240x128xf32, #tpu.memory_space<vmem_shared>> -> memref<128x128xf32, #tpu.memory_space<vmem_shared>>
      tpu.enqueue_dma source(%dma_start3A_77 : memref<128x128xf32, #tpu.memory_space<vmem_shared>>) target(%arg8 : memref<128x128xf32, #tpu.memory_space<vmem>>) target_semaphore(%run_scoped3A : memref<!tpu.dma_semaphore, #tpu.memory_space<semaphore_mem>>)
      %dma_wait3A = arith.constant 0 : i32
      %dma_wait3A_78 = tpu.memref_slice %arg10[%add3A_74, %dma_wait3A] : memref<10240x128xf32, #tpu.memory_space<vmem_shared>> -> memref<128x128xf32, #tpu.memory_space<vmem_shared>>
      %dma_wait3A_79 = arith.constant 0 : i32
      %dma_wait3A_80 = tpu.memref_slice %arg10[%add3A_74, %dma_wait3A_79] : memref<10240x128xf32, #tpu.memory_space<vmem_shared>> -> memref<128x128xf32, #tpu.memory_space<vmem_shared>>
      tpu.wait_dma2 semaphore(%run_scoped3A : memref<!tpu.dma_semaphore, #tpu.memory_space<semaphore_mem>>) src(%dma_wait3A_80 : memref<128x128xf32, #tpu.memory_space<vmem_shared>>) dst(%arg8 : memref<128x128xf32, #tpu.memory_space<vmem>>)
      tpu.yield
    }) : () -> ()
    "tpu.region"() ({
      %run_scoped3A = tpu.sem_alloc : memref<!tpu.dma_semaphore, #tpu.memory_space<semaphore_mem>>
      %dma_start3A = arith.constant 0 : i32
      %dma_start3A_75 = tpu.memref_slice %arg5[%arg0, %add3A_74, %dma_start3A] : memref<2x10240x128xf32, #tpu.memory_space<hbm>> -> memref<1x128x128xf32, #tpu.memory_space<hbm>>
      %dma_start3A_76 = tpu.memref_squeeze %dma_start3A_75 : memref<1x128x128xf32, #tpu.memory_space<hbm>> -> memref<128x128xf32, #tpu.memory_space<hbm>>
      %dma_start3A_77 = arith.constant 0 : i32
      %dma_start3A_78 = tpu.memref_slice %arg5[%arg0, %add3A_74, %dma_start3A_77] : memref<2x10240x128xf32, #tpu.memory_space<hbm>> -> memref<1x128x128xf32, #tpu.memory_space<hbm>>
      %dma_start3A_79 = tpu.memref_squeeze %dma_start3A_78 : memref<1x128x128xf32, #tpu.memory_space<hbm>> -> memref<128x128xf32, #tpu.memory_space<hbm>>
      tpu.enqueue_dma source(%arg8 : memref<128x128xf32, #tpu.memory_space<vmem>>) target(%dma_start3A_79 : memref<128x128xf32, #tpu.memory_space<hbm>>) target_semaphore(%run_scoped3A : memref<!tpu.dma_semaphore, #tpu.memory_space<semaphore_mem>>)
      %dma_wait3A = arith.constant 0 : i32
      %dma_wait3A_80 = tpu.memref_slice %arg5[%arg0, %add3A_74, %dma_wait3A] : memref<2x10240x128xf32, #tpu.memory_space<hbm>> -> memref<1x128x128xf32, #tpu.memory_space<hbm>>
      %dma_wait3A_81 = tpu.memref_squeeze %dma_wait3A_80 : memref<1x128x128xf32, #tpu.memory_space<hbm>> -> memref<128x128xf32, #tpu.memory_space<hbm>>
      %dma_wait3A_82 = arith.constant 0 : i32
      %dma_wait3A_83 = tpu.memref_slice %arg5[%arg0, %add3A_74, %dma_wait3A_82] : memref<2x10240x128xf32, #tpu.memory_space<hbm>> -> memref<1x128x128xf32, #tpu.memory_space<hbm>>
      %dma_wait3A_84 = tpu.memref_squeeze %dma_wait3A_83 : memref<1x128x128xf32, #tpu.memory_space<hbm>> -> memref<128x128xf32, #tpu.memory_space<hbm>>
      tpu.wait_dma2 semaphore(%run_scoped3A : memref<!tpu.dma_semaphore, #tpu.memory_space<semaphore_mem>>) src(%arg8 : memref<128x128xf32, #tpu.memory_space<vmem>>) dst(%dma_wait3A_84 : memref<128x128xf32, #tpu.memory_space<hbm>>)
      tpu.yield
    }) : () -> ()
    return
  }
}

#map = affine_map<(d0, d1) -> (0)>
#map1 = affine_map<(d0, d1) -> (0, 0, 0)>
module attributes {stable_mosaic.version = 14 : i64} {
  func.func @deg_kernel(%arg0: i32, %arg1: i32, %arg2: memref<323584xi32, #tpu.memory_space<hbm>>, %arg3: memref<2x10240x128xf32, #tpu.memory_space<hbm>>, %arg4: memref<128xi32, #tpu.memory_space<vmem>>, %arg5: memref<128x128xf32, #tpu.memory_space<vmem>>, %arg6: memref<64x128xf32, #tpu.memory_space<vmem>>, %arg7: memref<10240x128xf32, #tpu.memory_space<vmem_shared>>) attributes {dimension_semantics = [#tpu.dimension_semantics<core_parallel>, #tpu.dimension_semantics<subcore_parallel>], iteration_bounds = array<i64: 2, 16>, scalar_prefetch = 0 : i64, scratch_operands = 4 : i64, tpu.core_type = #tpu.core_type<sc_vector_subcore>, window_params = [{transform_indices = #map}, {transform_indices = #map1}]} {
    %scan3A = arith.constant 0 : i32
    %scan3A_0 = arith.constant 0 : i32
    %scan3A_1 = arith.constant 512 : i32
    %scan3A_2 = arith.addi %scan3A_0, %scan3A_1 : i32
    %scan3A_3 = arith.constant 1 : i32
    scf.for %scan3A_101 = %scan3A_0 to %scan3A_2 step %scan3A_3  : i32 {
      %broadcast_in_dim3A = arith.constant 0.000000e+00 : f32
      %broadcast_in_dim3A_102 = vector.broadcast %broadcast_in_dim3A : f32 to vector<16xf32>
      %jit3A = arith.constant 8 : i32
      %div3A = arith.divsi %scan3A_101, %jit3A : i32
      %sign3A = arith.constant 0 : i32
      %sign3A_103 = arith.cmpi sgt, %scan3A_101, %sign3A : i32
      %sign3A_104 = arith.extui %sign3A_103 : i1 to i32
      %sign3A_105 = arith.constant 0 : i32
      %sign3A_106 = arith.cmpi slt, %scan3A_101, %sign3A_105 : i32
      %sign3A_107 = arith.extui %sign3A_106 : i1 to i32
      %sign3A_108 = arith.subi %sign3A_104, %sign3A_107 : i32
      %sign3A_109 = arith.constant 0 : i32
      %sign3A_110 = arith.cmpi sgt, %jit3A, %sign3A_109 : i32
      %sign3A_111 = arith.extui %sign3A_110 : i1 to i32
      %sign3A_112 = arith.constant 0 : i32
      %sign3A_113 = arith.cmpi slt, %jit3A, %sign3A_112 : i32
      %sign3A_114 = arith.extui %sign3A_113 : i1 to i32
      %sign3A_115 = arith.subi %sign3A_111, %sign3A_114 : i32
      %ne3A = arith.cmpi ne, %sign3A_108, %sign3A_115 : i32
      %rem3A = arith.remsi %scan3A_101, %jit3A : i32
      %ne3A_116 = arith.constant 0 : i32
      %ne3A_117 = arith.cmpi ne, %rem3A, %ne3A_116 : i32
      %and3A = arith.andi %ne3A, %ne3A_117 : i1
      %sub3A = arith.constant 1 : i32
      %sub3A_118 = arith.subi %div3A, %sub3A : i32
      %select_n3A = arith.select %and3A, %sub3A_118, %div3A : i32
      %jit3A_119 = arith.constant 8 : i32
      %eq3A = arith.constant 0 : i32
      %eq3A_120 = arith.cmpi eq, %jit3A_119, %eq3A : i32
      %jit3A_121 = arith.constant 1 : i32
      %select_n3A_122 = arith.select %eq3A_120, %jit3A_121, %jit3A_119 : i32
      %rem3A_123 = arith.remsi %scan3A_101, %select_n3A_122 : i32
      %ne3A_124 = arith.constant 0 : i32
      %ne3A_125 = arith.cmpi ne, %rem3A_123, %ne3A_124 : i32
      %lt3A = arith.constant 0 : i32
      %lt3A_126 = arith.cmpi slt, %rem3A_123, %lt3A : i32
      %lt3A_127 = arith.constant 0 : i32
      %lt3A_128 = arith.cmpi slt, %select_n3A_122, %lt3A_127 : i32
      %ne3A_129 = arith.xori %lt3A_126, %lt3A_128 : i1
      %and3A_130 = arith.andi %ne3A_129, %ne3A_125 : i1
      %add3A_131 = arith.addi %rem3A_123, %select_n3A_122 : i32
      %select_n3A_132 = arith.select %and3A_130, %add3A_131, %rem3A_123 : i32
      %mul3A_133 = arith.constant 16 : i32
      %mul3A_134 = arith.muli %select_n3A_132, %mul3A_133 : i32
      %swap3A = arith.index_cast %select_n3A : i32 to index
      %swap3A_135 = arith.index_cast %mul3A_134 : i32 to index
      %swap3A_136 = tpu.vector_load %arg6[%swap3A, %swap3A_135] {strides = array<i32>} : memref<64x128xf32, #tpu.memory_space<vmem>>, vector<1x16xf32>,
      %swap3A_137 = vector.shape_cast %swap3A_136 : vector<1x16xf32> to vector<16xf32>
      %swap3A_138 = vector.shape_cast %broadcast_in_dim3A_102 : vector<16xf32> to vector<1x16xf32>
      tpu.vector_store %arg6[%swap3A, %swap3A_135], %swap3A_138 {strides = array<i32>} : memref<64x128xf32, #tpu.memory_space<vmem>>, vector<1x16xf32>,
    }
    %scan3A_4 = arith.constant 512 : i32
    %scan3A_5 = arith.constant 0 : i32
    %scan3A_6 = arith.constant 0 : i32
    %scan3A_7 = arith.constant 1024 : i32
    %scan3A_8 = arith.addi %scan3A_6, %scan3A_7 : i32
    %scan3A_9 = arith.constant 1 : i32
    scf.for %scan3A_101 = %scan3A_6 to %scan3A_8 step %scan3A_9  : i32 {
      %broadcast_in_dim3A = arith.constant 1.000000e+00 : f32
      %broadcast_in_dim3A_102 = vector.broadcast %broadcast_in_dim3A : f32 to vector<16xf32>
      %jit3A = arith.constant 8 : i32
      %div3A = arith.divsi %scan3A_101, %jit3A : i32
      %sign3A = arith.constant 0 : i32
      %sign3A_103 = arith.cmpi sgt, %scan3A_101, %sign3A : i32
      %sign3A_104 = arith.extui %sign3A_103 : i1 to i32
      %sign3A_105 = arith.constant 0 : i32
      %sign3A_106 = arith.cmpi slt, %scan3A_101, %sign3A_105 : i32
      %sign3A_107 = arith.extui %sign3A_106 : i1 to i32
      %sign3A_108 = arith.subi %sign3A_104, %sign3A_107 : i32
      %sign3A_109 = arith.constant 0 : i32
      %sign3A_110 = arith.cmpi sgt, %jit3A, %sign3A_109 : i32
      %sign3A_111 = arith.extui %sign3A_110 : i1 to i32
      %sign3A_112 = arith.constant 0 : i32
      %sign3A_113 = arith.cmpi slt, %jit3A, %sign3A_112 : i32
      %sign3A_114 = arith.extui %sign3A_113 : i1 to i32
      %sign3A_115 = arith.subi %sign3A_111, %sign3A_114 : i32
      %ne3A = arith.cmpi ne, %sign3A_108, %sign3A_115 : i32
      %rem3A = arith.remsi %scan3A_101, %jit3A : i32
      %ne3A_116 = arith.constant 0 : i32
      %ne3A_117 = arith.cmpi ne, %rem3A, %ne3A_116 : i32
      %and3A = arith.andi %ne3A, %ne3A_117 : i1
      %sub3A = arith.constant 1 : i32
      %sub3A_118 = arith.subi %div3A, %sub3A : i32
      %select_n3A = arith.select %and3A, %sub3A_118, %div3A : i32
      %jit3A_119 = arith.constant 8 : i32
      %eq3A = arith.constant 0 : i32
      %eq3A_120 = arith.cmpi eq, %jit3A_119, %eq3A : i32
      %jit3A_121 = arith.constant 1 : i32
      %select_n3A_122 = arith.select %eq3A_120, %jit3A_121, %jit3A_119 : i32
      %rem3A_123 = arith.remsi %scan3A_101, %select_n3A_122 : i32
      %ne3A_124 = arith.constant 0 : i32
      %ne3A_125 = arith.cmpi ne, %rem3A_123, %ne3A_124 : i32
      %lt3A = arith.constant 0 : i32
      %lt3A_126 = arith.cmpi slt, %rem3A_123, %lt3A : i32
      %lt3A_127 = arith.constant 0 : i32
      %lt3A_128 = arith.cmpi slt, %select_n3A_122, %lt3A_127 : i32
      %ne3A_129 = arith.xori %lt3A_126, %lt3A_128 : i1
      %and3A_130 = arith.andi %ne3A_129, %ne3A_125 : i1
      %add3A_131 = arith.addi %rem3A_123, %select_n3A_122 : i32
      %select_n3A_132 = arith.select %and3A_130, %add3A_131, %rem3A_123 : i32
      %mul3A_133 = arith.constant 16 : i32
      %mul3A_134 = arith.muli %select_n3A_132, %mul3A_133 : i32
      %swap3A = arith.index_cast %select_n3A : i32 to index
      %swap3A_135 = arith.index_cast %mul3A_134 : i32 to index
      %swap3A_136 = tpu.vector_load %arg5[%swap3A, %swap3A_135] {strides = array<i32>} : memref<128x128xf32, #tpu.memory_space<vmem>>, vector<1x16xf32>,
      %swap3A_137 = vector.shape_cast %swap3A_136 : vector<1x16xf32> to vector<16xf32>
      %swap3A_138 = vector.shape_cast %broadcast_in_dim3A_102 : vector<16xf32> to vector<1x16xf32>
      tpu.vector_store %arg5[%swap3A, %swap3A_135], %swap3A_138 {strides = array<i32>} : memref<128x128xf32, #tpu.memory_space<vmem>>, vector<1x16xf32>,
    }
    %scan3A_10 = arith.constant 1024 : i32
    %mul3A = arith.constant 640 : i32
    %mul3A_11 = arith.muli %arg1, %mul3A : i32
    %add3A = arith.constant 0 : i32
    %add3A_12 = arith.addi %mul3A_11, %add3A : i32
    "tpu.region"() ({
      %run_scoped3A = tpu.sem_alloc : memref<!tpu.dma_semaphore, #tpu.memory_space<semaphore_mem>>
      %dma_start3A = arith.constant 0 : i32
      %dma_start3A_101 = tpu.memref_slice %arg7[%add3A_12, %dma_start3A] : memref<10240x128xf32, #tpu.memory_space<vmem_shared>> -> memref<64x128xf32, #tpu.memory_space<vmem_shared>>
      %dma_start3A_102 = arith.constant 0 : i32
      %dma_start3A_103 = tpu.memref_slice %arg7[%add3A_12, %dma_start3A_102] : memref<10240x128xf32, #tpu.memory_space<vmem_shared>> -> memref<64x128xf32, #tpu.memory_space<vmem_shared>>
      tpu.enqueue_dma source(%arg6 : memref<64x128xf32, #tpu.memory_space<vmem>>) target(%dma_start3A_103 : memref<64x128xf32, #tpu.memory_space<vmem_shared>>) target_semaphore(%run_scoped3A : memref<!tpu.dma_semaphore, #tpu.memory_space<semaphore_mem>>)
      %dma_wait3A = arith.constant 0 : i32
      %dma_wait3A_104 = tpu.memref_slice %arg7[%add3A_12, %dma_wait3A] : memref<10240x128xf32, #tpu.memory_space<vmem_shared>> -> memref<64x128xf32, #tpu.memory_space<vmem_shared>>
      %dma_wait3A_105 = arith.constant 0 : i32
      %dma_wait3A_106 = tpu.memref_slice %arg7[%add3A_12, %dma_wait3A_105] : memref<10240x128xf32, #tpu.memory_space<vmem_shared>> -> memref<64x128xf32, #tpu.memory_space<vmem_shared>>
      tpu.wait_dma2 semaphore(%run_scoped3A : memref<!tpu.dma_semaphore, #tpu.memory_space<semaphore_mem>>) src(%arg6 : memref<64x128xf32, #tpu.memory_space<vmem>>) dst(%dma_wait3A_106 : memref<64x128xf32, #tpu.memory_space<vmem_shared>>)
      tpu.yield
    }) : () -> ()
    %mul3A_13 = arith.constant 640 : i32
    %mul3A_14 = arith.muli %arg1, %mul3A_13 : i32
    %add3A_15 = arith.constant 64 : i32
    %add3A_16 = arith.addi %mul3A_14, %add3A_15 : i32
    "tpu.region"() ({
      %run_scoped3A = tpu.sem_alloc : memref<!tpu.dma_semaphore, #tpu.memory_space<semaphore_mem>>
      %dma_start3A = arith.constant 0 : i32
      %dma_start3A_101 = tpu.memref_slice %arg7[%add3A_16, %dma_start3A] : memref<10240x128xf32, #tpu.memory_space<vmem_shared>> -> memref<64x128xf32, #tpu.memory_space<vmem_shared>>
      %dma_start3A_102 = arith.constant 0 : i32
      %dma_start3A_103 = tpu.memref_slice %arg7[%add3A_16, %dma_start3A_102] : memref<10240x128xf32, #tpu.memory_space<vmem_shared>> -> memref<64x128xf32, #tpu.memory_space<vmem_shared>>
      tpu.enqueue_dma source(%arg6 : memref<64x128xf32, #tpu.memory_space<vmem>>) target(%dma_start3A_103 : memref<64x128xf32, #tpu.memory_space<vmem_shared>>) target_semaphore(%run_scoped3A : memref<!tpu.dma_semaphore, #tpu.memory_space<semaphore_mem>>)
      %dma_wait3A = arith.constant 0 : i32
      %dma_wait3A_104 = tpu.memref_slice %arg7[%add3A_16, %dma_wait3A] : memref<10240x128xf32, #tpu.memory_space<vmem_shared>> -> memref<64x128xf32, #tpu.memory_space<vmem_shared>>
      %dma_wait3A_105 = arith.constant 0 : i32
      %dma_wait3A_106 = tpu.memref_slice %arg7[%add3A_16, %dma_wait3A_105] : memref<10240x128xf32, #tpu.memory_space<vmem_shared>> -> memref<64x128xf32, #tpu.memory_space<vmem_shared>>
      tpu.wait_dma2 semaphore(%run_scoped3A : memref<!tpu.dma_semaphore, #tpu.memory_space<semaphore_mem>>) src(%arg6 : memref<64x128xf32, #tpu.memory_space<vmem>>) dst(%dma_wait3A_106 : memref<64x128xf32, #tpu.memory_space<vmem_shared>>)
      tpu.yield
    }) : () -> ()
    %mul3A_17 = arith.constant 640 : i32
    %mul3A_18 = arith.muli %arg1, %mul3A_17 : i32
    %add3A_19 = arith.constant 128 : i32
    %add3A_20 = arith.addi %mul3A_18, %add3A_19 : i32
    "tpu.region"() ({
      %run_scoped3A = tpu.sem_alloc : memref<!tpu.dma_semaphore, #tpu.memory_space<semaphore_mem>>
      %dma_start3A = arith.constant 0 : i32
      %dma_start3A_101 = tpu.memref_slice %arg7[%add3A_20, %dma_start3A] : memref<10240x128xf32, #tpu.memory_space<vmem_shared>> -> memref<64x128xf32, #tpu.memory_space<vmem_shared>>
      %dma_start3A_102 = arith.constant 0 : i32
      %dma_start3A_103 = tpu.memref_slice %arg7[%add3A_20, %dma_start3A_102] : memref<10240x128xf32, #tpu.memory_space<vmem_shared>> -> memref<64x128xf32, #tpu.memory_space<vmem_shared>>
      tpu.enqueue_dma source(%arg6 : memref<64x128xf32, #tpu.memory_space<vmem>>) target(%dma_start3A_103 : memref<64x128xf32, #tpu.memory_space<vmem_shared>>) target_semaphore(%run_scoped3A : memref<!tpu.dma_semaphore, #tpu.memory_space<semaphore_mem>>)
      %dma_wait3A = arith.constant 0 : i32
      %dma_wait3A_104 = tpu.memref_slice %arg7[%add3A_20, %dma_wait3A] : memref<10240x128xf32, #tpu.memory_space<vmem_shared>> -> memref<64x128xf32, #tpu.memory_space<vmem_shared>>
      %dma_wait3A_105 = arith.constant 0 : i32
      %dma_wait3A_106 = tpu.memref_slice %arg7[%add3A_20, %dma_wait3A_105] : memref<10240x128xf32, #tpu.memory_space<vmem_shared>> -> memref<64x128xf32, #tpu.memory_space<vmem_shared>>
      tpu.wait_dma2 semaphore(%run_scoped3A : memref<!tpu.dma_semaphore, #tpu.memory_space<semaphore_mem>>) src(%arg6 : memref<64x128xf32, #tpu.memory_space<vmem>>) dst(%dma_wait3A_106 : memref<64x128xf32, #tpu.memory_space<vmem_shared>>)
      tpu.yield
    }) : () -> ()
    %mul3A_21 = arith.constant 640 : i32
    %mul3A_22 = arith.muli %arg1, %mul3A_21 : i32
    %add3A_23 = arith.constant 192 : i32
    %add3A_24 = arith.addi %mul3A_22, %add3A_23 : i32
    "tpu.region"() ({
      %run_scoped3A = tpu.sem_alloc : memref<!tpu.dma_semaphore, #tpu.memory_space<semaphore_mem>>
      %dma_start3A = arith.constant 0 : i32
      %dma_start3A_101 = tpu.memref_slice %arg7[%add3A_24, %dma_start3A] : memref<10240x128xf32, #tpu.memory_space<vmem_shared>> -> memref<64x128xf32, #tpu.memory_space<vmem_shared>>
      %dma_start3A_102 = arith.constant 0 : i32
      %dma_start3A_103 = tpu.memref_slice %arg7[%add3A_24, %dma_start3A_102] : memref<10240x128xf32, #tpu.memory_space<vmem_shared>> -> memref<64x128xf32, #tpu.memory_space<vmem_shared>>
      tpu.enqueue_dma source(%arg6 : memref<64x128xf32, #tpu.memory_space<vmem>>) target(%dma_start3A_103 : memref<64x128xf32, #tpu.memory_space<vmem_shared>>) target_semaphore(%run_scoped3A : memref<!tpu.dma_semaphore, #tpu.memory_space<semaphore_mem>>)
      %dma_wait3A = arith.constant 0 : i32
      %dma_wait3A_104 = tpu.memref_slice %arg7[%add3A_24, %dma_wait3A] : memref<10240x128xf32, #tpu.memory_space<vmem_shared>> -> memref<64x128xf32, #tpu.memory_space<vmem_shared>>
      %dma_wait3A_105 = arith.constant 0 : i32
      %dma_wait3A_106 = tpu.memref_slice %arg7[%add3A_24, %dma_wait3A_105] : memref<10240x128xf32, #tpu.memory_space<vmem_shared>> -> memref<64x128xf32, #tpu.memory_space<vmem_shared>>
      tpu.wait_dma2 semaphore(%run_scoped3A : memref<!tpu.dma_semaphore, #tpu.memory_space<semaphore_mem>>) src(%arg6 : memref<64x128xf32, #tpu.memory_space<vmem>>) dst(%dma_wait3A_106 : memref<64x128xf32, #tpu.memory_space<vmem_shared>>)
      tpu.yield
    }) : () -> ()
    %mul3A_25 = arith.constant 640 : i32
    %mul3A_26 = arith.muli %arg1, %mul3A_25 : i32
    %add3A_27 = arith.constant 256 : i32
    %add3A_28 = arith.addi %mul3A_26, %add3A_27 : i32
    "tpu.region"() ({
      %run_scoped3A = tpu.sem_alloc : memref<!tpu.dma_semaphore, #tpu.memory_space<semaphore_mem>>
      %dma_start3A = arith.constant 0 : i32
      %dma_start3A_101 = tpu.memref_slice %arg7[%add3A_28, %dma_start3A] : memref<10240x128xf32, #tpu.memory_space<vmem_shared>> -> memref<64x128xf32, #tpu.memory_space<vmem_shared>>
      %dma_start3A_102 = arith.constant 0 : i32
      %dma_start3A_103 = tpu.memref_slice %arg7[%add3A_28, %dma_start3A_102] : memref<10240x128xf32, #tpu.memory_space<vmem_shared>> -> memref<64x128xf32, #tpu.memory_space<vmem_shared>>
      tpu.enqueue_dma source(%arg6 : memref<64x128xf32, #tpu.memory_space<vmem>>) target(%dma_start3A_103 : memref<64x128xf32, #tpu.memory_space<vmem_shared>>) target_semaphore(%run_scoped3A : memref<!tpu.dma_semaphore, #tpu.memory_space<semaphore_mem>>)
      %dma_wait3A = arith.constant 0 : i32
      %dma_wait3A_104 = tpu.memref_slice %arg7[%add3A_28, %dma_wait3A] : memref<10240x128xf32, #tpu.memory_space<vmem_shared>> -> memref<64x128xf32, #tpu.memory_space<vmem_shared>>
      %dma_wait3A_105 = arith.constant 0 : i32
      %dma_wait3A_106 = tpu.memref_slice %arg7[%add3A_28, %dma_wait3A_105] : memref<10240x128xf32, #tpu.memory_space<vmem_shared>> -> memref<64x128xf32, #tpu.memory_space<vmem_shared>>
      tpu.wait_dma2 semaphore(%run_scoped3A : memref<!tpu.dma_semaphore, #tpu.memory_space<semaphore_mem>>) src(%arg6 : memref<64x128xf32, #tpu.memory_space<vmem>>) dst(%dma_wait3A_106 : memref<64x128xf32, #tpu.memory_space<vmem_shared>>)
      tpu.yield
    }) : () -> ()
    %mul3A_29 = arith.constant 640 : i32
    %mul3A_30 = arith.muli %arg1, %mul3A_29 : i32
    %add3A_31 = arith.constant 320 : i32
    %add3A_32 = arith.addi %mul3A_30, %add3A_31 : i32
    "tpu.region"() ({
      %run_scoped3A = tpu.sem_alloc : memref<!tpu.dma_semaphore, #tpu.memory_space<semaphore_mem>>
      %dma_start3A = arith.constant 0 : i32
      %dma_start3A_101 = tpu.memref_slice %arg7[%add3A_32, %dma_start3A] : memref<10240x128xf32, #tpu.memory_space<vmem_shared>> -> memref<64x128xf32, #tpu.memory_space<vmem_shared>>
      %dma_start3A_102 = arith.constant 0 : i32
      %dma_start3A_103 = tpu.memref_slice %arg7[%add3A_32, %dma_start3A_102] : memref<10240x128xf32, #tpu.memory_space<vmem_shared>> -> memref<64x128xf32, #tpu.memory_space<vmem_shared>>
      tpu.enqueue_dma source(%arg6 : memref<64x128xf32, #tpu.memory_space<vmem>>) target(%dma_start3A_103 : memref<64x128xf32, #tpu.memory_space<vmem_shared>>) target_semaphore(%run_scoped3A : memref<!tpu.dma_semaphore, #tpu.memory_space<semaphore_mem>>)
      %dma_wait3A = arith.constant 0 : i32
      %dma_wait3A_104 = tpu.memref_slice %arg7[%add3A_32, %dma_wait3A] : memref<10240x128xf32, #tpu.memory_space<vmem_shared>> -> memref<64x128xf32, #tpu.memory_space<vmem_shared>>
      %dma_wait3A_105 = arith.constant 0 : i32
      %dma_wait3A_106 = tpu.memref_slice %arg7[%add3A_32, %dma_wait3A_105] : memref<10240x128xf32, #tpu.memory_space<vmem_shared>> -> memref<64x128xf32, #tpu.memory_space<vmem_shared>>
      tpu.wait_dma2 semaphore(%run_scoped3A : memref<!tpu.dma_semaphore, #tpu.memory_space<semaphore_mem>>) src(%arg6 : memref<64x128xf32, #tpu.memory_space<vmem>>) dst(%dma_wait3A_106 : memref<64x128xf32, #tpu.memory_space<vmem_shared>>)
      tpu.yield
    }) : () -> ()
    %mul3A_33 = arith.constant 640 : i32
    %mul3A_34 = arith.muli %arg1, %mul3A_33 : i32
    %add3A_35 = arith.constant 384 : i32
    %add3A_36 = arith.addi %mul3A_34, %add3A_35 : i32
    "tpu.region"() ({
      %run_scoped3A = tpu.sem_alloc : memref<!tpu.dma_semaphore, #tpu.memory_space<semaphore_mem>>
      %dma_start3A = arith.constant 0 : i32
      %dma_start3A_101 = tpu.memref_slice %arg7[%add3A_36, %dma_start3A] : memref<10240x128xf32, #tpu.memory_space<vmem_shared>> -> memref<64x128xf32, #tpu.memory_space<vmem_shared>>
      %dma_start3A_102 = arith.constant 0 : i32
      %dma_start3A_103 = tpu.memref_slice %arg7[%add3A_36, %dma_start3A_102] : memref<10240x128xf32, #tpu.memory_space<vmem_shared>> -> memref<64x128xf32, #tpu.memory_space<vmem_shared>>
      tpu.enqueue_dma source(%arg6 : memref<64x128xf32, #tpu.memory_space<vmem>>) target(%dma_start3A_103 : memref<64x128xf32, #tpu.memory_space<vmem_shared>>) target_semaphore(%run_scoped3A : memref<!tpu.dma_semaphore, #tpu.memory_space<semaphore_mem>>)
      %dma_wait3A = arith.constant 0 : i32
      %dma_wait3A_104 = tpu.memref_slice %arg7[%add3A_36, %dma_wait3A] : memref<10240x128xf32, #tpu.memory_space<vmem_shared>> -> memref<64x128xf32, #tpu.memory_space<vmem_shared>>
      %dma_wait3A_105 = arith.constant 0 : i32
      %dma_wait3A_106 = tpu.memref_slice %arg7[%add3A_36, %dma_wait3A_105] : memref<10240x128xf32, #tpu.memory_space<vmem_shared>> -> memref<64x128xf32, #tpu.memory_space<vmem_shared>>
      tpu.wait_dma2 semaphore(%run_scoped3A : memref<!tpu.dma_semaphore, #tpu.memory_space<semaphore_mem>>) src(%arg6 : memref<64x128xf32, #tpu.memory_space<vmem>>) dst(%dma_wait3A_106 : memref<64x128xf32, #tpu.memory_space<vmem_shared>>)
      tpu.yield
    }) : () -> ()
    %mul3A_37 = arith.constant 640 : i32
    %mul3A_38 = arith.muli %arg1, %mul3A_37 : i32
    %add3A_39 = arith.constant 448 : i32
    %add3A_40 = arith.addi %mul3A_38, %add3A_39 : i32
    "tpu.region"() ({
      %run_scoped3A = tpu.sem_alloc : memref<!tpu.dma_semaphore, #tpu.memory_space<semaphore_mem>>
      %dma_start3A = arith.constant 0 : i32
      %dma_start3A_101 = tpu.memref_slice %arg7[%add3A_40, %dma_start3A] : memref<10240x128xf32, #tpu.memory_space<vmem_shared>> -> memref<64x128xf32, #tpu.memory_space<vmem_shared>>
      %dma_start3A_102 = arith.constant 0 : i32
      %dma_start3A_103 = tpu.memref_slice %arg7[%add3A_40, %dma_start3A_102] : memref<10240x128xf32, #tpu.memory_space<vmem_shared>> -> memref<64x128xf32, #tpu.memory_space<vmem_shared>>
      tpu.enqueue_dma source(%arg6 : memref<64x128xf32, #tpu.memory_space<vmem>>) target(%dma_start3A_103 : memref<64x128xf32, #tpu.memory_space<vmem_shared>>) target_semaphore(%run_scoped3A : memref<!tpu.dma_semaphore, #tpu.memory_space<semaphore_mem>>)
      %dma_wait3A = arith.constant 0 : i32
      %dma_wait3A_104 = tpu.memref_slice %arg7[%add3A_40, %dma_wait3A] : memref<10240x128xf32, #tpu.memory_space<vmem_shared>> -> memref<64x128xf32, #tpu.memory_space<vmem_shared>>
      %dma_wait3A_105 = arith.constant 0 : i32
      %dma_wait3A_106 = tpu.memref_slice %arg7[%add3A_40, %dma_wait3A_105] : memref<10240x128xf32, #tpu.memory_space<vmem_shared>> -> memref<64x128xf32, #tpu.memory_space<vmem_shared>>
      tpu.wait_dma2 semaphore(%run_scoped3A : memref<!tpu.dma_semaphore, #tpu.memory_space<semaphore_mem>>) src(%arg6 : memref<64x128xf32, #tpu.memory_space<vmem>>) dst(%dma_wait3A_106 : memref<64x128xf32, #tpu.memory_space<vmem_shared>>)
      tpu.yield
    }) : () -> ()
    %mul3A_41 = arith.constant 640 : i32
    %mul3A_42 = arith.muli %arg1, %mul3A_41 : i32
    %add3A_43 = arith.constant 512 : i32
    %add3A_44 = arith.addi %mul3A_42, %add3A_43 : i32
    "tpu.region"() ({
      %run_scoped3A = tpu.sem_alloc : memref<!tpu.dma_semaphore, #tpu.memory_space<semaphore_mem>>
      %dma_start3A = arith.constant 0 : i32
      %dma_start3A_101 = tpu.memref_slice %arg7[%add3A_44, %dma_start3A] : memref<10240x128xf32, #tpu.memory_space<vmem_shared>> -> memref<64x128xf32, #tpu.memory_space<vmem_shared>>
      %dma_start3A_102 = arith.constant 0 : i32
      %dma_start3A_103 = tpu.memref_slice %arg7[%add3A_44, %dma_start3A_102] : memref<10240x128xf32, #tpu.memory_space<vmem_shared>> -> memref<64x128xf32, #tpu.memory_space<vmem_shared>>
      tpu.enqueue_dma source(%arg6 : memref<64x128xf32, #tpu.memory_space<vmem>>) target(%dma_start3A_103 : memref<64x128xf32, #tpu.memory_space<vmem_shared>>) target_semaphore(%run_scoped3A : memref<!tpu.dma_semaphore, #tpu.memory_space<semaphore_mem>>)
      %dma_wait3A = arith.constant 0 : i32
      %dma_wait3A_104 = tpu.memref_slice %arg7[%add3A_44, %dma_wait3A] : memref<10240x128xf32, #tpu.memory_space<vmem_shared>> -> memref<64x128xf32, #tpu.memory_space<vmem_shared>>
      %dma_wait3A_105 = arith.constant 0 : i32
      %dma_wait3A_106 = tpu.memref_slice %arg7[%add3A_44, %dma_wait3A_105] : memref<10240x128xf32, #tpu.memory_space<vmem_shared>> -> memref<64x128xf32, #tpu.memory_space<vmem_shared>>
      tpu.wait_dma2 semaphore(%run_scoped3A : memref<!tpu.dma_semaphore, #tpu.memory_space<semaphore_mem>>) src(%arg6 : memref<64x128xf32, #tpu.memory_space<vmem>>) dst(%dma_wait3A_106 : memref<64x128xf32, #tpu.memory_space<vmem_shared>>)
      tpu.yield
    }) : () -> ()
    %mul3A_45 = arith.constant 640 : i32
    %mul3A_46 = arith.muli %arg1, %mul3A_45 : i32
    %add3A_47 = arith.constant 576 : i32
    %add3A_48 = arith.addi %mul3A_46, %add3A_47 : i32
    "tpu.region"() ({
      %run_scoped3A = tpu.sem_alloc : memref<!tpu.dma_semaphore, #tpu.memory_space<semaphore_mem>>
      %dma_start3A = arith.constant 0 : i32
      %dma_start3A_101 = tpu.memref_slice %arg7[%add3A_48, %dma_start3A] : memref<10240x128xf32, #tpu.memory_space<vmem_shared>> -> memref<64x128xf32, #tpu.memory_space<vmem_shared>>
      %dma_start3A_102 = arith.constant 0 : i32
      %dma_start3A_103 = tpu.memref_slice %arg7[%add3A_48, %dma_start3A_102] : memref<10240x128xf32, #tpu.memory_space<vmem_shared>> -> memref<64x128xf32, #tpu.memory_space<vmem_shared>>
      tpu.enqueue_dma source(%arg6 : memref<64x128xf32, #tpu.memory_space<vmem>>) target(%dma_start3A_103 : memref<64x128xf32, #tpu.memory_space<vmem_shared>>) target_semaphore(%run_scoped3A : memref<!tpu.dma_semaphore, #tpu.memory_space<semaphore_mem>>)
      %dma_wait3A = arith.constant 0 : i32
      %dma_wait3A_104 = tpu.memref_slice %arg7[%add3A_48, %dma_wait3A] : memref<10240x128xf32, #tpu.memory_space<vmem_shared>> -> memref<64x128xf32, #tpu.memory_space<vmem_shared>>
      %dma_wait3A_105 = arith.constant 0 : i32
      %dma_wait3A_106 = tpu.memref_slice %arg7[%add3A_48, %dma_wait3A_105] : memref<10240x128xf32, #tpu.memory_space<vmem_shared>> -> memref<64x128xf32, #tpu.memory_space<vmem_shared>>
      tpu.wait_dma2 semaphore(%run_scoped3A : memref<!tpu.dma_semaphore, #tpu.memory_space<semaphore_mem>>) src(%arg6 : memref<64x128xf32, #tpu.memory_space<vmem>>) dst(%dma_wait3A_106 : memref<64x128xf32, #tpu.memory_space<vmem_shared>>)
      tpu.yield
    }) : () -> ()
    %barrier3A = arith.constant 0 : index
    tpu.barrier barrier_id(%barrier3A)
    %mul3A_49 = arith.constant 16 : i32
    %mul3A_50 = arith.muli %arg0, %mul3A_49 : i32
    %add3A_51 = arith.addi %mul3A_50, %arg1 : i32
    %mul3A_52 = arith.constant 10112 : i32
    %mul3A_53 = arith.muli %add3A_51, %mul3A_52 : i32
    %scan3A_54 = arith.constant 0 : i32
    %scan3A_55 = arith.constant 0 : i32
    %scan3A_56 = arith.constant 79 : i32
    %scan3A_57 = arith.addi %scan3A_55, %scan3A_56 : i32
    %scan3A_58 = arith.constant 1 : i32
    scf.for %scan3A_101 = %scan3A_55 to %scan3A_57 step %scan3A_58  : i32 {
      %mul3A_102 = arith.constant 128 : i32
      %mul3A_103 = arith.muli %scan3A_101, %mul3A_102 : i32
      %add3A_104 = arith.addi %mul3A_53, %mul3A_103 : i32
      "tpu.region"() ({
        %run_scoped3A = tpu.sem_alloc : memref<!tpu.dma_semaphore, #tpu.memory_space<semaphore_mem>>
        %dma_start3A = tpu.memref_slice %arg2[%add3A_104] : memref<323584xi32, #tpu.memory_space<hbm>> -> memref<128xi32, #tpu.memory_space<hbm>>
        %dma_start3A_105 = tpu.memref_slice %arg2[%add3A_104] : memref<323584xi32, #tpu.memory_space<hbm>> -> memref<128xi32, #tpu.memory_space<hbm>>
        tpu.enqueue_dma source(%dma_start3A_105 : memref<128xi32, #tpu.memory_space<hbm>>) target(%arg4 : memref<128xi32, #tpu.memory_space<vmem>>) target_semaphore(%run_scoped3A : memref<!tpu.dma_semaphore, #tpu.memory_space<semaphore_mem>>)
        %dma_wait3A = tpu.memref_slice %arg2[%add3A_104] : memref<323584xi32, #tpu.memory_space<hbm>> -> memref<128xi32, #tpu.memory_space<hbm>>
        %dma_wait3A_106 = tpu.memref_slice %arg2[%add3A_104] : memref<323584xi32, #tpu.memory_space<hbm>> -> memref<128xi32, #tpu.memory_space<hbm>>
        tpu.wait_dma2 semaphore(%run_scoped3A : memref<!tpu.dma_semaphore, #tpu.memory_space<semaphore_mem>>) src(%dma_wait3A_106 : memref<128xi32, #tpu.memory_space<hbm>>) dst(%arg4 : memref<128xi32, #tpu.memory_space<vmem>>)
        tpu.yield
      }) : () -> ()
      "tpu.region"() ({
        %run_scoped3A = tpu.sem_alloc : memref<!tpu.dma_semaphore, #tpu.memory_space<semaphore_mem>>
        %dma_start3A = arith.constant 0 : i32
        %dma_start3A_105 = arith.constant 0 : i32
        %dma_start3A_106 = tpu.memref_slice %arg7[%dma_start3A, %dma_start3A_105] : memref<10240x128xf32, #tpu.memory_space<vmem_shared>> -> memref<10240x128xf32, #tpu.memory_space<vmem_shared>>
        tpu.enqueue_indirect_dma source(%arg5 : memref<128x128xf32, #tpu.memory_space<vmem>>) target(%dma_start3A_106 : memref<10240x128xf32, #tpu.memory_space<vmem_shared>>) offsets(%arg4 : memref<128xi32, #tpu.memory_space<vmem>>) semaphore(%run_scoped3A : memref<!tpu.dma_semaphore, #tpu.memory_space<semaphore_mem>>) {add = true}
        %dma_wait3A = arith.constant 0 : i32
        %dma_wait3A_107 = arith.constant 0 : i32
        %dma_wait3A_108 = tpu.memref_slice %arg7[%dma_wait3A, %dma_wait3A_107] : memref<10240x128xf32, #tpu.memory_space<vmem_shared>> -> memref<10240x128xf32, #tpu.memory_space<vmem_shared>>
        tpu.wait_indirect_dma semaphore(%run_scoped3A : memref<!tpu.dma_semaphore, #tpu.memory_space<semaphore_mem>>) src(%arg5 : memref<128x128xf32, #tpu.memory_space<vmem>>) dst(%dma_wait3A_108 : memref<10240x128xf32, #tpu.memory_space<vmem_shared>>)
        tpu.yield
      }) : () -> ()
    }
    %scan3A_59 = arith.constant 79 : i32
    %barrier3A_60 = arith.constant 0 : index
    tpu.barrier barrier_id(%barrier3A_60)
    %mul3A_61 = arith.constant 640 : i32
    %mul3A_62 = arith.muli %arg1, %mul3A_61 : i32
    %add3A_63 = arith.constant 0 : i32
    %add3A_64 = arith.addi %mul3A_62, %add3A_63 : i32
    "tpu.region"() ({
      %run_scoped3A = tpu.sem_alloc : memref<!tpu.dma_semaphore, #tpu.memory_space<semaphore_mem>>
      %dma_start3A = arith.constant 0 : i32
      %dma_start3A_101 = tpu.memref_slice %arg7[%add3A_64, %dma_start3A] : memref<10240x128xf32, #tpu.memory_space<vmem_shared>> -> memref<64x128xf32, #tpu.memory_space<vmem_shared>>
      %dma_start3A_102 = arith.constant 0 : i32
      %dma_start3A_103 = tpu.memref_slice %arg7[%add3A_64, %dma_start3A_102] : memref<10240x128xf32, #tpu.memory_space<vmem_shared>> -> memref<64x128xf32, #tpu.memory_space<vmem_shared>>
      tpu.enqueue_dma source(%dma_start3A_103 : memref<64x128xf32, #tpu.memory_space<vmem_shared>>) target(%arg6 : memref<64x128xf32, #tpu.memory_space<vmem>>) target_semaphore(%run_scoped3A : memref<!tpu.dma_semaphore, #tpu.memory_space<semaphore_mem>>)
      %dma_wait3A = arith.constant 0 : i32
      %dma_wait3A_104 = tpu.memref_slice %arg7[%add3A_64, %dma_wait3A] : memref<10240x128xf32, #tpu.memory_space<vmem_shared>> -> memref<64x128xf32, #tpu.memory_space<vmem_shared>>
      %dma_wait3A_105 = arith.constant 0 : i32
      %dma_wait3A_106 = tpu.memref_slice %arg7[%add3A_64, %dma_wait3A_105] : memref<10240x128xf32, #tpu.memory_space<vmem_shared>> -> memref<64x128xf32, #tpu.memory_space<vmem_shared>>
      tpu.wait_dma2 semaphore(%run_scoped3A : memref<!tpu.dma_semaphore, #tpu.memory_space<semaphore_mem>>) src(%dma_wait3A_106 : memref<64x128xf32, #tpu.memory_space<vmem_shared>>) dst(%arg6 : memref<64x128xf32, #tpu.memory_space<vmem>>)
      tpu.yield
    }) : () -> ()
    "tpu.region"() ({
      %run_scoped3A = tpu.sem_alloc : memref<!tpu.dma_semaphore, #tpu.memory_space<semaphore_mem>>
      %dma_start3A = arith.constant 0 : i32
      %dma_start3A_101 = tpu.memref_slice %arg3[%arg0, %add3A_64, %dma_start3A] : memref<2x10240x128xf32, #tpu.memory_space<hbm>> -> memref<1x64x128xf32, #tpu.memory_space<hbm>>
      %dma_start3A_102 = tpu.memref_squeeze %dma_start3A_101 : memref<1x64x128xf32, #tpu.memory_space<hbm>> -> memref<64x128xf32, #tpu.memory_space<hbm>>
      %dma_start3A_103 = arith.constant 0 : i32
      %dma_start3A_104 = tpu.memref_slice %arg3[%arg0, %add3A_64, %dma_start3A_103] : memref<2x10240x128xf32, #tpu.memory_space<hbm>> -> memref<1x64x128xf32, #tpu.memory_space<hbm>>
      %dma_start3A_105 = tpu.memref_squeeze %dma_start3A_104 : memref<1x64x128xf32, #tpu.memory_space<hbm>> -> memref<64x128xf32, #tpu.memory_space<hbm>>
      tpu.enqueue_dma source(%arg6 : memref<64x128xf32, #tpu.memory_space<vmem>>) target(%dma_start3A_105 : memref<64x128xf32, #tpu.memory_space<hbm>>) target_semaphore(%run_scoped3A : memref<!tpu.dma_semaphore, #tpu.memory_space<semaphore_mem>>)
      %dma_wait3A = arith.constant 0 : i32
      %dma_wait3A_106 = tpu.memref_slice %arg3[%arg0, %add3A_64, %dma_wait3A] : memref<2x10240x128xf32, #tpu.memory_space<hbm>> -> memref<1x64x128xf32, #tpu.memory_space<hbm>>
      %dma_wait3A_107 = tpu.memref_squeeze %dma_wait3A_106 : memref<1x64x128xf32, #tpu.memory_space<hbm>> -> memref<64x128xf32, #tpu.memory_space<hbm>>
      %dma_wait3A_108 = arith.constant 0 : i32
      %dma_wait3A_109 = tpu.memref_slice %arg3[%arg0, %add3A_64, %dma_wait3A_108] : memref<2x10240x128xf32, #tpu.memory_space<hbm>> -> memref<1x64x128xf32, #tpu.memory_space<hbm>>
      %dma_wait3A_110 = tpu.memref_squeeze %dma_wait3A_109 : memref<1x64x128xf32, #tpu.memory_space<hbm>> -> memref<64x128xf32, #tpu.memory_space<hbm>>
      tpu.wait_dma2 semaphore(%run_scoped3A : memref<!tpu.dma_semaphore, #tpu.memory_space<semaphore_mem>>) src(%arg6 : memref<64x128xf32, #tpu.memory_space<vmem>>) dst(%dma_wait3A_110 : memref<64x128xf32, #tpu.memory_space<hbm>>)
      tpu.yield
    }) : () -> ()
    %mul3A_65 = arith.constant 640 : i32
    %mul3A_66 = arith.muli %arg1, %mul3A_65 : i32
    %add3A_67 = arith.constant 64 : i32
    %add3A_68 = arith.addi %mul3A_66, %add3A_67 : i32
    "tpu.region"() ({
      %run_scoped3A = tpu.sem_alloc : memref<!tpu.dma_semaphore, #tpu.memory_space<semaphore_mem>>
      %dma_start3A = arith.constant 0 : i32
      %dma_start3A_101 = tpu.memref_slice %arg7[%add3A_68, %dma_start3A] : memref<10240x128xf32, #tpu.memory_space<vmem_shared>> -> memref<64x128xf32, #tpu.memory_space<vmem_shared>>
      %dma_start3A_102 = arith.constant 0 : i32
      %dma_start3A_103 = tpu.memref_slice %arg7[%add3A_68, %dma_start3A_102] : memref<10240x128xf32, #tpu.memory_space<vmem_shared>> -> memref<64x128xf32, #tpu.memory_space<vmem_shared>>
      tpu.enqueue_dma source(%dma_start3A_103 : memref<64x128xf32, #tpu.memory_space<vmem_shared>>) target(%arg6 : memref<64x128xf32, #tpu.memory_space<vmem>>) target_semaphore(%run_scoped3A : memref<!tpu.dma_semaphore, #tpu.memory_space<semaphore_mem>>)
      %dma_wait3A = arith.constant 0 : i32
      %dma_wait3A_104 = tpu.memref_slice %arg7[%add3A_68, %dma_wait3A] : memref<10240x128xf32, #tpu.memory_space<vmem_shared>> -> memref<64x128xf32, #tpu.memory_space<vmem_shared>>
      %dma_wait3A_105 = arith.constant 0 : i32
      %dma_wait3A_106 = tpu.memref_slice %arg7[%add3A_68, %dma_wait3A_105] : memref<10240x128xf32, #tpu.memory_space<vmem_shared>> -> memref<64x128xf32, #tpu.memory_space<vmem_shared>>
      tpu.wait_dma2 semaphore(%run_scoped3A : memref<!tpu.dma_semaphore, #tpu.memory_space<semaphore_mem>>) src(%dma_wait3A_106 : memref<64x128xf32, #tpu.memory_space<vmem_shared>>) dst(%arg6 : memref<64x128xf32, #tpu.memory_space<vmem>>)
      tpu.yield
    }) : () -> ()
    "tpu.region"() ({
      %run_scoped3A = tpu.sem_alloc : memref<!tpu.dma_semaphore, #tpu.memory_space<semaphore_mem>>
      %dma_start3A = arith.constant 0 : i32
      %dma_start3A_101 = tpu.memref_slice %arg3[%arg0, %add3A_68, %dma_start3A] : memref<2x10240x128xf32, #tpu.memory_space<hbm>> -> memref<1x64x128xf32, #tpu.memory_space<hbm>>
      %dma_start3A_102 = tpu.memref_squeeze %dma_start3A_101 : memref<1x64x128xf32, #tpu.memory_space<hbm>> -> memref<64x128xf32, #tpu.memory_space<hbm>>
      %dma_start3A_103 = arith.constant 0 : i32
      %dma_start3A_104 = tpu.memref_slice %arg3[%arg0, %add3A_68, %dma_start3A_103] : memref<2x10240x128xf32, #tpu.memory_space<hbm>> -> memref<1x64x128xf32, #tpu.memory_space<hbm>>
      %dma_start3A_105 = tpu.memref_squeeze %dma_start3A_104 : memref<1x64x128xf32, #tpu.memory_space<hbm>> -> memref<64x128xf32, #tpu.memory_space<hbm>>
      tpu.enqueue_dma source(%arg6 : memref<64x128xf32, #tpu.memory_space<vmem>>) target(%dma_start3A_105 : memref<64x128xf32, #tpu.memory_space<hbm>>) target_semaphore(%run_scoped3A : memref<!tpu.dma_semaphore, #tpu.memory_space<semaphore_mem>>)
      %dma_wait3A = arith.constant 0 : i32
      %dma_wait3A_106 = tpu.memref_slice %arg3[%arg0, %add3A_68, %dma_wait3A] : memref<2x10240x128xf32, #tpu.memory_space<hbm>> -> memref<1x64x128xf32, #tpu.memory_space<hbm>>
      %dma_wait3A_107 = tpu.memref_squeeze %dma_wait3A_106 : memref<1x64x128xf32, #tpu.memory_space<hbm>> -> memref<64x128xf32, #tpu.memory_space<hbm>>
      %dma_wait3A_108 = arith.constant 0 : i32
      %dma_wait3A_109 = tpu.memref_slice %arg3[%arg0, %add3A_68, %dma_wait3A_108] : memref<2x10240x128xf32, #tpu.memory_space<hbm>> -> memref<1x64x128xf32, #tpu.memory_space<hbm>>
      %dma_wait3A_110 = tpu.memref_squeeze %dma_wait3A_109 : memref<1x64x128xf32, #tpu.memory_space<hbm>> -> memref<64x128xf32, #tpu.memory_space<hbm>>
      tpu.wait_dma2 semaphore(%run_scoped3A : memref<!tpu.dma_semaphore, #tpu.memory_space<semaphore_mem>>) src(%arg6 : memref<64x128xf32, #tpu.memory_space<vmem>>) dst(%dma_wait3A_110 : memref<64x128xf32, #tpu.memory_space<hbm>>)
      tpu.yield
    }) : () -> ()
    %mul3A_69 = arith.constant 640 : i32
    %mul3A_70 = arith.muli %arg1, %mul3A_69 : i32
    %add3A_71 = arith.constant 128 : i32
    %add3A_72 = arith.addi %mul3A_70, %add3A_71 : i32
    "tpu.region"() ({
      %run_scoped3A = tpu.sem_alloc : memref<!tpu.dma_semaphore, #tpu.memory_space<semaphore_mem>>
      %dma_start3A = arith.constant 0 : i32
      %dma_start3A_101 = tpu.memref_slice %arg7[%add3A_72, %dma_start3A] : memref<10240x128xf32, #tpu.memory_space<vmem_shared>> -> memref<64x128xf32, #tpu.memory_space<vmem_shared>>
      %dma_start3A_102 = arith.constant 0 : i32
      %dma_start3A_103 = tpu.memref_slice %arg7[%add3A_72, %dma_start3A_102] : memref<10240x128xf32, #tpu.memory_space<vmem_shared>> -> memref<64x128xf32, #tpu.memory_space<vmem_shared>>
      tpu.enqueue_dma source(%dma_start3A_103 : memref<64x128xf32, #tpu.memory_space<vmem_shared>>) target(%arg6 : memref<64x128xf32, #tpu.memory_space<vmem>>) target_semaphore(%run_scoped3A : memref<!tpu.dma_semaphore, #tpu.memory_space<semaphore_mem>>)
      %dma_wait3A = arith.constant 0 : i32
      %dma_wait3A_104 = tpu.memref_slice %arg7[%add3A_72, %dma_wait3A] : memref<10240x128xf32, #tpu.memory_space<vmem_shared>> -> memref<64x128xf32, #tpu.memory_space<vmem_shared>>
      %dma_wait3A_105 = arith.constant 0 : i32
      %dma_wait3A_106 = tpu.memref_slice %arg7[%add3A_72, %dma_wait3A_105] : memref<10240x128xf32, #tpu.memory_space<vmem_shared>> -> memref<64x128xf32, #tpu.memory_space<vmem_shared>>
      tpu.wait_dma2 semaphore(%run_scoped3A : memref<!tpu.dma_semaphore, #tpu.memory_space<semaphore_mem>>) src(%dma_wait3A_106 : memref<64x128xf32, #tpu.memory_space<vmem_shared>>) dst(%arg6 : memref<64x128xf32, #tpu.memory_space<vmem>>)
      tpu.yield
    }) : () -> ()
    "tpu.region"() ({
      %run_scoped3A = tpu.sem_alloc : memref<!tpu.dma_semaphore, #tpu.memory_space<semaphore_mem>>
      %dma_start3A = arith.constant 0 : i32
      %dma_start3A_101 = tpu.memref_slice %arg3[%arg0, %add3A_72, %dma_start3A] : memref<2x10240x128xf32, #tpu.memory_space<hbm>> -> memref<1x64x128xf32, #tpu.memory_space<hbm>>
      %dma_start3A_102 = tpu.memref_squeeze %dma_start3A_101 : memref<1x64x128xf32, #tpu.memory_space<hbm>> -> memref<64x128xf32, #tpu.memory_space<hbm>>
      %dma_start3A_103 = arith.constant 0 : i32
      %dma_start3A_104 = tpu.memref_slice %arg3[%arg0, %add3A_72, %dma_start3A_103] : memref<2x10240x128xf32, #tpu.memory_space<hbm>> -> memref<1x64x128xf32, #tpu.memory_space<hbm>>
      %dma_start3A_105 = tpu.memref_squeeze %dma_start3A_104 : memref<1x64x128xf32, #tpu.memory_space<hbm>> -> memref<64x128xf32, #tpu.memory_space<hbm>>
      tpu.enqueue_dma source(%arg6 : memref<64x128xf32, #tpu.memory_space<vmem>>) target(%dma_start3A_105 : memref<64x128xf32, #tpu.memory_space<hbm>>) target_semaphore(%run_scoped3A : memref<!tpu.dma_semaphore, #tpu.memory_space<semaphore_mem>>)
      %dma_wait3A = arith.constant 0 : i32
      %dma_wait3A_106 = tpu.memref_slice %arg3[%arg0, %add3A_72, %dma_wait3A] : memref<2x10240x128xf32, #tpu.memory_space<hbm>> -> memref<1x64x128xf32, #tpu.memory_space<hbm>>
      %dma_wait3A_107 = tpu.memref_squeeze %dma_wait3A_106 : memref<1x64x128xf32, #tpu.memory_space<hbm>> -> memref<64x128xf32, #tpu.memory_space<hbm>>
      %dma_wait3A_108 = arith.constant 0 : i32
      %dma_wait3A_109 = tpu.memref_slice %arg3[%arg0, %add3A_72, %dma_wait3A_108] : memref<2x10240x128xf32, #tpu.memory_space<hbm>> -> memref<1x64x128xf32, #tpu.memory_space<hbm>>
      %dma_wait3A_110 = tpu.memref_squeeze %dma_wait3A_109 : memref<1x64x128xf32, #tpu.memory_space<hbm>> -> memref<64x128xf32, #tpu.memory_space<hbm>>
      tpu.wait_dma2 semaphore(%run_scoped3A : memref<!tpu.dma_semaphore, #tpu.memory_space<semaphore_mem>>) src(%arg6 : memref<64x128xf32, #tpu.memory_space<vmem>>) dst(%dma_wait3A_110 : memref<64x128xf32, #tpu.memory_space<hbm>>)
      tpu.yield
    }) : () -> ()
    %mul3A_73 = arith.constant 640 : i32
    %mul3A_74 = arith.muli %arg1, %mul3A_73 : i32
    %add3A_75 = arith.constant 192 : i32
    %add3A_76 = arith.addi %mul3A_74, %add3A_75 : i32
    "tpu.region"() ({
      %run_scoped3A = tpu.sem_alloc : memref<!tpu.dma_semaphore, #tpu.memory_space<semaphore_mem>>
      %dma_start3A = arith.constant 0 : i32
      %dma_start3A_101 = tpu.memref_slice %arg7[%add3A_76, %dma_start3A] : memref<10240x128xf32, #tpu.memory_space<vmem_shared>> -> memref<64x128xf32, #tpu.memory_space<vmem_shared>>
      %dma_start3A_102 = arith.constant 0 : i32
      %dma_start3A_103 = tpu.memref_slice %arg7[%add3A_76, %dma_start3A_102] : memref<10240x128xf32, #tpu.memory_space<vmem_shared>> -> memref<64x128xf32, #tpu.memory_space<vmem_shared>>
      tpu.enqueue_dma source(%dma_start3A_103 : memref<64x128xf32, #tpu.memory_space<vmem_shared>>) target(%arg6 : memref<64x128xf32, #tpu.memory_space<vmem>>) target_semaphore(%run_scoped3A : memref<!tpu.dma_semaphore, #tpu.memory_space<semaphore_mem>>)
      %dma_wait3A = arith.constant 0 : i32
      %dma_wait3A_104 = tpu.memref_slice %arg7[%add3A_76, %dma_wait3A] : memref<10240x128xf32, #tpu.memory_space<vmem_shared>> -> memref<64x128xf32, #tpu.memory_space<vmem_shared>>
      %dma_wait3A_105 = arith.constant 0 : i32
      %dma_wait3A_106 = tpu.memref_slice %arg7[%add3A_76, %dma_wait3A_105] : memref<10240x128xf32, #tpu.memory_space<vmem_shared>> -> memref<64x128xf32, #tpu.memory_space<vmem_shared>>
      tpu.wait_dma2 semaphore(%run_scoped3A : memref<!tpu.dma_semaphore, #tpu.memory_space<semaphore_mem>>) src(%dma_wait3A_106 : memref<64x128xf32, #tpu.memory_space<vmem_shared>>) dst(%arg6 : memref<64x128xf32, #tpu.memory_space<vmem>>)
      tpu.yield
    }) : () -> ()
    "tpu.region"() ({
      %run_scoped3A = tpu.sem_alloc : memref<!tpu.dma_semaphore, #tpu.memory_space<semaphore_mem>>
      %dma_start3A = arith.constant 0 : i32
      %dma_start3A_101 = tpu.memref_slice %arg3[%arg0, %add3A_76, %dma_start3A] : memref<2x10240x128xf32, #tpu.memory_space<hbm>> -> memref<1x64x128xf32, #tpu.memory_space<hbm>>
      %dma_start3A_102 = tpu.memref_squeeze %dma_start3A_101 : memref<1x64x128xf32, #tpu.memory_space<hbm>> -> memref<64x128xf32, #tpu.memory_space<hbm>>
      %dma_start3A_103 = arith.constant 0 : i32
      %dma_start3A_104 = tpu.memref_slice %arg3[%arg0, %add3A_76, %dma_start3A_103] : memref<2x10240x128xf32, #tpu.memory_space<hbm>> -> memref<1x64x128xf32, #tpu.memory_space<hbm>>
      %dma_start3A_105 = tpu.memref_squeeze %dma_start3A_104 : memref<1x64x128xf32, #tpu.memory_space<hbm>> -> memref<64x128xf32, #tpu.memory_space<hbm>>
      tpu.enqueue_dma source(%arg6 : memref<64x128xf32, #tpu.memory_space<vmem>>) target(%dma_start3A_105 : memref<64x128xf32, #tpu.memory_space<hbm>>) target_semaphore(%run_scoped3A : memref<!tpu.dma_semaphore, #tpu.memory_space<semaphore_mem>>)
      %dma_wait3A = arith.constant 0 : i32
      %dma_wait3A_106 = tpu.memref_slice %arg3[%arg0, %add3A_76, %dma_wait3A] : memref<2x10240x128xf32, #tpu.memory_space<hbm>> -> memref<1x64x128xf32, #tpu.memory_space<hbm>>
      %dma_wait3A_107 = tpu.memref_squeeze %dma_wait3A_106 : memref<1x64x128xf32, #tpu.memory_space<hbm>> -> memref<64x128xf32, #tpu.memory_space<hbm>>
      %dma_wait3A_108 = arith.constant 0 : i32
      %dma_wait3A_109 = tpu.memref_slice %arg3[%arg0, %add3A_76, %dma_wait3A_108] : memref<2x10240x128xf32, #tpu.memory_space<hbm>> -> memref<1x64x128xf32, #tpu.memory_space<hbm>>
      %dma_wait3A_110 = tpu.memref_squeeze %dma_wait3A_109 : memref<1x64x128xf32, #tpu.memory_space<hbm>> -> memref<64x128xf32, #tpu.memory_space<hbm>>
      tpu.wait_dma2 semaphore(%run_scoped3A : memref<!tpu.dma_semaphore, #tpu.memory_space<semaphore_mem>>) src(%arg6 : memref<64x128xf32, #tpu.memory_space<vmem>>) dst(%dma_wait3A_110 : memref<64x128xf32, #tpu.memory_space<hbm>>)
      tpu.yield
    }) : () -> ()
    %mul3A_77 = arith.constant 640 : i32
    %mul3A_78 = arith.muli %arg1, %mul3A_77 : i32
    %add3A_79 = arith.constant 256 : i32
    %add3A_80 = arith.addi %mul3A_78, %add3A_79 : i32
    "tpu.region"() ({
      %run_scoped3A = tpu.sem_alloc : memref<!tpu.dma_semaphore, #tpu.memory_space<semaphore_mem>>
      %dma_start3A = arith.constant 0 : i32
      %dma_start3A_101 = tpu.memref_slice %arg7[%add3A_80, %dma_start3A] : memref<10240x128xf32, #tpu.memory_space<vmem_shared>> -> memref<64x128xf32, #tpu.memory_space<vmem_shared>>
      %dma_start3A_102 = arith.constant 0 : i32
      %dma_start3A_103 = tpu.memref_slice %arg7[%add3A_80, %dma_start3A_102] : memref<10240x128xf32, #tpu.memory_space<vmem_shared>> -> memref<64x128xf32, #tpu.memory_space<vmem_shared>>
      tpu.enqueue_dma source(%dma_start3A_103 : memref<64x128xf32, #tpu.memory_space<vmem_shared>>) target(%arg6 : memref<64x128xf32, #tpu.memory_space<vmem>>) target_semaphore(%run_scoped3A : memref<!tpu.dma_semaphore, #tpu.memory_space<semaphore_mem>>)
      %dma_wait3A = arith.constant 0 : i32
      %dma_wait3A_104 = tpu.memref_slice %arg7[%add3A_80, %dma_wait3A] : memref<10240x128xf32, #tpu.memory_space<vmem_shared>> -> memref<64x128xf32, #tpu.memory_space<vmem_shared>>
      %dma_wait3A_105 = arith.constant 0 : i32
      %dma_wait3A_106 = tpu.memref_slice %arg7[%add3A_80, %dma_wait3A_105] : memref<10240x128xf32, #tpu.memory_space<vmem_shared>> -> memref<64x128xf32, #tpu.memory_space<vmem_shared>>
      tpu.wait_dma2 semaphore(%run_scoped3A : memref<!tpu.dma_semaphore, #tpu.memory_space<semaphore_mem>>) src(%dma_wait3A_106 : memref<64x128xf32, #tpu.memory_space<vmem_shared>>) dst(%arg6 : memref<64x128xf32, #tpu.memory_space<vmem>>)
      tpu.yield
    }) : () -> ()
    "tpu.region"() ({
      %run_scoped3A = tpu.sem_alloc : memref<!tpu.dma_semaphore, #tpu.memory_space<semaphore_mem>>
      %dma_start3A = arith.constant 0 : i32
      %dma_start3A_101 = tpu.memref_slice %arg3[%arg0, %add3A_80, %dma_start3A] : memref<2x10240x128xf32, #tpu.memory_space<hbm>> -> memref<1x64x128xf32, #tpu.memory_space<hbm>>
      %dma_start3A_102 = tpu.memref_squeeze %dma_start3A_101 : memref<1x64x128xf32, #tpu.memory_space<hbm>> -> memref<64x128xf32, #tpu.memory_space<hbm>>
      %dma_start3A_103 = arith.constant 0 : i32
      %dma_start3A_104 = tpu.memref_slice %arg3[%arg0, %add3A_80, %dma_start3A_103] : memref<2x10240x128xf32, #tpu.memory_space<hbm>> -> memref<1x64x128xf32, #tpu.memory_space<hbm>>
      %dma_start3A_105 = tpu.memref_squeeze %dma_start3A_104 : memref<1x64x128xf32, #tpu.memory_space<hbm>> -> memref<64x128xf32, #tpu.memory_space<hbm>>
      tpu.enqueue_dma source(%arg6 : memref<64x128xf32, #tpu.memory_space<vmem>>) target(%dma_start3A_105 : memref<64x128xf32, #tpu.memory_space<hbm>>) target_semaphore(%run_scoped3A : memref<!tpu.dma_semaphore, #tpu.memory_space<semaphore_mem>>)
      %dma_wait3A = arith.constant 0 : i32
      %dma_wait3A_106 = tpu.memref_slice %arg3[%arg0, %add3A_80, %dma_wait3A] : memref<2x10240x128xf32, #tpu.memory_space<hbm>> -> memref<1x64x128xf32, #tpu.memory_space<hbm>>
      %dma_wait3A_107 = tpu.memref_squeeze %dma_wait3A_106 : memref<1x64x128xf32, #tpu.memory_space<hbm>> -> memref<64x128xf32, #tpu.memory_space<hbm>>
      %dma_wait3A_108 = arith.constant 0 : i32
      %dma_wait3A_109 = tpu.memref_slice %arg3[%arg0, %add3A_80, %dma_wait3A_108] : memref<2x10240x128xf32, #tpu.memory_space<hbm>> -> memref<1x64x128xf32, #tpu.memory_space<hbm>>
      %dma_wait3A_110 = tpu.memref_squeeze %dma_wait3A_109 : memref<1x64x128xf32, #tpu.memory_space<hbm>> -> memref<64x128xf32, #tpu.memory_space<hbm>>
      tpu.wait_dma2 semaphore(%run_scoped3A : memref<!tpu.dma_semaphore, #tpu.memory_space<semaphore_mem>>) src(%arg6 : memref<64x128xf32, #tpu.memory_space<vmem>>) dst(%dma_wait3A_110 : memref<64x128xf32, #tpu.memory_space<hbm>>)
      tpu.yield
    }) : () -> ()
    %mul3A_81 = arith.constant 640 : i32
    %mul3A_82 = arith.muli %arg1, %mul3A_81 : i32
    %add3A_83 = arith.constant 320 : i32
    %add3A_84 = arith.addi %mul3A_82, %add3A_83 : i32
    "tpu.region"() ({
      %run_scoped3A = tpu.sem_alloc : memref<!tpu.dma_semaphore, #tpu.memory_space<semaphore_mem>>
      %dma_start3A = arith.constant 0 : i32
      %dma_start3A_101 = tpu.memref_slice %arg7[%add3A_84, %dma_start3A] : memref<10240x128xf32, #tpu.memory_space<vmem_shared>> -> memref<64x128xf32, #tpu.memory_space<vmem_shared>>
      %dma_start3A_102 = arith.constant 0 : i32
      %dma_start3A_103 = tpu.memref_slice %arg7[%add3A_84, %dma_start3A_102] : memref<10240x128xf32, #tpu.memory_space<vmem_shared>> -> memref<64x128xf32, #tpu.memory_space<vmem_shared>>
      tpu.enqueue_dma source(%dma_start3A_103 : memref<64x128xf32, #tpu.memory_space<vmem_shared>>) target(%arg6 : memref<64x128xf32, #tpu.memory_space<vmem>>) target_semaphore(%run_scoped3A : memref<!tpu.dma_semaphore, #tpu.memory_space<semaphore_mem>>)
      %dma_wait3A = arith.constant 0 : i32
      %dma_wait3A_104 = tpu.memref_slice %arg7[%add3A_84, %dma_wait3A] : memref<10240x128xf32, #tpu.memory_space<vmem_shared>> -> memref<64x128xf32, #tpu.memory_space<vmem_shared>>
      %dma_wait3A_105 = arith.constant 0 : i32
      %dma_wait3A_106 = tpu.memref_slice %arg7[%add3A_84, %dma_wait3A_105] : memref<10240x128xf32, #tpu.memory_space<vmem_shared>> -> memref<64x128xf32, #tpu.memory_space<vmem_shared>>
      tpu.wait_dma2 semaphore(%run_scoped3A : memref<!tpu.dma_semaphore, #tpu.memory_space<semaphore_mem>>) src(%dma_wait3A_106 : memref<64x128xf32, #tpu.memory_space<vmem_shared>>) dst(%arg6 : memref<64x128xf32, #tpu.memory_space<vmem>>)
      tpu.yield
    }) : () -> ()
    "tpu.region"() ({
      %run_scoped3A = tpu.sem_alloc : memref<!tpu.dma_semaphore, #tpu.memory_space<semaphore_mem>>
      %dma_start3A = arith.constant 0 : i32
      %dma_start3A_101 = tpu.memref_slice %arg3[%arg0, %add3A_84, %dma_start3A] : memref<2x10240x128xf32, #tpu.memory_space<hbm>> -> memref<1x64x128xf32, #tpu.memory_space<hbm>>
      %dma_start3A_102 = tpu.memref_squeeze %dma_start3A_101 : memref<1x64x128xf32, #tpu.memory_space<hbm>> -> memref<64x128xf32, #tpu.memory_space<hbm>>
      %dma_start3A_103 = arith.constant 0 : i32
      %dma_start3A_104 = tpu.memref_slice %arg3[%arg0, %add3A_84, %dma_start3A_103] : memref<2x10240x128xf32, #tpu.memory_space<hbm>> -> memref<1x64x128xf32, #tpu.memory_space<hbm>>
      %dma_start3A_105 = tpu.memref_squeeze %dma_start3A_104 : memref<1x64x128xf32, #tpu.memory_space<hbm>> -> memref<64x128xf32, #tpu.memory_space<hbm>>
      tpu.enqueue_dma source(%arg6 : memref<64x128xf32, #tpu.memory_space<vmem>>) target(%dma_start3A_105 : memref<64x128xf32, #tpu.memory_space<hbm>>) target_semaphore(%run_scoped3A : memref<!tpu.dma_semaphore, #tpu.memory_space<semaphore_mem>>)
      %dma_wait3A = arith.constant 0 : i32
      %dma_wait3A_106 = tpu.memref_slice %arg3[%arg0, %add3A_84, %dma_wait3A] : memref<2x10240x128xf32, #tpu.memory_space<hbm>> -> memref<1x64x128xf32, #tpu.memory_space<hbm>>
      %dma_wait3A_107 = tpu.memref_squeeze %dma_wait3A_106 : memref<1x64x128xf32, #tpu.memory_space<hbm>> -> memref<64x128xf32, #tpu.memory_space<hbm>>
      %dma_wait3A_108 = arith.constant 0 : i32
      %dma_wait3A_109 = tpu.memref_slice %arg3[%arg0, %add3A_84, %dma_wait3A_108] : memref<2x10240x128xf32, #tpu.memory_space<hbm>> -> memref<1x64x128xf32, #tpu.memory_space<hbm>>
      %dma_wait3A_110 = tpu.memref_squeeze %dma_wait3A_109 : memref<1x64x128xf32, #tpu.memory_space<hbm>> -> memref<64x128xf32, #tpu.memory_space<hbm>>
      tpu.wait_dma2 semaphore(%run_scoped3A : memref<!tpu.dma_semaphore, #tpu.memory_space<semaphore_mem>>) src(%arg6 : memref<64x128xf32, #tpu.memory_space<vmem>>) dst(%dma_wait3A_110 : memref<64x128xf32, #tpu.memory_space<hbm>>)
      tpu.yield
    }) : () -> ()
    %mul3A_85 = arith.constant 640 : i32
    %mul3A_86 = arith.muli %arg1, %mul3A_85 : i32
    %add3A_87 = arith.constant 384 : i32
    %add3A_88 = arith.addi %mul3A_86, %add3A_87 : i32
    "tpu.region"() ({
      %run_scoped3A = tpu.sem_alloc : memref<!tpu.dma_semaphore, #tpu.memory_space<semaphore_mem>>
      %dma_start3A = arith.constant 0 : i32
      %dma_start3A_101 = tpu.memref_slice %arg7[%add3A_88, %dma_start3A] : memref<10240x128xf32, #tpu.memory_space<vmem_shared>> -> memref<64x128xf32, #tpu.memory_space<vmem_shared>>
      %dma_start3A_102 = arith.constant 0 : i32
      %dma_start3A_103 = tpu.memref_slice %arg7[%add3A_88, %dma_start3A_102] : memref<10240x128xf32, #tpu.memory_space<vmem_shared>> -> memref<64x128xf32, #tpu.memory_space<vmem_shared>>
      tpu.enqueue_dma source(%dma_start3A_103 : memref<64x128xf32, #tpu.memory_space<vmem_shared>>) target(%arg6 : memref<64x128xf32, #tpu.memory_space<vmem>>) target_semaphore(%run_scoped3A : memref<!tpu.dma_semaphore, #tpu.memory_space<semaphore_mem>>)
      %dma_wait3A = arith.constant 0 : i32
      %dma_wait3A_104 = tpu.memref_slice %arg7[%add3A_88, %dma_wait3A] : memref<10240x128xf32, #tpu.memory_space<vmem_shared>> -> memref<64x128xf32, #tpu.memory_space<vmem_shared>>
      %dma_wait3A_105 = arith.constant 0 : i32
      %dma_wait3A_106 = tpu.memref_slice %arg7[%add3A_88, %dma_wait3A_105] : memref<10240x128xf32, #tpu.memory_space<vmem_shared>> -> memref<64x128xf32, #tpu.memory_space<vmem_shared>>
      tpu.wait_dma2 semaphore(%run_scoped3A : memref<!tpu.dma_semaphore, #tpu.memory_space<semaphore_mem>>) src(%dma_wait3A_106 : memref<64x128xf32, #tpu.memory_space<vmem_shared>>) dst(%arg6 : memref<64x128xf32, #tpu.memory_space<vmem>>)
      tpu.yield
    }) : () -> ()
    "tpu.region"() ({
      %run_scoped3A = tpu.sem_alloc : memref<!tpu.dma_semaphore, #tpu.memory_space<semaphore_mem>>
      %dma_start3A = arith.constant 0 : i32
      %dma_start3A_101 = tpu.memref_slice %arg3[%arg0, %add3A_88, %dma_start3A] : memref<2x10240x128xf32, #tpu.memory_space<hbm>> -> memref<1x64x128xf32, #tpu.memory_space<hbm>>
      %dma_start3A_102 = tpu.memref_squeeze %dma_start3A_101 : memref<1x64x128xf32, #tpu.memory_space<hbm>> -> memref<64x128xf32, #tpu.memory_space<hbm>>
      %dma_start3A_103 = arith.constant 0 : i32
      %dma_start3A_104 = tpu.memref_slice %arg3[%arg0, %add3A_88, %dma_start3A_103] : memref<2x10240x128xf32, #tpu.memory_space<hbm>> -> memref<1x64x128xf32, #tpu.memory_space<hbm>>
      %dma_start3A_105 = tpu.memref_squeeze %dma_start3A_104 : memref<1x64x128xf32, #tpu.memory_space<hbm>> -> memref<64x128xf32, #tpu.memory_space<hbm>>
      tpu.enqueue_dma source(%arg6 : memref<64x128xf32, #tpu.memory_space<vmem>>) target(%dma_start3A_105 : memref<64x128xf32, #tpu.memory_space<hbm>>) target_semaphore(%run_scoped3A : memref<!tpu.dma_semaphore, #tpu.memory_space<semaphore_mem>>)
      %dma_wait3A = arith.constant 0 : i32
      %dma_wait3A_106 = tpu.memref_slice %arg3[%arg0, %add3A_88, %dma_wait3A] : memref<2x10240x128xf32, #tpu.memory_space<hbm>> -> memref<1x64x128xf32, #tpu.memory_space<hbm>>
      %dma_wait3A_107 = tpu.memref_squeeze %dma_wait3A_106 : memref<1x64x128xf32, #tpu.memory_space<hbm>> -> memref<64x128xf32, #tpu.memory_space<hbm>>
      %dma_wait3A_108 = arith.constant 0 : i32
      %dma_wait3A_109 = tpu.memref_slice %arg3[%arg0, %add3A_88, %dma_wait3A_108] : memref<2x10240x128xf32, #tpu.memory_space<hbm>> -> memref<1x64x128xf32, #tpu.memory_space<hbm>>
      %dma_wait3A_110 = tpu.memref_squeeze %dma_wait3A_109 : memref<1x64x128xf32, #tpu.memory_space<hbm>> -> memref<64x128xf32, #tpu.memory_space<hbm>>
      tpu.wait_dma2 semaphore(%run_scoped3A : memref<!tpu.dma_semaphore, #tpu.memory_space<semaphore_mem>>) src(%arg6 : memref<64x128xf32, #tpu.memory_space<vmem>>) dst(%dma_wait3A_110 : memref<64x128xf32, #tpu.memory_space<hbm>>)
      tpu.yield
    }) : () -> ()
    %mul3A_89 = arith.constant 640 : i32
    %mul3A_90 = arith.muli %arg1, %mul3A_89 : i32
    %add3A_91 = arith.constant 448 : i32
    %add3A_92 = arith.addi %mul3A_90, %add3A_91 : i32
    "tpu.region"() ({
      %run_scoped3A = tpu.sem_alloc : memref<!tpu.dma_semaphore, #tpu.memory_space<semaphore_mem>>
      %dma_start3A = arith.constant 0 : i32
      %dma_start3A_101 = tpu.memref_slice %arg7[%add3A_92, %dma_start3A] : memref<10240x128xf32, #tpu.memory_space<vmem_shared>> -> memref<64x128xf32, #tpu.memory_space<vmem_shared>>
      %dma_start3A_102 = arith.constant 0 : i32
      %dma_start3A_103 = tpu.memref_slice %arg7[%add3A_92, %dma_start3A_102] : memref<10240x128xf32, #tpu.memory_space<vmem_shared>> -> memref<64x128xf32, #tpu.memory_space<vmem_shared>>
      tpu.enqueue_dma source(%dma_start3A_103 : memref<64x128xf32, #tpu.memory_space<vmem_shared>>) target(%arg6 : memref<64x128xf32, #tpu.memory_space<vmem>>) target_semaphore(%run_scoped3A : memref<!tpu.dma_semaphore, #tpu.memory_space<semaphore_mem>>)
      %dma_wait3A = arith.constant 0 : i32
      %dma_wait3A_104 = tpu.memref_slice %arg7[%add3A_92, %dma_wait3A] : memref<10240x128xf32, #tpu.memory_space<vmem_shared>> -> memref<64x128xf32, #tpu.memory_space<vmem_shared>>
      %dma_wait3A_105 = arith.constant 0 : i32
      %dma_wait3A_106 = tpu.memref_slice %arg7[%add3A_92, %dma_wait3A_105] : memref<10240x128xf32, #tpu.memory_space<vmem_shared>> -> memref<64x128xf32, #tpu.memory_space<vmem_shared>>
      tpu.wait_dma2 semaphore(%run_scoped3A : memref<!tpu.dma_semaphore, #tpu.memory_space<semaphore_mem>>) src(%dma_wait3A_106 : memref<64x128xf32, #tpu.memory_space<vmem_shared>>) dst(%arg6 : memref<64x128xf32, #tpu.memory_space<vmem>>)
      tpu.yield
    }) : () -> ()
    "tpu.region"() ({
      %run_scoped3A = tpu.sem_alloc : memref<!tpu.dma_semaphore, #tpu.memory_space<semaphore_mem>>
      %dma_start3A = arith.constant 0 : i32
      %dma_start3A_101 = tpu.memref_slice %arg3[%arg0, %add3A_92, %dma_start3A] : memref<2x10240x128xf32, #tpu.memory_space<hbm>> -> memref<1x64x128xf32, #tpu.memory_space<hbm>>
      %dma_start3A_102 = tpu.memref_squeeze %dma_start3A_101 : memref<1x64x128xf32, #tpu.memory_space<hbm>> -> memref<64x128xf32, #tpu.memory_space<hbm>>
      %dma_start3A_103 = arith.constant 0 : i32
      %dma_start3A_104 = tpu.memref_slice %arg3[%arg0, %add3A_92, %dma_start3A_103] : memref<2x10240x128xf32, #tpu.memory_space<hbm>> -> memref<1x64x128xf32, #tpu.memory_space<hbm>>
      %dma_start3A_105 = tpu.memref_squeeze %dma_start3A_104 : memref<1x64x128xf32, #tpu.memory_space<hbm>> -> memref<64x128xf32, #tpu.memory_space<hbm>>
      tpu.enqueue_dma source(%arg6 : memref<64x128xf32, #tpu.memory_space<vmem>>) target(%dma_start3A_105 : memref<64x128xf32, #tpu.memory_space<hbm>>) target_semaphore(%run_scoped3A : memref<!tpu.dma_semaphore, #tpu.memory_space<semaphore_mem>>)
      %dma_wait3A = arith.constant 0 : i32
      %dma_wait3A_106 = tpu.memref_slice %arg3[%arg0, %add3A_92, %dma_wait3A] : memref<2x10240x128xf32, #tpu.memory_space<hbm>> -> memref<1x64x128xf32, #tpu.memory_space<hbm>>
      %dma_wait3A_107 = tpu.memref_squeeze %dma_wait3A_106 : memref<1x64x128xf32, #tpu.memory_space<hbm>> -> memref<64x128xf32, #tpu.memory_space<hbm>>
      %dma_wait3A_108 = arith.constant 0 : i32
      %dma_wait3A_109 = tpu.memref_slice %arg3[%arg0, %add3A_92, %dma_wait3A_108] : memref<2x10240x128xf32, #tpu.memory_space<hbm>> -> memref<1x64x128xf32, #tpu.memory_space<hbm>>
      %dma_wait3A_110 = tpu.memref_squeeze %dma_wait3A_109 : memref<1x64x128xf32, #tpu.memory_space<hbm>> -> memref<64x128xf32, #tpu.memory_space<hbm>>
      tpu.wait_dma2 semaphore(%run_scoped3A : memref<!tpu.dma_semaphore, #tpu.memory_space<semaphore_mem>>) src(%arg6 : memref<64x128xf32, #tpu.memory_space<vmem>>) dst(%dma_wait3A_110 : memref<64x128xf32, #tpu.memory_space<hbm>>)
      tpu.yield
    }) : () -> ()
    %mul3A_93 = arith.constant 640 : i32
    %mul3A_94 = arith.muli %arg1, %mul3A_93 : i32
    %add3A_95 = arith.constant 512 : i32
    %add3A_96 = arith.addi %mul3A_94, %add3A_95 : i32
    "tpu.region"() ({
      %run_scoped3A = tpu.sem_alloc : memref<!tpu.dma_semaphore, #tpu.memory_space<semaphore_mem>>
      %dma_start3A = arith.constant 0 : i32
      %dma_start3A_101 = tpu.memref_slice %arg7[%add3A_96, %dma_start3A] : memref<10240x128xf32, #tpu.memory_space<vmem_shared>> -> memref<64x128xf32, #tpu.memory_space<vmem_shared>>
      %dma_start3A_102 = arith.constant 0 : i32
      %dma_start3A_103 = tpu.memref_slice %arg7[%add3A_96, %dma_start3A_102] : memref<10240x128xf32, #tpu.memory_space<vmem_shared>> -> memref<64x128xf32, #tpu.memory_space<vmem_shared>>
      tpu.enqueue_dma source(%dma_start3A_103 : memref<64x128xf32, #tpu.memory_space<vmem_shared>>) target(%arg6 : memref<64x128xf32, #tpu.memory_space<vmem>>) target_semaphore(%run_scoped3A : memref<!tpu.dma_semaphore, #tpu.memory_space<semaphore_mem>>)
      %dma_wait3A = arith.constant 0 : i32
      %dma_wait3A_104 = tpu.memref_slice %arg7[%add3A_96, %dma_wait3A] : memref<10240x128xf32, #tpu.memory_space<vmem_shared>> -> memref<64x128xf32, #tpu.memory_space<vmem_shared>>
      %dma_wait3A_105 = arith.constant 0 : i32
      %dma_wait3A_106 = tpu.memref_slice %arg7[%add3A_96, %dma_wait3A_105] : memref<10240x128xf32, #tpu.memory_space<vmem_shared>> -> memref<64x128xf32, #tpu.memory_space<vmem_shared>>
      tpu.wait_dma2 semaphore(%run_scoped3A : memref<!tpu.dma_semaphore, #tpu.memory_space<semaphore_mem>>) src(%dma_wait3A_106 : memref<64x128xf32, #tpu.memory_space<vmem_shared>>) dst(%arg6 : memref<64x128xf32, #tpu.memory_space<vmem>>)
      tpu.yield
    }) : () -> ()
    "tpu.region"() ({
      %run_scoped3A = tpu.sem_alloc : memref<!tpu.dma_semaphore, #tpu.memory_space<semaphore_mem>>
      %dma_start3A = arith.constant 0 : i32
      %dma_start3A_101 = tpu.memref_slice %arg3[%arg0, %add3A_96, %dma_start3A] : memref<2x10240x128xf32, #tpu.memory_space<hbm>> -> memref<1x64x128xf32, #tpu.memory_space<hbm>>
      %dma_start3A_102 = tpu.memref_squeeze %dma_start3A_101 : memref<1x64x128xf32, #tpu.memory_space<hbm>> -> memref<64x128xf32, #tpu.memory_space<hbm>>
      %dma_start3A_103 = arith.constant 0 : i32
      %dma_start3A_104 = tpu.memref_slice %arg3[%arg0, %add3A_96, %dma_start3A_103] : memref<2x10240x128xf32, #tpu.memory_space<hbm>> -> memref<1x64x128xf32, #tpu.memory_space<hbm>>
      %dma_start3A_105 = tpu.memref_squeeze %dma_start3A_104 : memref<1x64x128xf32, #tpu.memory_space<hbm>> -> memref<64x128xf32, #tpu.memory_space<hbm>>
      tpu.enqueue_dma source(%arg6 : memref<64x128xf32, #tpu.memory_space<vmem>>) target(%dma_start3A_105 : memref<64x128xf32, #tpu.memory_space<hbm>>) target_semaphore(%run_scoped3A : memref<!tpu.dma_semaphore, #tpu.memory_space<semaphore_mem>>)
      %dma_wait3A = arith.constant 0 : i32
      %dma_wait3A_106 = tpu.memref_slice %arg3[%arg0, %add3A_96, %dma_wait3A] : memref<2x10240x128xf32, #tpu.memory_space<hbm>> -> memref<1x64x128xf32, #tpu.memory_space<hbm>>
      %dma_wait3A_107 = tpu.memref_squeeze %dma_wait3A_106 : memref<1x64x128xf32, #tpu.memory_space<hbm>> -> memref<64x128xf32, #tpu.memory_space<hbm>>
      %dma_wait3A_108 = arith.constant 0 : i32
      %dma_wait3A_109 = tpu.memref_slice %arg3[%arg0, %add3A_96, %dma_wait3A_108] : memref<2x10240x128xf32, #tpu.memory_space<hbm>> -> memref<1x64x128xf32, #tpu.memory_space<hbm>>
      %dma_wait3A_110 = tpu.memref_squeeze %dma_wait3A_109 : memref<1x64x128xf32, #tpu.memory_space<hbm>> -> memref<64x128xf32, #tpu.memory_space<hbm>>
      tpu.wait_dma2 semaphore(%run_scoped3A : memref<!tpu.dma_semaphore, #tpu.memory_space<semaphore_mem>>) src(%arg6 : memref<64x128xf32, #tpu.memory_space<vmem>>) dst(%dma_wait3A_110 : memref<64x128xf32, #tpu.memory_space<hbm>>)
      tpu.yield
    }) : () -> ()
    %mul3A_97 = arith.constant 640 : i32
    %mul3A_98 = arith.muli %arg1, %mul3A_97 : i32
    %add3A_99 = arith.constant 576 : i32
    %add3A_100 = arith.addi %mul3A_98, %add3A_99 : i32
    "tpu.region"() ({
      %run_scoped3A = tpu.sem_alloc : memref<!tpu.dma_semaphore, #tpu.memory_space<semaphore_mem>>
      %dma_start3A = arith.constant 0 : i32
      %dma_start3A_101 = tpu.memref_slice %arg7[%add3A_100, %dma_start3A] : memref<10240x128xf32, #tpu.memory_space<vmem_shared>> -> memref<64x128xf32, #tpu.memory_space<vmem_shared>>
      %dma_start3A_102 = arith.constant 0 : i32
      %dma_start3A_103 = tpu.memref_slice %arg7[%add3A_100, %dma_start3A_102] : memref<10240x128xf32, #tpu.memory_space<vmem_shared>> -> memref<64x128xf32, #tpu.memory_space<vmem_shared>>
      tpu.enqueue_dma source(%dma_start3A_103 : memref<64x128xf32, #tpu.memory_space<vmem_shared>>) target(%arg6 : memref<64x128xf32, #tpu.memory_space<vmem>>) target_semaphore(%run_scoped3A : memref<!tpu.dma_semaphore, #tpu.memory_space<semaphore_mem>>)
      %dma_wait3A = arith.constant 0 : i32
      %dma_wait3A_104 = tpu.memref_slice %arg7[%add3A_100, %dma_wait3A] : memref<10240x128xf32, #tpu.memory_space<vmem_shared>> -> memref<64x128xf32, #tpu.memory_space<vmem_shared>>
      %dma_wait3A_105 = arith.constant 0 : i32
      %dma_wait3A_106 = tpu.memref_slice %arg7[%add3A_100, %dma_wait3A_105] : memref<10240x128xf32, #tpu.memory_space<vmem_shared>> -> memref<64x128xf32, #tpu.memory_space<vmem_shared>>
      tpu.wait_dma2 semaphore(%run_scoped3A : memref<!tpu.dma_semaphore, #tpu.memory_space<semaphore_mem>>) src(%dma_wait3A_106 : memref<64x128xf32, #tpu.memory_space<vmem_shared>>) dst(%arg6 : memref<64x128xf32, #tpu.memory_space<vmem>>)
      tpu.yield
    }) : () -> ()
    "tpu.region"() ({
      %run_scoped3A = tpu.sem_alloc : memref<!tpu.dma_semaphore, #tpu.memory_space<semaphore_mem>>
      %dma_start3A = arith.constant 0 : i32
      %dma_start3A_101 = tpu.memref_slice %arg3[%arg0, %add3A_100, %dma_start3A] : memref<2x10240x128xf32, #tpu.memory_space<hbm>> -> memref<1x64x128xf32, #tpu.memory_space<hbm>>
      %dma_start3A_102 = tpu.memref_squeeze %dma_start3A_101 : memref<1x64x128xf32, #tpu.memory_space<hbm>> -> memref<64x128xf32, #tpu.memory_space<hbm>>
      %dma_start3A_103 = arith.constant 0 : i32
      %dma_start3A_104 = tpu.memref_slice %arg3[%arg0, %add3A_100, %dma_start3A_103] : memref<2x10240x128xf32, #tpu.memory_space<hbm>> -> memref<1x64x128xf32, #tpu.memory_space<hbm>>
      %dma_start3A_105 = tpu.memref_squeeze %dma_start3A_104 : memref<1x64x128xf32, #tpu.memory_space<hbm>> -> memref<64x128xf32, #tpu.memory_space<hbm>>
      tpu.enqueue_dma source(%arg6 : memref<64x128xf32, #tpu.memory_space<vmem>>) target(%dma_start3A_105 : memref<64x128xf32, #tpu.memory_space<hbm>>) target_semaphore(%run_scoped3A : memref<!tpu.dma_semaphore, #tpu.memory_space<semaphore_mem>>)
      %dma_wait3A = arith.constant 0 : i32
      %dma_wait3A_106 = tpu.memref_slice %arg3[%arg0, %add3A_100, %dma_wait3A] : memref<2x10240x128xf32, #tpu.memory_space<hbm>> -> memref<1x64x128xf32, #tpu.memory_space<hbm>>
      %dma_wait3A_107 = tpu.memref_squeeze %dma_wait3A_106 : memref<1x64x128xf32, #tpu.memory_space<hbm>> -> memref<64x128xf32, #tpu.memory_space<hbm>>
      %dma_wait3A_108 = arith.constant 0 : i32
      %dma_wait3A_109 = tpu.memref_slice %arg3[%arg0, %add3A_100, %dma_wait3A_108] : memref<2x10240x128xf32, #tpu.memory_space<hbm>> -> memref<1x64x128xf32, #tpu.memory_space<hbm>>
      %dma_wait3A_110 = tpu.memref_squeeze %dma_wait3A_109 : memref<1x64x128xf32, #tpu.memory_space<hbm>> -> memref<64x128xf32, #tpu.memory_space<hbm>>
      tpu.wait_dma2 semaphore(%run_scoped3A : memref<!tpu.dma_semaphore, #tpu.memory_space<semaphore_mem>>) src(%arg6 : memref<64x128xf32, #tpu.memory_space<vmem>>) dst(%dma_wait3A_110 : memref<64x128xf32, #tpu.memory_space<hbm>>)
      tpu.yield
    }) : () -> ()
    return
  }
}

#map = affine_map<(d0, d1) -> (0, 0)>
#map1 = affine_map<(d0, d1) -> (0)>
#map2 = affine_map<(d0, d1) -> (0, 0, 0)>
module attributes {stable_mosaic.version = 14 : i64} {
  func.func @agg_kernel(%arg0: i32, %arg1: i32, %arg2: memref<10000x128xf32, #tpu.memory_space<hbm>>, %arg3: memref<323584xi32, #tpu.memory_space<hbm>>, %arg4: memref<323584xi32, #tpu.memory_space<hbm>>, %arg5: memref<2x10240x128xf32, #tpu.memory_space<hbm>>, %arg6: memref<128xi32, #tpu.memory_space<vmem>>, %arg7: memref<128xi32, #tpu.memory_space<vmem>>, %arg8: memref<128x128xf32, #tpu.memory_space<vmem>>, %arg9: memref<64x128xf32, #tpu.memory_space<vmem>>, %arg10: memref<10240x128xf32, #tpu.memory_space<vmem_shared>>, %arg11: memref<!tpu.dma_semaphore, #tpu.memory_space<semaphore_mem>>) attributes {dimension_semantics = [#tpu.dimension_semantics<core_parallel>, #tpu.dimension_semantics<subcore_parallel>], iteration_bounds = array<i64: 2, 16>, scalar_prefetch = 0 : i64, scratch_operands = 6 : i64, tpu.core_type = #tpu.core_type<sc_vector_subcore>, window_params = [{transform_indices = #map}, {transform_indices = #map1}, {transform_indices = #map1}, {transform_indices = #map2}]} {
    %scan3A = arith.constant 0 : i32
    %scan3A_0 = arith.constant 0 : i32
    %scan3A_1 = arith.constant 512 : i32
    %scan3A_2 = arith.addi %scan3A_0, %scan3A_1 : i32
    %scan3A_3 = arith.constant 1 : i32
    scf.for %scan3A_75 = %scan3A_0 to %scan3A_2 step %scan3A_3  : i32 {
      %broadcast_in_dim3A = arith.constant 0.000000e+00 : f32
      %broadcast_in_dim3A_76 = vector.broadcast %broadcast_in_dim3A : f32 to vector<16xf32>
      %jit3A = arith.constant 8 : i32
      %div3A = arith.divsi %scan3A_75, %jit3A : i32
      %sign3A = arith.constant 0 : i32
      %sign3A_77 = arith.cmpi sgt, %scan3A_75, %sign3A : i32
      %sign3A_78 = arith.extui %sign3A_77 : i1 to i32
      %sign3A_79 = arith.constant 0 : i32
      %sign3A_80 = arith.cmpi slt, %scan3A_75, %sign3A_79 : i32
      %sign3A_81 = arith.extui %sign3A_80 : i1 to i32
      %sign3A_82 = arith.subi %sign3A_78, %sign3A_81 : i32
      %sign3A_83 = arith.constant 0 : i32
      %sign3A_84 = arith.cmpi sgt, %jit3A, %sign3A_83 : i32
      %sign3A_85 = arith.extui %sign3A_84 : i1 to i32
      %sign3A_86 = arith.constant 0 : i32
      %sign3A_87 = arith.cmpi slt, %jit3A, %sign3A_86 : i32
      %sign3A_88 = arith.extui %sign3A_87 : i1 to i32
      %sign3A_89 = arith.subi %sign3A_85, %sign3A_88 : i32
      %ne3A = arith.cmpi ne, %sign3A_82, %sign3A_89 : i32
      %rem3A = arith.remsi %scan3A_75, %jit3A : i32
      %ne3A_90 = arith.constant 0 : i32
      %ne3A_91 = arith.cmpi ne, %rem3A, %ne3A_90 : i32
      %and3A = arith.andi %ne3A, %ne3A_91 : i1
      %sub3A = arith.constant 1 : i32
      %sub3A_92 = arith.subi %div3A, %sub3A : i32
      %select_n3A = arith.select %and3A, %sub3A_92, %div3A : i32
      %jit3A_93 = arith.constant 8 : i32
      %eq3A = arith.constant 0 : i32
      %eq3A_94 = arith.cmpi eq, %jit3A_93, %eq3A : i32
      %jit3A_95 = arith.constant 1 : i32
      %select_n3A_96 = arith.select %eq3A_94, %jit3A_95, %jit3A_93 : i32
      %rem3A_97 = arith.remsi %scan3A_75, %select_n3A_96 : i32
      %ne3A_98 = arith.constant 0 : i32
      %ne3A_99 = arith.cmpi ne, %rem3A_97, %ne3A_98 : i32
      %lt3A = arith.constant 0 : i32
      %lt3A_100 = arith.cmpi slt, %rem3A_97, %lt3A : i32
      %lt3A_101 = arith.constant 0 : i32
      %lt3A_102 = arith.cmpi slt, %select_n3A_96, %lt3A_101 : i32
      %ne3A_103 = arith.xori %lt3A_100, %lt3A_102 : i1
      %and3A_104 = arith.andi %ne3A_103, %ne3A_99 : i1
      %add3A_105 = arith.addi %rem3A_97, %select_n3A_96 : i32
      %select_n3A_106 = arith.select %and3A_104, %add3A_105, %rem3A_97 : i32
      %mul3A_107 = arith.constant 16 : i32
      %mul3A_108 = arith.muli %select_n3A_106, %mul3A_107 : i32
      %swap3A = arith.index_cast %select_n3A : i32 to index
      %swap3A_109 = arith.index_cast %mul3A_108 : i32 to index
      %swap3A_110 = tpu.vector_load %arg9[%swap3A, %swap3A_109] {strides = array<i32>} : memref<64x128xf32, #tpu.memory_space<vmem>>, vector<1x16xf32>,
      %swap3A_111 = vector.shape_cast %swap3A_110 : vector<1x16xf32> to vector<16xf32>
      %swap3A_112 = vector.shape_cast %broadcast_in_dim3A_76 : vector<16xf32> to vector<1x16xf32>
      tpu.vector_store %arg9[%swap3A, %swap3A_109], %swap3A_112 {strides = array<i32>} : memref<64x128xf32, #tpu.memory_space<vmem>>, vector<1x16xf32>,
    }
    %scan3A_4 = arith.constant 512 : i32
    %mul3A = arith.constant 640 : i32
    %mul3A_5 = arith.muli %arg1, %mul3A : i32
    %add3A = arith.constant 0 : i32
    %add3A_6 = arith.addi %mul3A_5, %add3A : i32
    "tpu.region"() ({
      %run_scoped3A = tpu.sem_alloc : memref<!tpu.dma_semaphore, #tpu.memory_space<semaphore_mem>>
      %dma_start3A = arith.constant 0 : i32
      %dma_start3A_75 = tpu.memref_slice %arg10[%add3A_6, %dma_start3A] : memref<10240x128xf32, #tpu.memory_space<vmem_shared>> -> memref<64x128xf32, #tpu.memory_space<vmem_shared>>
      %dma_start3A_76 = arith.constant 0 : i32
      %dma_start3A_77 = tpu.memref_slice %arg10[%add3A_6, %dma_start3A_76] : memref<10240x128xf32, #tpu.memory_space<vmem_shared>> -> memref<64x128xf32, #tpu.memory_space<vmem_shared>>
      tpu.enqueue_dma source(%arg9 : memref<64x128xf32, #tpu.memory_space<vmem>>) target(%dma_start3A_77 : memref<64x128xf32, #tpu.memory_space<vmem_shared>>) target_semaphore(%run_scoped3A : memref<!tpu.dma_semaphore, #tpu.memory_space<semaphore_mem>>)
      %dma_wait3A = arith.constant 0 : i32
      %dma_wait3A_78 = tpu.memref_slice %arg10[%add3A_6, %dma_wait3A] : memref<10240x128xf32, #tpu.memory_space<vmem_shared>> -> memref<64x128xf32, #tpu.memory_space<vmem_shared>>
      %dma_wait3A_79 = arith.constant 0 : i32
      %dma_wait3A_80 = tpu.memref_slice %arg10[%add3A_6, %dma_wait3A_79] : memref<10240x128xf32, #tpu.memory_space<vmem_shared>> -> memref<64x128xf32, #tpu.memory_space<vmem_shared>>
      tpu.wait_dma2 semaphore(%run_scoped3A : memref<!tpu.dma_semaphore, #tpu.memory_space<semaphore_mem>>) src(%arg9 : memref<64x128xf32, #tpu.memory_space<vmem>>) dst(%dma_wait3A_80 : memref<64x128xf32, #tpu.memory_space<vmem_shared>>)
      tpu.yield
    }) : () -> ()
    %mul3A_7 = arith.constant 640 : i32
    %mul3A_8 = arith.muli %arg1, %mul3A_7 : i32
    %add3A_9 = arith.constant 64 : i32
    %add3A_10 = arith.addi %mul3A_8, %add3A_9 : i32
    "tpu.region"() ({
      %run_scoped3A = tpu.sem_alloc : memref<!tpu.dma_semaphore, #tpu.memory_space<semaphore_mem>>
      %dma_start3A = arith.constant 0 : i32
      %dma_start3A_75 = tpu.memref_slice %arg10[%add3A_10, %dma_start3A] : memref<10240x128xf32, #tpu.memory_space<vmem_shared>> -> memref<64x128xf32, #tpu.memory_space<vmem_shared>>
      %dma_start3A_76 = arith.constant 0 : i32
      %dma_start3A_77 = tpu.memref_slice %arg10[%add3A_10, %dma_start3A_76] : memref<10240x128xf32, #tpu.memory_space<vmem_shared>> -> memref<64x128xf32, #tpu.memory_space<vmem_shared>>
      tpu.enqueue_dma source(%arg9 : memref<64x128xf32, #tpu.memory_space<vmem>>) target(%dma_start3A_77 : memref<64x128xf32, #tpu.memory_space<vmem_shared>>) target_semaphore(%run_scoped3A : memref<!tpu.dma_semaphore, #tpu.memory_space<semaphore_mem>>)
      %dma_wait3A = arith.constant 0 : i32
      %dma_wait3A_78 = tpu.memref_slice %arg10[%add3A_10, %dma_wait3A] : memref<10240x128xf32, #tpu.memory_space<vmem_shared>> -> memref<64x128xf32, #tpu.memory_space<vmem_shared>>
      %dma_wait3A_79 = arith.constant 0 : i32
      %dma_wait3A_80 = tpu.memref_slice %arg10[%add3A_10, %dma_wait3A_79] : memref<10240x128xf32, #tpu.memory_space<vmem_shared>> -> memref<64x128xf32, #tpu.memory_space<vmem_shared>>
      tpu.wait_dma2 semaphore(%run_scoped3A : memref<!tpu.dma_semaphore, #tpu.memory_space<semaphore_mem>>) src(%arg9 : memref<64x128xf32, #tpu.memory_space<vmem>>) dst(%dma_wait3A_80 : memref<64x128xf32, #tpu.memory_space<vmem_shared>>)
      tpu.yield
    }) : () -> ()
    %mul3A_11 = arith.constant 640 : i32
    %mul3A_12 = arith.muli %arg1, %mul3A_11 : i32
    %add3A_13 = arith.constant 128 : i32
    %add3A_14 = arith.addi %mul3A_12, %add3A_13 : i32
    "tpu.region"() ({
      %run_scoped3A = tpu.sem_alloc : memref<!tpu.dma_semaphore, #tpu.memory_space<semaphore_mem>>
      %dma_start3A = arith.constant 0 : i32
      %dma_start3A_75 = tpu.memref_slice %arg10[%add3A_14, %dma_start3A] : memref<10240x128xf32, #tpu.memory_space<vmem_shared>> -> memref<64x128xf32, #tpu.memory_space<vmem_shared>>
      %dma_start3A_76 = arith.constant 0 : i32
      %dma_start3A_77 = tpu.memref_slice %arg10[%add3A_14, %dma_start3A_76] : memref<10240x128xf32, #tpu.memory_space<vmem_shared>> -> memref<64x128xf32, #tpu.memory_space<vmem_shared>>
      tpu.enqueue_dma source(%arg9 : memref<64x128xf32, #tpu.memory_space<vmem>>) target(%dma_start3A_77 : memref<64x128xf32, #tpu.memory_space<vmem_shared>>) target_semaphore(%run_scoped3A : memref<!tpu.dma_semaphore, #tpu.memory_space<semaphore_mem>>)
      %dma_wait3A = arith.constant 0 : i32
      %dma_wait3A_78 = tpu.memref_slice %arg10[%add3A_14, %dma_wait3A] : memref<10240x128xf32, #tpu.memory_space<vmem_shared>> -> memref<64x128xf32, #tpu.memory_space<vmem_shared>>
      %dma_wait3A_79 = arith.constant 0 : i32
      %dma_wait3A_80 = tpu.memref_slice %arg10[%add3A_14, %dma_wait3A_79] : memref<10240x128xf32, #tpu.memory_space<vmem_shared>> -> memref<64x128xf32, #tpu.memory_space<vmem_shared>>
      tpu.wait_dma2 semaphore(%run_scoped3A : memref<!tpu.dma_semaphore, #tpu.memory_space<semaphore_mem>>) src(%arg9 : memref<64x128xf32, #tpu.memory_space<vmem>>) dst(%dma_wait3A_80 : memref<64x128xf32, #tpu.memory_space<vmem_shared>>)
      tpu.yield
    }) : () -> ()
    %mul3A_15 = arith.constant 640 : i32
    %mul3A_16 = arith.muli %arg1, %mul3A_15 : i32
    %add3A_17 = arith.constant 192 : i32
    %add3A_18 = arith.addi %mul3A_16, %add3A_17 : i32
    "tpu.region"() ({
      %run_scoped3A = tpu.sem_alloc : memref<!tpu.dma_semaphore, #tpu.memory_space<semaphore_mem>>
      %dma_start3A = arith.constant 0 : i32
      %dma_start3A_75 = tpu.memref_slice %arg10[%add3A_18, %dma_start3A] : memref<10240x128xf32, #tpu.memory_space<vmem_shared>> -> memref<64x128xf32, #tpu.memory_space<vmem_shared>>
      %dma_start3A_76 = arith.constant 0 : i32
      %dma_start3A_77 = tpu.memref_slice %arg10[%add3A_18, %dma_start3A_76] : memref<10240x128xf32, #tpu.memory_space<vmem_shared>> -> memref<64x128xf32, #tpu.memory_space<vmem_shared>>
      tpu.enqueue_dma source(%arg9 : memref<64x128xf32, #tpu.memory_space<vmem>>) target(%dma_start3A_77 : memref<64x128xf32, #tpu.memory_space<vmem_shared>>) target_semaphore(%run_scoped3A : memref<!tpu.dma_semaphore, #tpu.memory_space<semaphore_mem>>)
      %dma_wait3A = arith.constant 0 : i32
      %dma_wait3A_78 = tpu.memref_slice %arg10[%add3A_18, %dma_wait3A] : memref<10240x128xf32, #tpu.memory_space<vmem_shared>> -> memref<64x128xf32, #tpu.memory_space<vmem_shared>>
      %dma_wait3A_79 = arith.constant 0 : i32
      %dma_wait3A_80 = tpu.memref_slice %arg10[%add3A_18, %dma_wait3A_79] : memref<10240x128xf32, #tpu.memory_space<vmem_shared>> -> memref<64x128xf32, #tpu.memory_space<vmem_shared>>
      tpu.wait_dma2 semaphore(%run_scoped3A : memref<!tpu.dma_semaphore, #tpu.memory_space<semaphore_mem>>) src(%arg9 : memref<64x128xf32, #tpu.memory_space<vmem>>) dst(%dma_wait3A_80 : memref<64x128xf32, #tpu.memory_space<vmem_shared>>)
      tpu.yield
    }) : () -> ()
    %mul3A_19 = arith.constant 640 : i32
    %mul3A_20 = arith.muli %arg1, %mul3A_19 : i32
    %add3A_21 = arith.constant 256 : i32
    %add3A_22 = arith.addi %mul3A_20, %add3A_21 : i32
    "tpu.region"() ({
      %run_scoped3A = tpu.sem_alloc : memref<!tpu.dma_semaphore, #tpu.memory_space<semaphore_mem>>
      %dma_start3A = arith.constant 0 : i32
      %dma_start3A_75 = tpu.memref_slice %arg10[%add3A_22, %dma_start3A] : memref<10240x128xf32, #tpu.memory_space<vmem_shared>> -> memref<64x128xf32, #tpu.memory_space<vmem_shared>>
      %dma_start3A_76 = arith.constant 0 : i32
      %dma_start3A_77 = tpu.memref_slice %arg10[%add3A_22, %dma_start3A_76] : memref<10240x128xf32, #tpu.memory_space<vmem_shared>> -> memref<64x128xf32, #tpu.memory_space<vmem_shared>>
      tpu.enqueue_dma source(%arg9 : memref<64x128xf32, #tpu.memory_space<vmem>>) target(%dma_start3A_77 : memref<64x128xf32, #tpu.memory_space<vmem_shared>>) target_semaphore(%run_scoped3A : memref<!tpu.dma_semaphore, #tpu.memory_space<semaphore_mem>>)
      %dma_wait3A = arith.constant 0 : i32
      %dma_wait3A_78 = tpu.memref_slice %arg10[%add3A_22, %dma_wait3A] : memref<10240x128xf32, #tpu.memory_space<vmem_shared>> -> memref<64x128xf32, #tpu.memory_space<vmem_shared>>
      %dma_wait3A_79 = arith.constant 0 : i32
      %dma_wait3A_80 = tpu.memref_slice %arg10[%add3A_22, %dma_wait3A_79] : memref<10240x128xf32, #tpu.memory_space<vmem_shared>> -> memref<64x128xf32, #tpu.memory_space<vmem_shared>>
      tpu.wait_dma2 semaphore(%run_scoped3A : memref<!tpu.dma_semaphore, #tpu.memory_space<semaphore_mem>>) src(%arg9 : memref<64x128xf32, #tpu.memory_space<vmem>>) dst(%dma_wait3A_80 : memref<64x128xf32, #tpu.memory_space<vmem_shared>>)
      tpu.yield
    }) : () -> ()
    %mul3A_23 = arith.constant 640 : i32
    %mul3A_24 = arith.muli %arg1, %mul3A_23 : i32
    %add3A_25 = arith.constant 320 : i32
    %add3A_26 = arith.addi %mul3A_24, %add3A_25 : i32
    "tpu.region"() ({
      %run_scoped3A = tpu.sem_alloc : memref<!tpu.dma_semaphore, #tpu.memory_space<semaphore_mem>>
      %dma_start3A = arith.constant 0 : i32
      %dma_start3A_75 = tpu.memref_slice %arg10[%add3A_26, %dma_start3A] : memref<10240x128xf32, #tpu.memory_space<vmem_shared>> -> memref<64x128xf32, #tpu.memory_space<vmem_shared>>
      %dma_start3A_76 = arith.constant 0 : i32
      %dma_start3A_77 = tpu.memref_slice %arg10[%add3A_26, %dma_start3A_76] : memref<10240x128xf32, #tpu.memory_space<vmem_shared>> -> memref<64x128xf32, #tpu.memory_space<vmem_shared>>
      tpu.enqueue_dma source(%arg9 : memref<64x128xf32, #tpu.memory_space<vmem>>) target(%dma_start3A_77 : memref<64x128xf32, #tpu.memory_space<vmem_shared>>) target_semaphore(%run_scoped3A : memref<!tpu.dma_semaphore, #tpu.memory_space<semaphore_mem>>)
      %dma_wait3A = arith.constant 0 : i32
      %dma_wait3A_78 = tpu.memref_slice %arg10[%add3A_26, %dma_wait3A] : memref<10240x128xf32, #tpu.memory_space<vmem_shared>> -> memref<64x128xf32, #tpu.memory_space<vmem_shared>>
      %dma_wait3A_79 = arith.constant 0 : i32
      %dma_wait3A_80 = tpu.memref_slice %arg10[%add3A_26, %dma_wait3A_79] : memref<10240x128xf32, #tpu.memory_space<vmem_shared>> -> memref<64x128xf32, #tpu.memory_space<vmem_shared>>
      tpu.wait_dma2 semaphore(%run_scoped3A : memref<!tpu.dma_semaphore, #tpu.memory_space<semaphore_mem>>) src(%arg9 : memref<64x128xf32, #tpu.memory_space<vmem>>) dst(%dma_wait3A_80 : memref<64x128xf32, #tpu.memory_space<vmem_shared>>)
      tpu.yield
    }) : () -> ()
    %mul3A_27 = arith.constant 640 : i32
    %mul3A_28 = arith.muli %arg1, %mul3A_27 : i32
    %add3A_29 = arith.constant 384 : i32
    %add3A_30 = arith.addi %mul3A_28, %add3A_29 : i32
    "tpu.region"() ({
      %run_scoped3A = tpu.sem_alloc : memref<!tpu.dma_semaphore, #tpu.memory_space<semaphore_mem>>
      %dma_start3A = arith.constant 0 : i32
      %dma_start3A_75 = tpu.memref_slice %arg10[%add3A_30, %dma_start3A] : memref<10240x128xf32, #tpu.memory_space<vmem_shared>> -> memref<64x128xf32, #tpu.memory_space<vmem_shared>>
      %dma_start3A_76 = arith.constant 0 : i32
      %dma_start3A_77 = tpu.memref_slice %arg10[%add3A_30, %dma_start3A_76] : memref<10240x128xf32, #tpu.memory_space<vmem_shared>> -> memref<64x128xf32, #tpu.memory_space<vmem_shared>>
      tpu.enqueue_dma source(%arg9 : memref<64x128xf32, #tpu.memory_space<vmem>>) target(%dma_start3A_77 : memref<64x128xf32, #tpu.memory_space<vmem_shared>>) target_semaphore(%run_scoped3A : memref<!tpu.dma_semaphore, #tpu.memory_space<semaphore_mem>>)
      %dma_wait3A = arith.constant 0 : i32
      %dma_wait3A_78 = tpu.memref_slice %arg10[%add3A_30, %dma_wait3A] : memref<10240x128xf32, #tpu.memory_space<vmem_shared>> -> memref<64x128xf32, #tpu.memory_space<vmem_shared>>
      %dma_wait3A_79 = arith.constant 0 : i32
      %dma_wait3A_80 = tpu.memref_slice %arg10[%add3A_30, %dma_wait3A_79] : memref<10240x128xf32, #tpu.memory_space<vmem_shared>> -> memref<64x128xf32, #tpu.memory_space<vmem_shared>>
      tpu.wait_dma2 semaphore(%run_scoped3A : memref<!tpu.dma_semaphore, #tpu.memory_space<semaphore_mem>>) src(%arg9 : memref<64x128xf32, #tpu.memory_space<vmem>>) dst(%dma_wait3A_80 : memref<64x128xf32, #tpu.memory_space<vmem_shared>>)
      tpu.yield
    }) : () -> ()
    %mul3A_31 = arith.constant 640 : i32
    %mul3A_32 = arith.muli %arg1, %mul3A_31 : i32
    %add3A_33 = arith.constant 448 : i32
    %add3A_34 = arith.addi %mul3A_32, %add3A_33 : i32
    "tpu.region"() ({
      %run_scoped3A = tpu.sem_alloc : memref<!tpu.dma_semaphore, #tpu.memory_space<semaphore_mem>>
      %dma_start3A = arith.constant 0 : i32
      %dma_start3A_75 = tpu.memref_slice %arg10[%add3A_34, %dma_start3A] : memref<10240x128xf32, #tpu.memory_space<vmem_shared>> -> memref<64x128xf32, #tpu.memory_space<vmem_shared>>
      %dma_start3A_76 = arith.constant 0 : i32
      %dma_start3A_77 = tpu.memref_slice %arg10[%add3A_34, %dma_start3A_76] : memref<10240x128xf32, #tpu.memory_space<vmem_shared>> -> memref<64x128xf32, #tpu.memory_space<vmem_shared>>
      tpu.enqueue_dma source(%arg9 : memref<64x128xf32, #tpu.memory_space<vmem>>) target(%dma_start3A_77 : memref<64x128xf32, #tpu.memory_space<vmem_shared>>) target_semaphore(%run_scoped3A : memref<!tpu.dma_semaphore, #tpu.memory_space<semaphore_mem>>)
      %dma_wait3A = arith.constant 0 : i32
      %dma_wait3A_78 = tpu.memref_slice %arg10[%add3A_34, %dma_wait3A] : memref<10240x128xf32, #tpu.memory_space<vmem_shared>> -> memref<64x128xf32, #tpu.memory_space<vmem_shared>>
      %dma_wait3A_79 = arith.constant 0 : i32
      %dma_wait3A_80 = tpu.memref_slice %arg10[%add3A_34, %dma_wait3A_79] : memref<10240x128xf32, #tpu.memory_space<vmem_shared>> -> memref<64x128xf32, #tpu.memory_space<vmem_shared>>
      tpu.wait_dma2 semaphore(%run_scoped3A : memref<!tpu.dma_semaphore, #tpu.memory_space<semaphore_mem>>) src(%arg9 : memref<64x128xf32, #tpu.memory_space<vmem>>) dst(%dma_wait3A_80 : memref<64x128xf32, #tpu.memory_space<vmem_shared>>)
      tpu.yield
    }) : () -> ()
    %mul3A_35 = arith.constant 640 : i32
    %mul3A_36 = arith.muli %arg1, %mul3A_35 : i32
    %add3A_37 = arith.constant 512 : i32
    %add3A_38 = arith.addi %mul3A_36, %add3A_37 : i32
    "tpu.region"() ({
      %run_scoped3A = tpu.sem_alloc : memref<!tpu.dma_semaphore, #tpu.memory_space<semaphore_mem>>
      %dma_start3A = arith.constant 0 : i32
      %dma_start3A_75 = tpu.memref_slice %arg10[%add3A_38, %dma_start3A] : memref<10240x128xf32, #tpu.memory_space<vmem_shared>> -> memref<64x128xf32, #tpu.memory_space<vmem_shared>>
      %dma_start3A_76 = arith.constant 0 : i32
      %dma_start3A_77 = tpu.memref_slice %arg10[%add3A_38, %dma_start3A_76] : memref<10240x128xf32, #tpu.memory_space<vmem_shared>> -> memref<64x128xf32, #tpu.memory_space<vmem_shared>>
      tpu.enqueue_dma source(%arg9 : memref<64x128xf32, #tpu.memory_space<vmem>>) target(%dma_start3A_77 : memref<64x128xf32, #tpu.memory_space<vmem_shared>>) target_semaphore(%run_scoped3A : memref<!tpu.dma_semaphore, #tpu.memory_space<semaphore_mem>>)
      %dma_wait3A = arith.constant 0 : i32
      %dma_wait3A_78 = tpu.memref_slice %arg10[%add3A_38, %dma_wait3A] : memref<10240x128xf32, #tpu.memory_space<vmem_shared>> -> memref<64x128xf32, #tpu.memory_space<vmem_shared>>
      %dma_wait3A_79 = arith.constant 0 : i32
      %dma_wait3A_80 = tpu.memref_slice %arg10[%add3A_38, %dma_wait3A_79] : memref<10240x128xf32, #tpu.memory_space<vmem_shared>> -> memref<64x128xf32, #tpu.memory_space<vmem_shared>>
      tpu.wait_dma2 semaphore(%run_scoped3A : memref<!tpu.dma_semaphore, #tpu.memory_space<semaphore_mem>>) src(%arg9 : memref<64x128xf32, #tpu.memory_space<vmem>>) dst(%dma_wait3A_80 : memref<64x128xf32, #tpu.memory_space<vmem_shared>>)
      tpu.yield
    }) : () -> ()
    %mul3A_39 = arith.constant 640 : i32
    %mul3A_40 = arith.muli %arg1, %mul3A_39 : i32
    %add3A_41 = arith.constant 576 : i32
    %add3A_42 = arith.addi %mul3A_40, %add3A_41 : i32
    "tpu.region"() ({
      %run_scoped3A = tpu.sem_alloc : memref<!tpu.dma_semaphore, #tpu.memory_space<semaphore_mem>>
      %dma_start3A = arith.constant 0 : i32
      %dma_start3A_75 = tpu.memref_slice %arg10[%add3A_42, %dma_start3A] : memref<10240x128xf32, #tpu.memory_space<vmem_shared>> -> memref<64x128xf32, #tpu.memory_space<vmem_shared>>
      %dma_start3A_76 = arith.constant 0 : i32
      %dma_start3A_77 = tpu.memref_slice %arg10[%add3A_42, %dma_start3A_76] : memref<10240x128xf32, #tpu.memory_space<vmem_shared>> -> memref<64x128xf32, #tpu.memory_space<vmem_shared>>
      tpu.enqueue_dma source(%arg9 : memref<64x128xf32, #tpu.memory_space<vmem>>) target(%dma_start3A_77 : memref<64x128xf32, #tpu.memory_space<vmem_shared>>) target_semaphore(%run_scoped3A : memref<!tpu.dma_semaphore, #tpu.memory_space<semaphore_mem>>)
      %dma_wait3A = arith.constant 0 : i32
      %dma_wait3A_78 = tpu.memref_slice %arg10[%add3A_42, %dma_wait3A] : memref<10240x128xf32, #tpu.memory_space<vmem_shared>> -> memref<64x128xf32, #tpu.memory_space<vmem_shared>>
      %dma_wait3A_79 = arith.constant 0 : i32
      %dma_wait3A_80 = tpu.memref_slice %arg10[%add3A_42, %dma_wait3A_79] : memref<10240x128xf32, #tpu.memory_space<vmem_shared>> -> memref<64x128xf32, #tpu.memory_space<vmem_shared>>
      tpu.wait_dma2 semaphore(%run_scoped3A : memref<!tpu.dma_semaphore, #tpu.memory_space<semaphore_mem>>) src(%arg9 : memref<64x128xf32, #tpu.memory_space<vmem>>) dst(%dma_wait3A_80 : memref<64x128xf32, #tpu.memory_space<vmem_shared>>)
      tpu.yield
    }) : () -> ()
    %barrier3A = arith.constant 0 : index
    tpu.barrier barrier_id(%barrier3A)
    %mul3A_43 = arith.constant 16 : i32
    %mul3A_44 = arith.muli %arg0, %mul3A_43 : i32
    %add3A_45 = arith.addi %mul3A_44, %arg1 : i32
    %mul3A_46 = arith.constant 10112 : i32
    %mul3A_47 = arith.muli %add3A_45, %mul3A_46 : i32
    %scan3A_48 = arith.constant 0 : i32
    %scan3A_49 = arith.constant 0 : i32
    %scan3A_50 = arith.constant 79 : i32
    %scan3A_51 = arith.addi %scan3A_49, %scan3A_50 : i32
    %scan3A_52 = arith.constant 1 : i32
    scf.for %scan3A_75 = %scan3A_49 to %scan3A_51 step %scan3A_52  : i32 {
      %mul3A_76 = arith.constant 128 : i32
      %mul3A_77 = arith.muli %scan3A_75, %mul3A_76 : i32
      %add3A_78 = arith.addi %mul3A_47, %mul3A_77 : i32
      "tpu.region"() ({
        %run_scoped3A = tpu.sem_alloc : memref<!tpu.dma_semaphore, #tpu.memory_space<semaphore_mem>>
        %dma_start3A_83 = tpu.memref_slice %arg3[%add3A_78] : memref<323584xi32, #tpu.memory_space<hbm>> -> memref<128xi32, #tpu.memory_space<hbm>>
        %dma_start3A_84 = tpu.memref_slice %arg3[%add3A_78] : memref<323584xi32, #tpu.memory_space<hbm>> -> memref<128xi32, #tpu.memory_space<hbm>>
        tpu.enqueue_dma source(%dma_start3A_84 : memref<128xi32, #tpu.memory_space<hbm>>) target(%arg6 : memref<128xi32, #tpu.memory_space<vmem>>) target_semaphore(%run_scoped3A : memref<!tpu.dma_semaphore, #tpu.memory_space<semaphore_mem>>)
        %dma_wait3A_85 = tpu.memref_slice %arg3[%add3A_78] : memref<323584xi32, #tpu.memory_space<hbm>> -> memref<128xi32, #tpu.memory_space<hbm>>
        %dma_wait3A_86 = tpu.memref_slice %arg3[%add3A_78] : memref<323584xi32, #tpu.memory_space<hbm>> -> memref<128xi32, #tpu.memory_space<hbm>>
        tpu.wait_dma2 semaphore(%run_scoped3A : memref<!tpu.dma_semaphore, #tpu.memory_space<semaphore_mem>>) src(%dma_wait3A_86 : memref<128xi32, #tpu.memory_space<hbm>>) dst(%arg6 : memref<128xi32, #tpu.memory_space<vmem>>)
        tpu.yield
      }) : () -> ()
      "tpu.region"() ({
        %run_scoped3A = tpu.sem_alloc : memref<!tpu.dma_semaphore, #tpu.memory_space<semaphore_mem>>
        %dma_start3A_83 = tpu.memref_slice %arg4[%add3A_78] : memref<323584xi32, #tpu.memory_space<hbm>> -> memref<128xi32, #tpu.memory_space<hbm>>
        %dma_start3A_84 = tpu.memref_slice %arg4[%add3A_78] : memref<323584xi32, #tpu.memory_space<hbm>> -> memref<128xi32, #tpu.memory_space<hbm>>
        tpu.enqueue_dma source(%dma_start3A_84 : memref<128xi32, #tpu.memory_space<hbm>>) target(%arg7 : memref<128xi32, #tpu.memory_space<vmem>>) target_semaphore(%run_scoped3A : memref<!tpu.dma_semaphore, #tpu.memory_space<semaphore_mem>>)
        %dma_wait3A_85 = tpu.memref_slice %arg4[%add3A_78] : memref<323584xi32, #tpu.memory_space<hbm>> -> memref<128xi32, #tpu.memory_space<hbm>>
        %dma_wait3A_86 = tpu.memref_slice %arg4[%add3A_78] : memref<323584xi32, #tpu.memory_space<hbm>> -> memref<128xi32, #tpu.memory_space<hbm>>
        tpu.wait_dma2 semaphore(%run_scoped3A : memref<!tpu.dma_semaphore, #tpu.memory_space<semaphore_mem>>) src(%dma_wait3A_86 : memref<128xi32, #tpu.memory_space<hbm>>) dst(%arg7 : memref<128xi32, #tpu.memory_space<vmem>>)
        tpu.yield
      }) : () -> ()
      %dma_start3A = arith.constant 0 : i32
      %dma_start3A_79 = arith.constant 0 : i32
      %dma_start3A_80 = tpu.memref_slice %arg2[%dma_start3A, %dma_start3A_79] : memref<10000x128xf32, #tpu.memory_space<hbm>> -> memref<10000x128xf32, #tpu.memory_space<hbm>>
      tpu.enqueue_indirect_dma source(%dma_start3A_80 : memref<10000x128xf32, #tpu.memory_space<hbm>>) target(%arg8 : memref<128x128xf32, #tpu.memory_space<vmem>>) offsets(%arg6 : memref<128xi32, #tpu.memory_space<vmem>>) semaphore(%arg11 : memref<!tpu.dma_semaphore, #tpu.memory_space<semaphore_mem>>)
      %dma_wait3A = arith.constant 0 : i32
      %dma_wait3A_81 = arith.constant 0 : i32
      %dma_wait3A_82 = tpu.memref_slice %arg2[%dma_wait3A, %dma_wait3A_81] : memref<10000x128xf32, #tpu.memory_space<hbm>> -> memref<10000x128xf32, #tpu.memory_space<hbm>>
      tpu.wait_indirect_dma semaphore(%arg11 : memref<!tpu.dma_semaphore, #tpu.memory_space<semaphore_mem>>) src(%dma_wait3A_82 : memref<10000x128xf32, #tpu.memory_space<hbm>>) dst(%arg8 : memref<128x128xf32, #tpu.memory_space<vmem>>)
      "tpu.region"() ({
        %run_scoped3A = tpu.sem_alloc : memref<!tpu.dma_semaphore, #tpu.memory_space<semaphore_mem>>
        %dma_start3A_83 = arith.constant 0 : i32
        %dma_start3A_84 = arith.constant 0 : i32
        %dma_start3A_85 = tpu.memref_slice %arg10[%dma_start3A_83, %dma_start3A_84] : memref<10240x128xf32, #tpu.memory_space<vmem_shared>> -> memref<10240x128xf32, #tpu.memory_space<vmem_shared>>
        tpu.enqueue_indirect_dma source(%arg8 : memref<128x128xf32, #tpu.memory_space<vmem>>) target(%dma_start3A_85 : memref<10240x128xf32, #tpu.memory_space<vmem_shared>>) offsets(%arg7 : memref<128xi32, #tpu.memory_space<vmem>>) semaphore(%run_scoped3A : memref<!tpu.dma_semaphore, #tpu.memory_space<semaphore_mem>>) {add = true}
        %dma_wait3A_86 = arith.constant 0 : i32
        %dma_wait3A_87 = arith.constant 0 : i32
        %dma_wait3A_88 = tpu.memref_slice %arg10[%dma_wait3A_86, %dma_wait3A_87] : memref<10240x128xf32, #tpu.memory_space<vmem_shared>> -> memref<10240x128xf32, #tpu.memory_space<vmem_shared>>
        tpu.wait_indirect_dma semaphore(%run_scoped3A : memref<!tpu.dma_semaphore, #tpu.memory_space<semaphore_mem>>) src(%arg8 : memref<128x128xf32, #tpu.memory_space<vmem>>) dst(%dma_wait3A_88 : memref<10240x128xf32, #tpu.memory_space<vmem_shared>>)
        tpu.yield
      }) : () -> ()
    }
    %scan3A_53 = arith.constant 79 : i32
    %barrier3A_54 = arith.constant 0 : index
    tpu.barrier barrier_id(%barrier3A_54)
    %mul3A_55 = arith.constant 640 : i32
    %mul3A_56 = arith.muli %arg1, %mul3A_55 : i32
    %add3A_57 = arith.constant 0 : i32
    %add3A_58 = arith.addi %mul3A_56, %add3A_57 : i32
    "tpu.region"() ({
      %run_scoped3A = tpu.sem_alloc : memref<!tpu.dma_semaphore, #tpu.memory_space<semaphore_mem>>
      %dma_start3A = arith.constant 0 : i32
      %dma_start3A_75 = tpu.memref_slice %arg10[%add3A_58, %dma_start3A] : memref<10240x128xf32, #tpu.memory_space<vmem_shared>> -> memref<128x128xf32, #tpu.memory_space<vmem_shared>>
      %dma_start3A_76 = arith.constant 0 : i32
      %dma_start3A_77 = tpu.memref_slice %arg10[%add3A_58, %dma_start3A_76] : memref<10240x128xf32, #tpu.memory_space<vmem_shared>> -> memref<128x128xf32, #tpu.memory_space<vmem_shared>>
      tpu.enqueue_dma source(%dma_start3A_77 : memref<128x128xf32, #tpu.memory_space<vmem_shared>>) target(%arg8 : memref<128x128xf32, #tpu.memory_space<vmem>>) target_semaphore(%run_scoped3A : memref<!tpu.dma_semaphore, #tpu.memory_space<semaphore_mem>>)
      %dma_wait3A = arith.constant 0 : i32
      %dma_wait3A_78 = tpu.memref_slice %arg10[%add3A_58, %dma_wait3A] : memref<10240x128xf32, #tpu.memory_space<vmem_shared>> -> memref<128x128xf32, #tpu.memory_space<vmem_shared>>
      %dma_wait3A_79 = arith.constant 0 : i32
      %dma_wait3A_80 = tpu.memref_slice %arg10[%add3A_58, %dma_wait3A_79] : memref<10240x128xf32, #tpu.memory_space<vmem_shared>> -> memref<128x128xf32, #tpu.memory_space<vmem_shared>>
      tpu.wait_dma2 semaphore(%run_scoped3A : memref<!tpu.dma_semaphore, #tpu.memory_space<semaphore_mem>>) src(%dma_wait3A_80 : memref<128x128xf32, #tpu.memory_space<vmem_shared>>) dst(%arg8 : memref<128x128xf32, #tpu.memory_space<vmem>>)
      tpu.yield
    }) : () -> ()
    "tpu.region"() ({
      %run_scoped3A = tpu.sem_alloc : memref<!tpu.dma_semaphore, #tpu.memory_space<semaphore_mem>>
      %dma_start3A = arith.constant 0 : i32
      %dma_start3A_75 = tpu.memref_slice %arg5[%arg0, %add3A_58, %dma_start3A] : memref<2x10240x128xf32, #tpu.memory_space<hbm>> -> memref<1x128x128xf32, #tpu.memory_space<hbm>>
      %dma_start3A_76 = tpu.memref_squeeze %dma_start3A_75 : memref<1x128x128xf32, #tpu.memory_space<hbm>> -> memref<128x128xf32, #tpu.memory_space<hbm>>
      %dma_start3A_77 = arith.constant 0 : i32
      %dma_start3A_78 = tpu.memref_slice %arg5[%arg0, %add3A_58, %dma_start3A_77] : memref<2x10240x128xf32, #tpu.memory_space<hbm>> -> memref<1x128x128xf32, #tpu.memory_space<hbm>>
      %dma_start3A_79 = tpu.memref_squeeze %dma_start3A_78 : memref<1x128x128xf32, #tpu.memory_space<hbm>> -> memref<128x128xf32, #tpu.memory_space<hbm>>
      tpu.enqueue_dma source(%arg8 : memref<128x128xf32, #tpu.memory_space<vmem>>) target(%dma_start3A_79 : memref<128x128xf32, #tpu.memory_space<hbm>>) target_semaphore(%run_scoped3A : memref<!tpu.dma_semaphore, #tpu.memory_space<semaphore_mem>>)
      %dma_wait3A = arith.constant 0 : i32
      %dma_wait3A_80 = tpu.memref_slice %arg5[%arg0, %add3A_58, %dma_wait3A] : memref<2x10240x128xf32, #tpu.memory_space<hbm>> -> memref<1x128x128xf32, #tpu.memory_space<hbm>>
      %dma_wait3A_81 = tpu.memref_squeeze %dma_wait3A_80 : memref<1x128x128xf32, #tpu.memory_space<hbm>> -> memref<128x128xf32, #tpu.memory_space<hbm>>
      %dma_wait3A_82 = arith.constant 0 : i32
      %dma_wait3A_83 = tpu.memref_slice %arg5[%arg0, %add3A_58, %dma_wait3A_82] : memref<2x10240x128xf32, #tpu.memory_space<hbm>> -> memref<1x128x128xf32, #tpu.memory_space<hbm>>
      %dma_wait3A_84 = tpu.memref_squeeze %dma_wait3A_83 : memref<1x128x128xf32, #tpu.memory_space<hbm>> -> memref<128x128xf32, #tpu.memory_space<hbm>>
      tpu.wait_dma2 semaphore(%run_scoped3A : memref<!tpu.dma_semaphore, #tpu.memory_space<semaphore_mem>>) src(%arg8 : memref<128x128xf32, #tpu.memory_space<vmem>>) dst(%dma_wait3A_84 : memref<128x128xf32, #tpu.memory_space<hbm>>)
      tpu.yield
    }) : () -> ()
    %mul3A_59 = arith.constant 640 : i32
    %mul3A_60 = arith.muli %arg1, %mul3A_59 : i32
    %add3A_61 = arith.constant 128 : i32
    %add3A_62 = arith.addi %mul3A_60, %add3A_61 : i32
    "tpu.region"() ({
      %run_scoped3A = tpu.sem_alloc : memref<!tpu.dma_semaphore, #tpu.memory_space<semaphore_mem>>
      %dma_start3A = arith.constant 0 : i32
      %dma_start3A_75 = tpu.memref_slice %arg10[%add3A_62, %dma_start3A] : memref<10240x128xf32, #tpu.memory_space<vmem_shared>> -> memref<128x128xf32, #tpu.memory_space<vmem_shared>>
      %dma_start3A_76 = arith.constant 0 : i32
      %dma_start3A_77 = tpu.memref_slice %arg10[%add3A_62, %dma_start3A_76] : memref<10240x128xf32, #tpu.memory_space<vmem_shared>> -> memref<128x128xf32, #tpu.memory_space<vmem_shared>>
      tpu.enqueue_dma source(%dma_start3A_77 : memref<128x128xf32, #tpu.memory_space<vmem_shared>>) target(%arg8 : memref<128x128xf32, #tpu.memory_space<vmem>>) target_semaphore(%run_scoped3A : memref<!tpu.dma_semaphore, #tpu.memory_space<semaphore_mem>>)
      %dma_wait3A = arith.constant 0 : i32
      %dma_wait3A_78 = tpu.memref_slice %arg10[%add3A_62, %dma_wait3A] : memref<10240x128xf32, #tpu.memory_space<vmem_shared>> -> memref<128x128xf32, #tpu.memory_space<vmem_shared>>
      %dma_wait3A_79 = arith.constant 0 : i32
      %dma_wait3A_80 = tpu.memref_slice %arg10[%add3A_62, %dma_wait3A_79] : memref<10240x128xf32, #tpu.memory_space<vmem_shared>> -> memref<128x128xf32, #tpu.memory_space<vmem_shared>>
      tpu.wait_dma2 semaphore(%run_scoped3A : memref<!tpu.dma_semaphore, #tpu.memory_space<semaphore_mem>>) src(%dma_wait3A_80 : memref<128x128xf32, #tpu.memory_space<vmem_shared>>) dst(%arg8 : memref<128x128xf32, #tpu.memory_space<vmem>>)
      tpu.yield
    }) : () -> ()
    "tpu.region"() ({
      %run_scoped3A = tpu.sem_alloc : memref<!tpu.dma_semaphore, #tpu.memory_space<semaphore_mem>>
      %dma_start3A = arith.constant 0 : i32
      %dma_start3A_75 = tpu.memref_slice %arg5[%arg0, %add3A_62, %dma_start3A] : memref<2x10240x128xf32, #tpu.memory_space<hbm>> -> memref<1x128x128xf32, #tpu.memory_space<hbm>>
      %dma_start3A_76 = tpu.memref_squeeze %dma_start3A_75 : memref<1x128x128xf32, #tpu.memory_space<hbm>> -> memref<128x128xf32, #tpu.memory_space<hbm>>
      %dma_start3A_77 = arith.constant 0 : i32
      %dma_start3A_78 = tpu.memref_slice %arg5[%arg0, %add3A_62, %dma_start3A_77] : memref<2x10240x128xf32, #tpu.memory_space<hbm>> -> memref<1x128x128xf32, #tpu.memory_space<hbm>>
      %dma_start3A_79 = tpu.memref_squeeze %dma_start3A_78 : memref<1x128x128xf32, #tpu.memory_space<hbm>> -> memref<128x128xf32, #tpu.memory_space<hbm>>
      tpu.enqueue_dma source(%arg8 : memref<128x128xf32, #tpu.memory_space<vmem>>) target(%dma_start3A_79 : memref<128x128xf32, #tpu.memory_space<hbm>>) target_semaphore(%run_scoped3A : memref<!tpu.dma_semaphore, #tpu.memory_space<semaphore_mem>>)
      %dma_wait3A = arith.constant 0 : i32
      %dma_wait3A_80 = tpu.memref_slice %arg5[%arg0, %add3A_62, %dma_wait3A] : memref<2x10240x128xf32, #tpu.memory_space<hbm>> -> memref<1x128x128xf32, #tpu.memory_space<hbm>>
      %dma_wait3A_81 = tpu.memref_squeeze %dma_wait3A_80 : memref<1x128x128xf32, #tpu.memory_space<hbm>> -> memref<128x128xf32, #tpu.memory_space<hbm>>
      %dma_wait3A_82 = arith.constant 0 : i32
      %dma_wait3A_83 = tpu.memref_slice %arg5[%arg0, %add3A_62, %dma_wait3A_82] : memref<2x10240x128xf32, #tpu.memory_space<hbm>> -> memref<1x128x128xf32, #tpu.memory_space<hbm>>
      %dma_wait3A_84 = tpu.memref_squeeze %dma_wait3A_83 : memref<1x128x128xf32, #tpu.memory_space<hbm>> -> memref<128x128xf32, #tpu.memory_space<hbm>>
      tpu.wait_dma2 semaphore(%run_scoped3A : memref<!tpu.dma_semaphore, #tpu.memory_space<semaphore_mem>>) src(%arg8 : memref<128x128xf32, #tpu.memory_space<vmem>>) dst(%dma_wait3A_84 : memref<128x128xf32, #tpu.memory_space<hbm>>)
      tpu.yield
    }) : () -> ()
    %mul3A_63 = arith.constant 640 : i32
    %mul3A_64 = arith.muli %arg1, %mul3A_63 : i32
    %add3A_65 = arith.constant 256 : i32
    %add3A_66 = arith.addi %mul3A_64, %add3A_65 : i32
    "tpu.region"() ({
      %run_scoped3A = tpu.sem_alloc : memref<!tpu.dma_semaphore, #tpu.memory_space<semaphore_mem>>
      %dma_start3A = arith.constant 0 : i32
      %dma_start3A_75 = tpu.memref_slice %arg10[%add3A_66, %dma_start3A] : memref<10240x128xf32, #tpu.memory_space<vmem_shared>> -> memref<128x128xf32, #tpu.memory_space<vmem_shared>>
      %dma_start3A_76 = arith.constant 0 : i32
      %dma_start3A_77 = tpu.memref_slice %arg10[%add3A_66, %dma_start3A_76] : memref<10240x128xf32, #tpu.memory_space<vmem_shared>> -> memref<128x128xf32, #tpu.memory_space<vmem_shared>>
      tpu.enqueue_dma source(%dma_start3A_77 : memref<128x128xf32, #tpu.memory_space<vmem_shared>>) target(%arg8 : memref<128x128xf32, #tpu.memory_space<vmem>>) target_semaphore(%run_scoped3A : memref<!tpu.dma_semaphore, #tpu.memory_space<semaphore_mem>>)
      %dma_wait3A = arith.constant 0 : i32
      %dma_wait3A_78 = tpu.memref_slice %arg10[%add3A_66, %dma_wait3A] : memref<10240x128xf32, #tpu.memory_space<vmem_shared>> -> memref<128x128xf32, #tpu.memory_space<vmem_shared>>
      %dma_wait3A_79 = arith.constant 0 : i32
      %dma_wait3A_80 = tpu.memref_slice %arg10[%add3A_66, %dma_wait3A_79] : memref<10240x128xf32, #tpu.memory_space<vmem_shared>> -> memref<128x128xf32, #tpu.memory_space<vmem_shared>>
      tpu.wait_dma2 semaphore(%run_scoped3A : memref<!tpu.dma_semaphore, #tpu.memory_space<semaphore_mem>>) src(%dma_wait3A_80 : memref<128x128xf32, #tpu.memory_space<vmem_shared>>) dst(%arg8 : memref<128x128xf32, #tpu.memory_space<vmem>>)
      tpu.yield
    }) : () -> ()
    "tpu.region"() ({
      %run_scoped3A = tpu.sem_alloc : memref<!tpu.dma_semaphore, #tpu.memory_space<semaphore_mem>>
      %dma_start3A = arith.constant 0 : i32
      %dma_start3A_75 = tpu.memref_slice %arg5[%arg0, %add3A_66, %dma_start3A] : memref<2x10240x128xf32, #tpu.memory_space<hbm>> -> memref<1x128x128xf32, #tpu.memory_space<hbm>>
      %dma_start3A_76 = tpu.memref_squeeze %dma_start3A_75 : memref<1x128x128xf32, #tpu.memory_space<hbm>> -> memref<128x128xf32, #tpu.memory_space<hbm>>
      %dma_start3A_77 = arith.constant 0 : i32
      %dma_start3A_78 = tpu.memref_slice %arg5[%arg0, %add3A_66, %dma_start3A_77] : memref<2x10240x128xf32, #tpu.memory_space<hbm>> -> memref<1x128x128xf32, #tpu.memory_space<hbm>>
      %dma_start3A_79 = tpu.memref_squeeze %dma_start3A_78 : memref<1x128x128xf32, #tpu.memory_space<hbm>> -> memref<128x128xf32, #tpu.memory_space<hbm>>
      tpu.enqueue_dma source(%arg8 : memref<128x128xf32, #tpu.memory_space<vmem>>) target(%dma_start3A_79 : memref<128x128xf32, #tpu.memory_space<hbm>>) target_semaphore(%run_scoped3A : memref<!tpu.dma_semaphore, #tpu.memory_space<semaphore_mem>>)
      %dma_wait3A = arith.constant 0 : i32
      %dma_wait3A_80 = tpu.memref_slice %arg5[%arg0, %add3A_66, %dma_wait3A] : memref<2x10240x128xf32, #tpu.memory_space<hbm>> -> memref<1x128x128xf32, #tpu.memory_space<hbm>>
      %dma_wait3A_81 = tpu.memref_squeeze %dma_wait3A_80 : memref<1x128x128xf32, #tpu.memory_space<hbm>> -> memref<128x128xf32, #tpu.memory_space<hbm>>
      %dma_wait3A_82 = arith.constant 0 : i32
      %dma_wait3A_83 = tpu.memref_slice %arg5[%arg0, %add3A_66, %dma_wait3A_82] : memref<2x10240x128xf32, #tpu.memory_space<hbm>> -> memref<1x128x128xf32, #tpu.memory_space<hbm>>
      %dma_wait3A_84 = tpu.memref_squeeze %dma_wait3A_83 : memref<1x128x128xf32, #tpu.memory_space<hbm>> -> memref<128x128xf32, #tpu.memory_space<hbm>>
      tpu.wait_dma2 semaphore(%run_scoped3A : memref<!tpu.dma_semaphore, #tpu.memory_space<semaphore_mem>>) src(%arg8 : memref<128x128xf32, #tpu.memory_space<vmem>>) dst(%dma_wait3A_84 : memref<128x128xf32, #tpu.memory_space<hbm>>)
      tpu.yield
    }) : () -> ()
    %mul3A_67 = arith.constant 640 : i32
    %mul3A_68 = arith.muli %arg1, %mul3A_67 : i32
    %add3A_69 = arith.constant 384 : i32
    %add3A_70 = arith.addi %mul3A_68, %add3A_69 : i32
    "tpu.region"() ({
      %run_scoped3A = tpu.sem_alloc : memref<!tpu.dma_semaphore, #tpu.memory_space<semaphore_mem>>
      %dma_start3A = arith.constant 0 : i32
      %dma_start3A_75 = tpu.memref_slice %arg10[%add3A_70, %dma_start3A] : memref<10240x128xf32, #tpu.memory_space<vmem_shared>> -> memref<128x128xf32, #tpu.memory_space<vmem_shared>>
      %dma_start3A_76 = arith.constant 0 : i32
      %dma_start3A_77 = tpu.memref_slice %arg10[%add3A_70, %dma_start3A_76] : memref<10240x128xf32, #tpu.memory_space<vmem_shared>> -> memref<128x128xf32, #tpu.memory_space<vmem_shared>>
      tpu.enqueue_dma source(%dma_start3A_77 : memref<128x128xf32, #tpu.memory_space<vmem_shared>>) target(%arg8 : memref<128x128xf32, #tpu.memory_space<vmem>>) target_semaphore(%run_scoped3A : memref<!tpu.dma_semaphore, #tpu.memory_space<semaphore_mem>>)
      %dma_wait3A = arith.constant 0 : i32
      %dma_wait3A_78 = tpu.memref_slice %arg10[%add3A_70, %dma_wait3A] : memref<10240x128xf32, #tpu.memory_space<vmem_shared>> -> memref<128x128xf32, #tpu.memory_space<vmem_shared>>
      %dma_wait3A_79 = arith.constant 0 : i32
      %dma_wait3A_80 = tpu.memref_slice %arg10[%add3A_70, %dma_wait3A_79] : memref<10240x128xf32, #tpu.memory_space<vmem_shared>> -> memref<128x128xf32, #tpu.memory_space<vmem_shared>>
      tpu.wait_dma2 semaphore(%run_scoped3A : memref<!tpu.dma_semaphore, #tpu.memory_space<semaphore_mem>>) src(%dma_wait3A_80 : memref<128x128xf32, #tpu.memory_space<vmem_shared>>) dst(%arg8 : memref<128x128xf32, #tpu.memory_space<vmem>>)
      tpu.yield
    }) : () -> ()
    "tpu.region"() ({
      %run_scoped3A = tpu.sem_alloc : memref<!tpu.dma_semaphore, #tpu.memory_space<semaphore_mem>>
      %dma_start3A = arith.constant 0 : i32
      %dma_start3A_75 = tpu.memref_slice %arg5[%arg0, %add3A_70, %dma_start3A] : memref<2x10240x128xf32, #tpu.memory_space<hbm>> -> memref<1x128x128xf32, #tpu.memory_space<hbm>>
      %dma_start3A_76 = tpu.memref_squeeze %dma_start3A_75 : memref<1x128x128xf32, #tpu.memory_space<hbm>> -> memref<128x128xf32, #tpu.memory_space<hbm>>
      %dma_start3A_77 = arith.constant 0 : i32
      %dma_start3A_78 = tpu.memref_slice %arg5[%arg0, %add3A_70, %dma_start3A_77] : memref<2x10240x128xf32, #tpu.memory_space<hbm>> -> memref<1x128x128xf32, #tpu.memory_space<hbm>>
      %dma_start3A_79 = tpu.memref_squeeze %dma_start3A_78 : memref<1x128x128xf32, #tpu.memory_space<hbm>> -> memref<128x128xf32, #tpu.memory_space<hbm>>
      tpu.enqueue_dma source(%arg8 : memref<128x128xf32, #tpu.memory_space<vmem>>) target(%dma_start3A_79 : memref<128x128xf32, #tpu.memory_space<hbm>>) target_semaphore(%run_scoped3A : memref<!tpu.dma_semaphore, #tpu.memory_space<semaphore_mem>>)
      %dma_wait3A = arith.constant 0 : i32
      %dma_wait3A_80 = tpu.memref_slice %arg5[%arg0, %add3A_70, %dma_wait3A] : memref<2x10240x128xf32, #tpu.memory_space<hbm>> -> memref<1x128x128xf32, #tpu.memory_space<hbm>>
      %dma_wait3A_81 = tpu.memref_squeeze %dma_wait3A_80 : memref<1x128x128xf32, #tpu.memory_space<hbm>> -> memref<128x128xf32, #tpu.memory_space<hbm>>
      %dma_wait3A_82 = arith.constant 0 : i32
      %dma_wait3A_83 = tpu.memref_slice %arg5[%arg0, %add3A_70, %dma_wait3A_82] : memref<2x10240x128xf32, #tpu.memory_space<hbm>> -> memref<1x128x128xf32, #tpu.memory_space<hbm>>
      %dma_wait3A_84 = tpu.memref_squeeze %dma_wait3A_83 : memref<1x128x128xf32, #tpu.memory_space<hbm>> -> memref<128x128xf32, #tpu.memory_space<hbm>>
      tpu.wait_dma2 semaphore(%run_scoped3A : memref<!tpu.dma_semaphore, #tpu.memory_space<semaphore_mem>>) src(%arg8 : memref<128x128xf32, #tpu.memory_space<vmem>>) dst(%dma_wait3A_84 : memref<128x128xf32, #tpu.memory_space<hbm>>)
      tpu.yield
    }) : () -> ()
    %mul3A_71 = arith.constant 640 : i32
    %mul3A_72 = arith.muli %arg1, %mul3A_71 : i32
    %add3A_73 = arith.constant 512 : i32
    %add3A_74 = arith.addi %mul3A_72, %add3A_73 : i32
    "tpu.region"() ({
      %run_scoped3A = tpu.sem_alloc : memref<!tpu.dma_semaphore, #tpu.memory_space<semaphore_mem>>
      %dma_start3A = arith.constant 0 : i32
      %dma_start3A_75 = tpu.memref_slice %arg10[%add3A_74, %dma_start3A] : memref<10240x128xf32, #tpu.memory_space<vmem_shared>> -> memref<128x128xf32, #tpu.memory_space<vmem_shared>>
      %dma_start3A_76 = arith.constant 0 : i32
      %dma_start3A_77 = tpu.memref_slice %arg10[%add3A_74, %dma_start3A_76] : memref<10240x128xf32, #tpu.memory_space<vmem_shared>> -> memref<128x128xf32, #tpu.memory_space<vmem_shared>>
      tpu.enqueue_dma source(%dma_start3A_77 : memref<128x128xf32, #tpu.memory_space<vmem_shared>>) target(%arg8 : memref<128x128xf32, #tpu.memory_space<vmem>>) target_semaphore(%run_scoped3A : memref<!tpu.dma_semaphore, #tpu.memory_space<semaphore_mem>>)
      %dma_wait3A = arith.constant 0 : i32
      %dma_wait3A_78 = tpu.memref_slice %arg10[%add3A_74, %dma_wait3A] : memref<10240x128xf32, #tpu.memory_space<vmem_shared>> -> memref<128x128xf32, #tpu.memory_space<vmem_shared>>
      %dma_wait3A_79 = arith.constant 0 : i32
      %dma_wait3A_80 = tpu.memref_slice %arg10[%add3A_74, %dma_wait3A_79] : memref<10240x128xf32, #tpu.memory_space<vmem_shared>> -> memref<128x128xf32, #tpu.memory_space<vmem_shared>>
      tpu.wait_dma2 semaphore(%run_scoped3A : memref<!tpu.dma_semaphore, #tpu.memory_space<semaphore_mem>>) src(%dma_wait3A_80 : memref<128x128xf32, #tpu.memory_space<vmem_shared>>) dst(%arg8 : memref<128x128xf32, #tpu.memory_space<vmem>>)
      tpu.yield
    }) : () -> ()
    "tpu.region"() ({
      %run_scoped3A = tpu.sem_alloc : memref<!tpu.dma_semaphore, #tpu.memory_space<semaphore_mem>>
      %dma_start3A = arith.constant 0 : i32
      %dma_start3A_75 = tpu.memref_slice %arg5[%arg0, %add3A_74, %dma_start3A] : memref<2x10240x128xf32, #tpu.memory_space<hbm>> -> memref<1x128x128xf32, #tpu.memory_space<hbm>>
      %dma_start3A_76 = tpu.memref_squeeze %dma_start3A_75 : memref<1x128x128xf32, #tpu.memory_space<hbm>> -> memref<128x128xf32, #tpu.memory_space<hbm>>
      %dma_start3A_77 = arith.constant 0 : i32
      %dma_start3A_78 = tpu.memref_slice %arg5[%arg0, %add3A_74, %dma_start3A_77] : memref<2x10240x128xf32, #tpu.memory_space<hbm>> -> memref<1x128x128xf32, #tpu.memory_space<hbm>>
      %dma_start3A_79 = tpu.memref_squeeze %dma_start3A_78 : memref<1x128x128xf32, #tpu.memory_space<hbm>> -> memref<128x128xf32, #tpu.memory_space<hbm>>
      tpu.enqueue_dma source(%arg8 : memref<128x128xf32, #tpu.memory_space<vmem>>) target(%dma_start3A_79 : memref<128x128xf32, #tpu.memory_space<hbm>>) target_semaphore(%run_scoped3A : memref<!tpu.dma_semaphore, #tpu.memory_space<semaphore_mem>>)
      %dma_wait3A = arith.constant 0 : i32
      %dma_wait3A_80 = tpu.memref_slice %arg5[%arg0, %add3A_74, %dma_wait3A] : memref<2x10240x128xf32, #tpu.memory_space<hbm>> -> memref<1x128x128xf32, #tpu.memory_space<hbm>>
      %dma_wait3A_81 = tpu.memref_squeeze %dma_wait3A_80 : memref<1x128x128xf32, #tpu.memory_space<hbm>> -> memref<128x128xf32, #tpu.memory_space<hbm>>
      %dma_wait3A_82 = arith.constant 0 : i32
      %dma_wait3A_83 = tpu.memref_slice %arg5[%arg0, %add3A_74, %dma_wait3A_82] : memref<2x10240x128xf32, #tpu.memory_space<hbm>> -> memref<1x128x128xf32, #tpu.memory_space<hbm>>
      %dma_wait3A_84 = tpu.memref_squeeze %dma_wait3A_83 : memref<1x128x128xf32, #tpu.memory_space<hbm>> -> memref<128x128xf32, #tpu.memory_space<hbm>>
      tpu.wait_dma2 semaphore(%run_scoped3A : memref<!tpu.dma_semaphore, #tpu.memory_space<semaphore_mem>>) src(%arg8 : memref<128x128xf32, #tpu.memory_space<vmem>>) dst(%dma_wait3A_84 : memref<128x128xf32, #tpu.memory_space<hbm>>)
      tpu.yield
    }) : () -> ()
    return
  }
}

#map = affine_map<(d0, d1) -> (0, 0)>
#map1 = affine_map<(d0, d1) -> (0)>
#map2 = affine_map<(d0, d1) -> (0, 0, 0)>
module attributes {stable_mosaic.version = 14 : i64} {
  func.func @agg_kernel(%arg0: i32, %arg1: i32, %arg2: memref<10000x128xf32, #tpu.memory_space<hbm>>, %arg3: memref<323584xi32, #tpu.memory_space<hbm>>, %arg4: memref<323584xi32, #tpu.memory_space<hbm>>, %arg5: memref<2x10240x128xf32, #tpu.memory_space<hbm>>, %arg6: memref<128xi32, #tpu.memory_space<vmem>>, %arg7: memref<128xi32, #tpu.memory_space<vmem>>, %arg8: memref<128x128xf32, #tpu.memory_space<vmem>>, %arg9: memref<64x128xf32, #tpu.memory_space<vmem>>, %arg10: memref<10240x128xf32, #tpu.memory_space<vmem_shared>>, %arg11: memref<!tpu.dma_semaphore, #tpu.memory_space<semaphore_mem>>) attributes {dimension_semantics = [#tpu.dimension_semantics<core_parallel>, #tpu.dimension_semantics<subcore_parallel>], iteration_bounds = array<i64: 2, 16>, scalar_prefetch = 0 : i64, scratch_operands = 6 : i64, tpu.core_type = #tpu.core_type<sc_vector_subcore>, window_params = [{transform_indices = #map}, {transform_indices = #map1}, {transform_indices = #map1}, {transform_indices = #map2}]} {
    %scan3A = arith.constant 0 : i32
    %scan3A_0 = arith.constant 0 : i32
    %scan3A_1 = arith.constant 512 : i32
    %scan3A_2 = arith.addi %scan3A_0, %scan3A_1 : i32
    %scan3A_3 = arith.constant 1 : i32
    scf.for %scan3A_75 = %scan3A_0 to %scan3A_2 step %scan3A_3  : i32 {
      %broadcast_in_dim3A = arith.constant 0.000000e+00 : f32
      %broadcast_in_dim3A_76 = vector.broadcast %broadcast_in_dim3A : f32 to vector<16xf32>
      %jit3A = arith.constant 8 : i32
      %div3A = arith.divsi %scan3A_75, %jit3A : i32
      %sign3A = arith.constant 0 : i32
      %sign3A_77 = arith.cmpi sgt, %scan3A_75, %sign3A : i32
      %sign3A_78 = arith.extui %sign3A_77 : i1 to i32
      %sign3A_79 = arith.constant 0 : i32
      %sign3A_80 = arith.cmpi slt, %scan3A_75, %sign3A_79 : i32
      %sign3A_81 = arith.extui %sign3A_80 : i1 to i32
      %sign3A_82 = arith.subi %sign3A_78, %sign3A_81 : i32
      %sign3A_83 = arith.constant 0 : i32
      %sign3A_84 = arith.cmpi sgt, %jit3A, %sign3A_83 : i32
      %sign3A_85 = arith.extui %sign3A_84 : i1 to i32
      %sign3A_86 = arith.constant 0 : i32
      %sign3A_87 = arith.cmpi slt, %jit3A, %sign3A_86 : i32
      %sign3A_88 = arith.extui %sign3A_87 : i1 to i32
      %sign3A_89 = arith.subi %sign3A_85, %sign3A_88 : i32
      %ne3A = arith.cmpi ne, %sign3A_82, %sign3A_89 : i32
      %rem3A = arith.remsi %scan3A_75, %jit3A : i32
      %ne3A_90 = arith.constant 0 : i32
      %ne3A_91 = arith.cmpi ne, %rem3A, %ne3A_90 : i32
      %and3A = arith.andi %ne3A, %ne3A_91 : i1
      %sub3A = arith.constant 1 : i32
      %sub3A_92 = arith.subi %div3A, %sub3A : i32
      %select_n3A = arith.select %and3A, %sub3A_92, %div3A : i32
      %jit3A_93 = arith.constant 8 : i32
      %eq3A = arith.constant 0 : i32
      %eq3A_94 = arith.cmpi eq, %jit3A_93, %eq3A : i32
      %jit3A_95 = arith.constant 1 : i32
      %select_n3A_96 = arith.select %eq3A_94, %jit3A_95, %jit3A_93 : i32
      %rem3A_97 = arith.remsi %scan3A_75, %select_n3A_96 : i32
      %ne3A_98 = arith.constant 0 : i32
      %ne3A_99 = arith.cmpi ne, %rem3A_97, %ne3A_98 : i32
      %lt3A = arith.constant 0 : i32
      %lt3A_100 = arith.cmpi slt, %rem3A_97, %lt3A : i32
      %lt3A_101 = arith.constant 0 : i32
      %lt3A_102 = arith.cmpi slt, %select_n3A_96, %lt3A_101 : i32
      %ne3A_103 = arith.xori %lt3A_100, %lt3A_102 : i1
      %and3A_104 = arith.andi %ne3A_103, %ne3A_99 : i1
      %add3A_105 = arith.addi %rem3A_97, %select_n3A_96 : i32
      %select_n3A_106 = arith.select %and3A_104, %add3A_105, %rem3A_97 : i32
      %mul3A_107 = arith.constant 16 : i32
      %mul3A_108 = arith.muli %select_n3A_106, %mul3A_107 : i32
      %swap3A = arith.index_cast %select_n3A : i32 to index
      %swap3A_109 = arith.index_cast %mul3A_108 : i32 to index
      %swap3A_110 = tpu.vector_load %arg9[%swap3A, %swap3A_109] {strides = array<i32>} : memref<64x128xf32, #tpu.memory_space<vmem>>, vector<1x16xf32>,
      %swap3A_111 = vector.shape_cast %swap3A_110 : vector<1x16xf32> to vector<16xf32>
      %swap3A_112 = vector.shape_cast %broadcast_in_dim3A_76 : vector<16xf32> to vector<1x16xf32>
      tpu.vector_store %arg9[%swap3A, %swap3A_109], %swap3A_112 {strides = array<i32>} : memref<64x128xf32, #tpu.memory_space<vmem>>, vector<1x16xf32>,
    }
    %scan3A_4 = arith.constant 512 : i32
    %mul3A = arith.constant 640 : i32
    %mul3A_5 = arith.muli %arg1, %mul3A : i32
    %add3A = arith.constant 0 : i32
    %add3A_6 = arith.addi %mul3A_5, %add3A : i32
    "tpu.region"() ({
      %run_scoped3A = tpu.sem_alloc : memref<!tpu.dma_semaphore, #tpu.memory_space<semaphore_mem>>
      %dma_start3A = arith.constant 0 : i32
      %dma_start3A_75 = tpu.memref_slice %arg10[%add3A_6, %dma_start3A] : memref<10240x128xf32, #tpu.memory_space<vmem_shared>> -> memref<64x128xf32, #tpu.memory_space<vmem_shared>>
      %dma_start3A_76 = arith.constant 0 : i32
      %dma_start3A_77 = tpu.memref_slice %arg10[%add3A_6, %dma_start3A_76] : memref<10240x128xf32, #tpu.memory_space<vmem_shared>> -> memref<64x128xf32, #tpu.memory_space<vmem_shared>>
      tpu.enqueue_dma source(%arg9 : memref<64x128xf32, #tpu.memory_space<vmem>>) target(%dma_start3A_77 : memref<64x128xf32, #tpu.memory_space<vmem_shared>>) target_semaphore(%run_scoped3A : memref<!tpu.dma_semaphore, #tpu.memory_space<semaphore_mem>>)
      %dma_wait3A = arith.constant 0 : i32
      %dma_wait3A_78 = tpu.memref_slice %arg10[%add3A_6, %dma_wait3A] : memref<10240x128xf32, #tpu.memory_space<vmem_shared>> -> memref<64x128xf32, #tpu.memory_space<vmem_shared>>
      %dma_wait3A_79 = arith.constant 0 : i32
      %dma_wait3A_80 = tpu.memref_slice %arg10[%add3A_6, %dma_wait3A_79] : memref<10240x128xf32, #tpu.memory_space<vmem_shared>> -> memref<64x128xf32, #tpu.memory_space<vmem_shared>>
      tpu.wait_dma2 semaphore(%run_scoped3A : memref<!tpu.dma_semaphore, #tpu.memory_space<semaphore_mem>>) src(%arg9 : memref<64x128xf32, #tpu.memory_space<vmem>>) dst(%dma_wait3A_80 : memref<64x128xf32, #tpu.memory_space<vmem_shared>>)
      tpu.yield
    }) : () -> ()
    %mul3A_7 = arith.constant 640 : i32
    %mul3A_8 = arith.muli %arg1, %mul3A_7 : i32
    %add3A_9 = arith.constant 64 : i32
    %add3A_10 = arith.addi %mul3A_8, %add3A_9 : i32
    "tpu.region"() ({
      %run_scoped3A = tpu.sem_alloc : memref<!tpu.dma_semaphore, #tpu.memory_space<semaphore_mem>>
      %dma_start3A = arith.constant 0 : i32
      %dma_start3A_75 = tpu.memref_slice %arg10[%add3A_10, %dma_start3A] : memref<10240x128xf32, #tpu.memory_space<vmem_shared>> -> memref<64x128xf32, #tpu.memory_space<vmem_shared>>
      %dma_start3A_76 = arith.constant 0 : i32
      %dma_start3A_77 = tpu.memref_slice %arg10[%add3A_10, %dma_start3A_76] : memref<10240x128xf32, #tpu.memory_space<vmem_shared>> -> memref<64x128xf32, #tpu.memory_space<vmem_shared>>
      tpu.enqueue_dma source(%arg9 : memref<64x128xf32, #tpu.memory_space<vmem>>) target(%dma_start3A_77 : memref<64x128xf32, #tpu.memory_space<vmem_shared>>) target_semaphore(%run_scoped3A : memref<!tpu.dma_semaphore, #tpu.memory_space<semaphore_mem>>)
      %dma_wait3A = arith.constant 0 : i32
      %dma_wait3A_78 = tpu.memref_slice %arg10[%add3A_10, %dma_wait3A] : memref<10240x128xf32, #tpu.memory_space<vmem_shared>> -> memref<64x128xf32, #tpu.memory_space<vmem_shared>>
      %dma_wait3A_79 = arith.constant 0 : i32
      %dma_wait3A_80 = tpu.memref_slice %arg10[%add3A_10, %dma_wait3A_79] : memref<10240x128xf32, #tpu.memory_space<vmem_shared>> -> memref<64x128xf32, #tpu.memory_space<vmem_shared>>
      tpu.wait_dma2 semaphore(%run_scoped3A : memref<!tpu.dma_semaphore, #tpu.memory_space<semaphore_mem>>) src(%arg9 : memref<64x128xf32, #tpu.memory_space<vmem>>) dst(%dma_wait3A_80 : memref<64x128xf32, #tpu.memory_space<vmem_shared>>)
      tpu.yield
    }) : () -> ()
    %mul3A_11 = arith.constant 640 : i32
    %mul3A_12 = arith.muli %arg1, %mul3A_11 : i32
    %add3A_13 = arith.constant 128 : i32
    %add3A_14 = arith.addi %mul3A_12, %add3A_13 : i32
    "tpu.region"() ({
      %run_scoped3A = tpu.sem_alloc : memref<!tpu.dma_semaphore, #tpu.memory_space<semaphore_mem>>
      %dma_start3A = arith.constant 0 : i32
      %dma_start3A_75 = tpu.memref_slice %arg10[%add3A_14, %dma_start3A] : memref<10240x128xf32, #tpu.memory_space<vmem_shared>> -> memref<64x128xf32, #tpu.memory_space<vmem_shared>>
      %dma_start3A_76 = arith.constant 0 : i32
      %dma_start3A_77 = tpu.memref_slice %arg10[%add3A_14, %dma_start3A_76] : memref<10240x128xf32, #tpu.memory_space<vmem_shared>> -> memref<64x128xf32, #tpu.memory_space<vmem_shared>>
      tpu.enqueue_dma source(%arg9 : memref<64x128xf32, #tpu.memory_space<vmem>>) target(%dma_start3A_77 : memref<64x128xf32, #tpu.memory_space<vmem_shared>>) target_semaphore(%run_scoped3A : memref<!tpu.dma_semaphore, #tpu.memory_space<semaphore_mem>>)
      %dma_wait3A = arith.constant 0 : i32
      %dma_wait3A_78 = tpu.memref_slice %arg10[%add3A_14, %dma_wait3A] : memref<10240x128xf32, #tpu.memory_space<vmem_shared>> -> memref<64x128xf32, #tpu.memory_space<vmem_shared>>
      %dma_wait3A_79 = arith.constant 0 : i32
      %dma_wait3A_80 = tpu.memref_slice %arg10[%add3A_14, %dma_wait3A_79] : memref<10240x128xf32, #tpu.memory_space<vmem_shared>> -> memref<64x128xf32, #tpu.memory_space<vmem_shared>>
      tpu.wait_dma2 semaphore(%run_scoped3A : memref<!tpu.dma_semaphore, #tpu.memory_space<semaphore_mem>>) src(%arg9 : memref<64x128xf32, #tpu.memory_space<vmem>>) dst(%dma_wait3A_80 : memref<64x128xf32, #tpu.memory_space<vmem_shared>>)
      tpu.yield
    }) : () -> ()
    %mul3A_15 = arith.constant 640 : i32
    %mul3A_16 = arith.muli %arg1, %mul3A_15 : i32
    %add3A_17 = arith.constant 192 : i32
    %add3A_18 = arith.addi %mul3A_16, %add3A_17 : i32
    "tpu.region"() ({
      %run_scoped3A = tpu.sem_alloc : memref<!tpu.dma_semaphore, #tpu.memory_space<semaphore_mem>>
      %dma_start3A = arith.constant 0 : i32
      %dma_start3A_75 = tpu.memref_slice %arg10[%add3A_18, %dma_start3A] : memref<10240x128xf32, #tpu.memory_space<vmem_shared>> -> memref<64x128xf32, #tpu.memory_space<vmem_shared>>
      %dma_start3A_76 = arith.constant 0 : i32
      %dma_start3A_77 = tpu.memref_slice %arg10[%add3A_18, %dma_start3A_76] : memref<10240x128xf32, #tpu.memory_space<vmem_shared>> -> memref<64x128xf32, #tpu.memory_space<vmem_shared>>
      tpu.enqueue_dma source(%arg9 : memref<64x128xf32, #tpu.memory_space<vmem>>) target(%dma_start3A_77 : memref<64x128xf32, #tpu.memory_space<vmem_shared>>) target_semaphore(%run_scoped3A : memref<!tpu.dma_semaphore, #tpu.memory_space<semaphore_mem>>)
      %dma_wait3A = arith.constant 0 : i32
      %dma_wait3A_78 = tpu.memref_slice %arg10[%add3A_18, %dma_wait3A] : memref<10240x128xf32, #tpu.memory_space<vmem_shared>> -> memref<64x128xf32, #tpu.memory_space<vmem_shared>>
      %dma_wait3A_79 = arith.constant 0 : i32
      %dma_wait3A_80 = tpu.memref_slice %arg10[%add3A_18, %dma_wait3A_79] : memref<10240x128xf32, #tpu.memory_space<vmem_shared>> -> memref<64x128xf32, #tpu.memory_space<vmem_shared>>
      tpu.wait_dma2 semaphore(%run_scoped3A : memref<!tpu.dma_semaphore, #tpu.memory_space<semaphore_mem>>) src(%arg9 : memref<64x128xf32, #tpu.memory_space<vmem>>) dst(%dma_wait3A_80 : memref<64x128xf32, #tpu.memory_space<vmem_shared>>)
      tpu.yield
    }) : () -> ()
    %mul3A_19 = arith.constant 640 : i32
    %mul3A_20 = arith.muli %arg1, %mul3A_19 : i32
    %add3A_21 = arith.constant 256 : i32
    %add3A_22 = arith.addi %mul3A_20, %add3A_21 : i32
    "tpu.region"() ({
      %run_scoped3A = tpu.sem_alloc : memref<!tpu.dma_semaphore, #tpu.memory_space<semaphore_mem>>
      %dma_start3A = arith.constant 0 : i32
      %dma_start3A_75 = tpu.memref_slice %arg10[%add3A_22, %dma_start3A] : memref<10240x128xf32, #tpu.memory_space<vmem_shared>> -> memref<64x128xf32, #tpu.memory_space<vmem_shared>>
      %dma_start3A_76 = arith.constant 0 : i32
      %dma_start3A_77 = tpu.memref_slice %arg10[%add3A_22, %dma_start3A_76] : memref<10240x128xf32, #tpu.memory_space<vmem_shared>> -> memref<64x128xf32, #tpu.memory_space<vmem_shared>>
      tpu.enqueue_dma source(%arg9 : memref<64x128xf32, #tpu.memory_space<vmem>>) target(%dma_start3A_77 : memref<64x128xf32, #tpu.memory_space<vmem_shared>>) target_semaphore(%run_scoped3A : memref<!tpu.dma_semaphore, #tpu.memory_space<semaphore_mem>>)
      %dma_wait3A = arith.constant 0 : i32
      %dma_wait3A_78 = tpu.memref_slice %arg10[%add3A_22, %dma_wait3A] : memref<10240x128xf32, #tpu.memory_space<vmem_shared>> -> memref<64x128xf32, #tpu.memory_space<vmem_shared>>
      %dma_wait3A_79 = arith.constant 0 : i32
      %dma_wait3A_80 = tpu.memref_slice %arg10[%add3A_22, %dma_wait3A_79] : memref<10240x128xf32, #tpu.memory_space<vmem_shared>> -> memref<64x128xf32, #tpu.memory_space<vmem_shared>>
      tpu.wait_dma2 semaphore(%run_scoped3A : memref<!tpu.dma_semaphore, #tpu.memory_space<semaphore_mem>>) src(%arg9 : memref<64x128xf32, #tpu.memory_space<vmem>>) dst(%dma_wait3A_80 : memref<64x128xf32, #tpu.memory_space<vmem_shared>>)
      tpu.yield
    }) : () -> ()
    %mul3A_23 = arith.constant 640 : i32
    %mul3A_24 = arith.muli %arg1, %mul3A_23 : i32
    %add3A_25 = arith.constant 320 : i32
    %add3A_26 = arith.addi %mul3A_24, %add3A_25 : i32
    "tpu.region"() ({
      %run_scoped3A = tpu.sem_alloc : memref<!tpu.dma_semaphore, #tpu.memory_space<semaphore_mem>>
      %dma_start3A = arith.constant 0 : i32
      %dma_start3A_75 = tpu.memref_slice %arg10[%add3A_26, %dma_start3A] : memref<10240x128xf32, #tpu.memory_space<vmem_shared>> -> memref<64x128xf32, #tpu.memory_space<vmem_shared>>
      %dma_start3A_76 = arith.constant 0 : i32
      %dma_start3A_77 = tpu.memref_slice %arg10[%add3A_26, %dma_start3A_76] : memref<10240x128xf32, #tpu.memory_space<vmem_shared>> -> memref<64x128xf32, #tpu.memory_space<vmem_shared>>
      tpu.enqueue_dma source(%arg9 : memref<64x128xf32, #tpu.memory_space<vmem>>) target(%dma_start3A_77 : memref<64x128xf32, #tpu.memory_space<vmem_shared>>) target_semaphore(%run_scoped3A : memref<!tpu.dma_semaphore, #tpu.memory_space<semaphore_mem>>)
      %dma_wait3A = arith.constant 0 : i32
      %dma_wait3A_78 = tpu.memref_slice %arg10[%add3A_26, %dma_wait3A] : memref<10240x128xf32, #tpu.memory_space<vmem_shared>> -> memref<64x128xf32, #tpu.memory_space<vmem_shared>>
      %dma_wait3A_79 = arith.constant 0 : i32
      %dma_wait3A_80 = tpu.memref_slice %arg10[%add3A_26, %dma_wait3A_79] : memref<10240x128xf32, #tpu.memory_space<vmem_shared>> -> memref<64x128xf32, #tpu.memory_space<vmem_shared>>
      tpu.wait_dma2 semaphore(%run_scoped3A : memref<!tpu.dma_semaphore, #tpu.memory_space<semaphore_mem>>) src(%arg9 : memref<64x128xf32, #tpu.memory_space<vmem>>) dst(%dma_wait3A_80 : memref<64x128xf32, #tpu.memory_space<vmem_shared>>)
      tpu.yield
    }) : () -> ()
    %mul3A_27 = arith.constant 640 : i32
    %mul3A_28 = arith.muli %arg1, %mul3A_27 : i32
    %add3A_29 = arith.constant 384 : i32
    %add3A_30 = arith.addi %mul3A_28, %add3A_29 : i32
    "tpu.region"() ({
      %run_scoped3A = tpu.sem_alloc : memref<!tpu.dma_semaphore, #tpu.memory_space<semaphore_mem>>
      %dma_start3A = arith.constant 0 : i32
      %dma_start3A_75 = tpu.memref_slice %arg10[%add3A_30, %dma_start3A] : memref<10240x128xf32, #tpu.memory_space<vmem_shared>> -> memref<64x128xf32, #tpu.memory_space<vmem_shared>>
      %dma_start3A_76 = arith.constant 0 : i32
      %dma_start3A_77 = tpu.memref_slice %arg10[%add3A_30, %dma_start3A_76] : memref<10240x128xf32, #tpu.memory_space<vmem_shared>> -> memref<64x128xf32, #tpu.memory_space<vmem_shared>>
      tpu.enqueue_dma source(%arg9 : memref<64x128xf32, #tpu.memory_space<vmem>>) target(%dma_start3A_77 : memref<64x128xf32, #tpu.memory_space<vmem_shared>>) target_semaphore(%run_scoped3A : memref<!tpu.dma_semaphore, #tpu.memory_space<semaphore_mem>>)
      %dma_wait3A = arith.constant 0 : i32
      %dma_wait3A_78 = tpu.memref_slice %arg10[%add3A_30, %dma_wait3A] : memref<10240x128xf32, #tpu.memory_space<vmem_shared>> -> memref<64x128xf32, #tpu.memory_space<vmem_shared>>
      %dma_wait3A_79 = arith.constant 0 : i32
      %dma_wait3A_80 = tpu.memref_slice %arg10[%add3A_30, %dma_wait3A_79] : memref<10240x128xf32, #tpu.memory_space<vmem_shared>> -> memref<64x128xf32, #tpu.memory_space<vmem_shared>>
      tpu.wait_dma2 semaphore(%run_scoped3A : memref<!tpu.dma_semaphore, #tpu.memory_space<semaphore_mem>>) src(%arg9 : memref<64x128xf32, #tpu.memory_space<vmem>>) dst(%dma_wait3A_80 : memref<64x128xf32, #tpu.memory_space<vmem_shared>>)
      tpu.yield
    }) : () -> ()
    %mul3A_31 = arith.constant 640 : i32
    %mul3A_32 = arith.muli %arg1, %mul3A_31 : i32
    %add3A_33 = arith.constant 448 : i32
    %add3A_34 = arith.addi %mul3A_32, %add3A_33 : i32
    "tpu.region"() ({
      %run_scoped3A = tpu.sem_alloc : memref<!tpu.dma_semaphore, #tpu.memory_space<semaphore_mem>>
      %dma_start3A = arith.constant 0 : i32
      %dma_start3A_75 = tpu.memref_slice %arg10[%add3A_34, %dma_start3A] : memref<10240x128xf32, #tpu.memory_space<vmem_shared>> -> memref<64x128xf32, #tpu.memory_space<vmem_shared>>
      %dma_start3A_76 = arith.constant 0 : i32
      %dma_start3A_77 = tpu.memref_slice %arg10[%add3A_34, %dma_start3A_76] : memref<10240x128xf32, #tpu.memory_space<vmem_shared>> -> memref<64x128xf32, #tpu.memory_space<vmem_shared>>
      tpu.enqueue_dma source(%arg9 : memref<64x128xf32, #tpu.memory_space<vmem>>) target(%dma_start3A_77 : memref<64x128xf32, #tpu.memory_space<vmem_shared>>) target_semaphore(%run_scoped3A : memref<!tpu.dma_semaphore, #tpu.memory_space<semaphore_mem>>)
      %dma_wait3A = arith.constant 0 : i32
      %dma_wait3A_78 = tpu.memref_slice %arg10[%add3A_34, %dma_wait3A] : memref<10240x128xf32, #tpu.memory_space<vmem_shared>> -> memref<64x128xf32, #tpu.memory_space<vmem_shared>>
      %dma_wait3A_79 = arith.constant 0 : i32
      %dma_wait3A_80 = tpu.memref_slice %arg10[%add3A_34, %dma_wait3A_79] : memref<10240x128xf32, #tpu.memory_space<vmem_shared>> -> memref<64x128xf32, #tpu.memory_space<vmem_shared>>
      tpu.wait_dma2 semaphore(%run_scoped3A : memref<!tpu.dma_semaphore, #tpu.memory_space<semaphore_mem>>) src(%arg9 : memref<64x128xf32, #tpu.memory_space<vmem>>) dst(%dma_wait3A_80 : memref<64x128xf32, #tpu.memory_space<vmem_shared>>)
      tpu.yield
    }) : () -> ()
    %mul3A_35 = arith.constant 640 : i32
    %mul3A_36 = arith.muli %arg1, %mul3A_35 : i32
    %add3A_37 = arith.constant 512 : i32
    %add3A_38 = arith.addi %mul3A_36, %add3A_37 : i32
    "tpu.region"() ({
      %run_scoped3A = tpu.sem_alloc : memref<!tpu.dma_semaphore, #tpu.memory_space<semaphore_mem>>
      %dma_start3A = arith.constant 0 : i32
      %dma_start3A_75 = tpu.memref_slice %arg10[%add3A_38, %dma_start3A] : memref<10240x128xf32, #tpu.memory_space<vmem_shared>> -> memref<64x128xf32, #tpu.memory_space<vmem_shared>>
      %dma_start3A_76 = arith.constant 0 : i32
      %dma_start3A_77 = tpu.memref_slice %arg10[%add3A_38, %dma_start3A_76] : memref<10240x128xf32, #tpu.memory_space<vmem_shared>> -> memref<64x128xf32, #tpu.memory_space<vmem_shared>>
      tpu.enqueue_dma source(%arg9 : memref<64x128xf32, #tpu.memory_space<vmem>>) target(%dma_start3A_77 : memref<64x128xf32, #tpu.memory_space<vmem_shared>>) target_semaphore(%run_scoped3A : memref<!tpu.dma_semaphore, #tpu.memory_space<semaphore_mem>>)
      %dma_wait3A = arith.constant 0 : i32
      %dma_wait3A_78 = tpu.memref_slice %arg10[%add3A_38, %dma_wait3A] : memref<10240x128xf32, #tpu.memory_space<vmem_shared>> -> memref<64x128xf32, #tpu.memory_space<vmem_shared>>
      %dma_wait3A_79 = arith.constant 0 : i32
      %dma_wait3A_80 = tpu.memref_slice %arg10[%add3A_38, %dma_wait3A_79] : memref<10240x128xf32, #tpu.memory_space<vmem_shared>> -> memref<64x128xf32, #tpu.memory_space<vmem_shared>>
      tpu.wait_dma2 semaphore(%run_scoped3A : memref<!tpu.dma_semaphore, #tpu.memory_space<semaphore_mem>>) src(%arg9 : memref<64x128xf32, #tpu.memory_space<vmem>>) dst(%dma_wait3A_80 : memref<64x128xf32, #tpu.memory_space<vmem_shared>>)
      tpu.yield
    }) : () -> ()
    %mul3A_39 = arith.constant 640 : i32
    %mul3A_40 = arith.muli %arg1, %mul3A_39 : i32
    %add3A_41 = arith.constant 576 : i32
    %add3A_42 = arith.addi %mul3A_40, %add3A_41 : i32
    "tpu.region"() ({
      %run_scoped3A = tpu.sem_alloc : memref<!tpu.dma_semaphore, #tpu.memory_space<semaphore_mem>>
      %dma_start3A = arith.constant 0 : i32
      %dma_start3A_75 = tpu.memref_slice %arg10[%add3A_42, %dma_start3A] : memref<10240x128xf32, #tpu.memory_space<vmem_shared>> -> memref<64x128xf32, #tpu.memory_space<vmem_shared>>
      %dma_start3A_76 = arith.constant 0 : i32
      %dma_start3A_77 = tpu.memref_slice %arg10[%add3A_42, %dma_start3A_76] : memref<10240x128xf32, #tpu.memory_space<vmem_shared>> -> memref<64x128xf32, #tpu.memory_space<vmem_shared>>
      tpu.enqueue_dma source(%arg9 : memref<64x128xf32, #tpu.memory_space<vmem>>) target(%dma_start3A_77 : memref<64x128xf32, #tpu.memory_space<vmem_shared>>) target_semaphore(%run_scoped3A : memref<!tpu.dma_semaphore, #tpu.memory_space<semaphore_mem>>)
      %dma_wait3A = arith.constant 0 : i32
      %dma_wait3A_78 = tpu.memref_slice %arg10[%add3A_42, %dma_wait3A] : memref<10240x128xf32, #tpu.memory_space<vmem_shared>> -> memref<64x128xf32, #tpu.memory_space<vmem_shared>>
      %dma_wait3A_79 = arith.constant 0 : i32
      %dma_wait3A_80 = tpu.memref_slice %arg10[%add3A_42, %dma_wait3A_79] : memref<10240x128xf32, #tpu.memory_space<vmem_shared>> -> memref<64x128xf32, #tpu.memory_space<vmem_shared>>
      tpu.wait_dma2 semaphore(%run_scoped3A : memref<!tpu.dma_semaphore, #tpu.memory_space<semaphore_mem>>) src(%arg9 : memref<64x128xf32, #tpu.memory_space<vmem>>) dst(%dma_wait3A_80 : memref<64x128xf32, #tpu.memory_space<vmem_shared>>)
      tpu.yield
    }) : () -> ()
    %barrier3A = arith.constant 0 : index
    tpu.barrier barrier_id(%barrier3A)
    %mul3A_43 = arith.constant 16 : i32
    %mul3A_44 = arith.muli %arg0, %mul3A_43 : i32
    %add3A_45 = arith.addi %mul3A_44, %arg1 : i32
    %mul3A_46 = arith.constant 10112 : i32
    %mul3A_47 = arith.muli %add3A_45, %mul3A_46 : i32
    %scan3A_48 = arith.constant 0 : i32
    %scan3A_49 = arith.constant 0 : i32
    %scan3A_50 = arith.constant 79 : i32
    %scan3A_51 = arith.addi %scan3A_49, %scan3A_50 : i32
    %scan3A_52 = arith.constant 1 : i32
    scf.for %scan3A_75 = %scan3A_49 to %scan3A_51 step %scan3A_52  : i32 {
      %mul3A_76 = arith.constant 128 : i32
      %mul3A_77 = arith.muli %scan3A_75, %mul3A_76 : i32
      %add3A_78 = arith.addi %mul3A_47, %mul3A_77 : i32
      "tpu.region"() ({
        %run_scoped3A = tpu.sem_alloc : memref<!tpu.dma_semaphore, #tpu.memory_space<semaphore_mem>>
        %dma_start3A_83 = tpu.memref_slice %arg3[%add3A_78] : memref<323584xi32, #tpu.memory_space<hbm>> -> memref<128xi32, #tpu.memory_space<hbm>>
        %dma_start3A_84 = tpu.memref_slice %arg3[%add3A_78] : memref<323584xi32, #tpu.memory_space<hbm>> -> memref<128xi32, #tpu.memory_space<hbm>>
        tpu.enqueue_dma source(%dma_start3A_84 : memref<128xi32, #tpu.memory_space<hbm>>) target(%arg6 : memref<128xi32, #tpu.memory_space<vmem>>) target_semaphore(%run_scoped3A : memref<!tpu.dma_semaphore, #tpu.memory_space<semaphore_mem>>)
        %dma_wait3A_85 = tpu.memref_slice %arg3[%add3A_78] : memref<323584xi32, #tpu.memory_space<hbm>> -> memref<128xi32, #tpu.memory_space<hbm>>
        %dma_wait3A_86 = tpu.memref_slice %arg3[%add3A_78] : memref<323584xi32, #tpu.memory_space<hbm>> -> memref<128xi32, #tpu.memory_space<hbm>>
        tpu.wait_dma2 semaphore(%run_scoped3A : memref<!tpu.dma_semaphore, #tpu.memory_space<semaphore_mem>>) src(%dma_wait3A_86 : memref<128xi32, #tpu.memory_space<hbm>>) dst(%arg6 : memref<128xi32, #tpu.memory_space<vmem>>)
        tpu.yield
      }) : () -> ()
      "tpu.region"() ({
        %run_scoped3A = tpu.sem_alloc : memref<!tpu.dma_semaphore, #tpu.memory_space<semaphore_mem>>
        %dma_start3A_83 = tpu.memref_slice %arg4[%add3A_78] : memref<323584xi32, #tpu.memory_space<hbm>> -> memref<128xi32, #tpu.memory_space<hbm>>
        %dma_start3A_84 = tpu.memref_slice %arg4[%add3A_78] : memref<323584xi32, #tpu.memory_space<hbm>> -> memref<128xi32, #tpu.memory_space<hbm>>
        tpu.enqueue_dma source(%dma_start3A_84 : memref<128xi32, #tpu.memory_space<hbm>>) target(%arg7 : memref<128xi32, #tpu.memory_space<vmem>>) target_semaphore(%run_scoped3A : memref<!tpu.dma_semaphore, #tpu.memory_space<semaphore_mem>>)
        %dma_wait3A_85 = tpu.memref_slice %arg4[%add3A_78] : memref<323584xi32, #tpu.memory_space<hbm>> -> memref<128xi32, #tpu.memory_space<hbm>>
        %dma_wait3A_86 = tpu.memref_slice %arg4[%add3A_78] : memref<323584xi32, #tpu.memory_space<hbm>> -> memref<128xi32, #tpu.memory_space<hbm>>
        tpu.wait_dma2 semaphore(%run_scoped3A : memref<!tpu.dma_semaphore, #tpu.memory_space<semaphore_mem>>) src(%dma_wait3A_86 : memref<128xi32, #tpu.memory_space<hbm>>) dst(%arg7 : memref<128xi32, #tpu.memory_space<vmem>>)
        tpu.yield
      }) : () -> ()
      %dma_start3A = arith.constant 0 : i32
      %dma_start3A_79 = arith.constant 0 : i32
      %dma_start3A_80 = tpu.memref_slice %arg2[%dma_start3A, %dma_start3A_79] : memref<10000x128xf32, #tpu.memory_space<hbm>> -> memref<10000x128xf32, #tpu.memory_space<hbm>>
      tpu.enqueue_indirect_dma source(%dma_start3A_80 : memref<10000x128xf32, #tpu.memory_space<hbm>>) target(%arg8 : memref<128x128xf32, #tpu.memory_space<vmem>>) offsets(%arg6 : memref<128xi32, #tpu.memory_space<vmem>>) semaphore(%arg11 : memref<!tpu.dma_semaphore, #tpu.memory_space<semaphore_mem>>)
      %dma_wait3A = arith.constant 0 : i32
      %dma_wait3A_81 = arith.constant 0 : i32
      %dma_wait3A_82 = tpu.memref_slice %arg2[%dma_wait3A, %dma_wait3A_81] : memref<10000x128xf32, #tpu.memory_space<hbm>> -> memref<10000x128xf32, #tpu.memory_space<hbm>>
      tpu.wait_indirect_dma semaphore(%arg11 : memref<!tpu.dma_semaphore, #tpu.memory_space<semaphore_mem>>) src(%dma_wait3A_82 : memref<10000x128xf32, #tpu.memory_space<hbm>>) dst(%arg8 : memref<128x128xf32, #tpu.memory_space<vmem>>)
      "tpu.region"() ({
        %run_scoped3A = tpu.sem_alloc : memref<!tpu.dma_semaphore, #tpu.memory_space<semaphore_mem>>
        %dma_start3A_83 = arith.constant 0 : i32
        %dma_start3A_84 = arith.constant 0 : i32
        %dma_start3A_85 = tpu.memref_slice %arg10[%dma_start3A_83, %dma_start3A_84] : memref<10240x128xf32, #tpu.memory_space<vmem_shared>> -> memref<10240x128xf32, #tpu.memory_space<vmem_shared>>
        tpu.enqueue_indirect_dma source(%arg8 : memref<128x128xf32, #tpu.memory_space<vmem>>) target(%dma_start3A_85 : memref<10240x128xf32, #tpu.memory_space<vmem_shared>>) offsets(%arg7 : memref<128xi32, #tpu.memory_space<vmem>>) semaphore(%run_scoped3A : memref<!tpu.dma_semaphore, #tpu.memory_space<semaphore_mem>>) {add = true}
        %dma_wait3A_86 = arith.constant 0 : i32
        %dma_wait3A_87 = arith.constant 0 : i32
        %dma_wait3A_88 = tpu.memref_slice %arg10[%dma_wait3A_86, %dma_wait3A_87] : memref<10240x128xf32, #tpu.memory_space<vmem_shared>> -> memref<10240x128xf32, #tpu.memory_space<vmem_shared>>
        tpu.wait_indirect_dma semaphore(%run_scoped3A : memref<!tpu.dma_semaphore, #tpu.memory_space<semaphore_mem>>) src(%arg8 : memref<128x128xf32, #tpu.memory_space<vmem>>) dst(%dma_wait3A_88 : memref<10240x128xf32, #tpu.memory_space<vmem_shared>>)
        tpu.yield
      }) : () -> ()
    }
    %scan3A_53 = arith.constant 79 : i32
    %barrier3A_54 = arith.constant 0 : index
    tpu.barrier barrier_id(%barrier3A_54)
    %mul3A_55 = arith.constant 640 : i32
    %mul3A_56 = arith.muli %arg1, %mul3A_55 : i32
    %add3A_57 = arith.constant 0 : i32
    %add3A_58 = arith.addi %mul3A_56, %add3A_57 : i32
    "tpu.region"() ({
      %run_scoped3A = tpu.sem_alloc : memref<!tpu.dma_semaphore, #tpu.memory_space<semaphore_mem>>
      %dma_start3A = arith.constant 0 : i32
      %dma_start3A_75 = tpu.memref_slice %arg10[%add3A_58, %dma_start3A] : memref<10240x128xf32, #tpu.memory_space<vmem_shared>> -> memref<128x128xf32, #tpu.memory_space<vmem_shared>>
      %dma_start3A_76 = arith.constant 0 : i32
      %dma_start3A_77 = tpu.memref_slice %arg10[%add3A_58, %dma_start3A_76] : memref<10240x128xf32, #tpu.memory_space<vmem_shared>> -> memref<128x128xf32, #tpu.memory_space<vmem_shared>>
      tpu.enqueue_dma source(%dma_start3A_77 : memref<128x128xf32, #tpu.memory_space<vmem_shared>>) target(%arg8 : memref<128x128xf32, #tpu.memory_space<vmem>>) target_semaphore(%run_scoped3A : memref<!tpu.dma_semaphore, #tpu.memory_space<semaphore_mem>>)
      %dma_wait3A = arith.constant 0 : i32
      %dma_wait3A_78 = tpu.memref_slice %arg10[%add3A_58, %dma_wait3A] : memref<10240x128xf32, #tpu.memory_space<vmem_shared>> -> memref<128x128xf32, #tpu.memory_space<vmem_shared>>
      %dma_wait3A_79 = arith.constant 0 : i32
      %dma_wait3A_80 = tpu.memref_slice %arg10[%add3A_58, %dma_wait3A_79] : memref<10240x128xf32, #tpu.memory_space<vmem_shared>> -> memref<128x128xf32, #tpu.memory_space<vmem_shared>>
      tpu.wait_dma2 semaphore(%run_scoped3A : memref<!tpu.dma_semaphore, #tpu.memory_space<semaphore_mem>>) src(%dma_wait3A_80 : memref<128x128xf32, #tpu.memory_space<vmem_shared>>) dst(%arg8 : memref<128x128xf32, #tpu.memory_space<vmem>>)
      tpu.yield
    }) : () -> ()
    "tpu.region"() ({
      %run_scoped3A = tpu.sem_alloc : memref<!tpu.dma_semaphore, #tpu.memory_space<semaphore_mem>>
      %dma_start3A = arith.constant 0 : i32
      %dma_start3A_75 = tpu.memref_slice %arg5[%arg0, %add3A_58, %dma_start3A] : memref<2x10240x128xf32, #tpu.memory_space<hbm>> -> memref<1x128x128xf32, #tpu.memory_space<hbm>>
      %dma_start3A_76 = tpu.memref_squeeze %dma_start3A_75 : memref<1x128x128xf32, #tpu.memory_space<hbm>> -> memref<128x128xf32, #tpu.memory_space<hbm>>
      %dma_start3A_77 = arith.constant 0 : i32
      %dma_start3A_78 = tpu.memref_slice %arg5[%arg0, %add3A_58, %dma_start3A_77] : memref<2x10240x128xf32, #tpu.memory_space<hbm>> -> memref<1x128x128xf32, #tpu.memory_space<hbm>>
      %dma_start3A_79 = tpu.memref_squeeze %dma_start3A_78 : memref<1x128x128xf32, #tpu.memory_space<hbm>> -> memref<128x128xf32, #tpu.memory_space<hbm>>
      tpu.enqueue_dma source(%arg8 : memref<128x128xf32, #tpu.memory_space<vmem>>) target(%dma_start3A_79 : memref<128x128xf32, #tpu.memory_space<hbm>>) target_semaphore(%run_scoped3A : memref<!tpu.dma_semaphore, #tpu.memory_space<semaphore_mem>>)
      %dma_wait3A = arith.constant 0 : i32
      %dma_wait3A_80 = tpu.memref_slice %arg5[%arg0, %add3A_58, %dma_wait3A] : memref<2x10240x128xf32, #tpu.memory_space<hbm>> -> memref<1x128x128xf32, #tpu.memory_space<hbm>>
      %dma_wait3A_81 = tpu.memref_squeeze %dma_wait3A_80 : memref<1x128x128xf32, #tpu.memory_space<hbm>> -> memref<128x128xf32, #tpu.memory_space<hbm>>
      %dma_wait3A_82 = arith.constant 0 : i32
      %dma_wait3A_83 = tpu.memref_slice %arg5[%arg0, %add3A_58, %dma_wait3A_82] : memref<2x10240x128xf32, #tpu.memory_space<hbm>> -> memref<1x128x128xf32, #tpu.memory_space<hbm>>
      %dma_wait3A_84 = tpu.memref_squeeze %dma_wait3A_83 : memref<1x128x128xf32, #tpu.memory_space<hbm>> -> memref<128x128xf32, #tpu.memory_space<hbm>>
      tpu.wait_dma2 semaphore(%run_scoped3A : memref<!tpu.dma_semaphore, #tpu.memory_space<semaphore_mem>>) src(%arg8 : memref<128x128xf32, #tpu.memory_space<vmem>>) dst(%dma_wait3A_84 : memref<128x128xf32, #tpu.memory_space<hbm>>)
      tpu.yield
    }) : () -> ()
    %mul3A_59 = arith.constant 640 : i32
    %mul3A_60 = arith.muli %arg1, %mul3A_59 : i32
    %add3A_61 = arith.constant 128 : i32
    %add3A_62 = arith.addi %mul3A_60, %add3A_61 : i32
    "tpu.region"() ({
      %run_scoped3A = tpu.sem_alloc : memref<!tpu.dma_semaphore, #tpu.memory_space<semaphore_mem>>
      %dma_start3A = arith.constant 0 : i32
      %dma_start3A_75 = tpu.memref_slice %arg10[%add3A_62, %dma_start3A] : memref<10240x128xf32, #tpu.memory_space<vmem_shared>> -> memref<128x128xf32, #tpu.memory_space<vmem_shared>>
      %dma_start3A_76 = arith.constant 0 : i32
      %dma_start3A_77 = tpu.memref_slice %arg10[%add3A_62, %dma_start3A_76] : memref<10240x128xf32, #tpu.memory_space<vmem_shared>> -> memref<128x128xf32, #tpu.memory_space<vmem_shared>>
      tpu.enqueue_dma source(%dma_start3A_77 : memref<128x128xf32, #tpu.memory_space<vmem_shared>>) target(%arg8 : memref<128x128xf32, #tpu.memory_space<vmem>>) target_semaphore(%run_scoped3A : memref<!tpu.dma_semaphore, #tpu.memory_space<semaphore_mem>>)
      %dma_wait3A = arith.constant 0 : i32
      %dma_wait3A_78 = tpu.memref_slice %arg10[%add3A_62, %dma_wait3A] : memref<10240x128xf32, #tpu.memory_space<vmem_shared>> -> memref<128x128xf32, #tpu.memory_space<vmem_shared>>
      %dma_wait3A_79 = arith.constant 0 : i32
      %dma_wait3A_80 = tpu.memref_slice %arg10[%add3A_62, %dma_wait3A_79] : memref<10240x128xf32, #tpu.memory_space<vmem_shared>> -> memref<128x128xf32, #tpu.memory_space<vmem_shared>>
      tpu.wait_dma2 semaphore(%run_scoped3A : memref<!tpu.dma_semaphore, #tpu.memory_space<semaphore_mem>>) src(%dma_wait3A_80 : memref<128x128xf32, #tpu.memory_space<vmem_shared>>) dst(%arg8 : memref<128x128xf32, #tpu.memory_space<vmem>>)
      tpu.yield
    }) : () -> ()
    "tpu.region"() ({
      %run_scoped3A = tpu.sem_alloc : memref<!tpu.dma_semaphore, #tpu.memory_space<semaphore_mem>>
      %dma_start3A = arith.constant 0 : i32
      %dma_start3A_75 = tpu.memref_slice %arg5[%arg0, %add3A_62, %dma_start3A] : memref<2x10240x128xf32, #tpu.memory_space<hbm>> -> memref<1x128x128xf32, #tpu.memory_space<hbm>>
      %dma_start3A_76 = tpu.memref_squeeze %dma_start3A_75 : memref<1x128x128xf32, #tpu.memory_space<hbm>> -> memref<128x128xf32, #tpu.memory_space<hbm>>
      %dma_start3A_77 = arith.constant 0 : i32
      %dma_start3A_78 = tpu.memref_slice %arg5[%arg0, %add3A_62, %dma_start3A_77] : memref<2x10240x128xf32, #tpu.memory_space<hbm>> -> memref<1x128x128xf32, #tpu.memory_space<hbm>>
      %dma_start3A_79 = tpu.memref_squeeze %dma_start3A_78 : memref<1x128x128xf32, #tpu.memory_space<hbm>> -> memref<128x128xf32, #tpu.memory_space<hbm>>
      tpu.enqueue_dma source(%arg8 : memref<128x128xf32, #tpu.memory_space<vmem>>) target(%dma_start3A_79 : memref<128x128xf32, #tpu.memory_space<hbm>>) target_semaphore(%run_scoped3A : memref<!tpu.dma_semaphore, #tpu.memory_space<semaphore_mem>>)
      %dma_wait3A = arith.constant 0 : i32
      %dma_wait3A_80 = tpu.memref_slice %arg5[%arg0, %add3A_62, %dma_wait3A] : memref<2x10240x128xf32, #tpu.memory_space<hbm>> -> memref<1x128x128xf32, #tpu.memory_space<hbm>>
      %dma_wait3A_81 = tpu.memref_squeeze %dma_wait3A_80 : memref<1x128x128xf32, #tpu.memory_space<hbm>> -> memref<128x128xf32, #tpu.memory_space<hbm>>
      %dma_wait3A_82 = arith.constant 0 : i32
      %dma_wait3A_83 = tpu.memref_slice %arg5[%arg0, %add3A_62, %dma_wait3A_82] : memref<2x10240x128xf32, #tpu.memory_space<hbm>> -> memref<1x128x128xf32, #tpu.memory_space<hbm>>
      %dma_wait3A_84 = tpu.memref_squeeze %dma_wait3A_83 : memref<1x128x128xf32, #tpu.memory_space<hbm>> -> memref<128x128xf32, #tpu.memory_space<hbm>>
      tpu.wait_dma2 semaphore(%run_scoped3A : memref<!tpu.dma_semaphore, #tpu.memory_space<semaphore_mem>>) src(%arg8 : memref<128x128xf32, #tpu.memory_space<vmem>>) dst(%dma_wait3A_84 : memref<128x128xf32, #tpu.memory_space<hbm>>)
      tpu.yield
    }) : () -> ()
    %mul3A_63 = arith.constant 640 : i32
    %mul3A_64 = arith.muli %arg1, %mul3A_63 : i32
    %add3A_65 = arith.constant 256 : i32
    %add3A_66 = arith.addi %mul3A_64, %add3A_65 : i32
    "tpu.region"() ({
      %run_scoped3A = tpu.sem_alloc : memref<!tpu.dma_semaphore, #tpu.memory_space<semaphore_mem>>
      %dma_start3A = arith.constant 0 : i32
      %dma_start3A_75 = tpu.memref_slice %arg10[%add3A_66, %dma_start3A] : memref<10240x128xf32, #tpu.memory_space<vmem_shared>> -> memref<128x128xf32, #tpu.memory_space<vmem_shared>>
      %dma_start3A_76 = arith.constant 0 : i32
      %dma_start3A_77 = tpu.memref_slice %arg10[%add3A_66, %dma_start3A_76] : memref<10240x128xf32, #tpu.memory_space<vmem_shared>> -> memref<128x128xf32, #tpu.memory_space<vmem_shared>>
      tpu.enqueue_dma source(%dma_start3A_77 : memref<128x128xf32, #tpu.memory_space<vmem_shared>>) target(%arg8 : memref<128x128xf32, #tpu.memory_space<vmem>>) target_semaphore(%run_scoped3A : memref<!tpu.dma_semaphore, #tpu.memory_space<semaphore_mem>>)
      %dma_wait3A = arith.constant 0 : i32
      %dma_wait3A_78 = tpu.memref_slice %arg10[%add3A_66, %dma_wait3A] : memref<10240x128xf32, #tpu.memory_space<vmem_shared>> -> memref<128x128xf32, #tpu.memory_space<vmem_shared>>
      %dma_wait3A_79 = arith.constant 0 : i32
      %dma_wait3A_80 = tpu.memref_slice %arg10[%add3A_66, %dma_wait3A_79] : memref<10240x128xf32, #tpu.memory_space<vmem_shared>> -> memref<128x128xf32, #tpu.memory_space<vmem_shared>>
      tpu.wait_dma2 semaphore(%run_scoped3A : memref<!tpu.dma_semaphore, #tpu.memory_space<semaphore_mem>>) src(%dma_wait3A_80 : memref<128x128xf32, #tpu.memory_space<vmem_shared>>) dst(%arg8 : memref<128x128xf32, #tpu.memory_space<vmem>>)
      tpu.yield
    }) : () -> ()
    "tpu.region"() ({
      %run_scoped3A = tpu.sem_alloc : memref<!tpu.dma_semaphore, #tpu.memory_space<semaphore_mem>>
      %dma_start3A = arith.constant 0 : i32
      %dma_start3A_75 = tpu.memref_slice %arg5[%arg0, %add3A_66, %dma_start3A] : memref<2x10240x128xf32, #tpu.memory_space<hbm>> -> memref<1x128x128xf32, #tpu.memory_space<hbm>>
      %dma_start3A_76 = tpu.memref_squeeze %dma_start3A_75 : memref<1x128x128xf32, #tpu.memory_space<hbm>> -> memref<128x128xf32, #tpu.memory_space<hbm>>
      %dma_start3A_77 = arith.constant 0 : i32
      %dma_start3A_78 = tpu.memref_slice %arg5[%arg0, %add3A_66, %dma_start3A_77] : memref<2x10240x128xf32, #tpu.memory_space<hbm>> -> memref<1x128x128xf32, #tpu.memory_space<hbm>>
      %dma_start3A_79 = tpu.memref_squeeze %dma_start3A_78 : memref<1x128x128xf32, #tpu.memory_space<hbm>> -> memref<128x128xf32, #tpu.memory_space<hbm>>
      tpu.enqueue_dma source(%arg8 : memref<128x128xf32, #tpu.memory_space<vmem>>) target(%dma_start3A_79 : memref<128x128xf32, #tpu.memory_space<hbm>>) target_semaphore(%run_scoped3A : memref<!tpu.dma_semaphore, #tpu.memory_space<semaphore_mem>>)
      %dma_wait3A = arith.constant 0 : i32
      %dma_wait3A_80 = tpu.memref_slice %arg5[%arg0, %add3A_66, %dma_wait3A] : memref<2x10240x128xf32, #tpu.memory_space<hbm>> -> memref<1x128x128xf32, #tpu.memory_space<hbm>>
      %dma_wait3A_81 = tpu.memref_squeeze %dma_wait3A_80 : memref<1x128x128xf32, #tpu.memory_space<hbm>> -> memref<128x128xf32, #tpu.memory_space<hbm>>
      %dma_wait3A_82 = arith.constant 0 : i32
      %dma_wait3A_83 = tpu.memref_slice %arg5[%arg0, %add3A_66, %dma_wait3A_82] : memref<2x10240x128xf32, #tpu.memory_space<hbm>> -> memref<1x128x128xf32, #tpu.memory_space<hbm>>
      %dma_wait3A_84 = tpu.memref_squeeze %dma_wait3A_83 : memref<1x128x128xf32, #tpu.memory_space<hbm>> -> memref<128x128xf32, #tpu.memory_space<hbm>>
      tpu.wait_dma2 semaphore(%run_scoped3A : memref<!tpu.dma_semaphore, #tpu.memory_space<semaphore_mem>>) src(%arg8 : memref<128x128xf32, #tpu.memory_space<vmem>>) dst(%dma_wait3A_84 : memref<128x128xf32, #tpu.memory_space<hbm>>)
      tpu.yield
    }) : () -> ()
    %mul3A_67 = arith.constant 640 : i32
    %mul3A_68 = arith.muli %arg1, %mul3A_67 : i32
    %add3A_69 = arith.constant 384 : i32
    %add3A_70 = arith.addi %mul3A_68, %add3A_69 : i32
    "tpu.region"() ({
      %run_scoped3A = tpu.sem_alloc : memref<!tpu.dma_semaphore, #tpu.memory_space<semaphore_mem>>
      %dma_start3A = arith.constant 0 : i32
      %dma_start3A_75 = tpu.memref_slice %arg10[%add3A_70, %dma_start3A] : memref<10240x128xf32, #tpu.memory_space<vmem_shared>> -> memref<128x128xf32, #tpu.memory_space<vmem_shared>>
      %dma_start3A_76 = arith.constant 0 : i32
      %dma_start3A_77 = tpu.memref_slice %arg10[%add3A_70, %dma_start3A_76] : memref<10240x128xf32, #tpu.memory_space<vmem_shared>> -> memref<128x128xf32, #tpu.memory_space<vmem_shared>>
      tpu.enqueue_dma source(%dma_start3A_77 : memref<128x128xf32, #tpu.memory_space<vmem_shared>>) target(%arg8 : memref<128x128xf32, #tpu.memory_space<vmem>>) target_semaphore(%run_scoped3A : memref<!tpu.dma_semaphore, #tpu.memory_space<semaphore_mem>>)
      %dma_wait3A = arith.constant 0 : i32
      %dma_wait3A_78 = tpu.memref_slice %arg10[%add3A_70, %dma_wait3A] : memref<10240x128xf32, #tpu.memory_space<vmem_shared>> -> memref<128x128xf32, #tpu.memory_space<vmem_shared>>
      %dma_wait3A_79 = arith.constant 0 : i32
      %dma_wait3A_80 = tpu.memref_slice %arg10[%add3A_70, %dma_wait3A_79] : memref<10240x128xf32, #tpu.memory_space<vmem_shared>> -> memref<128x128xf32, #tpu.memory_space<vmem_shared>>
      tpu.wait_dma2 semaphore(%run_scoped3A : memref<!tpu.dma_semaphore, #tpu.memory_space<semaphore_mem>>) src(%dma_wait3A_80 : memref<128x128xf32, #tpu.memory_space<vmem_shared>>) dst(%arg8 : memref<128x128xf32, #tpu.memory_space<vmem>>)
      tpu.yield
    }) : () -> ()
    "tpu.region"() ({
      %run_scoped3A = tpu.sem_alloc : memref<!tpu.dma_semaphore, #tpu.memory_space<semaphore_mem>>
      %dma_start3A = arith.constant 0 : i32
      %dma_start3A_75 = tpu.memref_slice %arg5[%arg0, %add3A_70, %dma_start3A] : memref<2x10240x128xf32, #tpu.memory_space<hbm>> -> memref<1x128x128xf32, #tpu.memory_space<hbm>>
      %dma_start3A_76 = tpu.memref_squeeze %dma_start3A_75 : memref<1x128x128xf32, #tpu.memory_space<hbm>> -> memref<128x128xf32, #tpu.memory_space<hbm>>
      %dma_start3A_77 = arith.constant 0 : i32
      %dma_start3A_78 = tpu.memref_slice %arg5[%arg0, %add3A_70, %dma_start3A_77] : memref<2x10240x128xf32, #tpu.memory_space<hbm>> -> memref<1x128x128xf32, #tpu.memory_space<hbm>>
      %dma_start3A_79 = tpu.memref_squeeze %dma_start3A_78 : memref<1x128x128xf32, #tpu.memory_space<hbm>> -> memref<128x128xf32, #tpu.memory_space<hbm>>
      tpu.enqueue_dma source(%arg8 : memref<128x128xf32, #tpu.memory_space<vmem>>) target(%dma_start3A_79 : memref<128x128xf32, #tpu.memory_space<hbm>>) target_semaphore(%run_scoped3A : memref<!tpu.dma_semaphore, #tpu.memory_space<semaphore_mem>>)
      %dma_wait3A = arith.constant 0 : i32
      %dma_wait3A_80 = tpu.memref_slice %arg5[%arg0, %add3A_70, %dma_wait3A] : memref<2x10240x128xf32, #tpu.memory_space<hbm>> -> memref<1x128x128xf32, #tpu.memory_space<hbm>>
      %dma_wait3A_81 = tpu.memref_squeeze %dma_wait3A_80 : memref<1x128x128xf32, #tpu.memory_space<hbm>> -> memref<128x128xf32, #tpu.memory_space<hbm>>
      %dma_wait3A_82 = arith.constant 0 : i32
      %dma_wait3A_83 = tpu.memref_slice %arg5[%arg0, %add3A_70, %dma_wait3A_82] : memref<2x10240x128xf32, #tpu.memory_space<hbm>> -> memref<1x128x128xf32, #tpu.memory_space<hbm>>
      %dma_wait3A_84 = tpu.memref_squeeze %dma_wait3A_83 : memref<1x128x128xf32, #tpu.memory_space<hbm>> -> memref<128x128xf32, #tpu.memory_space<hbm>>
      tpu.wait_dma2 semaphore(%run_scoped3A : memref<!tpu.dma_semaphore, #tpu.memory_space<semaphore_mem>>) src(%arg8 : memref<128x128xf32, #tpu.memory_space<vmem>>) dst(%dma_wait3A_84 : memref<128x128xf32, #tpu.memory_space<hbm>>)
      tpu.yield
    }) : () -> ()
    %mul3A_71 = arith.constant 640 : i32
    %mul3A_72 = arith.muli %arg1, %mul3A_71 : i32
    %add3A_73 = arith.constant 512 : i32
    %add3A_74 = arith.addi %mul3A_72, %add3A_73 : i32
    "tpu.region"() ({
      %run_scoped3A = tpu.sem_alloc : memref<!tpu.dma_semaphore, #tpu.memory_space<semaphore_mem>>
      %dma_start3A = arith.constant 0 : i32
      %dma_start3A_75 = tpu.memref_slice %arg10[%add3A_74, %dma_start3A] : memref<10240x128xf32, #tpu.memory_space<vmem_shared>> -> memref<128x128xf32, #tpu.memory_space<vmem_shared>>
      %dma_start3A_76 = arith.constant 0 : i32
      %dma_start3A_77 = tpu.memref_slice %arg10[%add3A_74, %dma_start3A_76] : memref<10240x128xf32, #tpu.memory_space<vmem_shared>> -> memref<128x128xf32, #tpu.memory_space<vmem_shared>>
      tpu.enqueue_dma source(%dma_start3A_77 : memref<128x128xf32, #tpu.memory_space<vmem_shared>>) target(%arg8 : memref<128x128xf32, #tpu.memory_space<vmem>>) target_semaphore(%run_scoped3A : memref<!tpu.dma_semaphore, #tpu.memory_space<semaphore_mem>>)
      %dma_wait3A = arith.constant 0 : i32
      %dma_wait3A_78 = tpu.memref_slice %arg10[%add3A_74, %dma_wait3A] : memref<10240x128xf32, #tpu.memory_space<vmem_shared>> -> memref<128x128xf32, #tpu.memory_space<vmem_shared>>
      %dma_wait3A_79 = arith.constant 0 : i32
      %dma_wait3A_80 = tpu.memref_slice %arg10[%add3A_74, %dma_wait3A_79] : memref<10240x128xf32, #tpu.memory_space<vmem_shared>> -> memref<128x128xf32, #tpu.memory_space<vmem_shared>>
      tpu.wait_dma2 semaphore(%run_scoped3A : memref<!tpu.dma_semaphore, #tpu.memory_space<semaphore_mem>>) src(%dma_wait3A_80 : memref<128x128xf32, #tpu.memory_space<vmem_shared>>) dst(%arg8 : memref<128x128xf32, #tpu.memory_space<vmem>>)
      tpu.yield
    }) : () -> ()
    "tpu.region"() ({
      %run_scoped3A = tpu.sem_alloc : memref<!tpu.dma_semaphore, #tpu.memory_space<semaphore_mem>>
      %dma_start3A = arith.constant 0 : i32
      %dma_start3A_75 = tpu.memref_slice %arg5[%arg0, %add3A_74, %dma_start3A] : memref<2x10240x128xf32, #tpu.memory_space<hbm>> -> memref<1x128x128xf32, #tpu.memory_space<hbm>>
      %dma_start3A_76 = tpu.memref_squeeze %dma_start3A_75 : memref<1x128x128xf32, #tpu.memory_space<hbm>> -> memref<128x128xf32, #tpu.memory_space<hbm>>
      %dma_start3A_77 = arith.constant 0 : i32
      %dma_start3A_78 = tpu.memref_slice %arg5[%arg0, %add3A_74, %dma_start3A_77] : memref<2x10240x128xf32, #tpu.memory_space<hbm>> -> memref<1x128x128xf32, #tpu.memory_space<hbm>>
      %dma_start3A_79 = tpu.memref_squeeze %dma_start3A_78 : memref<1x128x128xf32, #tpu.memory_space<hbm>> -> memref<128x128xf32, #tpu.memory_space<hbm>>
      tpu.enqueue_dma source(%arg8 : memref<128x128xf32, #tpu.memory_space<vmem>>) target(%dma_start3A_79 : memref<128x128xf32, #tpu.memory_space<hbm>>) target_semaphore(%run_scoped3A : memref<!tpu.dma_semaphore, #tpu.memory_space<semaphore_mem>>)
      %dma_wait3A = arith.constant 0 : i32
      %dma_wait3A_80 = tpu.memref_slice %arg5[%arg0, %add3A_74, %dma_wait3A] : memref<2x10240x128xf32, #tpu.memory_space<hbm>> -> memref<1x128x128xf32, #tpu.memory_space<hbm>>
      %dma_wait3A_81 = tpu.memref_squeeze %dma_wait3A_80 : memref<1x128x128xf32, #tpu.memory_space<hbm>> -> memref<128x128xf32, #tpu.memory_space<hbm>>
      %dma_wait3A_82 = arith.constant 0 : i32
      %dma_wait3A_83 = tpu.memref_slice %arg5[%arg0, %add3A_74, %dma_wait3A_82] : memref<2x10240x128xf32, #tpu.memory_space<hbm>> -> memref<1x128x128xf32, #tpu.memory_space<hbm>>
      %dma_wait3A_84 = tpu.memref_squeeze %dma_wait3A_83 : memref<1x128x128xf32, #tpu.memory_space<hbm>> -> memref<128x128xf32, #tpu.memory_space<hbm>>
      tpu.wait_dma2 semaphore(%run_scoped3A : memref<!tpu.dma_semaphore, #tpu.memory_space<semaphore_mem>>) src(%arg8 : memref<128x128xf32, #tpu.memory_space<vmem>>) dst(%dma_wait3A_84 : memref<128x128xf32, #tpu.memory_space<hbm>>)
      tpu.yield
    }) : () -> ()
    return
  }
}

module attributes {stable_mosaic.version = 14 : i64} {
  func.func @_prep_body(%arg0: i32, %arg1: memref<400x128xf32, #tpu.memory_space<vmem>>, %arg2: memref<400x128xf32, #tpu.memory_space<vmem>>, %arg3: memref<400x128xf32, #tpu.memory_space<vmem>>, %arg4: memref<400x1xf32, #tpu.memory_space<vmem>>, %arg5: memref<400x128xf32, #tpu.memory_space<vmem>>) attributes {dimension_semantics = [#tpu.dimension_semantics<arbitrary>], iteration_bounds = array<i64: 25>, scalar_prefetch = 0 : i64, scratch_operands = 0 : i64, tpu.core_type = #tpu.core_type<tc>, window_params = [{transform_indices = @transform_0, window_bounds = array<i64: 400, 128>}, {transform_indices = @transform_1, window_bounds = array<i64: 400, 128>}, {transform_indices = @transform_2, window_bounds = array<i64: 400, 128>}, {transform_indices = @transform_3, window_bounds = array<i64: 400, 1>}, {transform_indices = @transform_4, window_bounds = array<i64: 400, 128>}]} {
    %get3A = arith.constant 0 : index
    %get3A_0 = arith.constant 0 : index
    %get3A_1 = vector.load %arg1[%get3A, %get3A_0] : memref<400x128xf32, #tpu.memory_space<vmem>>, vector<400x1xf32>
    %get3A_2 = arith.constant 0 : index
    %get3A_3 = arith.constant 0 : index
    %get3A_4 = vector.load %arg2[%get3A_2, %get3A_3] : memref<400x128xf32, #tpu.memory_space<vmem>>, vector<400x1xf32>
    %add3A = arith.addf %get3A_1, %get3A_4 : vector<400x1xf32>
    %add3A_5 = arith.constant 1.000000e+00 : f32
    %add3A_6 = vector.broadcast %add3A_5 : f32 to vector<400x1xf32>
    %add3A_7 = arith.addf %add3A, %add3A_6 : vector<400x1xf32>
    %max3A = arith.constant 1.000000e+00 : f32
    %max3A_8 = vector.broadcast %max3A : f32 to vector<400x1xf32>
    %max3A_9 = arith.maximumf %add3A_7, %max3A_8 : vector<400x1xf32>
    %rsqrt3A = math.rsqrt %max3A_9 : vector<400x1xf32>
    %swap3A = arith.constant 0 : index
    %swap3A_10 = arith.constant 0 : index
    %swap3A_11 = vector.load %arg4[%swap3A, %swap3A_10] : memref<400x1xf32, #tpu.memory_space<vmem>>, vector<400x1xf32>
    tpu.vector_store %arg4[%swap3A, %swap3A_10], %rsqrt3A {strides = array<i32>} : memref<400x1xf32, #tpu.memory_space<vmem>>, vector<400x1xf32>,
    %get3A_12 = arith.constant 0 : index
    %get3A_13 = arith.constant 0 : index
    %get3A_14 = vector.load %arg3[%get3A_12, %get3A_13] : memref<400x128xf32, #tpu.memory_space<vmem>>, vector<400x128xf32>
    %mul3A = vector.broadcast %rsqrt3A : vector<400x1xf32> to vector<400x128xf32>
    %mul3A_15 = arith.mulf %mul3A, %get3A_14 : vector<400x128xf32>
    %swap3A_16 = arith.constant 0 : index
    %swap3A_17 = arith.constant 0 : index
    %swap3A_18 = vector.load %arg5[%swap3A_16, %swap3A_17] : memref<400x128xf32, #tpu.memory_space<vmem>>, vector<400x128xf32>
    tpu.vector_store %arg5[%swap3A_16, %swap3A_17], %mul3A_15 {strides = array<i32>} : memref<400x128xf32, #tpu.memory_space<vmem>>, vector<400x128xf32>,
    return
  }
  func.func @transform_0(%arg0: i32) -> (i32, i32) {
    %c0_i32 = arith.constant 0 : i32
    %c0_i32_0 = arith.constant 0 : i32
    return %arg0, %c0_i32 : i32, i32
  }
  func.func @transform_1(%arg0: i32) -> (i32, i32) {
    %c0_i32 = arith.constant 0 : i32
    %c0_i32_0 = arith.constant 0 : i32
    return %arg0, %c0_i32 : i32, i32
  }
  func.func @transform_2(%arg0: i32) -> (i32, i32) {
    %c0_i32 = arith.constant 0 : i32
    %c0_i32_0 = arith.constant 0 : i32
    return %arg0, %c0_i32 : i32, i32
  }
  func.func @transform_3(%arg0: i32) -> (i32, i32) {
    %c0_i32 = arith.constant 0 : i32
    %c0_i32_0 = arith.constant 0 : i32
    return %arg0, %c0_i32 : i32, i32
  }
  func.func @transform_4(%arg0: i32) -> (i32, i32) {
    %c0_i32 = arith.constant 0 : i32
    %c0_i32_0 = arith.constant 0 : i32
    return %arg0, %c0_i32 : i32, i32
  }
}

module attributes {stable_mosaic.version = 14 : i64} {
  func.func @_layer_body(%arg0: i32, %arg1: memref<400x128xf32, #tpu.memory_space<vmem>>, %arg2: memref<400x128xf32, #tpu.memory_space<vmem>>, %arg3: memref<400x128xf32, #tpu.memory_space<vmem>>, %arg4: memref<400x1xf32, #tpu.memory_space<vmem>>, %arg5: memref<128x128xf32, #tpu.memory_space<vmem>>, %arg6: memref<1x128xf32, #tpu.memory_space<vmem>>, %arg7: memref<400x128xf32, #tpu.memory_space<vmem>>, %arg8: memref<400x128xf32, #tpu.memory_space<vmem>>) attributes {dimension_semantics = [#tpu.dimension_semantics<arbitrary>], iteration_bounds = array<i64: 25>, scalar_prefetch = 0 : i64, scratch_operands = 0 : i64, tpu.core_type = #tpu.core_type<tc>, window_params = [{transform_indices = @transform_0, window_bounds = array<i64: 400, 128>}, {transform_indices = @transform_1, window_bounds = array<i64: 400, 128>}, {transform_indices = @transform_2, window_bounds = array<i64: 400, 128>}, {transform_indices = @transform_3, window_bounds = array<i64: 400, 1>}, {pipeline_mode = #tpu.pipeline_mode<synchronous>, transform_indices = @transform_4, window_bounds = array<i64: 128, 128>}, {pipeline_mode = #tpu.pipeline_mode<synchronous>, transform_indices = @transform_5, window_bounds = array<i64: 1, 128>}, {transform_indices = @transform_6, window_bounds = array<i64: 400, 128>}, {transform_indices = @transform_7, window_bounds = array<i64: 400, 128>}]} {
    %get3A = arith.constant 0 : index
    %get3A_0 = arith.constant 0 : index
    %get3A_1 = vector.load %arg4[%get3A, %get3A_0] : memref<400x1xf32, #tpu.memory_space<vmem>>, vector<400x1xf32>
    %get3A_2 = arith.constant 0 : index
    %get3A_3 = arith.constant 0 : index
    %get3A_4 = vector.load %arg1[%get3A_2, %get3A_3] : memref<400x128xf32, #tpu.memory_space<vmem>>, vector<400x128xf32>
    %get3A_5 = arith.constant 0 : index
    %get3A_6 = arith.constant 0 : index
    %get3A_7 = vector.load %arg2[%get3A_5, %get3A_6] : memref<400x128xf32, #tpu.memory_space<vmem>>, vector<400x128xf32>
    %add3A = arith.addf %get3A_4, %get3A_7 : vector<400x128xf32>
    %mul3A = vector.broadcast %get3A_1 : vector<400x1xf32> to vector<400x128xf32>
    %mul3A_8 = arith.mulf %mul3A, %add3A : vector<400x128xf32>
    %mul3A_9 = arith.mulf %get3A_1, %get3A_1 : vector<400x1xf32>
    %get3A_10 = arith.constant 0 : index
    %get3A_11 = arith.constant 0 : index
    %get3A_12 = vector.load %arg3[%get3A_10, %get3A_11] : memref<400x128xf32, #tpu.memory_space<vmem>>, vector<400x128xf32>
    %mul3A_13 = vector.broadcast %mul3A_9 : vector<400x1xf32> to vector<400x128xf32>
    %mul3A_14 = arith.mulf %mul3A_13, %get3A_12 : vector<400x128xf32>
    %add3A_15 = arith.addf %mul3A_8, %mul3A_14 : vector<400x128xf32>
    %get3A_16 = arith.constant 0 : index
    %get3A_17 = arith.constant 0 : index
    %get3A_18 = vector.load %arg5[%get3A_16, %get3A_17] : memref<128x128xf32, #tpu.memory_space<vmem>>, vector<128x128xf32>
    %dot_general3A = arith.constant dense<0.000000e+00> : vector<400x128xf32>
    %dot_general3A_19 = tpu.matmul %add3A_15, %get3A_18, %dot_general3A {dimension_numbers = #tpu.dot_dimension_numbers<[1], [0], [0], [1], [0, 0, 1, 1], [], []>, transpose_lhs_hint = false} : vector<400x128xf32>, vector<128x128xf32>, vector<400x128xf32> -> vector<400x128xf32>
    %get3A_20 = arith.constant 0 : index
    %get3A_21 = arith.constant 0 : index
    %get3A_22 = vector.load %arg6[%get3A_20, %get3A_21] : memref<1x128xf32, #tpu.memory_space<vmem>>, vector<1x128xf32>
    %add3A_23 = vector.broadcast %get3A_22 : vector<1x128xf32> to vector<400x128xf32>
    %add3A_24 = arith.addf %dot_general3A_19, %add3A_23 : vector<400x128xf32>
    %swap3A = arith.constant 0 : index
    %swap3A_25 = arith.constant 0 : index
    %swap3A_26 = vector.load %arg7[%swap3A, %swap3A_25] : memref<400x128xf32, #tpu.memory_space<vmem>>, vector<400x128xf32>
    tpu.vector_store %arg7[%swap3A, %swap3A_25], %add3A_24 {strides = array<i32>} : memref<400x128xf32, #tpu.memory_space<vmem>>, vector<400x128xf32>,
    %mul3A_27 = vector.broadcast %get3A_1 : vector<400x1xf32> to vector<400x128xf32>
    %mul3A_28 = arith.mulf %mul3A_27, %add3A_24 : vector<400x128xf32>
    %swap3A_29 = arith.constant 0 : index
    %swap3A_30 = arith.constant 0 : index
    %swap3A_31 = vector.load %arg8[%swap3A_29, %swap3A_30] : memref<400x128xf32, #tpu.memory_space<vmem>>, vector<400x128xf32>
    tpu.vector_store %arg8[%swap3A_29, %swap3A_30], %mul3A_28 {strides = array<i32>} : memref<400x128xf32, #tpu.memory_space<vmem>>, vector<400x128xf32>,
    return
  }
  func.func @transform_0(%arg0: i32) -> (i32, i32) {
    %c0_i32 = arith.constant 0 : i32
    %c0_i32_0 = arith.constant 0 : i32
    return %arg0, %c0_i32 : i32, i32
  }
  func.func @transform_1(%arg0: i32) -> (i32, i32) {
    %c0_i32 = arith.constant 0 : i32
    %c0_i32_0 = arith.constant 0 : i32
    return %arg0, %c0_i32 : i32, i32
  }
  func.func @transform_2(%arg0: i32) -> (i32, i32) {
    %c0_i32 = arith.constant 0 : i32
    %c0_i32_0 = arith.constant 0 : i32
    return %arg0, %c0_i32 : i32, i32
  }
  func.func @transform_3(%arg0: i32) -> (i32, i32) {
    %c0_i32 = arith.constant 0 : i32
    %c0_i32_0 = arith.constant 0 : i32
    return %arg0, %c0_i32 : i32, i32
  }
  func.func @transform_4(%arg0: i32) -> (i32, i32) {
    %c0_i32 = arith.constant 0 : i32
    %c0_i32_0 = arith.constant 0 : i32
    %c0_i32_1 = arith.constant 0 : i32
    return %c0_i32, %c0_i32_0 : i32, i32
  }
  func.func @transform_5(%arg0: i32) -> (i32, i32) {
    %c0_i32 = arith.constant 0 : i32
    %c0_i32_0 = arith.constant 0 : i32
    %c0_i32_1 = arith.constant 0 : i32
    return %c0_i32, %c0_i32_0 : i32, i32
  }
  func.func @transform_6(%arg0: i32) -> (i32, i32) {
    %c0_i32 = arith.constant 0 : i32
    %c0_i32_0 = arith.constant 0 : i32
    return %arg0, %c0_i32 : i32, i32
  }
  func.func @transform_7(%arg0: i32) -> (i32, i32) {
    %c0_i32 = arith.constant 0 : i32
    %c0_i32_0 = arith.constant 0 : i32
    return %arg0, %c0_i32 : i32, i32
  }
}

module attributes {stable_mosaic.version = 14 : i64} {
  func.func @_layer_body(%arg0: i32, %arg1: memref<400x128xf32, #tpu.memory_space<vmem>>, %arg2: memref<400x128xf32, #tpu.memory_space<vmem>>, %arg3: memref<400x128xf32, #tpu.memory_space<vmem>>, %arg4: memref<400x1xf32, #tpu.memory_space<vmem>>, %arg5: memref<128x128xf32, #tpu.memory_space<vmem>>, %arg6: memref<1x128xf32, #tpu.memory_space<vmem>>, %arg7: memref<400x128xf32, #tpu.memory_space<vmem>>, %arg8: memref<400x128xf32, #tpu.memory_space<vmem>>) attributes {dimension_semantics = [#tpu.dimension_semantics<arbitrary>], iteration_bounds = array<i64: 25>, scalar_prefetch = 0 : i64, scratch_operands = 0 : i64, tpu.core_type = #tpu.core_type<tc>, window_params = [{transform_indices = @transform_0, window_bounds = array<i64: 400, 128>}, {transform_indices = @transform_1, window_bounds = array<i64: 400, 128>}, {transform_indices = @transform_2, window_bounds = array<i64: 400, 128>}, {transform_indices = @transform_3, window_bounds = array<i64: 400, 1>}, {pipeline_mode = #tpu.pipeline_mode<synchronous>, transform_indices = @transform_4, window_bounds = array<i64: 128, 128>}, {pipeline_mode = #tpu.pipeline_mode<synchronous>, transform_indices = @transform_5, window_bounds = array<i64: 1, 128>}, {transform_indices = @transform_6, window_bounds = array<i64: 400, 128>}, {transform_indices = @transform_7, window_bounds = array<i64: 400, 128>}]} {
    %get3A = arith.constant 0 : index
    %get3A_0 = arith.constant 0 : index
    %get3A_1 = vector.load %arg4[%get3A, %get3A_0] : memref<400x1xf32, #tpu.memory_space<vmem>>, vector<400x1xf32>
    %get3A_2 = arith.constant 0 : index
    %get3A_3 = arith.constant 0 : index
    %get3A_4 = vector.load %arg1[%get3A_2, %get3A_3] : memref<400x128xf32, #tpu.memory_space<vmem>>, vector<400x128xf32>
    %get3A_5 = arith.constant 0 : index
    %get3A_6 = arith.constant 0 : index
    %get3A_7 = vector.load %arg2[%get3A_5, %get3A_6] : memref<400x128xf32, #tpu.memory_space<vmem>>, vector<400x128xf32>
    %add3A = arith.addf %get3A_4, %get3A_7 : vector<400x128xf32>
    %mul3A = vector.broadcast %get3A_1 : vector<400x1xf32> to vector<400x128xf32>
    %mul3A_8 = arith.mulf %mul3A, %add3A : vector<400x128xf32>
    %mul3A_9 = arith.mulf %get3A_1, %get3A_1 : vector<400x1xf32>
    %get3A_10 = arith.constant 0 : index
    %get3A_11 = arith.constant 0 : index
    %get3A_12 = vector.load %arg3[%get3A_10, %get3A_11] : memref<400x128xf32, #tpu.memory_space<vmem>>, vector<400x128xf32>
    %mul3A_13 = vector.broadcast %mul3A_9 : vector<400x1xf32> to vector<400x128xf32>
    %mul3A_14 = arith.mulf %mul3A_13, %get3A_12 : vector<400x128xf32>
    %add3A_15 = arith.addf %mul3A_8, %mul3A_14 : vector<400x128xf32>
    %get3A_16 = arith.constant 0 : index
    %get3A_17 = arith.constant 0 : index
    %get3A_18 = vector.load %arg5[%get3A_16, %get3A_17] : memref<128x128xf32, #tpu.memory_space<vmem>>, vector<128x128xf32>
    %dot_general3A = arith.constant dense<0.000000e+00> : vector<400x128xf32>
    %dot_general3A_19 = tpu.matmul %add3A_15, %get3A_18, %dot_general3A {dimension_numbers = #tpu.dot_dimension_numbers<[1], [0], [0], [1], [0, 0, 1, 1], [], []>, transpose_lhs_hint = false} : vector<400x128xf32>, vector<128x128xf32>, vector<400x128xf32> -> vector<400x128xf32>
    %get3A_20 = arith.constant 0 : index
    %get3A_21 = arith.constant 0 : index
    %get3A_22 = vector.load %arg6[%get3A_20, %get3A_21] : memref<1x128xf32, #tpu.memory_space<vmem>>, vector<1x128xf32>
    %add3A_23 = vector.broadcast %get3A_22 : vector<1x128xf32> to vector<400x128xf32>
    %add3A_24 = arith.addf %dot_general3A_19, %add3A_23 : vector<400x128xf32>
    %max3A = arith.constant 0.000000e+00 : f32
    %max3A_25 = vector.broadcast %max3A : f32 to vector<400x128xf32>
    %max3A_26 = arith.maximumf %add3A_24, %max3A_25 : vector<400x128xf32>
    %swap3A = arith.constant 0 : index
    %swap3A_27 = arith.constant 0 : index
    %swap3A_28 = vector.load %arg7[%swap3A, %swap3A_27] : memref<400x128xf32, #tpu.memory_space<vmem>>, vector<400x128xf32>
    tpu.vector_store %arg7[%swap3A, %swap3A_27], %max3A_26 {strides = array<i32>} : memref<400x128xf32, #tpu.memory_space<vmem>>, vector<400x128xf32>,
    %mul3A_29 = vector.broadcast %get3A_1 : vector<400x1xf32> to vector<400x128xf32>
    %mul3A_30 = arith.mulf %mul3A_29, %max3A_26 : vector<400x128xf32>
    %swap3A_31 = arith.constant 0 : index
    %swap3A_32 = arith.constant 0 : index
    %swap3A_33 = vector.load %arg8[%swap3A_31, %swap3A_32] : memref<400x128xf32, #tpu.memory_space<vmem>>, vector<400x128xf32>
    tpu.vector_store %arg8[%swap3A_31, %swap3A_32], %mul3A_30 {strides = array<i32>} : memref<400x128xf32, #tpu.memory_space<vmem>>, vector<400x128xf32>,
    return
  }
  func.func @transform_0(%arg0: i32) -> (i32, i32) {
    %c0_i32 = arith.constant 0 : i32
    %c0_i32_0 = arith.constant 0 : i32
    return %arg0, %c0_i32 : i32, i32
  }
  func.func @transform_1(%arg0: i32) -> (i32, i32) {
    %c0_i32 = arith.constant 0 : i32
    %c0_i32_0 = arith.constant 0 : i32
    return %arg0, %c0_i32 : i32, i32
  }
  func.func @transform_2(%arg0: i32) -> (i32, i32) {
    %c0_i32 = arith.constant 0 : i32
    %c0_i32_0 = arith.constant 0 : i32
    return %arg0, %c0_i32 : i32, i32
  }
  func.func @transform_3(%arg0: i32) -> (i32, i32) {
    %c0_i32 = arith.constant 0 : i32
    %c0_i32_0 = arith.constant 0 : i32
    return %arg0, %c0_i32 : i32, i32
  }
  func.func @transform_4(%arg0: i32) -> (i32, i32) {
    %c0_i32 = arith.constant 0 : i32
    %c0_i32_0 = arith.constant 0 : i32
    %c0_i32_1 = arith.constant 0 : i32
    return %c0_i32, %c0_i32_0 : i32, i32
  }
  func.func @transform_5(%arg0: i32) -> (i32, i32) {
    %c0_i32 = arith.constant 0 : i32
    %c0_i32_0 = arith.constant 0 : i32
    %c0_i32_1 = arith.constant 0 : i32
    return %c0_i32, %c0_i32_0 : i32, i32
  }
  func.func @transform_6(%arg0: i32) -> (i32, i32) {
    %c0_i32 = arith.constant 0 : i32
    %c0_i32_0 = arith.constant 0 : i32
    return %arg0, %c0_i32 : i32, i32
  }
  func.func @transform_7(%arg0: i32) -> (i32, i32) {
    %c0_i32 = arith.constant 0 : i32
    %c0_i32_0 = arith.constant 0 : i32
    return %arg0, %c0_i32 : i32, i32
  }
}

module attributes {stable_mosaic.version = 14 : i64} {
  func.func @_layer_body(%arg0: i32, %arg1: memref<400x128xf32, #tpu.memory_space<vmem>>, %arg2: memref<400x128xf32, #tpu.memory_space<vmem>>, %arg3: memref<400x128xf32, #tpu.memory_space<vmem>>, %arg4: memref<400x1xf32, #tpu.memory_space<vmem>>, %arg5: memref<128x256xf32, #tpu.memory_space<vmem>>, %arg6: memref<1x256xf32, #tpu.memory_space<vmem>>, %arg7: memref<400x256xf32, #tpu.memory_space<vmem>>) attributes {dimension_semantics = [#tpu.dimension_semantics<arbitrary>], iteration_bounds = array<i64: 25>, scalar_prefetch = 0 : i64, scratch_operands = 0 : i64, tpu.core_type = #tpu.core_type<tc>, window_params = [{transform_indices = @transform_0, window_bounds = array<i64: 400, 128>}, {transform_indices = @transform_1, window_bounds = array<i64: 400, 128>}, {transform_indices = @transform_2, window_bounds = array<i64: 400, 128>}, {transform_indices = @transform_3, window_bounds = array<i64: 400, 1>}, {pipeline_mode = #tpu.pipeline_mode<synchronous>, transform_indices = @transform_4, window_bounds = array<i64: 128, 256>}, {pipeline_mode = #tpu.pipeline_mode<synchronous>, transform_indices = @transform_5, window_bounds = array<i64: 1, 256>}, {transform_indices = @transform_6, window_bounds = array<i64: 400, 256>}]} {
    %get3A = arith.constant 0 : index
    %get3A_0 = arith.constant 0 : index
    %get3A_1 = vector.load %arg4[%get3A, %get3A_0] : memref<400x1xf32, #tpu.memory_space<vmem>>, vector<400x1xf32>
    %get3A_2 = arith.constant 0 : index
    %get3A_3 = arith.constant 0 : index
    %get3A_4 = vector.load %arg1[%get3A_2, %get3A_3] : memref<400x128xf32, #tpu.memory_space<vmem>>, vector<400x128xf32>
    %get3A_5 = arith.constant 0 : index
    %get3A_6 = arith.constant 0 : index
    %get3A_7 = vector.load %arg2[%get3A_5, %get3A_6] : memref<400x128xf32, #tpu.memory_space<vmem>>, vector<400x128xf32>
    %add3A = arith.addf %get3A_4, %get3A_7 : vector<400x128xf32>
    %mul3A = vector.broadcast %get3A_1 : vector<400x1xf32> to vector<400x128xf32>
    %mul3A_8 = arith.mulf %mul3A, %add3A : vector<400x128xf32>
    %mul3A_9 = arith.mulf %get3A_1, %get3A_1 : vector<400x1xf32>
    %get3A_10 = arith.constant 0 : index
    %get3A_11 = arith.constant 0 : index
    %get3A_12 = vector.load %arg3[%get3A_10, %get3A_11] : memref<400x128xf32, #tpu.memory_space<vmem>>, vector<400x128xf32>
    %mul3A_13 = vector.broadcast %mul3A_9 : vector<400x1xf32> to vector<400x128xf32>
    %mul3A_14 = arith.mulf %mul3A_13, %get3A_12 : vector<400x128xf32>
    %add3A_15 = arith.addf %mul3A_8, %mul3A_14 : vector<400x128xf32>
    %get3A_16 = arith.constant 0 : index
    %get3A_17 = arith.constant 0 : index
    %get3A_18 = vector.load %arg5[%get3A_16, %get3A_17] : memref<128x256xf32, #tpu.memory_space<vmem>>, vector<128x256xf32>
    %dot_general3A = arith.constant dense<0.000000e+00> : vector<400x256xf32>
    %dot_general3A_19 = tpu.matmul %add3A_15, %get3A_18, %dot_general3A {dimension_numbers = #tpu.dot_dimension_numbers<[1], [0], [0], [1], [0, 0, 1, 1], [], []>, transpose_lhs_hint = false} : vector<400x128xf32>, vector<128x256xf32>, vector<400x256xf32> -> vector<400x256xf32>
    %get3A_20 = arith.constant 0 : index
    %get3A_21 = arith.constant 0 : index
    %get3A_22 = vector.load %arg6[%get3A_20, %get3A_21] : memref<1x256xf32, #tpu.memory_space<vmem>>, vector<1x256xf32>
    %add3A_23 = vector.broadcast %get3A_22 : vector<1x256xf32> to vector<400x256xf32>
    %add3A_24 = arith.addf %dot_general3A_19, %add3A_23 : vector<400x256xf32>
    %swap3A = arith.constant 0 : index
    %swap3A_25 = arith.constant 0 : index
    %swap3A_26 = vector.load %arg7[%swap3A, %swap3A_25] : memref<400x256xf32, #tpu.memory_space<vmem>>, vector<400x256xf32>
    tpu.vector_store %arg7[%swap3A, %swap3A_25], %add3A_24 {strides = array<i32>} : memref<400x256xf32, #tpu.memory_space<vmem>>, vector<400x256xf32>,
    return
  }
  func.func @transform_0(%arg0: i32) -> (i32, i32) {
    %c0_i32 = arith.constant 0 : i32
    %c0_i32_0 = arith.constant 0 : i32
    return %arg0, %c0_i32 : i32, i32
  }
  func.func @transform_1(%arg0: i32) -> (i32, i32) {
    %c0_i32 = arith.constant 0 : i32
    %c0_i32_0 = arith.constant 0 : i32
    return %arg0, %c0_i32 : i32, i32
  }
  func.func @transform_2(%arg0: i32) -> (i32, i32) {
    %c0_i32 = arith.constant 0 : i32
    %c0_i32_0 = arith.constant 0 : i32
    return %arg0, %c0_i32 : i32, i32
  }
  func.func @transform_3(%arg0: i32) -> (i32, i32) {
    %c0_i32 = arith.constant 0 : i32
    %c0_i32_0 = arith.constant 0 : i32
    return %arg0, %c0_i32 : i32, i32
  }
  func.func @transform_4(%arg0: i32) -> (i32, i32) {
    %c0_i32 = arith.constant 0 : i32
    %c0_i32_0 = arith.constant 0 : i32
    %c0_i32_1 = arith.constant 0 : i32
    return %c0_i32, %c0_i32_0 : i32, i32
  }
  func.func @transform_5(%arg0: i32) -> (i32, i32) {
    %c0_i32 = arith.constant 0 : i32
    %c0_i32_0 = arith.constant 0 : i32
    %c0_i32_1 = arith.constant 0 : i32
    return %c0_i32, %c0_i32_0 : i32, i32
  }
  func.func @transform_6(%arg0: i32) -> (i32, i32) {
    %c0_i32 = arith.constant 0 : i32
    %c0_i32_0 = arith.constant 0 : i32
    return %arg0, %c0_i32 : i32, i32
  }
}

</mosaic_0001>

<sc_bundles>
// kernel: kernel.12.cloned.1.call-start
scs
__scs_entry_jumppad:
0x0: {  	(pc) =	sbr.rel $0x88, $3  }
0x1: {  	(tag) =	ssettag $0x0;
	lr =	simm.s32 $0x1  }
0x2: {  	[smem:$0x3F95] =	sst lr;
	_ =	strace $0xD0000000  }
0x3: {  	_ = 	snop  }
0x4: {  	_ = 	snop  }
0x5: {  	_ = 	snop  }
0x6: {  	_ = 	snop  }
0x7: {  	_ = 	snop  }
__scs_overlays_trampoline_lowered:
0x8: {  	[smem:$0x3FA4] =	sst s0  }
0x9: {  	[smem:$0x3FA5] =	sst s1  }
0xa: {  	[smem:$0x3FA6] =	sst s2  }
0xb: {  	[smem:$0x3FA7] =	sst s3  }
0xc: {  	[smem:$0x3FA8] =	sst s4  }
0xd: {  	[smem:$0x3FA9] =	sst s5  }
0xe: {  	[smem:$0x3FAA] =	sst s6  }
0xf: {  	[smem:$0x3FAB] =	sst s7  }
0x10: {  	[smem:$0x3FAC] =	sst s8  }
0x11: {  	[smem:$0x3FAD] =	sst s9;
	s0 =	simm.s32 @!p0 $0x0  }
0x12: {  	s1 =	sld [smem:$0x3F93];
	s0 =	simm.s32 @p0 $0x1  }
0x13: {  	[smem:$0x3FAE] =	sst s0;
	s0 =	simm.s32 @!p1 $0x0  }
0x14: {  	s2 =	sld [smem:$0x3F92];
	s0 =	simm.s32 @p1 $0x1  }
0x15: {  	[smem:$0x3FAF] =	sst s0;
	s0 =	simm.s32 @!p2 $0x0  }
0x16: {  	s3 =	sld [smem:$0x3FDB];
	s0 =	simm.s32 @p2 $0x1  }
0x17: {  	s4 =	simm.s32 $0x1BF5;
	[smem:$0x3FB1] =	sst s0  }
0x18: {  	s0 =	sld [smem:$0x3F94];
	_ =	swait.ge [sflag:s4], $0x0  }
0x19: {  	s7 =	sld [smem:$0x3F95]  }
0x1a: {  	s8 =	sadd.s32 $0xFFFFE003, lr  }
0x1b: {  	s9 =	sadd.s32 $0xFFFFFEF7, lr;
	s5 =	simm.s32 $0xFFFFFFFF;
	p2 =	slt.u32 s8, $0xFFFFF086  }
0x1c: {  	p1 =	slt.u32 s9, $0xF7A;
	s5 =	simm.s32 @!p2 $0x0  }
0x1d: {  	s5 =	simm.s32 @p1 $0x1;
	p0 =	seq.s32 s7, s2  }
0x1e: {  	s7 =	smul.u32 @!p0 $0xF7A, s2;
	p2 =	seq.s32 @!p0 s5, $0x0  }
0x1f: {  	s9 =	smul.u32 $0xF7A, s1;
	s8 =	simm.s32 @!p0 $0x1BF5;
	p2 =	por !p2, p0  }
0x20: {  	[sflag:s8] =	ssyncset.s32 @!p0 $0xFFFFF086;
	s6 =	sadd.s32 @!p0 s3, s7;
	s7 =	simm.s32 @!p0 $0x108  }
0x21: {  	s3 =	sadd.s32 s3, s9;
	s6 =	sadd.s32 @!p0 $0x88, s6;
	s7 =	simm.s32 @p2 $0x1082  }
0x22: {  	[simem:s7], [sflag:s8] =	dma.local @!p0 [hbm:s6], $0xF7A  }
0x23: {  	s9 =	sor.u32 $0xD0000000, s2;
	s6 =	simm.s32 $0x108;
	_ =	swait.ge @!p0 [sflag:s8], $0x0  }
0x24: {  	s3 =	sadd.s32 $0x88, s3;
	s6 =	simm.s32 @!p1 $0x1082;
	[sflag:s4] =	ssyncset.s32 $0xFFFFF086  }
0x25: {  	[simem:s6], [sflag:s4] =	dma.local [hbm:s3], $0xF7A  }
0x26: {  	[smem:$0x3F95] =	sst s1;
	(tag) =	ssettag s2;
	_ =	strace s9  }
0x27: {  	s1 =	sld [smem:$0x3FA5]  }
0x28: {  	s2 =	sld [smem:$0x3FA6]  }
0x29: {  	s4 =	sld [smem:$0x3FA8]  }
0x2a: {  	p0 =	seq.s32 s5, $0x0;
	s5 =	sld [smem:$0x3FA9]  }
0x2b: {  	s6 =	sld [smem:$0x3FAA]  }
0x2c: {  	s7 =	sld [smem:$0x3FAB]  }
0x2d: {  	s3 =	simm.s32 $0x108;
	s8 =	sld [smem:$0x3FAC]  }
0x2e: {  	s3 =	simm.s32 @!p0 $0x1082;
	s9 =	sld [smem:$0x3FAD]  }
0x2f: {  	lr =	sadd.s32 s0, s3;
	s0 =	sld [smem:$0x3FA4]  }
0x30: {  	s3 =	sld [smem:$0x3FA7]  }
0x31: {  	[smem:$0x3FB0] =	sst s10  }
0x32: {  	s10 =	sld [smem:$0x3FAE];
	_ =	sdelay $0x3  }
0x33: {  	p0 =	seq.s32 s10, $0x1;
	s10 =	sld [smem:$0x3FB0];
	_ =	sdelay $0x3  }
0x34: {  	[smem:$0x3FB0] =	sst s10  }
0x35: {  	s10 =	sld [smem:$0x3FAF];
	_ =	sdelay $0x3  }
0x36: {  	p1 =	seq.s32 s10, $0x1;
	s10 =	sld [smem:$0x3FB0];
	_ =	sdelay $0x3  }
0x37: {  	[smem:$0x3FB0] =	sst s10  }
0x38: {  	s10 =	sld [smem:$0x3FB1]  }
0x39: {  	_ = 	snop;
	(pc) =	sbr.ind lr, $3  }
0x3a: {  	_ = 	snop  }
0x3b: {  	_ = 	snop  }
0x3c: {  	p2 =	seq.s32 s10, $0x1;
	s10 =	sld [smem:$0x3FB0]  }
0x3d: {  	_ =	shalt  }
0x3e: {  	_ =	shalt  }
0x3f: {  	_ =	shalt  }
0x40: {  	_ =	shalt  }
0x41: {  	_ =	shalt  }
0x42: {  	_ =	shalt  }
0x43: {  	_ =	shalt  }
0x44: {  	_ =	shalt  }
0x45: {  	_ =	shalt  }
0x46: {  	_ =	shalt  }
0x47: {  	_ =	shalt  }
0x48: {  	_ =	shalt  }
0x49: {  	_ =	shalt  }
0x4a: {  	_ =	shalt  }
0x4b: {  	_ =	shalt  }
0x4c: {  	_ =	shalt  }
0x4d: {  	_ =	shalt  }
0x4e: {  	_ =	shalt  }
0x4f: {  	_ =	shalt  }
0x50: {  	_ =	shalt  }
0x51: {  	_ =	shalt  }
0x52: {  	_ =	shalt  }
0x53: {  	_ =	shalt  }
0x54: {  	_ =	shalt  }
0x55: {  	_ =	shalt  }
0x56: {  	_ =	shalt  }
0x57: {  	_ =	shalt  }
0x58: {  	_ =	shalt  }
0x59: {  	_ =	shalt  }
0x5a: {  	_ =	shalt  }
0x5b: {  	_ =	shalt  }
0x5c: {  	_ =	shalt  }
0x5d: {  	_ =	shalt  }
0x5e: {  	_ =	shalt  }
0x5f: {  	_ =	shalt  }
0x60: {  	_ =	shalt  }
0x61: {  	_ =	shalt  }
0x62: {  	_ =	shalt  }
0x63: {  	_ =	shalt  }
0x64: {  	_ =	shalt  }
0x65: {  	_ =	shalt  }
0x66: {  	_ =	shalt  }
0x67: {  	_ =	shalt  }
0x68: {  	_ =	shalt  }
0x69: {  	_ =	shalt  }
0x6a: {  	_ =	shalt  }
0x6b: {  	_ =	shalt  }
0x6c: {  	_ =	shalt  }
0x6d: {  	_ =	shalt  }
0x6e: {  	_ =	shalt  }
0x6f: {  	_ =	shalt  }
0x70: {  	_ =	shalt  }
0x71: {  	_ =	shalt  }
0x72: {  	_ =	shalt  }
0x73: {  	_ =	shalt  }
0x74: {  	_ =	shalt  }
0x75: {  	_ =	shalt  }
0x76: {  	_ =	shalt  }
0x77: {  	_ =	shalt  }
0x78: {  	_ =	shalt  }
0x79: {  	_ =	shalt  }
0x7a: {  	_ =	shalt  }
0x7b: {  	_ =	shalt  }
0x7c: {  	_ =	shalt  }
0x7d: {  	_ =	shalt  }
0x7e: {  	_ =	shalt  }
0x7f: {  	_ =	shalt  }
0x80: {  	_ =	shalt  }
0x81: {  	_ =	shalt  }
0x82: {  	_ =	shalt  }
0x83: {  	_ =	shalt  }
0x84: {  	_ =	shalt  }
0x85: {  	_ =	shalt  }
0x86: {  	_ =	shalt  }
0x87: {  	_ =	shalt  }
.Lfunc_end0:
.L_simem_size_0:
called_computation_lowered:
.L_overlay_start_0:
0x88: {  	s2 =	sld [smem:$0x3FD9]  }
0x89: {  	s3 =	sld [smem:$0x3FFE];
	_ =	sdelay $0x1  }
0x8a: {  	s1 =	srdreg.scid  }
0x8b: {  	s0 =	sand.u32 $0x1, s1  }
0x8c: {  	s16 =	sshll.u32 s0, $0xA;
	s2 =	sadd.s32 s3, s2  }
0x8d: {  	s2 =	sadd.s32 s2, s16  }
0x8e: {  	[smem:$0x3FBC] =	sst s2  }
0x8f: {  	_ = 	snop  }
0x90: {  	(tm) =	ssettm $0x1  }
0x91: {  	s17 =	sld [smem:$0x3FFB];
	_ =	sdelay $0x3  }
0x92: {  	_ =	strace s17  }
0x93: {  	s2 =	sld [smem:$0x3FFC];
	_ =	sdelay $0x3  }
0x94: {  	_ =	strace s2  }
0x95: {  	s2 =	sld [smem:$0x3FFD];
	_ =	sdelay $0x3  }
0x96: {  	_ =	strace s2  }
0x97: {  	_ =	strace $0x8FFFFFFF  }
0x98: {  	s18 =	sld [smem:$0x3FDB];
	_ =	sdelay $0x1  }
0x99: {  	s19 =	simm.s32 $_scs_section_size  }
0x9a: {  	s4 =	simm.s32 $_size__tile_overlayer_lowered;
	s5 =	simm.s32 $_tile_overlayer_lowered  }
0x9b: {  	s22 =	simm.s32 $0x1BFF;
	s21 =	sshll.u32 s5, $0x1;
	s2 =	sadd.s32 s19, s18  }
0x9c: {  	s6 =	simm.s32 $0x0;
	s20 =	sshll.u32 s4, $0x1;
	s4 =	sadd.s32 s21, s2  }
0x9d: {  	[timem:s6], [sflag:s22] =	dma.local [hbm:s4], s20  }
0x9e: {  	_ =	swait.ge [sflag:s22], s20  }
0x9f: {  	s3 =	ssub.s32 $0x0, s20;
	[sflag:s22] =	ssyncset.done $0x0  }
0xa0: {  	[sflag:s22] =	ssyncadd.s32 s3;
	_ =	sdelay $0x1  }
0xa1: {  	s23 =	simm.s32 $0x1B8B  }
0xa2: {  	_ =	swait.ge [sflag:s23], $0x1  }
0xa3: {  	[sflag:s23] =	ssyncset.done $0x0  }
0xa4: {  	s25 =	simm.s32 $0x1B8E;
	s24 =	sld [smem:$0x3FFE];
	[sflag:s23] =	ssyncadd.s32 $0xFFFFFFFF  }
0xa5: {  	s26 =	simm.s32 $execute0_lowered;
	[smem:$0x3FD2] =	sst s25  }
0xa6: {  	s4 =	sshll.u32 s26, $0x1;
	_ =	strace $0x80000046;
	[dreg:$0x1] =	wrdreg $0xFFFFFFFF  }
0xa7: {  	s28 =	simm.s32 $_size_execute0_lowered;
	s2 =	sadd.s32 s2, s4;
	[dreg:$0x0] =	wrdreg $0x0  }
0xa8: {  	s4 =	sshll.u32 s28, $0x1;
	[dreg:$0x2] =	wrdreg s2  }
0xa9: {  	[dreg:$0x3] =	wrdreg s4  }
0xaa: {  	[dreg:$0x4] =	wrdreg $0xC0  }
0xab: {  	_ =	task [dreg:s6], $0x5FFFF  }
0xac: {  	[dreg:$0x1] =	wrdreg $0xFFFFFFFF  }
0xad: {  	[dreg:$0x0] =	wrdreg $0x60  }
0xae: {  	[dreg:$0x2] =	wrdreg s24  }
0xaf: {  	[dreg:$0x3] =	wrdreg $0x60800  }
0xb0: {  	[dreg:$0x4] =	wrdreg $0x9  }
0xb1: {  	_ =	task.clear_ibuf [dreg:s6], $0x5FFFF;
	_ =	strace $0x90000046  }
0xb2: {  	s29 =	simm.s32 $0x9;
	_ =	strace $0x80000048  }
0xb3: {  	_ =	swait.ge [sflag:s29], $0x1  }
0xb4: {  	[sflag:s29] =	ssyncadd.s32 $0xFFFFFFFF  }
0xb5: {  	_ =	strace $0x90000048  }
0xb6: {  	_ =	sfence  }
0xb7: {  	s30 =	sld [smem:$0x0];
	_ =	sdelay $0x2  }
0xb8: {  	s31 =	sshll.u32 s1, $0xD;
	s1 =	sshrl.u32 s1, $0x2  }
0xb9: {  	s3 =	sand.u32 $0x4000, s31;
	s1 =	sadd.s32 s1, s30  }
0xba: {  	s0 =	sor.u32 s3, s0;
	s1 =	sshll.u32 s1, $0x11  }
0xbb: {  	s0 =	sor.u32 s1, s0  }
0xbc: {  	s0 =	sadd.s32 $0x8F2B, s0  }
0xbd: {  	[sflag:s0] =	ssyncadd.remote.s32 $0x1  }
0xbe: {  	_ =	sfence.sel $0xFFFF  }
0xbf: {  	[dreg:$0x0] =	wrdreg $0xFFFFFFFF;
	(pc) =	sbr.abs _section_cstart, $3  }
0xc0: {  	[dreg:$0x1] =	wrdreg $0xFFFFFFFF  }
0xc1: {  	_ =	task.clear_ibuf [dreg:s6], $0x2FFFF;
	_ =	strace $0x9FFFFFFF  }
0xc2: {  	(tm) =	ssettm $0x7FFFFFFF  }
0xc3: {  	_ =	shalt  }
tec
execute0_lowered:
.L_overlay_start_1:
0x0: {  	(tag) =	ssettag $0x1  }
0x1: {  	s0 =	rddreg [dreg:$0x0];
	s26 =	stileid.u32  }
0x2: {  	s2 =	srdreg.scid;
	s6 =	smul.u32 $0x14000, s26  }
0x3: {  	s1 =	rddreg [dreg:$0x1];
	s28 =	simm.s32 $0x1;
	s14 =	smul.u32 $0x50000, s26  }
0x4: {  	s29 =	simm.s32 $0x80;
	s3 =	sand.u32 $0x1, s2;
	s26 =	smul.u32 $0x4F0, s26  }
0x5: {  	s30 =	simm.s32 $0x0;
	s2 =	simm.s32 $0x0;
	s4 =	smul.u32 $0x4F00, s3  }
0x6: {  	[smem:$0x7FF] =	sst s2;
	s5 =	ssub.s32 $0x2, s3;
	s12 =	smul.u32 $0x140000, s3  }
0x7: {  	s8 =	sshrl.u32 s5, $0x1;
	s15 =	sor.u32 $0x2000, s6;
	s16 =	sadd.s32 $0x4000, s6  }
0x8: {  	s17 =	sadd.s32 $0x6000, s6;
	s18 =	sadd.s32 $0x8000, s6;
	s19 =	sadd.s32 $0xA000, s6  }
0x9: {  	s20 =	sadd.s32 $0xC000, s6;
	s21 =	sadd.s32 $0xE000, s6;
	s22 =	sadd.s32 $0x10000, s6  }
0xa: {  	s23 =	sadd.s32 $0x12000, s6;
	s31 =	sshrl.u32 s14, $0x2;
	s11 =	sadd.s32 s4, s0  }
0xb: {  	s0 =	sadd.s32 $0xF000, s0;
	s24 =	ssub.s32 s5, s8;
	s3 =	sadd.s32 s6, s12  }
0xc: {  	s9 =	sadd.s32 s12, s15;
	s10 =	sadd.s32 s12, s16;
	s13 =	sadd.s32 s12, s17  }
0xd: {  	s7 =	sadd.s32 s12, s18;
	s8 =	sadd.s32 s12, s19;
	s25 =	sadd.s32 s12, s23  }
0xe: {  	s14 =	sadd.s32 s31, s1;
	s15 =	sadd.s32 s15, s1;
	s16 =	sadd.s32 s16, s1  }
0xf: {  	s17 =	sadd.s32 s17, s1;
	s18 =	sadd.s32 s18, s1;
	s19 =	sadd.s32 s19, s1  }
0x10: {  	s23 =	sadd.s32 s23, s1;
	s3 =	sshrl.u32 s3, $0x3;
	s4 =	sshrl.u32 s9, $0x3  }
0x11: {  	s5 =	sshrl.u32 s10, $0x3;
	s6 =	sshrl.u32 s13, $0x3;
	s7 =	sshrl.u32 s7, $0x3  }
0x12: {  	s8 =	sshrl.u32 s8, $0x3;
	s9 =	sadd.s32 s12, s20;
	s10 =	sadd.s32 s12, s21  }
0x13: {  	s13 =	sadd.s32 s12, s22;
	s25 =	sshrl.u32 s25, $0x3;
	s11 =	sadd.s32 s26, s11  }
0x14: {  	s20 =	sadd.s32 s20, s1;
	s21 =	sadd.s32 s21, s1;
	s22 =	sadd.s32 s22, s1  }
0x15: {  	s24 =	smax.u32 s24, $0x1;
	s26 =	simm.s32 $0x4080;
	s3 =	sadd.s32 s0, s3  }
0x16: {  	s4 =	sadd.s32 s0, s4;
	s5 =	sadd.s32 s0, s5;
	s6 =	sadd.s32 s0, s6  }
0x17: {  	s7 =	sadd.s32 s0, s7;
	s8 =	sadd.s32 s0, s8;
	s9 =	sshrl.u32 s9, $0x3  }
0x18: {  	s10 =	sshrl.u32 s10, $0x3;
	s13 =	sshrl.u32 s13, $0x3;
	[dreg:$0x3] =	wrdreg s3  }
0x19: {  	s9 =	sadd.s32 s0, s9;
	s10 =	sadd.s32 s0, s10;
	s12 =	sadd.s32 s0, s13  }
0x1a: {  	v0 =	vimm.f32 $0.0e+00;
	v1 =	vimm.f32 $1.000000000e+00;
	s13 =	sadd.s32 s0, s25;
	s25 =	sadd.s32 $0x5200, s11;
	_ =	strace $0x80000047  }
.LBB2_1:
0x1b: {  	s11 =	simm.s32 $0x0;
	s31 =	simm.s32 $0x0  }
.LBB2_2:
0x1c: {  	p0 =	sne.s32 s31, $0x7FC0  }
.Ltmp0:
0x1d: {  	_ = 	snop;
	(pc) =	sbr.rel @p0 .LBB2_2-.Ltmp0, $4  }
0x1e: {  	s0 =	sand.u32 $0x7E00, s31  }
0x1f: {  	s3 =	sand.u32 $0x70, s11;
	s0 =	sshrl.u32 s0, $0x2  }
0x20: {  	s0 =	sor.u32 s3, s0  }
0x21: {  	s11 =	sadd.s32 $0x10, s11;
	s31 =	sadd.s32 $0x40, s31;
	[tilespmem:s0+$0x4080] =	vst v0  }
0x22: {  	s31 =	simm.s32 $0x0  }
0x23: {  	s0 =	sand.u32 $0xFE00, s31  }
0x24: {  	s3 =	sand.u32 $0x70, s31;
	s0 =	sshrl.u32 s0, $0x2  }
0x25: {  	s11 =	simm.s32 $0x40;
	s0 =	sor.u32 s3, s0  }
.LBB2_4:
0x26: {  	p0 =	sne.s32 s11, $0xFFC0  }
0x27: {  	[tilespmem:s0+$0x80] =	vst v1;
	s31 =	sadd.s32 $0x10, s31;
	s0 =	smov.u32 s11;
	s11 =	sadd.s32 $0x40, s11  }
.Ltmp1:
0x28: {  	(pc) =	sbr.rel @p0 .LBB2_4-.Ltmp1, $4  }
0x29: {  	_ = 	snop  }
0x2a: {  	s0 =	sand.u32 $0xFE00, s0  }
0x2b: {  	s3 =	sand.u32 $0x70, s31;
	s0 =	sshrl.u32 s0, $0x2  }
0x2c: {  	s0 =	sor.u32 s3, s0  }
0x2d: {  	[tilespmem:s0+$0x80] =	vst v1  }
0x2e: {  	[spmem:s14] =	stream.linear.scatter [tilespmem:s26], [sflag:$0x1], $0x2000, $0x38;
	[tilespmem:$0x1A080] =	vst v63  }
0x2f: {  	_ =	swait.ge [sflag:s28], $0x2000  }
0x30: {  	[sflag:s28] =	ssyncset.done $0x0  }
0x31: {  	[sflag:s28] =	ssyncadd.s32 $0xFFFFE000  }
0x32: {  	[spmem:s15] =	stream.linear.scatter [tilespmem:s26], [sflag:$0x1], $0x2000, $0x38;
	[tilespmem:$0x1A080] =	vst v63  }
0x33: {  	_ =	swait.ge [sflag:s28], $0x2000  }
0x34: {  	[sflag:s28] =	ssyncset.done $0x0  }
0x35: {  	[sflag:s28] =	ssyncadd.s32 $0xFFFFE000  }
0x36: {  	[spmem:s16] =	stream.linear.scatter [tilespmem:s26], [sflag:$0x1], $0x2000, $0x38;
	[tilespmem:$0x1A080] =	vst v63  }
0x37: {  	_ =	swait.ge [sflag:s28], $0x2000  }
0x38: {  	[sflag:s28] =	ssyncset.done $0x0  }
0x39: {  	[sflag:s28] =	ssyncadd.s32 $0xFFFFE000  }
0x3a: {  	[spmem:s17] =	stream.linear.scatter [tilespmem:s26], [sflag:$0x1], $0x2000, $0x38;
	[tilespmem:$0x1A080] =	vst v63  }
0x3b: {  	_ =	swait.ge [sflag:s28], $0x2000  }
0x3c: {  	[sflag:s28] =	ssyncset.done $0x0  }
0x3d: {  	[sflag:s28] =	ssyncadd.s32 $0xFFFFE000  }
0x3e: {  	[spmem:s18] =	stream.linear.scatter [tilespmem:s26], [sflag:$0x1], $0x2000, $0x38;
	[tilespmem:$0x1A080] =	vst v63  }
0x3f: {  	_ =	swait.ge [sflag:s28], $0x2000  }
0x40: {  	[sflag:s28] =	ssyncset.done $0x0  }
0x41: {  	[sflag:s28] =	ssyncadd.s32 $0xFFFFE000  }
0x42: {  	[spmem:s19] =	stream.linear.scatter [tilespmem:s26], [sflag:$0x1], $0x2000, $0x38;
	[tilespmem:$0x1A080] =	vst v63  }
0x43: {  	_ =	swait.ge [sflag:s28], $0x2000  }
0x44: {  	[sflag:s28] =	ssyncset.done $0x0  }
0x45: {  	[sflag:s28] =	ssyncadd.s32 $0xFFFFE000  }
0x46: {  	[spmem:s20] =	stream.linear.scatter [tilespmem:s26], [sflag:$0x1], $0x2000, $0x38;
	[tilespmem:$0x1A080] =	vst v63  }
0x47: {  	_ =	swait.ge [sflag:s28], $0x2000  }
0x48: {  	[sflag:s28] =	ssyncset.done $0x0  }
0x49: {  	[sflag:s28] =	ssyncadd.s32 $0xFFFFE000  }
0x4a: {  	[spmem:s21] =	stream.linear.scatter [tilespmem:s26], [sflag:$0x1], $0x2000, $0x38;
	[tilespmem:$0x1A080] =	vst v63  }
0x4b: {  	_ =	swait.ge [sflag:s28], $0x2000  }
0x4c: {  	[sflag:s28] =	ssyncset.done $0x0  }
0x4d: {  	[sflag:s28] =	ssyncadd.s32 $0xFFFFE000  }
0x4e: {  	[spmem:s22] =	stream.linear.scatter [tilespmem:s26], [sflag:$0x1], $0x2000, $0x38;
	[tilespmem:$0x1A080] =	vst v63  }
0x4f: {  	_ =	swait.ge [sflag:s28], $0x2000  }
0x50: {  	[sflag:s28] =	ssyncset.done $0x0  }
0x51: {  	[sflag:s28] =	ssyncadd.s32 $0xFFFFE000  }
0x52: {  	[spmem:s23] =	stream.linear.scatter [tilespmem:s26], [sflag:$0x1], $0x2000, $0x38;
	[tilespmem:$0x1A080] =	vst v63  }
0x53: {  	_ =	swait.ge [sflag:s28], $0x2000  }
0x54: {  	[sflag:s28] =	ssyncset.done $0x0  }
0x55: {  	[sflag:s28] =	ssyncadd.s32 $0xFFFFE000  }
0x56: {  	s11 =	sadd.s32 $0x0, s25;
	[bflag:$0x0] =	sbarrier.arrive $0xFFFF  }
0x57: {  	[tilespmem:s2], [sflag:$0x1] =	stream.linear.gather [hbm4b:s11+s2], $0x80, $0x38;
	[tilespmem:$0x1A080] =	vst v63  }
0x58: {  	_ =	swait.ge [sflag:s28], $0x80  }
0x59: {  	[sflag:s28] =	ssyncset.done $0x0  }
0x5a: {  	[sflag:s28] =	ssyncadd.s32 $0xFFFFFF80  }
0x5b: {  	[spmem:s1] =	stream.indirect.scatter.add.f32 [tilespmem:s29], [sflag:$0x1], $0x80, s2, s29, $0xb8;
	[tilespmem:$0x1A080] =	vst v63  }
0x5c: {  	_ =	swait.ge [sflag:s28], $0x4000  }
0x5d: {  	s31 =	simm.s32 $0x10;
	s11 =	simm.s32 $0x20;
	[sflag:s28] =	ssyncset.done $0x0  }
.LBB2_6:
0x5e: {  	s0 =	sadd.s32 s31, s25  }
0x5f: {  	[sflag:s28] =	ssyncadd.s32 $0xFFFFC000;
	s31 =	smov.u32 s11;
	s3 =	sadd.s32 $0x10, s11  }
0x60: {  	[tilespmem:s2], [sflag:$0x1] =	stream.linear.gather [hbm4b:s0+s2], $0x80, $0x38;
	[tilespmem:$0x1A080] =	vst v63  }
0x61: {  	p0 =	sne.s32 s11, $0x4E0;
	_ =	swait.ge [sflag:s28], $0x80  }
.Ltmp2:
0x62: {  	[sflag:s28] =	ssyncset.done $0x0;
	(pc) =	sbr.rel @p0 .LBB2_6-.Ltmp2, $4  }
0x63: {  	[sflag:s28] =	ssyncadd.s32 $0xFFFFFF80  }
0x64: {  	[spmem:s1] =	stream.indirect.scatter.add.f32 [tilespmem:s29], [sflag:$0x1], $0x80, s2, s29, $0xb8;
	[tilespmem:$0x1A080] =	vst v63  }
0x65: {  	_ =	swait.ge [sflag:s28], $0x4000  }
0x66: {  	s11 =	smov.u32 s3;
	[sflag:s28] =	ssyncset.done $0x0  }
0x67: {  	s0 =	sadd.s32 s31, s25;
	[sflag:s28] =	ssyncadd.s32 $0xFFFFC000  }
0x68: {  	[tilespmem:s2], [sflag:$0x1] =	stream.linear.gather [hbm4b:s0+s2], $0x80, $0x38;
	[tilespmem:$0x1A080] =	vst v63  }
0x69: {  	_ =	swait.ge [sflag:s28], $0x80  }
0x6a: {  	[sflag:s28] =	ssyncset.done $0x0  }
0x6b: {  	[sflag:s28] =	ssyncadd.s32 $0xFFFFFF80  }
0x6c: {  	[spmem:s1] =	stream.indirect.scatter.add.f32 [tilespmem:s29], [sflag:$0x1], $0x80, s2, s29, $0xb8;
	[tilespmem:$0x1A080] =	vst v63  }
0x6d: {  	_ =	swait.ge [sflag:s28], $0x4000  }
0x6e: {  	[sflag:s28] =	ssyncset.done $0x0  }
0x6f: {  	[sflag:s28] =	ssyncadd.s32 $0xFFFFC000  }
0x70: {  	[bflag:$0x0] =	sbarrier.arrive $0xFFFF  }
0x71: {  	[tilespmem:s26], [sflag:$0x1] =	stream.linear.gather [spmem:s14], $0x2000, $0x38;
	[tilespmem:$0x1A080] =	vst v63  }
0x72: {  	_ =	swait.ge [sflag:s28], $0x2000  }
0x73: {  	[sflag:s28] =	ssyncset.done $0x0  }
0x74: {  	s31 =	rddreg [dreg:$0x3];
	[sflag:s28] =	ssyncadd.s32 $0xFFFFE000  }
0x75: {  	[hbm4b:s31+s2] =	stream.linear.scatter [tilespmem:s26], [sflag:$0x1], $0x2000, $0x38;
	[tilespmem:$0x1A080] =	vst v63  }
0x76: {  	_ =	swait.ge [sflag:s28], $0x2000  }
0x77: {  	[sflag:s28] =	ssyncset.done $0x0  }
0x78: {  	[sflag:s28] =	ssyncadd.s32 $0xFFFFE000  }
0x79: {  	[tilespmem:s26], [sflag:$0x1] =	stream.linear.gather [spmem:s15], $0x2000, $0x38;
	[tilespmem:$0x1A080] =	vst v63  }
0x7a: {  	_ =	swait.ge [sflag:s28], $0x2000  }
0x7b: {  	[sflag:s28] =	ssyncset.done $0x0  }
0x7c: {  	[sflag:s28] =	ssyncadd.s32 $0xFFFFE000  }
0x7d: {  	[hbm4b:s4+s2] =	stream.linear.scatter [tilespmem:s26], [sflag:$0x1], $0x2000, $0x38;
	[tilespmem:$0x1A080] =	vst v63  }
0x7e: {  	_ =	swait.ge [sflag:s28], $0x2000  }
0x7f: {  	[sflag:s28] =	ssyncset.done $0x0  }
0x80: {  	[sflag:s28] =	ssyncadd.s32 $0xFFFFE000  }
0x81: {  	[tilespmem:s26], [sflag:$0x1] =	stream.linear.gather [spmem:s16], $0x2000, $0x38;
	[tilespmem:$0x1A080] =	vst v63  }
0x82: {  	_ =	swait.ge [sflag:s28], $0x2000  }
0x83: {  	[sflag:s28] =	ssyncset.done $0x0  }
0x84: {  	[sflag:s28] =	ssyncadd.s32 $0xFFFFE000  }
0x85: {  	[hbm4b:s5+s2] =	stream.linear.scatter [tilespmem:s26], [sflag:$0x1], $0x2000, $0x38;
	[tilespmem:$0x1A080] =	vst v63  }
0x86: {  	_ =	swait.ge [sflag:s28], $0x2000  }
0x87: {  	[sflag:s28] =	ssyncset.done $0x0  }
0x88: {  	[sflag:s28] =	ssyncadd.s32 $0xFFFFE000  }
0x89: {  	[tilespmem:s26], [sflag:$0x1] =	stream.linear.gather [spmem:s17], $0x2000, $0x38;
	[tilespmem:$0x1A080] =	vst v63  }
0x8a: {  	_ =	swait.ge [sflag:s28], $0x2000  }
0x8b: {  	[sflag:s28] =	ssyncset.done $0x0  }
0x8c: {  	[sflag:s28] =	ssyncadd.s32 $0xFFFFE000  }
0x8d: {  	[hbm4b:s6+s2] =	stream.linear.scatter [tilespmem:s26], [sflag:$0x1], $0x2000, $0x38;
	[tilespmem:$0x1A080] =	vst v63  }
0x8e: {  	_ =	swait.ge [sflag:s28], $0x2000  }
0x8f: {  	[sflag:s28] =	ssyncset.done $0x0  }
0x90: {  	[sflag:s28] =	ssyncadd.s32 $0xFFFFE000  }
0x91: {  	[tilespmem:s26], [sflag:$0x1] =	stream.linear.gather [spmem:s18], $0x2000, $0x38;
	[tilespmem:$0x1A080] =	vst v63  }
0x92: {  	_ =	swait.ge [sflag:s28], $0x2000  }
0x93: {  	[sflag:s28] =	ssyncset.done $0x0  }
0x94: {  	[sflag:s28] =	ssyncadd.s32 $0xFFFFE000  }
0x95: {  	[hbm4b:s7+s2] =	stream.linear.scatter [tilespmem:s26], [sflag:$0x1], $0x2000, $0x38;
	[tilespmem:$0x1A080] =	vst v63  }
0x96: {  	_ =	swait.ge [sflag:s28], $0x2000  }
0x97: {  	[sflag:s28] =	ssyncset.done $0x0  }
0x98: {  	[sflag:s28] =	ssyncadd.s32 $0xFFFFE000  }
0x99: {  	[tilespmem:s26], [sflag:$0x1] =	stream.linear.gather [spmem:s19], $0x2000, $0x38;
	[tilespmem:$0x1A080] =	vst v63  }
0x9a: {  	_ =	swait.ge [sflag:s28], $0x2000  }
0x9b: {  	[sflag:s28] =	ssyncset.done $0x0  }
0x9c: {  	[sflag:s28] =	ssyncadd.s32 $0xFFFFE000  }
0x9d: {  	[hbm4b:s8+s2] =	stream.linear.scatter [tilespmem:s26], [sflag:$0x1], $0x2000, $0x38;
	[tilespmem:$0x1A080] =	vst v63  }
0x9e: {  	_ =	swait.ge [sflag:s28], $0x2000  }
0x9f: {  	[sflag:s28] =	ssyncset.done $0x0  }
0xa0: {  	[sflag:s28] =	ssyncadd.s32 $0xFFFFE000  }
0xa1: {  	[tilespmem:s26], [sflag:$0x1] =	stream.linear.gather [spmem:s20], $0x2000, $0x38;
	[tilespmem:$0x1A080] =	vst v63  }
0xa2: {  	_ =	swait.ge [sflag:s28], $0x2000  }
0xa3: {  	[sflag:s28] =	ssyncset.done $0x0  }
0xa4: {  	[sflag:s28] =	ssyncadd.s32 $0xFFFFE000  }
0xa5: {  	[hbm4b:s9+s2] =	stream.linear.scatter [tilespmem:s26], [sflag:$0x1], $0x2000, $0x38;
	[tilespmem:$0x1A080] =	vst v63  }
0xa6: {  	_ =	swait.ge [sflag:s28], $0x2000  }
0xa7: {  	[sflag:s28] =	ssyncset.done $0x0  }
0xa8: {  	[sflag:s28] =	ssyncadd.s32 $0xFFFFE000  }
0xa9: {  	[tilespmem:s26], [sflag:$0x1] =	stream.linear.gather [spmem:s21], $0x2000, $0x38;
	[tilespmem:$0x1A080] =	vst v63  }
0xaa: {  	_ =	swait.ge [sflag:s28], $0x2000  }
0xab: {  	[sflag:s28] =	ssyncset.done $0x0  }
0xac: {  	[sflag:s28] =	ssyncadd.s32 $0xFFFFE000  }
0xad: {  	[hbm4b:s10+s2] =	stream.linear.scatter [tilespmem:s26], [sflag:$0x1], $0x2000, $0x38;
	[tilespmem:$0x1A080] =	vst v63  }
0xae: {  	_ =	swait.ge [sflag:s28], $0x2000  }
0xaf: {  	[sflag:s28] =	ssyncset.done $0x0  }
0xb0: {  	[sflag:s28] =	ssyncadd.s32 $0xFFFFE000  }
0xb1: {  	[tilespmem:s26], [sflag:$0x1] =	stream.linear.gather [spmem:s22], $0x2000, $0x38;
	[tilespmem:$0x1A080] =	vst v63  }
0xb2: {  	_ =	swait.ge [sflag:s28], $0x2000  }
0xb3: {  	[sflag:s28] =	ssyncset.done $0x0  }
0xb4: {  	[sflag:s28] =	ssyncadd.s32 $0xFFFFE000  }
0xb5: {  	[hbm4b:s12+s2] =	stream.linear.scatter [tilespmem:s26], [sflag:$0x1], $0x2000, $0x38;
	[tilespmem:$0x1A080] =	vst v63  }
0xb6: {  	_ =	swait.ge [sflag:s28], $0x2000  }
0xb7: {  	[sflag:s28] =	ssyncset.done $0x0  }
0xb8: {  	[sflag:s28] =	ssyncadd.s32 $0xFFFFE000  }
0xb9: {  	[tilespmem:s26], [sflag:$0x1] =	stream.linear.gather [spmem:s23], $0x2000, $0x38;
	[tilespmem:$0x1A080] =	vst v63  }
0xba: {  	s30 =	sadd.s32 $0x1, s30;
	_ =	swait.ge [sflag:s28], $0x2000  }
0xbb: {  	p0 =	sne.s32 s30, s24;
	[sflag:s28] =	ssyncset.done $0x0  }
.Ltmp3:
0xbc: {  	[sflag:s28] =	ssyncadd.s32 $0xFFFFE000;
	(pc) =	sbr.rel @p0 .LBB2_1-.Ltmp3, $4  }
0xbd: {  	[hbm4b:s13+s2] =	stream.linear.scatter [tilespmem:s26], [sflag:$0x1], $0x2000, $0x38;
	[tilespmem:$0x1A080] =	vst v63  }
0xbe: {  	_ =	swait.ge [sflag:s28], $0x2000  }
0xbf: {  	[sflag:s28] =	ssyncset.done $0x0  }
0xc0: {  	[sflag:s28] =	ssyncadd.s32 $0xFFFFE000  }
0xc1: {  	_ =	sfence.sel $0x180000  }
0xc2: {  	[bflag:$0x0] =	sbarrier.arrive $0xFFFF  }
0xc3: {  	_ =	strace $0x90000047  }
0xc4: {  	s0 =	stileid.u32;
	[bflag:$0x2] =	sbarrier.arrive $0xFFFF  }
0xc5: {  	p0 =	sne.s32 s0, $0x0;
	s0 =	rddreg [dreg:$0x2]  }
0xc6: {  	s0 =	sadd.s32 @!p0 $0x100000, s0  }
0xc7: {  	[sflag:s0] =	ssyncadd.tile.s32 @!p0 $0x1;
	_ =	shalt  }
.Lfunc_end2:
_tile_overlayer_lowered:
.L_overlay_start_2:
0xc8: {  	(tag) =	ssettag $0x2  }
0xc9: {  	s0 =	rddreg [dreg:$0x0];
	s2 =	stileid.u32  }
0xca: {  	s1 =	rddreg [dreg:$0x1];
	p0 =	sne.s32 s2, $0x0  }
0xcb: {  	s3 =	rddreg [dreg:$0x2];
	[bflag:$0x3] =	sbarrier.arrive $0xFFFF;
	s2 =	simm.s32 @!p0 $0x1C01  }
0xcc: {  	[timem:s3], [sflag:s2] =	dma.local @!p0 [hbm:s0], s1  }
0xcd: {  	s0 =	simm.s32 @!p0 $0x1  }
0xce: {  	_ =	swait.ge @!p0 [sflag:s0], s1  }
0xcf: {  	s1 =	ssub.s32 @!p0 $0x0, s1;
	[sflag:s0] =	ssyncset.done @!p0 $0x0  }
0xd0: {  	[sflag:s0] =	ssyncadd.s32 @!p0 s1  }
0xd1: {  	[bflag:$0x3] =	sbarrier.arrive $0xFFFF  }
0xd2: {  	_ =	shalt  }

// kernel: kernel.15.cloned.1.call-start
scs
__scs_entry_jumppad:
0x0: {  	(pc) =	sbr.rel $0x88, $3  }
0x1: {  	(tag) =	ssettag $0x0;
	lr =	simm.s32 $0x1  }
0x2: {  	[smem:$0x3F95] =	sst lr;
	_ =	strace $0xD0000000  }
0x3: {  	_ = 	snop  }
0x4: {  	_ = 	snop  }
0x5: {  	_ = 	snop  }
0x6: {  	_ = 	snop  }
0x7: {  	_ = 	snop  }
__scs_overlays_trampoline_lowered:
0x8: {  	[smem:$0x3FA4] =	sst s0  }
0x9: {  	[smem:$0x3FA5] =	sst s1  }
0xa: {  	[smem:$0x3FA6] =	sst s2  }
0xb: {  	[smem:$0x3FA7] =	sst s3  }
0xc: {  	[smem:$0x3FA8] =	sst s4  }
0xd: {  	[smem:$0x3FA9] =	sst s5  }
0xe: {  	[smem:$0x3FAA] =	sst s6  }
0xf: {  	[smem:$0x3FAB] =	sst s7  }
0x10: {  	[smem:$0x3FAC] =	sst s8  }
0x11: {  	[smem:$0x3FAD] =	sst s9;
	s0 =	simm.s32 @!p0 $0x0  }
0x12: {  	s1 =	sld [smem:$0x3F93];
	s0 =	simm.s32 @p0 $0x1  }
0x13: {  	[smem:$0x3FAE] =	sst s0;
	s0 =	simm.s32 @!p1 $0x0  }
0x14: {  	s2 =	sld [smem:$0x3F92];
	s0 =	simm.s32 @p1 $0x1  }
0x15: {  	[smem:$0x3FAF] =	sst s0;
	s0 =	simm.s32 @!p2 $0x0  }
0x16: {  	s3 =	sld [smem:$0x3FDB];
	s0 =	simm.s32 @p2 $0x1  }
0x17: {  	s4 =	simm.s32 $0x1BF5;
	[smem:$0x3FB1] =	sst s0  }
0x18: {  	s0 =	sld [smem:$0x3F94];
	_ =	swait.ge [sflag:s4], $0x0  }
0x19: {  	s7 =	sld [smem:$0x3F95]  }
0x1a: {  	s8 =	sadd.s32 $0xFFFFE003, lr  }
0x1b: {  	s9 =	sadd.s32 $0xFFFFFEF7, lr;
	s5 =	simm.s32 $0xFFFFFFFF;
	p2 =	slt.u32 s8, $0xFFFFF086  }
0x1c: {  	p1 =	slt.u32 s9, $0xF7A;
	s5 =	simm.s32 @!p2 $0x0  }
0x1d: {  	s5 =	simm.s32 @p1 $0x1;
	p0 =	seq.s32 s7, s2  }
0x1e: {  	s7 =	smul.u32 @!p0 $0xF7A, s2;
	p2 =	seq.s32 @!p0 s5, $0x0  }
0x1f: {  	s9 =	smul.u32 $0xF7A, s1;
	s8 =	simm.s32 @!p0 $0x1BF5;
	p2 =	por !p2, p0  }
0x20: {  	[sflag:s8] =	ssyncset.s32 @!p0 $0xFFFFF086;
	s6 =	sadd.s32 @!p0 s3, s7;
	s7 =	simm.s32 @!p0 $0x108  }
0x21: {  	s3 =	sadd.s32 s3, s9;
	s6 =	sadd.s32 @!p0 $0x88, s6;
	s7 =	simm.s32 @p2 $0x1082  }
0x22: {  	[simem:s7], [sflag:s8] =	dma.local @!p0 [hbm:s6], $0xF7A  }
0x23: {  	s9 =	sor.u32 $0xD0000000, s2;
	s6 =	simm.s32 $0x108;
	_ =	swait.ge @!p0 [sflag:s8], $0x0  }
0x24: {  	s3 =	sadd.s32 $0x88, s3;
	s6 =	simm.s32 @!p1 $0x1082;
	[sflag:s4] =	ssyncset.s32 $0xFFFFF086  }
0x25: {  	[simem:s6], [sflag:s4] =	dma.local [hbm:s3], $0xF7A  }
0x26: {  	[smem:$0x3F95] =	sst s1;
	(tag) =	ssettag s2;
	_ =	strace s9  }
0x27: {  	s1 =	sld [smem:$0x3FA5]  }
0x28: {  	s2 =	sld [smem:$0x3FA6]  }
0x29: {  	s4 =	sld [smem:$0x3FA8]  }
0x2a: {  	p0 =	seq.s32 s5, $0x0;
	s5 =	sld [smem:$0x3FA9]  }
0x2b: {  	s6 =	sld [smem:$0x3FAA]  }
0x2c: {  	s7 =	sld [smem:$0x3FAB]  }
0x2d: {  	s3 =	simm.s32 $0x108;
	s8 =	sld [smem:$0x3FAC]  }
0x2e: {  	s3 =	simm.s32 @!p0 $0x1082;
	s9 =	sld [smem:$0x3FAD]  }
0x2f: {  	lr =	sadd.s32 s0, s3;
	s0 =	sld [smem:$0x3FA4]  }
0x30: {  	s3 =	sld [smem:$0x3FA7]  }
0x31: {  	[smem:$0x3FB0] =	sst s10  }
0x32: {  	s10 =	sld [smem:$0x3FAE];
	_ =	sdelay $0x3  }
0x33: {  	p0 =	seq.s32 s10, $0x1;
	s10 =	sld [smem:$0x3FB0];
	_ =	sdelay $0x3  }
0x34: {  	[smem:$0x3FB0] =	sst s10  }
0x35: {  	s10 =	sld [smem:$0x3FAF];
	_ =	sdelay $0x3  }
0x36: {  	p1 =	seq.s32 s10, $0x1;
	s10 =	sld [smem:$0x3FB0];
	_ =	sdelay $0x3  }
0x37: {  	[smem:$0x3FB0] =	sst s10  }
0x38: {  	s10 =	sld [smem:$0x3FB1]  }
0x39: {  	_ = 	snop;
	(pc) =	sbr.ind lr, $3  }
0x3a: {  	_ = 	snop  }
0x3b: {  	_ = 	snop  }
0x3c: {  	p2 =	seq.s32 s10, $0x1;
	s10 =	sld [smem:$0x3FB0]  }
0x3d: {  	_ =	shalt  }
0x3e: {  	_ =	shalt  }
0x3f: {  	_ =	shalt  }
0x40: {  	_ =	shalt  }
0x41: {  	_ =	shalt  }
0x42: {  	_ =	shalt  }
0x43: {  	_ =	shalt  }
0x44: {  	_ =	shalt  }
0x45: {  	_ =	shalt  }
0x46: {  	_ =	shalt  }
0x47: {  	_ =	shalt  }
0x48: {  	_ =	shalt  }
0x49: {  	_ =	shalt  }
0x4a: {  	_ =	shalt  }
0x4b: {  	_ =	shalt  }
0x4c: {  	_ =	shalt  }
0x4d: {  	_ =	shalt  }
0x4e: {  	_ =	shalt  }
0x4f: {  	_ =	shalt  }
0x50: {  	_ =	shalt  }
0x51: {  	_ =	shalt  }
0x52: {  	_ =	shalt  }
0x53: {  	_ =	shalt  }
0x54: {  	_ =	shalt  }
0x55: {  	_ =	shalt  }
0x56: {  	_ =	shalt  }
0x57: {  	_ =	shalt  }
0x58: {  	_ =	shalt  }
0x59: {  	_ =	shalt  }
0x5a: {  	_ =	shalt  }
0x5b: {  	_ =	shalt  }
0x5c: {  	_ =	shalt  }
0x5d: {  	_ =	shalt  }
0x5e: {  	_ =	shalt  }
0x5f: {  	_ =	shalt  }
0x60: {  	_ =	shalt  }
0x61: {  	_ =	shalt  }
0x62: {  	_ =	shalt  }
0x63: {  	_ =	shalt  }
0x64: {  	_ =	shalt  }
0x65: {  	_ =	shalt  }
0x66: {  	_ =	shalt  }
0x67: {  	_ =	shalt  }
0x68: {  	_ =	shalt  }
0x69: {  	_ =	shalt  }
0x6a: {  	_ =	shalt  }
0x6b: {  	_ =	shalt  }
0x6c: {  	_ =	shalt  }
0x6d: {  	_ =	shalt  }
0x6e: {  	_ =	shalt  }
0x6f: {  	_ =	shalt  }
0x70: {  	_ =	shalt  }
0x71: {  	_ =	shalt  }
0x72: {  	_ =	shalt  }
0x73: {  	_ =	shalt  }
0x74: {  	_ =	shalt  }
0x75: {  	_ =	shalt  }
0x76: {  	_ =	shalt  }
0x77: {  	_ =	shalt  }
0x78: {  	_ =	shalt  }
0x79: {  	_ =	shalt  }
0x7a: {  	_ =	shalt  }
0x7b: {  	_ =	shalt  }
0x7c: {  	_ =	shalt  }
0x7d: {  	_ =	shalt  }
0x7e: {  	_ =	shalt  }
0x7f: {  	_ =	shalt  }
0x80: {  	_ =	shalt  }
0x81: {  	_ =	shalt  }
0x82: {  	_ =	shalt  }
0x83: {  	_ =	shalt  }
0x84: {  	_ =	shalt  }
0x85: {  	_ =	shalt  }
0x86: {  	_ =	shalt  }
0x87: {  	_ =	shalt  }
.Lfunc_end0:
.L_simem_size_0:
called_computation.1_lowered:
.L_overlay_start_0:
0x88: {  	s2 =	sld [smem:$0x3FD9]  }
0x89: {  	s3 =	sld [smem:$0x3FFE];
	_ =	sdelay $0x1  }
0x8a: {  	s1 =	srdreg.scid  }
0x8b: {  	s0 =	sand.u32 $0x1, s1  }
0x8c: {  	s14 =	sshll.u32 s0, $0xA;
	s2 =	sadd.s32 s3, s2  }
0x8d: {  	s2 =	sadd.s32 s2, s14  }
0x8e: {  	[smem:$0x3FBC] =	sst s2  }
0x8f: {  	_ = 	snop  }
0x90: {  	s2 =	sld [smem:$0x3FD0];
	_ =	sdelay $0x2  }
0x91: {  	s15 =	simm.s32 $0xA;
	s4 =	simm.s32 $0x10  }
0x92: {  	[smem:s4], [sflag:s15] =	dma.local [hbm:s2], $0x1  }
0x93: {  	_ =	swait.eq [sflag:s15], $0x1  }
0x94: {  	[sflag:s15] =	ssyncset.done $0x0  }
0x95: {  	[sflag:s15] =	ssyncadd.s32 $0xFFFFFFFF  }
0x96: {  	s16 =	sld [smem:$0x10];
	(tm) =	ssettm $0x1  }
0x97: {  	s17 =	sld [smem:$0x3FFB];
	_ =	sdelay $0x3  }
0x98: {  	_ =	strace s17  }
0x99: {  	s3 =	sld [smem:$0x3FFC];
	_ =	sdelay $0x3  }
0x9a: {  	_ =	strace s3  }
0x9b: {  	s3 =	sld [smem:$0x3FFD];
	_ =	sdelay $0x3  }
0x9c: {  	_ =	strace s3  }
0x9d: {  	_ =	strace $0x8FFFFFFF  }
0x9e: {  	s18 =	sld [smem:$0x3FDB];
	_ =	sdelay $0x1  }
0x9f: {  	s19 =	simm.s32 $_scs_section_size  }
0xa0: {  	s5 =	simm.s32 $_size__tile_overlayer_lowered;
	s6 =	simm.s32 $_tile_overlayer_lowered  }
0xa1: {  	s22 =	simm.s32 $0x1BFF;
	s21 =	sshll.u32 s6, $0x1;
	s3 =	sadd.s32 s19, s18  }
0xa2: {  	s7 =	simm.s32 $0x0;
	s20 =	sshll.u32 s5, $0x1;
	s5 =	sadd.s32 s21, s3  }
0xa3: {  	[timem:s7], [sflag:s22] =	dma.local [hbm:s5], s20  }
0xa4: {  	_ =	swait.ge [sflag:s22], s20  }
0xa5: {  	s4 =	ssub.s32 $0x0, s20;
	[sflag:s22] =	ssyncset.done $0x0  }
0xa6: {  	[sflag:s22] =	ssyncadd.s32 s4;
	_ =	sdelay $0x1  }
0xa7: {  	s23 =	simm.s32 $0x1B8B  }
0xa8: {  	_ =	swait.ge [sflag:s23], $0x1  }
0xa9: {  	[sflag:s23] =	ssyncset.done $0x0  }
0xaa: {  	s25 =	simm.s32 $0x1B8E;
	s24 =	sld [smem:$0x3FFE];
	[sflag:s23] =	ssyncadd.s32 $0xFFFFFFFF  }
0xab: {  	s26 =	simm.s32 $execute0_lowered;
	[smem:$0x3FD2] =	sst s25  }
0xac: {  	s5 =	sshll.u32 s26, $0x1;
	_ =	strace $0x80000049;
	[dreg:$0x1] =	wrdreg $0xFFFFFFFF  }
0xad: {  	s28 =	simm.s32 $_size_execute0_lowered;
	s3 =	sadd.s32 s3, s5;
	[dreg:$0x0] =	wrdreg $0x0  }
0xae: {  	s5 =	sshll.u32 s28, $0x1;
	[dreg:$0x2] =	wrdreg s3  }
0xaf: {  	[dreg:$0x3] =	wrdreg s5  }
0xb0: {  	[dreg:$0x4] =	wrdreg $0xC0  }
0xb1: {  	_ =	task [dreg:s7], $0x5FFFF  }
0xb2: {  	[dreg:$0x1] =	wrdreg $0xFFFFFFFF  }
0xb3: {  	[dreg:$0x0] =	wrdreg $0x60  }
0xb4: {  	[dreg:$0x2] =	wrdreg s16  }
0xb5: {  	[dreg:$0x3] =	wrdreg s24  }
0xb6: {  	[dreg:$0x4] =	wrdreg $0x61000  }
0xb7: {  	[dreg:$0x5] =	wrdreg $0x9  }
0xb8: {  	_ =	task.clear_ibuf [dreg:s7], $0x6FFFF;
	_ =	strace $0x90000049  }
0xb9: {  	s29 =	simm.s32 $0x9;
	_ =	strace $0x8000004B  }
0xba: {  	_ =	swait.ge [sflag:s29], $0x1  }
0xbb: {  	[sflag:s29] =	ssyncadd.s32 $0xFFFFFFFF  }
0xbc: {  	_ =	strace $0x9000004B  }
0xbd: {  	_ =	sfence  }
0xbe: {  	s30 =	sld [smem:$0x0];
	_ =	sdelay $0x2  }
0xbf: {  	s31 =	sshll.u32 s1, $0xD;
	s1 =	sshrl.u32 s1, $0x2  }
0xc0: {  	s3 =	sand.u32 $0x4000, s31;
	s1 =	sadd.s32 s1, s30  }
0xc1: {  	s0 =	sor.u32 s3, s0;
	s1 =	sshll.u32 s1, $0x11  }
0xc2: {  	s0 =	sor.u32 s1, s0  }
0xc3: {  	s0 =	sadd.s32 $0x8F2B, s0  }
0xc4: {  	[sflag:s0] =	ssyncadd.remote.s32 $0x1  }
0xc5: {  	_ =	sfence.sel $0xFFFF  }
0xc6: {  	[dreg:$0x0] =	wrdreg $0xFFFFFFFF;
	(pc) =	sbr.abs _section_cstart, $3  }
0xc7: {  	[dreg:$0x1] =	wrdreg $0xFFFFFFFF  }
0xc8: {  	_ =	task.clear_ibuf [dreg:s7], $0x2FFFF;
	_ =	strace $0x9FFFFFFF  }
0xc9: {  	(tm) =	ssettm $0x7FFFFFFF  }
tec
execute0_lowered:
.L_overlay_start_1:
0x0: {  	(tag) =	ssettag $0x1  }
0x1: {  	s1 =	rddreg [dreg:$0x0]  }
0x2: {  	s0 =	rddreg [dreg:$0x1]  }
0x3: {  	s2 =	rddreg [dreg:$0x2]  }
0x4: {  	s3 =	simm.s32 $0x0;
	s4 =	srdreg.scid;
	s25 =	stileid.u32  }
0x5: {  	s23 =	simm.s32 $0x4100;
	s24 =	simm.s32 $0x2;
	s6 =	smul.u32 $0x50000, s25  }
0x6: {  	s28 =	simm.s32 $0x1;
	s29 =	simm.s32 $0x0;
	s15 =	smul.u32 $0x14000, s25  }
0x7: {  	[smem:$0x7FF] =	sst s3;
	s11 =	sand.u32 $0x1, s4;
	s30 =	smul.u32 $0x4F0, s25  }
0x8: {  	s25 =	simm.s32 $0x80;
	s5 =	smul.u32 $0x4F00, s11;
	s26 =	ssub.s32 $0x2, s11  }
0x9: {  	_ =	strace $0x8000004A;
	s22 =	smul.u32 $0x140000, s11;
	s7 =	sshrl.u32 s26, $0x1  }
0xa: {  	s6 =	sshrl.u32 s6, $0x2;
	s16 =	sadd.s32 $0x4000, s15;
	s17 =	sadd.s32 $0x8000, s15  }
0xb: {  	s18 =	sadd.s32 $0xC000, s15;
	s19 =	sadd.s32 $0x10000, s15;
	s20 =	sadd.s32 s5, s0  }
0xc: {  	s0 =	sadd.s32 $0xF000, s0;
	s21 =	ssub.s32 s26, s7;
	s5 =	sadd.s32 s6, s2  }
0xd: {  	s7 =	sadd.s32 s16, s2;
	s9 =	sadd.s32 s17, s2;
	s11 =	sadd.s32 s18, s2  }
0xe: {  	s13 =	sadd.s32 s19, s2;
	s15 =	sadd.s32 s15, s22;
	s16 =	sadd.s32 s22, s16  }
0xf: {  	s17 =	sadd.s32 s22, s17;
	s18 =	sadd.s32 s22, s18;
	s19 =	sadd.s32 s22, s19  }
0x10: {  	s26 =	simm.s32 $0x100;
	s6 =	sadd.s32 $0x2000, s5;
	s8 =	sadd.s32 $0x6000, s5  }
0x11: {  	s10 =	sadd.s32 $0xA000, s5;
	s12 =	sadd.s32 $0xE000, s5;
	s14 =	sadd.s32 $0x12000, s5  }
0x12: {  	s15 =	sshrl.u32 s15, $0x3;
	s16 =	sshrl.u32 s16, $0x3;
	s17 =	sshrl.u32 s17, $0x3  }
0x13: {  	s18 =	sshrl.u32 s18, $0x3;
	s19 =	sshrl.u32 s19, $0x3;
	s31 =	sadd.s32 s30, s20  }
0x14: {  	s20 =	smax.u32 s21, $0x1;
	[dreg:$0x4] =	wrdreg s6;
	s15 =	sadd.s32 s0, s15  }
0x15: {  	s16 =	sadd.s32 s0, s16;
	s17 =	sadd.s32 s0, s17;
	s18 =	sadd.s32 s0, s18  }
0x16: {  	v0 =	vimm.f32 $0.0e+00;
	s19 =	sadd.s32 s0, s19;
	s21 =	sadd.s32 $0x5200, s31;
	s22 =	sadd.s32 $0x5F000, s31  }
.LBB2_1:
0x17: {  	s0 =	sand.u32 $0x7E00, s3  }
0x18: {  	s31 =	sand.u32 $0x70, s3;
	s0 =	sshrl.u32 s0, $0x2  }
0x19: {  	s30 =	simm.s32 $0x40;
	s0 =	sor.u32 s31, s0;
	s31 =	simm.s32 $0x0  }
.LBB2_2:
0x1a: {  	p0 =	sne.s32 s30, $0x7FC0  }
0x1b: {  	[tilespmem:s0+$0x4100] =	vst v0;
	s31 =	sadd.s32 $0x10, s31;
	s0 =	smov.u32 s30;
	s30 =	sadd.s32 $0x40, s30  }
.Ltmp0:
0x1c: {  	(pc) =	sbr.rel @p0 .LBB2_2-.Ltmp0, $4  }
0x1d: {  	_ = 	snop  }
0x1e: {  	s0 =	sand.u32 $0x7E00, s0  }
0x1f: {  	s4 =	sand.u32 $0x70, s31;
	s0 =	sshrl.u32 s0, $0x2  }
0x20: {  	s0 =	sor.u32 s4, s0  }
0x21: {  	[tilespmem:s0+$0x4100] =	vst v0  }
0x22: {  	[spmem:s5] =	stream.linear.scatter [tilespmem:s23], [sflag:$0x2], $0x2000, $0x38;
	[tilespmem:$0x1A100] =	vst v63  }
0x23: {  	_ =	swait.ge [sflag:s24], $0x2000  }
0x24: {  	[sflag:s24] =	ssyncset.done $0x0  }
0x25: {  	s6 =	rddreg [dreg:$0x4];
	[sflag:s24] =	ssyncadd.s32 $0xFFFFE000  }
0x26: {  	[spmem:s6] =	stream.linear.scatter [tilespmem:s23], [sflag:$0x2], $0x2000, $0x38;
	[tilespmem:$0x1A100] =	vst v63  }
0x27: {  	_ =	swait.ge [sflag:s24], $0x2000  }
0x28: {  	[sflag:s24] =	ssyncset.done $0x0  }
0x29: {  	[sflag:s24] =	ssyncadd.s32 $0xFFFFE000  }
0x2a: {  	[spmem:s7] =	stream.linear.scatter [tilespmem:s23], [sflag:$0x2], $0x2000, $0x38;
	[tilespmem:$0x1A100] =	vst v63  }
0x2b: {  	_ =	swait.ge [sflag:s24], $0x2000  }
0x2c: {  	[sflag:s24] =	ssyncset.done $0x0  }
0x2d: {  	[sflag:s24] =	ssyncadd.s32 $0xFFFFE000  }
0x2e: {  	[spmem:s8] =	stream.linear.scatter [tilespmem:s23], [sflag:$0x2], $0x2000, $0x38;
	[tilespmem:$0x1A100] =	vst v63  }
0x2f: {  	_ =	swait.ge [sflag:s24], $0x2000  }
0x30: {  	[sflag:s24] =	ssyncset.done $0x0  }
0x31: {  	[sflag:s24] =	ssyncadd.s32 $0xFFFFE000  }
0x32: {  	[spmem:s9] =	stream.linear.scatter [tilespmem:s23], [sflag:$0x2], $0x2000, $0x38;
	[tilespmem:$0x1A100] =	vst v63  }
0x33: {  	_ =	swait.ge [sflag:s24], $0x2000  }
0x34: {  	[sflag:s24] =	ssyncset.done $0x0  }
0x35: {  	[sflag:s24] =	ssyncadd.s32 $0xFFFFE000  }
0x36: {  	[spmem:s10] =	stream.linear.scatter [tilespmem:s23], [sflag:$0x2], $0x2000, $0x38;
	[tilespmem:$0x1A100] =	vst v63  }
0x37: {  	_ =	swait.ge [sflag:s24], $0x2000  }
0x38: {  	[sflag:s24] =	ssyncset.done $0x0  }
0x39: {  	[sflag:s24] =	ssyncadd.s32 $0xFFFFE000  }
0x3a: {  	[spmem:s11] =	stream.linear.scatter [tilespmem:s23], [sflag:$0x2], $0x2000, $0x38;
	[tilespmem:$0x1A100] =	vst v63  }
0x3b: {  	_ =	swait.ge [sflag:s24], $0x2000  }
0x3c: {  	[sflag:s24] =	ssyncset.done $0x0  }
0x3d: {  	[sflag:s24] =	ssyncadd.s32 $0xFFFFE000  }
0x3e: {  	[spmem:s12] =	stream.linear.scatter [tilespmem:s23], [sflag:$0x2], $0x2000, $0x38;
	[tilespmem:$0x1A100] =	vst v63  }
0x3f: {  	_ =	swait.ge [sflag:s24], $0x2000  }
0x40: {  	[sflag:s24] =	ssyncset.done $0x0  }
0x41: {  	[sflag:s24] =	ssyncadd.s32 $0xFFFFE000  }
0x42: {  	[spmem:s13] =	stream.linear.scatter [tilespmem:s23], [sflag:$0x2], $0x2000, $0x38;
	[tilespmem:$0x1A100] =	vst v63  }
0x43: {  	_ =	swait.ge [sflag:s24], $0x2000  }
0x44: {  	[sflag:s24] =	ssyncset.done $0x0  }
0x45: {  	[sflag:s24] =	ssyncadd.s32 $0xFFFFE000  }
0x46: {  	[spmem:s14] =	stream.linear.scatter [tilespmem:s23], [sflag:$0x2], $0x2000, $0x38;
	[tilespmem:$0x1A100] =	vst v63  }
0x47: {  	_ =	swait.ge [sflag:s24], $0x2000  }
0x48: {  	[sflag:s24] =	ssyncset.done $0x0  }
0x49: {  	[sflag:s24] =	ssyncadd.s32 $0xFFFFE000  }
0x4a: {  	s4 =	sadd.s32 $0x0, s22;
	[bflag:$0x0] =	sbarrier.arrive $0xFFFF  }
0x4b: {  	[tilespmem:s3], [sflag:$0x2] =	stream.linear.gather [hbm4b:s4+s3], $0x80, $0x38;
	[tilespmem:$0x1A100] =	vst v63  }
0x4c: {  	_ =	swait.ge [sflag:s24], $0x80  }
0x4d: {  	[sflag:s24] =	ssyncset.done $0x0  }
0x4e: {  	s6 =	sadd.s32 $0x0, s21;
	[sflag:s24] =	ssyncadd.s32 $0xFFFFFF80  }
0x4f: {  	[tilespmem:s25], [sflag:$0x2] =	stream.linear.gather [hbm4b:s6+s3], $0x80, $0x38;
	[tilespmem:$0x1A100] =	vst v63  }
0x50: {  	_ =	swait.ge [sflag:s24], $0x80  }
0x51: {  	[sflag:s24] =	ssyncset.done $0x0  }
0x52: {  	[sflag:s24] =	ssyncadd.s32 $0xFFFFFF80  }
0x53: {  	[tilespmem:s26], [sflag:$0x1] =	stream.indirect.gather [hbm4b:s1+s25], $0x80, s3, s25, $0xb8;
	[tilespmem:$0x1A100] =	vst v63  }
0x54: {  	_ =	swait.ge [sflag:s28], $0x4000  }
0x55: {  	[sflag:s28] =	ssyncset.done $0x0  }
0x56: {  	[sflag:s28] =	ssyncadd.s32 $0xFFFFC000  }
0x57: {  	[spmem:s2] =	stream.indirect.scatter.add.f32 [tilespmem:s26], [sflag:$0x2], $0x80, s25, s25, $0xb8;
	[tilespmem:$0x1A100] =	vst v63  }
0x58: {  	_ =	swait.ge [sflag:s24], $0x4000  }
0x59: {  	s30 =	simm.s32 $0x10;
	s31 =	simm.s32 $0x20;
	[sflag:s24] =	ssyncset.done $0x0  }
.LBB2_4:
0x5a: {  	s0 =	sadd.s32 s30, s22  }
0x5b: {  	[sflag:s24] =	ssyncadd.s32 $0xFFFFC000;
	s4 =	smov.u32 s31;
	s6 =	sadd.s32 $0x10, s31  }
0x5c: {  	[tilespmem:s3], [sflag:$0x2] =	stream.linear.gather [hbm4b:s0+s3], $0x80, $0x38;
	[tilespmem:$0x1A100] =	vst v63  }
0x5d: {  	p0 =	sne.s32 s31, $0x4E0;
	_ =	swait.ge [sflag:s24], $0x80  }
0x5e: {  	[sflag:s24] =	ssyncset.done $0x0  }
0x5f: {  	s0 =	sadd.s32 s30, s21;
	s30 =	smov.u32 s4;
	[sflag:s24] =	ssyncadd.s32 $0xFFFFFF80  }
0x60: {  	[tilespmem:s25], [sflag:$0x2] =	stream.linear.gather [hbm4b:s0+s3], $0x80, $0x38;
	[tilespmem:$0x1A100] =	vst v63  }
0x61: {  	_ =	swait.ge [sflag:s24], $0x80  }
0x62: {  	[sflag:s24] =	ssyncset.done $0x0  }
0x63: {  	[sflag:s24] =	ssyncadd.s32 $0xFFFFFF80  }
0x64: {  	[tilespmem:s26], [sflag:$0x1] =	stream.indirect.gather [hbm4b:s1+s25], $0x80, s3, s25, $0xb8;
	[tilespmem:$0x1A100] =	vst v63  }
0x65: {  	_ =	swait.ge [sflag:s28], $0x4000  }
.Ltmp1:
0x66: {  	[sflag:s28] =	ssyncset.done $0x0;
	(pc) =	sbr.rel @p0 .LBB2_4-.Ltmp1, $4  }
0x67: {  	[sflag:s28] =	ssyncadd.s32 $0xFFFFC000  }
0x68: {  	[spmem:s2] =	stream.indirect.scatter.add.f32 [tilespmem:s26], [sflag:$0x2], $0x80, s25, s25, $0xb8;
	[tilespmem:$0x1A100] =	vst v63  }
0x69: {  	_ =	swait.ge [sflag:s24], $0x4000  }
0x6a: {  	s31 =	smov.u32 s6;
	[sflag:s24] =	ssyncset.done $0x0  }
0x6b: {  	s0 =	sadd.s32 s30, s22;
	[sflag:s24] =	ssyncadd.s32 $0xFFFFC000  }
0x6c: {  	[tilespmem:s3], [sflag:$0x2] =	stream.linear.gather [hbm4b:s0+s3], $0x80, $0x38;
	[tilespmem:$0x1A100] =	vst v63  }
0x6d: {  	_ =	swait.ge [sflag:s24], $0x80  }
0x6e: {  	[sflag:s24] =	ssyncset.done $0x0  }
0x6f: {  	s31 =	sadd.s32 s30, s21;
	[sflag:s24] =	ssyncadd.s32 $0xFFFFFF80  }
0x70: {  	[tilespmem:s25], [sflag:$0x2] =	stream.linear.gather [hbm4b:s31+s3], $0x80, $0x38;
	[tilespmem:$0x1A100] =	vst v63  }
0x71: {  	_ =	swait.ge [sflag:s24], $0x80  }
0x72: {  	[sflag:s24] =	ssyncset.done $0x0  }
0x73: {  	[sflag:s24] =	ssyncadd.s32 $0xFFFFFF80  }
0x74: {  	[tilespmem:s26], [sflag:$0x1] =	stream.indirect.gather [hbm4b:s1+s25], $0x80, s3, s25, $0xb8;
	[tilespmem:$0x1A100] =	vst v63  }
0x75: {  	_ =	swait.ge [sflag:s28], $0x4000  }
0x76: {  	[sflag:s28] =	ssyncset.done $0x0  }
0x77: {  	[sflag:s28] =	ssyncadd.s32 $0xFFFFC000  }
0x78: {  	[spmem:s2] =	stream.indirect.scatter.add.f32 [tilespmem:s26], [sflag:$0x2], $0x80, s25, s25, $0xb8;
	[tilespmem:$0x1A100] =	vst v63  }
0x79: {  	_ =	swait.ge [sflag:s24], $0x4000  }
0x7a: {  	[sflag:s24] =	ssyncset.done $0x0  }
0x7b: {  	[sflag:s24] =	ssyncadd.s32 $0xFFFFC000  }
0x7c: {  	[bflag:$0x0] =	sbarrier.arrive $0xFFFF  }
0x7d: {  	[tilespmem:s26], [sflag:$0x2] =	stream.linear.gather [spmem:s5], $0x4000, $0x38;
	[tilespmem:$0x1A100] =	vst v63  }
0x7e: {  	_ =	swait.ge [sflag:s24], $0x4000  }
0x7f: {  	[sflag:s24] =	ssyncset.done $0x0  }
0x80: {  	[sflag:s24] =	ssyncadd.s32 $0xFFFFC000  }
0x81: {  	[hbm4b:s15+s3] =	stream.linear.scatter [tilespmem:s26], [sflag:$0x2], $0x4000, $0x38;
	[tilespmem:$0x1A100] =	vst v63  }
0x82: {  	_ =	swait.ge [sflag:s24], $0x4000  }
0x83: {  	[sflag:s24] =	ssyncset.done $0x0  }
0x84: {  	[sflag:s24] =	ssyncadd.s32 $0xFFFFC000  }
0x85: {  	[tilespmem:s26], [sflag:$0x2] =	stream.linear.gather [spmem:s7], $0x4000, $0x38;
	[tilespmem:$0x1A100] =	vst v63  }
0x86: {  	_ =	swait.ge [sflag:s24], $0x4000  }
0x87: {  	[sflag:s24] =	ssyncset.done $0x0  }
0x88: {  	[sflag:s24] =	ssyncadd.s32 $0xFFFFC000  }
0x89: {  	[hbm4b:s16+s3] =	stream.linear.scatter [tilespmem:s26], [sflag:$0x2], $0x4000, $0x38;
	[tilespmem:$0x1A100] =	vst v63  }
0x8a: {  	_ =	swait.ge [sflag:s24], $0x4000  }
0x8b: {  	[sflag:s24] =	ssyncset.done $0x0  }
0x8c: {  	[sflag:s24] =	ssyncadd.s32 $0xFFFFC000  }
0x8d: {  	[tilespmem:s26], [sflag:$0x2] =	stream.linear.gather [spmem:s9], $0x4000, $0x38;
	[tilespmem:$0x1A100] =	vst v63  }
0x8e: {  	_ =	swait.ge [sflag:s24], $0x4000  }
0x8f: {  	[sflag:s24] =	ssyncset.done $0x0  }
0x90: {  	[sflag:s24] =	ssyncadd.s32 $0xFFFFC000  }
0x91: {  	[hbm4b:s17+s3] =	stream.linear.scatter [tilespmem:s26], [sflag:$0x2], $0x4000, $0x38;
	[tilespmem:$0x1A100] =	vst v63  }
0x92: {  	_ =	swait.ge [sflag:s24], $0x4000  }
0x93: {  	[sflag:s24] =	ssyncset.done $0x0  }
0x94: {  	[sflag:s24] =	ssyncadd.s32 $0xFFFFC000  }
0x95: {  	[tilespmem:s26], [sflag:$0x2] =	stream.linear.gather [spmem:s11], $0x4000, $0x38;
	[tilespmem:$0x1A100] =	vst v63  }
0x96: {  	_ =	swait.ge [sflag:s24], $0x4000  }
0x97: {  	[sflag:s24] =	ssyncset.done $0x0  }
0x98: {  	[sflag:s24] =	ssyncadd.s32 $0xFFFFC000  }
0x99: {  	[hbm4b:s18+s3] =	stream.linear.scatter [tilespmem:s26], [sflag:$0x2], $0x4000, $0x38;
	[tilespmem:$0x1A100] =	vst v63  }
0x9a: {  	_ =	swait.ge [sflag:s24], $0x4000  }
0x9b: {  	[sflag:s24] =	ssyncset.done $0x0  }
0x9c: {  	[sflag:s24] =	ssyncadd.s32 $0xFFFFC000  }
0x9d: {  	[tilespmem:s26], [sflag:$0x2] =	stream.linear.gather [spmem:s13], $0x4000, $0x38;
	[tilespmem:$0x1A100] =	vst v63  }
0x9e: {  	s29 =	sadd.s32 $0x1, s29;
	_ =	swait.ge [sflag:s24], $0x4000  }
0x9f: {  	p0 =	sne.s32 s29, s20;
	[sflag:s24] =	ssyncset.done $0x0  }
.Ltmp2:
0xa0: {  	[sflag:s24] =	ssyncadd.s32 $0xFFFFC000;
	(pc) =	sbr.rel @p0 .LBB2_1-.Ltmp2, $4  }
0xa1: {  	[hbm4b:s19+s3] =	stream.linear.scatter [tilespmem:s26], [sflag:$0x2], $0x4000, $0x38;
	[tilespmem:$0x1A100] =	vst v63  }
0xa2: {  	_ =	swait.ge [sflag:s24], $0x4000  }
0xa3: {  	[sflag:s24] =	ssyncset.done $0x0  }
0xa4: {  	[sflag:s24] =	ssyncadd.s32 $0xFFFFC000  }
0xa5: {  	_ =	sfence.sel $0x180000  }
0xa6: {  	[bflag:$0x0] =	sbarrier.arrive $0xFFFF  }
0xa7: {  	_ =	strace $0x9000004A  }
0xa8: {  	s0 =	stileid.u32;
	[bflag:$0x2] =	sbarrier.arrive $0xFFFF  }
0xa9: {  	p0 =	sne.s32 s0, $0x0;
	s0 =	rddreg [dreg:$0x3]  }
0xaa: {  	s0 =	sadd.s32 @!p0 $0x100000, s0  }
0xab: {  	[sflag:s0] =	ssyncadd.tile.s32 @!p0 $0x1;
	_ =	shalt  }
.Lfunc_end2:
_tile_overlayer_lowered:
.L_overlay_start_2:
0xac: {  	(tag) =	ssettag $0x2  }
0xad: {  	s0 =	rddreg [dreg:$0x0];
	s2 =	stileid.u32  }
0xae: {  	s1 =	rddreg [dreg:$0x1];
	p0 =	sne.s32 s2, $0x0  }
0xaf: {  	s3 =	rddreg [dreg:$0x2];
	[bflag:$0x3] =	sbarrier.arrive $0xFFFF;
	s2 =	simm.s32 @!p0 $0x1C02  }
0xb0: {  	[timem:s3], [sflag:s2] =	dma.local @!p0 [hbm:s0], s1  }
0xb1: {  	s0 =	simm.s32 @!p0 $0x2  }
0xb2: {  	_ =	swait.ge @!p0 [sflag:s0], s1  }
0xb3: {  	s1 =	ssub.s32 @!p0 $0x0, s1;
	[sflag:s0] =	ssyncset.done @!p0 $0x0  }
0xb4: {  	[sflag:s0] =	ssyncadd.s32 @!p0 s1  }
0xb5: {  	[bflag:$0x3] =	sbarrier.arrive $0xFFFF  }
0xb6: {  	_ =	shalt  }

// kernel: kernel.18.cloned.1.call-start
scs
__scs_entry_jumppad:
0x0: {  	(pc) =	sbr.rel $0x88, $3  }
0x1: {  	(tag) =	ssettag $0x0;
	lr =	simm.s32 $0x1  }
0x2: {  	[smem:$0x3F95] =	sst lr;
	_ =	strace $0xD0000000  }
0x3: {  	_ = 	snop  }
0x4: {  	_ = 	snop  }
0x5: {  	_ = 	snop  }
0x6: {  	_ = 	snop  }
0x7: {  	_ = 	snop  }
__scs_overlays_trampoline_lowered:
0x8: {  	[smem:$0x3FA4] =	sst s0  }
0x9: {  	[smem:$0x3FA5] =	sst s1  }
0xa: {  	[smem:$0x3FA6] =	sst s2  }
0xb: {  	[smem:$0x3FA7] =	sst s3  }
0xc: {  	[smem:$0x3FA8] =	sst s4  }
0xd: {  	[smem:$0x3FA9] =	sst s5  }
0xe: {  	[smem:$0x3FAA] =	sst s6  }
0xf: {  	[smem:$0x3FAB] =	sst s7  }
0x10: {  	[smem:$0x3FAC] =	sst s8  }
0x11: {  	[smem:$0x3FAD] =	sst s9;
	s0 =	simm.s32 @!p0 $0x0  }
0x12: {  	s1 =	sld [smem:$0x3F93];
	s0 =	simm.s32 @p0 $0x1  }
0x13: {  	[smem:$0x3FAE] =	sst s0;
	s0 =	simm.s32 @!p1 $0x0  }
0x14: {  	s2 =	sld [smem:$0x3F92];
	s0 =	simm.s32 @p1 $0x1  }
0x15: {  	[smem:$0x3FAF] =	sst s0;
	s0 =	simm.s32 @!p2 $0x0  }
0x16: {  	s3 =	sld [smem:$0x3FDB];
	s0 =	simm.s32 @p2 $0x1  }
0x17: {  	s4 =	simm.s32 $0x1BF5;
	[smem:$0x3FB1] =	sst s0  }
0x18: {  	s0 =	sld [smem:$0x3F94];
	_ =	swait.ge [sflag:s4], $0x0  }
0x19: {  	s7 =	sld [smem:$0x3F95]  }
0x1a: {  	s8 =	sadd.s32 $0xFFFFE003, lr  }
0x1b: {  	s9 =	sadd.s32 $0xFFFFFEF7, lr;
	s5 =	simm.s32 $0xFFFFFFFF;
	p2 =	slt.u32 s8, $0xFFFFF086  }
0x1c: {  	p1 =	slt.u32 s9, $0xF7A;
	s5 =	simm.s32 @!p2 $0x0  }
0x1d: {  	s5 =	simm.s32 @p1 $0x1;
	p0 =	seq.s32 s7, s2  }
0x1e: {  	s7 =	smul.u32 @!p0 $0xF7A, s2;
	p2 =	seq.s32 @!p0 s5, $0x0  }
0x1f: {  	s9 =	smul.u32 $0xF7A, s1;
	s8 =	simm.s32 @!p0 $0x1BF5;
	p2 =	por !p2, p0  }
0x20: {  	[sflag:s8] =	ssyncset.s32 @!p0 $0xFFFFF086;
	s6 =	sadd.s32 @!p0 s3, s7;
	s7 =	simm.s32 @!p0 $0x108  }
0x21: {  	s3 =	sadd.s32 s3, s9;
	s6 =	sadd.s32 @!p0 $0x88, s6;
	s7 =	simm.s32 @p2 $0x1082  }
0x22: {  	[simem:s7], [sflag:s8] =	dma.local @!p0 [hbm:s6], $0xF7A  }
0x23: {  	s9 =	sor.u32 $0xD0000000, s2;
	s6 =	simm.s32 $0x108;
	_ =	swait.ge @!p0 [sflag:s8], $0x0  }
0x24: {  	s3 =	sadd.s32 $0x88, s3;
	s6 =	simm.s32 @!p1 $0x1082;
	[sflag:s4] =	ssyncset.s32 $0xFFFFF086  }
0x25: {  	[simem:s6], [sflag:s4] =	dma.local [hbm:s3], $0xF7A  }
0x26: {  	[smem:$0x3F95] =	sst s1;
	(tag) =	ssettag s2;
	_ =	strace s9  }
0x27: {  	s1 =	sld [smem:$0x3FA5]  }
0x28: {  	s2 =	sld [smem:$0x3FA6]  }
0x29: {  	s4 =	sld [smem:$0x3FA8]  }
0x2a: {  	p0 =	seq.s32 s5, $0x0;
	s5 =	sld [smem:$0x3FA9]  }
0x2b: {  	s6 =	sld [smem:$0x3FAA]  }
0x2c: {  	s7 =	sld [smem:$0x3FAB]  }
0x2d: {  	s3 =	simm.s32 $0x108;
	s8 =	sld [smem:$0x3FAC]  }
0x2e: {  	s3 =	simm.s32 @!p0 $0x1082;
	s9 =	sld [smem:$0x3FAD]  }
0x2f: {  	lr =	sadd.s32 s0, s3;
	s0 =	sld [smem:$0x3FA4]  }
0x30: {  	s3 =	sld [smem:$0x3FA7]  }
0x31: {  	[smem:$0x3FB0] =	sst s10  }
0x32: {  	s10 =	sld [smem:$0x3FAE];
	_ =	sdelay $0x3  }
0x33: {  	p0 =	seq.s32 s10, $0x1;
	s10 =	sld [smem:$0x3FB0];
	_ =	sdelay $0x3  }
0x34: {  	[smem:$0x3FB0] =	sst s10  }
0x35: {  	s10 =	sld [smem:$0x3FAF];
	_ =	sdelay $0x3  }
0x36: {  	p1 =	seq.s32 s10, $0x1;
	s10 =	sld [smem:$0x3FB0];
	_ =	sdelay $0x3  }
0x37: {  	[smem:$0x3FB0] =	sst s10  }
0x38: {  	s10 =	sld [smem:$0x3FB1]  }
0x39: {  	_ = 	snop;
	(pc) =	sbr.ind lr, $3  }
0x3a: {  	_ = 	snop  }
0x3b: {  	_ = 	snop  }
0x3c: {  	p2 =	seq.s32 s10, $0x1;
	s10 =	sld [smem:$0x3FB0]  }
0x3d: {  	_ =	shalt  }
0x3e: {  	_ =	shalt  }
0x3f: {  	_ =	shalt  }
0x40: {  	_ =	shalt  }
0x41: {  	_ =	shalt  }
0x42: {  	_ =	shalt  }
0x43: {  	_ =	shalt  }
0x44: {  	_ =	shalt  }
0x45: {  	_ =	shalt  }
0x46: {  	_ =	shalt  }
0x47: {  	_ =	shalt  }
0x48: {  	_ =	shalt  }
0x49: {  	_ =	shalt  }
0x4a: {  	_ =	shalt  }
0x4b: {  	_ =	shalt  }
0x4c: {  	_ =	shalt  }
0x4d: {  	_ =	shalt  }
0x4e: {  	_ =	shalt  }
0x4f: {  	_ =	shalt  }
0x50: {  	_ =	shalt  }
0x51: {  	_ =	shalt  }
0x52: {  	_ =	shalt  }
0x53: {  	_ =	shalt  }
0x54: {  	_ =	shalt  }
0x55: {  	_ =	shalt  }
0x56: {  	_ =	shalt  }
0x57: {  	_ =	shalt  }
0x58: {  	_ =	shalt  }
0x59: {  	_ =	shalt  }
0x5a: {  	_ =	shalt  }
0x5b: {  	_ =	shalt  }
0x5c: {  	_ =	shalt  }
0x5d: {  	_ =	shalt  }
0x5e: {  	_ =	shalt  }
0x5f: {  	_ =	shalt  }
0x60: {  	_ =	shalt  }
0x61: {  	_ =	shalt  }
0x62: {  	_ =	shalt  }
0x63: {  	_ =	shalt  }
0x64: {  	_ =	shalt  }
0x65: {  	_ =	shalt  }
0x66: {  	_ =	shalt  }
0x67: {  	_ =	shalt  }
0x68: {  	_ =	shalt  }
0x69: {  	_ =	shalt  }
0x6a: {  	_ =	shalt  }
0x6b: {  	_ =	shalt  }
0x6c: {  	_ =	shalt  }
0x6d: {  	_ =	shalt  }
0x6e: {  	_ =	shalt  }
0x6f: {  	_ =	shalt  }
0x70: {  	_ =	shalt  }
0x71: {  	_ =	shalt  }
0x72: {  	_ =	shalt  }
0x73: {  	_ =	shalt  }
0x74: {  	_ =	shalt  }
0x75: {  	_ =	shalt  }
0x76: {  	_ =	shalt  }
0x77: {  	_ =	shalt  }
0x78: {  	_ =	shalt  }
0x79: {  	_ =	shalt  }
0x7a: {  	_ =	shalt  }
0x7b: {  	_ =	shalt  }
0x7c: {  	_ =	shalt  }
0x7d: {  	_ =	shalt  }
0x7e: {  	_ =	shalt  }
0x7f: {  	_ =	shalt  }
0x80: {  	_ =	shalt  }
0x81: {  	_ =	shalt  }
0x82: {  	_ =	shalt  }
0x83: {  	_ =	shalt  }
0x84: {  	_ =	shalt  }
0x85: {  	_ =	shalt  }
0x86: {  	_ =	shalt  }
0x87: {  	_ =	shalt  }
.Lfunc_end0:
.L_simem_size_0:
called_computation.2_lowered:
.L_overlay_start_0:
0x88: {  	s2 =	sld [smem:$0x3FD9]  }
0x89: {  	s3 =	sld [smem:$0x3FFE];
	_ =	sdelay $0x1  }
0x8a: {  	s1 =	srdreg.scid  }
0x8b: {  	s0 =	sand.u32 $0x1, s1  }
0x8c: {  	s14 =	sshll.u32 s0, $0xA;
	s2 =	sadd.s32 s3, s2  }
0x8d: {  	s2 =	sadd.s32 s2, s14  }
0x8e: {  	[smem:$0x3FBC] =	sst s2  }
0x8f: {  	_ = 	snop  }
0x90: {  	s2 =	sld [smem:$0x3FD0];
	_ =	sdelay $0x2  }
0x91: {  	s15 =	simm.s32 $0xA;
	s4 =	simm.s32 $0x10  }
0x92: {  	[smem:s4], [sflag:s15] =	dma.local [hbm:s2], $0x1  }
0x93: {  	_ =	swait.eq [sflag:s15], $0x1  }
0x94: {  	[sflag:s15] =	ssyncset.done $0x0  }
0x95: {  	[sflag:s15] =	ssyncadd.s32 $0xFFFFFFFF  }
0x96: {  	s16 =	sld [smem:$0x10];
	(tm) =	ssettm $0x1  }
0x97: {  	s17 =	sld [smem:$0x3FFB];
	_ =	sdelay $0x3  }
0x98: {  	_ =	strace s17  }
0x99: {  	s3 =	sld [smem:$0x3FFC];
	_ =	sdelay $0x3  }
0x9a: {  	_ =	strace s3  }
0x9b: {  	s3 =	sld [smem:$0x3FFD];
	_ =	sdelay $0x3  }
0x9c: {  	_ =	strace s3  }
0x9d: {  	_ =	strace $0x8FFFFFFF  }
0x9e: {  	s18 =	sld [smem:$0x3FDB];
	_ =	sdelay $0x1  }
0x9f: {  	s19 =	simm.s32 $_scs_section_size  }
0xa0: {  	s5 =	simm.s32 $_size__tile_overlayer_lowered;
	s6 =	simm.s32 $_tile_overlayer_lowered  }
0xa1: {  	s22 =	simm.s32 $0x1BFF;
	s21 =	sshll.u32 s6, $0x1;
	s3 =	sadd.s32 s19, s18  }
0xa2: {  	s7 =	simm.s32 $0x0;
	s20 =	sshll.u32 s5, $0x1;
	s5 =	sadd.s32 s21, s3  }
0xa3: {  	[timem:s7], [sflag:s22] =	dma.local [hbm:s5], s20  }
0xa4: {  	_ =	swait.ge [sflag:s22], s20  }
0xa5: {  	s4 =	ssub.s32 $0x0, s20;
	[sflag:s22] =	ssyncset.done $0x0  }
0xa6: {  	[sflag:s22] =	ssyncadd.s32 s4;
	_ =	sdelay $0x1  }
0xa7: {  	s23 =	simm.s32 $0x1B8B  }
0xa8: {  	_ =	swait.ge [sflag:s23], $0x1  }
0xa9: {  	[sflag:s23] =	ssyncset.done $0x0  }
0xaa: {  	s25 =	simm.s32 $0x1B8E;
	s24 =	sld [smem:$0x3FFE];
	[sflag:s23] =	ssyncadd.s32 $0xFFFFFFFF  }
0xab: {  	s26 =	simm.s32 $execute0_lowered;
	[smem:$0x3FD2] =	sst s25  }
0xac: {  	s5 =	sshll.u32 s26, $0x1;
	_ =	strace $0x8000004C;
	[dreg:$0x1] =	wrdreg $0xFFFFFFFF  }
0xad: {  	s28 =	simm.s32 $_size_execute0_lowered;
	s3 =	sadd.s32 s3, s5;
	[dreg:$0x0] =	wrdreg $0x0  }
0xae: {  	s5 =	sshll.u32 s28, $0x1;
	[dreg:$0x2] =	wrdreg s3  }
0xaf: {  	[dreg:$0x3] =	wrdreg s5  }
0xb0: {  	[dreg:$0x4] =	wrdreg $0xC0  }
0xb1: {  	_ =	task [dreg:s7], $0x5FFFF  }
0xb2: {  	[dreg:$0x1] =	wrdreg $0xFFFFFFFF  }
0xb3: {  	[dreg:$0x0] =	wrdreg $0x60  }
0xb4: {  	[dreg:$0x2] =	wrdreg s16  }
0xb5: {  	[dreg:$0x3] =	wrdreg s24  }
0xb6: {  	[dreg:$0x4] =	wrdreg $0x61000  }
0xb7: {  	[dreg:$0x5] =	wrdreg $0x9  }
0xb8: {  	_ =	task.clear_ibuf [dreg:s7], $0x6FFFF;
	_ =	strace $0x9000004C  }
0xb9: {  	s29 =	simm.s32 $0x9;
	_ =	strace $0x8000004E  }
0xba: {  	_ =	swait.ge [sflag:s29], $0x1  }
0xbb: {  	[sflag:s29] =	ssyncadd.s32 $0xFFFFFFFF  }
0xbc: {  	_ =	strace $0x9000004E  }
0xbd: {  	_ =	sfence  }
0xbe: {  	s30 =	sld [smem:$0x0];
	_ =	sdelay $0x2  }
0xbf: {  	s31 =	sshll.u32 s1, $0xD;
	s1 =	sshrl.u32 s1, $0x2  }
0xc0: {  	s3 =	sand.u32 $0x4000, s31;
	s1 =	sadd.s32 s1, s30  }
0xc1: {  	s0 =	sor.u32 s3, s0;
	s1 =	sshll.u32 s1, $0x11  }
0xc2: {  	s0 =	sor.u32 s1, s0  }
0xc3: {  	s0 =	sadd.s32 $0x8F2B, s0  }
0xc4: {  	[sflag:s0] =	ssyncadd.remote.s32 $0x1  }
0xc5: {  	_ =	sfence.sel $0xFFFF  }
0xc6: {  	[dreg:$0x0] =	wrdreg $0xFFFFFFFF;
	(pc) =	sbr.abs _section_cstart, $3  }
0xc7: {  	[dreg:$0x1] =	wrdreg $0xFFFFFFFF  }
0xc8: {  	_ =	task.clear_ibuf [dreg:s7], $0x2FFFF;
	_ =	strace $0x9FFFFFFF  }
0xc9: {  	(tm) =	ssettm $0x7FFFFFFF  }
tec
execute0_lowered:
.L_overlay_start_1:
0x0: {  	(tag) =	ssettag $0x1  }
0x1: {  	s1 =	rddreg [dreg:$0x0]  }
0x2: {  	s0 =	rddreg [dreg:$0x1]  }
0x3: {  	s2 =	rddreg [dreg:$0x2]  }
0x4: {  	s3 =	simm.s32 $0x0;
	s4 =	srdreg.scid;
	s25 =	stileid.u32  }
0x5: {  	s23 =	simm.s32 $0x4100;
	s24 =	simm.s32 $0x2;
	s6 =	smul.u32 $0x50000, s25  }
0x6: {  	s28 =	simm.s32 $0x1;
	s29 =	simm.s32 $0x0;
	s15 =	smul.u32 $0x14000, s25  }
0x7: {  	[smem:$0x7FF] =	sst s3;
	s11 =	sand.u32 $0x1, s4;
	s30 =	smul.u32 $0x4F0, s25  }
0x8: {  	s25 =	simm.s32 $0x80;
	s5 =	smul.u32 $0x4F00, s11;
	s26 =	ssub.s32 $0x2, s11  }
0x9: {  	_ =	strace $0x8000004D;
	s22 =	smul.u32 $0x140000, s11;
	s7 =	sshrl.u32 s26, $0x1  }
0xa: {  	s6 =	sshrl.u32 s6, $0x2;
	s16 =	sadd.s32 $0x4000, s15;
	s17 =	sadd.s32 $0x8000, s15  }
0xb: {  	s18 =	sadd.s32 $0xC000, s15;
	s19 =	sadd.s32 $0x10000, s15;
	s20 =	sadd.s32 s5, s0  }
0xc: {  	s0 =	sadd.s32 $0x68E00, s0;
	s21 =	ssub.s32 s26, s7;
	s5 =	sadd.s32 s6, s2  }
0xd: {  	s7 =	sadd.s32 s16, s2;
	s9 =	sadd.s32 s17, s2;
	s11 =	sadd.s32 s18, s2  }
0xe: {  	s13 =	sadd.s32 s19, s2;
	s15 =	sadd.s32 s15, s22;
	s16 =	sadd.s32 s22, s16  }
0xf: {  	s17 =	sadd.s32 s22, s17;
	s18 =	sadd.s32 s22, s18;
	s19 =	sadd.s32 s22, s19  }
0x10: {  	s26 =	simm.s32 $0x100;
	s6 =	sadd.s32 $0x2000, s5;
	s8 =	sadd.s32 $0x6000, s5  }
0x11: {  	s10 =	sadd.s32 $0xA000, s5;
	s12 =	sadd.s32 $0xE000, s5;
	s14 =	sadd.s32 $0x12000, s5  }
0x12: {  	s15 =	sshrl.u32 s15, $0x3;
	s16 =	sshrl.u32 s16, $0x3;
	s17 =	sshrl.u32 s17, $0x3  }
0x13: {  	s18 =	sshrl.u32 s18, $0x3;
	s19 =	sshrl.u32 s19, $0x3;
	s31 =	sadd.s32 s30, s20  }
0x14: {  	s20 =	smax.u32 s21, $0x1;
	[dreg:$0x4] =	wrdreg s6;
	s15 =	sadd.s32 s0, s15  }
0x15: {  	s16 =	sadd.s32 s0, s16;
	s17 =	sadd.s32 s0, s17;
	s18 =	sadd.s32 s0, s18  }
0x16: {  	v0 =	vimm.f32 $0.0e+00;
	s19 =	sadd.s32 s0, s19;
	s21 =	sadd.s32 $0x5200, s31;
	s22 =	sadd.s32 $0x5F000, s31  }
.LBB2_1:
0x17: {  	s0 =	sand.u32 $0x7E00, s3  }
0x18: {  	s31 =	sand.u32 $0x70, s3;
	s0 =	sshrl.u32 s0, $0x2  }
0x19: {  	s30 =	simm.s32 $0x40;
	s0 =	sor.u32 s31, s0;
	s31 =	simm.s32 $0x0  }
.LBB2_2:
0x1a: {  	p0 =	sne.s32 s30, $0x7FC0  }
0x1b: {  	[tilespmem:s0+$0x4100] =	vst v0;
	s31 =	sadd.s32 $0x10, s31;
	s0 =	smov.u32 s30;
	s30 =	sadd.s32 $0x40, s30  }
.Ltmp0:
0x1c: {  	(pc) =	sbr.rel @p0 .LBB2_2-.Ltmp0, $4  }
0x1d: {  	_ = 	snop  }
0x1e: {  	s0 =	sand.u32 $0x7E00, s0  }
0x1f: {  	s4 =	sand.u32 $0x70, s31;
	s0 =	sshrl.u32 s0, $0x2  }
0x20: {  	s0 =	sor.u32 s4, s0  }
0x21: {  	[tilespmem:s0+$0x4100] =	vst v0  }
0x22: {  	[spmem:s5] =	stream.linear.scatter [tilespmem:s23], [sflag:$0x2], $0x2000, $0x38;
	[tilespmem:$0x1A100] =	vst v63  }
0x23: {  	_ =	swait.ge [sflag:s24], $0x2000  }
0x24: {  	[sflag:s24] =	ssyncset.done $0x0  }
0x25: {  	s6 =	rddreg [dreg:$0x4];
	[sflag:s24] =	ssyncadd.s32 $0xFFFFE000  }
0x26: {  	[spmem:s6] =	stream.linear.scatter [tilespmem:s23], [sflag:$0x2], $0x2000, $0x38;
	[tilespmem:$0x1A100] =	vst v63  }
0x27: {  	_ =	swait.ge [sflag:s24], $0x2000  }
0x28: {  	[sflag:s24] =	ssyncset.done $0x0  }
0x29: {  	[sflag:s24] =	ssyncadd.s32 $0xFFFFE000  }
0x2a: {  	[spmem:s7] =	stream.linear.scatter [tilespmem:s23], [sflag:$0x2], $0x2000, $0x38;
	[tilespmem:$0x1A100] =	vst v63  }
0x2b: {  	_ =	swait.ge [sflag:s24], $0x2000  }
0x2c: {  	[sflag:s24] =	ssyncset.done $0x0  }
0x2d: {  	[sflag:s24] =	ssyncadd.s32 $0xFFFFE000  }
0x2e: {  	[spmem:s8] =	stream.linear.scatter [tilespmem:s23], [sflag:$0x2], $0x2000, $0x38;
	[tilespmem:$0x1A100] =	vst v63  }
0x2f: {  	_ =	swait.ge [sflag:s24], $0x2000  }
0x30: {  	[sflag:s24] =	ssyncset.done $0x0  }
0x31: {  	[sflag:s24] =	ssyncadd.s32 $0xFFFFE000  }
0x32: {  	[spmem:s9] =	stream.linear.scatter [tilespmem:s23], [sflag:$0x2], $0x2000, $0x38;
	[tilespmem:$0x1A100] =	vst v63  }
0x33: {  	_ =	swait.ge [sflag:s24], $0x2000  }
0x34: {  	[sflag:s24] =	ssyncset.done $0x0  }
0x35: {  	[sflag:s24] =	ssyncadd.s32 $0xFFFFE000  }
0x36: {  	[spmem:s10] =	stream.linear.scatter [tilespmem:s23], [sflag:$0x2], $0x2000, $0x38;
	[tilespmem:$0x1A100] =	vst v63  }
0x37: {  	_ =	swait.ge [sflag:s24], $0x2000  }
0x38: {  	[sflag:s24] =	ssyncset.done $0x0  }
0x39: {  	[sflag:s24] =	ssyncadd.s32 $0xFFFFE000  }
0x3a: {  	[spmem:s11] =	stream.linear.scatter [tilespmem:s23], [sflag:$0x2], $0x2000, $0x38;
	[tilespmem:$0x1A100] =	vst v63  }
0x3b: {  	_ =	swait.ge [sflag:s24], $0x2000  }
0x3c: {  	[sflag:s24] =	ssyncset.done $0x0  }
0x3d: {  	[sflag:s24] =	ssyncadd.s32 $0xFFFFE000  }
0x3e: {  	[spmem:s12] =	stream.linear.scatter [tilespmem:s23], [sflag:$0x2], $0x2000, $0x38;
	[tilespmem:$0x1A100] =	vst v63  }
0x3f: {  	_ =	swait.ge [sflag:s24], $0x2000  }
0x40: {  	[sflag:s24] =	ssyncset.done $0x0  }
0x41: {  	[sflag:s24] =	ssyncadd.s32 $0xFFFFE000  }
0x42: {  	[spmem:s13] =	stream.linear.scatter [tilespmem:s23], [sflag:$0x2], $0x2000, $0x38;
	[tilespmem:$0x1A100] =	vst v63  }
0x43: {  	_ =	swait.ge [sflag:s24], $0x2000  }
0x44: {  	[sflag:s24] =	ssyncset.done $0x0  }
0x45: {  	[sflag:s24] =	ssyncadd.s32 $0xFFFFE000  }
0x46: {  	[spmem:s14] =	stream.linear.scatter [tilespmem:s23], [sflag:$0x2], $0x2000, $0x38;
	[tilespmem:$0x1A100] =	vst v63  }
0x47: {  	_ =	swait.ge [sflag:s24], $0x2000  }
0x48: {  	[sflag:s24] =	ssyncset.done $0x0  }
0x49: {  	[sflag:s24] =	ssyncadd.s32 $0xFFFFE000  }
0x4a: {  	s4 =	sadd.s32 $0x0, s22;
	[bflag:$0x0] =	sbarrier.arrive $0xFFFF  }
0x4b: {  	[tilespmem:s3], [sflag:$0x2] =	stream.linear.gather [hbm4b:s4+s3], $0x80, $0x38;
	[tilespmem:$0x1A100] =	vst v63  }
0x4c: {  	_ =	swait.ge [sflag:s24], $0x80  }
0x4d: {  	[sflag:s24] =	ssyncset.done $0x0  }
0x4e: {  	s6 =	sadd.s32 $0x0, s21;
	[sflag:s24] =	ssyncadd.s32 $0xFFFFFF80  }
0x4f: {  	[tilespmem:s25], [sflag:$0x2] =	stream.linear.gather [hbm4b:s6+s3], $0x80, $0x38;
	[tilespmem:$0x1A100] =	vst v63  }
0x50: {  	_ =	swait.ge [sflag:s24], $0x80  }
0x51: {  	[sflag:s24] =	ssyncset.done $0x0  }
0x52: {  	[sflag:s24] =	ssyncadd.s32 $0xFFFFFF80  }
0x53: {  	[tilespmem:s26], [sflag:$0x1] =	stream.indirect.gather [hbm4b:s1+s25], $0x80, s3, s25, $0xb8;
	[tilespmem:$0x1A100] =	vst v63  }
0x54: {  	_ =	swait.ge [sflag:s28], $0x4000  }
0x55: {  	[sflag:s28] =	ssyncset.done $0x0  }
0x56: {  	[sflag:s28] =	ssyncadd.s32 $0xFFFFC000  }
0x57: {  	[spmem:s2] =	stream.indirect.scatter.add.f32 [tilespmem:s26], [sflag:$0x2], $0x80, s25, s25, $0xb8;
	[tilespmem:$0x1A100] =	vst v63  }
0x58: {  	_ =	swait.ge [sflag:s24], $0x4000  }
0x59: {  	s30 =	simm.s32 $0x10;
	s31 =	simm.s32 $0x20;
	[sflag:s24] =	ssyncset.done $0x0  }
.LBB2_4:
0x5a: {  	s0 =	sadd.s32 s30, s22  }
0x5b: {  	[sflag:s24] =	ssyncadd.s32 $0xFFFFC000;
	s4 =	smov.u32 s31;
	s6 =	sadd.s32 $0x10, s31  }
0x5c: {  	[tilespmem:s3], [sflag:$0x2] =	stream.linear.gather [hbm4b:s0+s3], $0x80, $0x38;
	[tilespmem:$0x1A100] =	vst v63  }
0x5d: {  	p0 =	sne.s32 s31, $0x4E0;
	_ =	swait.ge [sflag:s24], $0x80  }
0x5e: {  	[sflag:s24] =	ssyncset.done $0x0  }
0x5f: {  	s0 =	sadd.s32 s30, s21;
	s30 =	smov.u32 s4;
	[sflag:s24] =	ssyncadd.s32 $0xFFFFFF80  }
0x60: {  	[tilespmem:s25], [sflag:$0x2] =	stream.linear.gather [hbm4b:s0+s3], $0x80, $0x38;
	[tilespmem:$0x1A100] =	vst v63  }
0x61: {  	_ =	swait.ge [sflag:s24], $0x80  }
0x62: {  	[sflag:s24] =	ssyncset.done $0x0  }
0x63: {  	[sflag:s24] =	ssyncadd.s32 $0xFFFFFF80  }
0x64: {  	[tilespmem:s26], [sflag:$0x1] =	stream.indirect.gather [hbm4b:s1+s25], $0x80, s3, s25, $0xb8;
	[tilespmem:$0x1A100] =	vst v63  }
0x65: {  	_ =	swait.ge [sflag:s28], $0x4000  }
.Ltmp1:
0x66: {  	[sflag:s28] =	ssyncset.done $0x0;
	(pc) =	sbr.rel @p0 .LBB2_4-.Ltmp1, $4  }
0x67: {  	[sflag:s28] =	ssyncadd.s32 $0xFFFFC000  }
0x68: {  	[spmem:s2] =	stream.indirect.scatter.add.f32 [tilespmem:s26], [sflag:$0x2], $0x80, s25, s25, $0xb8;
	[tilespmem:$0x1A100] =	vst v63  }
0x69: {  	_ =	swait.ge [sflag:s24], $0x4000  }
0x6a: {  	s31 =	smov.u32 s6;
	[sflag:s24] =	ssyncset.done $0x0  }
0x6b: {  	s0 =	sadd.s32 s30, s22;
	[sflag:s24] =	ssyncadd.s32 $0xFFFFC000  }
0x6c: {  	[tilespmem:s3], [sflag:$0x2] =	stream.linear.gather [hbm4b:s0+s3], $0x80, $0x38;
	[tilespmem:$0x1A100] =	vst v63  }
0x6d: {  	_ =	swait.ge [sflag:s24], $0x80  }
0x6e: {  	[sflag:s24] =	ssyncset.done $0x0  }
0x6f: {  	s31 =	sadd.s32 s30, s21;
	[sflag:s24] =	ssyncadd.s32 $0xFFFFFF80  }
0x70: {  	[tilespmem:s25], [sflag:$0x2] =	stream.linear.gather [hbm4b:s31+s3], $0x80, $0x38;
	[tilespmem:$0x1A100] =	vst v63  }
0x71: {  	_ =	swait.ge [sflag:s24], $0x80  }
0x72: {  	[sflag:s24] =	ssyncset.done $0x0  }
0x73: {  	[sflag:s24] =	ssyncadd.s32 $0xFFFFFF80  }
0x74: {  	[tilespmem:s26], [sflag:$0x1] =	stream.indirect.gather [hbm4b:s1+s25], $0x80, s3, s25, $0xb8;
	[tilespmem:$0x1A100] =	vst v63  }
0x75: {  	_ =	swait.ge [sflag:s28], $0x4000  }
0x76: {  	[sflag:s28] =	ssyncset.done $0x0  }
0x77: {  	[sflag:s28] =	ssyncadd.s32 $0xFFFFC000  }
0x78: {  	[spmem:s2] =	stream.indirect.scatter.add.f32 [tilespmem:s26], [sflag:$0x2], $0x80, s25, s25, $0xb8;
	[tilespmem:$0x1A100] =	vst v63  }
0x79: {  	_ =	swait.ge [sflag:s24], $0x4000  }
0x7a: {  	[sflag:s24] =	ssyncset.done $0x0  }
0x7b: {  	[sflag:s24] =	ssyncadd.s32 $0xFFFFC000  }
0x7c: {  	[bflag:$0x0] =	sbarrier.arrive $0xFFFF  }
0x7d: {  	[tilespmem:s26], [sflag:$0x2] =	stream.linear.gather [spmem:s5], $0x4000, $0x38;
	[tilespmem:$0x1A100] =	vst v63  }
0x7e: {  	_ =	swait.ge [sflag:s24], $0x4000  }
0x7f: {  	[sflag:s24] =	ssyncset.done $0x0  }
0x80: {  	[sflag:s24] =	ssyncadd.s32 $0xFFFFC000  }
0x81: {  	[hbm4b:s15+s3] =	stream.linear.scatter [tilespmem:s26], [sflag:$0x2], $0x4000, $0x38;
	[tilespmem:$0x1A100] =	vst v63  }
0x82: {  	_ =	swait.ge [sflag:s24], $0x4000  }
0x83: {  	[sflag:s24] =	ssyncset.done $0x0  }
0x84: {  	[sflag:s24] =	ssyncadd.s32 $0xFFFFC000  }
0x85: {  	[tilespmem:s26], [sflag:$0x2] =	stream.linear.gather [spmem:s7], $0x4000, $0x38;
	[tilespmem:$0x1A100] =	vst v63  }
0x86: {  	_ =	swait.ge [sflag:s24], $0x4000  }
0x87: {  	[sflag:s24] =	ssyncset.done $0x0  }
0x88: {  	[sflag:s24] =	ssyncadd.s32 $0xFFFFC000  }
0x89: {  	[hbm4b:s16+s3] =	stream.linear.scatter [tilespmem:s26], [sflag:$0x2], $0x4000, $0x38;
	[tilespmem:$0x1A100] =	vst v63  }
0x8a: {  	_ =	swait.ge [sflag:s24], $0x4000  }
0x8b: {  	[sflag:s24] =	ssyncset.done $0x0  }
0x8c: {  	[sflag:s24] =	ssyncadd.s32 $0xFFFFC000  }
0x8d: {  	[tilespmem:s26], [sflag:$0x2] =	stream.linear.gather [spmem:s9], $0x4000, $0x38;
	[tilespmem:$0x1A100] =	vst v63  }
0x8e: {  	_ =	swait.ge [sflag:s24], $0x4000  }
0x8f: {  	[sflag:s24] =	ssyncset.done $0x0  }
0x90: {  	[sflag:s24] =	ssyncadd.s32 $0xFFFFC000  }
0x91: {  	[hbm4b:s17+s3] =	stream.linear.scatter [tilespmem:s26], [sflag:$0x2], $0x4000, $0x38;
	[tilespmem:$0x1A100] =	vst v63  }
0x92: {  	_ =	swait.ge [sflag:s24], $0x4000  }
0x93: {  	[sflag:s24] =	ssyncset.done $0x0  }
0x94: {  	[sflag:s24] =	ssyncadd.s32 $0xFFFFC000  }
0x95: {  	[tilespmem:s26], [sflag:$0x2] =	stream.linear.gather [spmem:s11], $0x4000, $0x38;
	[tilespmem:$0x1A100] =	vst v63  }
0x96: {  	_ =	swait.ge [sflag:s24], $0x4000  }
0x97: {  	[sflag:s24] =	ssyncset.done $0x0  }
0x98: {  	[sflag:s24] =	ssyncadd.s32 $0xFFFFC000  }
0x99: {  	[hbm4b:s18+s3] =	stream.linear.scatter [tilespmem:s26], [sflag:$0x2], $0x4000, $0x38;
	[tilespmem:$0x1A100] =	vst v63  }
0x9a: {  	_ =	swait.ge [sflag:s24], $0x4000  }
0x9b: {  	[sflag:s24] =	ssyncset.done $0x0  }
0x9c: {  	[sflag:s24] =	ssyncadd.s32 $0xFFFFC000  }
0x9d: {  	[tilespmem:s26], [sflag:$0x2] =	stream.linear.gather [spmem:s13], $0x4000, $0x38;
	[tilespmem:$0x1A100] =	vst v63  }
0x9e: {  	s29 =	sadd.s32 $0x1, s29;
	_ =	swait.ge [sflag:s24], $0x4000  }
0x9f: {  	p0 =	sne.s32 s29, s20;
	[sflag:s24] =	ssyncset.done $0x0  }
.Ltmp2:
0xa0: {  	[sflag:s24] =	ssyncadd.s32 $0xFFFFC000;
	(pc) =	sbr.rel @p0 .LBB2_1-.Ltmp2, $4  }
0xa1: {  	[hbm4b:s19+s3] =	stream.linear.scatter [tilespmem:s26], [sflag:$0x2], $0x4000, $0x38;
	[tilespmem:$0x1A100] =	vst v63  }
0xa2: {  	_ =	swait.ge [sflag:s24], $0x4000  }
0xa3: {  	[sflag:s24] =	ssyncset.done $0x0  }
0xa4: {  	[sflag:s24] =	ssyncadd.s32 $0xFFFFC000  }
0xa5: {  	_ =	sfence.sel $0x180000  }
0xa6: {  	[bflag:$0x0] =	sbarrier.arrive $0xFFFF  }
0xa7: {  	_ =	strace $0x9000004D  }
0xa8: {  	s0 =	stileid.u32;
	[bflag:$0x2] =	sbarrier.arrive $0xFFFF  }
0xa9: {  	p0 =	sne.s32 s0, $0x0;
	s0 =	rddreg [dreg:$0x3]  }
0xaa: {  	s0 =	sadd.s32 @!p0 $0x100000, s0  }
0xab: {  	[sflag:s0] =	ssyncadd.tile.s32 @!p0 $0x1;
	_ =	shalt  }
.Lfunc_end2:
_tile_overlayer_lowered:
.L_overlay_start_2:
0xac: {  	(tag) =	ssettag $0x2  }
0xad: {  	s0 =	rddreg [dreg:$0x0];
	s2 =	stileid.u32  }
0xae: {  	s1 =	rddreg [dreg:$0x1];
	p0 =	sne.s32 s2, $0x0  }
0xaf: {  	s3 =	rddreg [dreg:$0x2];
	[bflag:$0x3] =	sbarrier.arrive $0xFFFF;
	s2 =	simm.s32 @!p0 $0x1C02  }
0xb0: {  	[timem:s3], [sflag:s2] =	dma.local @!p0 [hbm:s0], s1  }
0xb1: {  	s0 =	simm.s32 @!p0 $0x2  }
0xb2: {  	_ =	swait.ge @!p0 [sflag:s0], s1  }
0xb3: {  	s1 =	ssub.s32 @!p0 $0x0, s1;
	[sflag:s0] =	ssyncset.done @!p0 $0x0  }
0xb4: {  	[sflag:s0] =	ssyncadd.s32 @!p0 s1  }
0xb5: {  	[bflag:$0x3] =	sbarrier.arrive $0xFFFF  }
0xb6: {  	_ =	shalt  }

// kernel: kernel.21.cloned.1.call-start
scs
__scs_entry_jumppad:
0x0: {  	(pc) =	sbr.rel $0x88, $3  }
0x1: {  	(tag) =	ssettag $0x0;
	lr =	simm.s32 $0x1  }
0x2: {  	[smem:$0x3F95] =	sst lr;
	_ =	strace $0xD0000000  }
0x3: {  	_ = 	snop  }
0x4: {  	_ = 	snop  }
0x5: {  	_ = 	snop  }
0x6: {  	_ = 	snop  }
0x7: {  	_ = 	snop  }
__scs_overlays_trampoline_lowered:
0x8: {  	[smem:$0x3FA4] =	sst s0  }
0x9: {  	[smem:$0x3FA5] =	sst s1  }
0xa: {  	[smem:$0x3FA6] =	sst s2  }
0xb: {  	[smem:$0x3FA7] =	sst s3  }
0xc: {  	[smem:$0x3FA8] =	sst s4  }
0xd: {  	[smem:$0x3FA9] =	sst s5  }
0xe: {  	[smem:$0x3FAA] =	sst s6  }
0xf: {  	[smem:$0x3FAB] =	sst s7  }
0x10: {  	[smem:$0x3FAC] =	sst s8  }
0x11: {  	[smem:$0x3FAD] =	sst s9;
	s0 =	simm.s32 @!p0 $0x0  }
0x12: {  	s1 =	sld [smem:$0x3F93];
	s0 =	simm.s32 @p0 $0x1  }
0x13: {  	[smem:$0x3FAE] =	sst s0;
	s0 =	simm.s32 @!p1 $0x0  }
0x14: {  	s2 =	sld [smem:$0x3F92];
	s0 =	simm.s32 @p1 $0x1  }
0x15: {  	[smem:$0x3FAF] =	sst s0;
	s0 =	simm.s32 @!p2 $0x0  }
0x16: {  	s3 =	sld [smem:$0x3FDB];
	s0 =	simm.s32 @p2 $0x1  }
0x17: {  	s4 =	simm.s32 $0x1BF5;
	[smem:$0x3FB1] =	sst s0  }
0x18: {  	s0 =	sld [smem:$0x3F94];
	_ =	swait.ge [sflag:s4], $0x0  }
0x19: {  	s7 =	sld [smem:$0x3F95]  }
0x1a: {  	s8 =	sadd.s32 $0xFFFFE003, lr  }
0x1b: {  	s9 =	sadd.s32 $0xFFFFFEF7, lr;
	s5 =	simm.s32 $0xFFFFFFFF;
	p2 =	slt.u32 s8, $0xFFFFF086  }
0x1c: {  	p1 =	slt.u32 s9, $0xF7A;
	s5 =	simm.s32 @!p2 $0x0  }
0x1d: {  	s5 =	simm.s32 @p1 $0x1;
	p0 =	seq.s32 s7, s2  }
0x1e: {  	s7 =	smul.u32 @!p0 $0xF7A, s2;
	p2 =	seq.s32 @!p0 s5, $0x0  }
0x1f: {  	s9 =	smul.u32 $0xF7A, s1;
	s8 =	simm.s32 @!p0 $0x1BF5;
	p2 =	por !p2, p0  }
0x20: {  	[sflag:s8] =	ssyncset.s32 @!p0 $0xFFFFF086;
	s6 =	sadd.s32 @!p0 s3, s7;
	s7 =	simm.s32 @!p0 $0x108  }
0x21: {  	s3 =	sadd.s32 s3, s9;
	s6 =	sadd.s32 @!p0 $0x88, s6;
	s7 =	simm.s32 @p2 $0x1082  }
0x22: {  	[simem:s7], [sflag:s8] =	dma.local @!p0 [hbm:s6], $0xF7A  }
0x23: {  	s9 =	sor.u32 $0xD0000000, s2;
	s6 =	simm.s32 $0x108;
	_ =	swait.ge @!p0 [sflag:s8], $0x0  }
0x24: {  	s3 =	sadd.s32 $0x88, s3;
	s6 =	simm.s32 @!p1 $0x1082;
	[sflag:s4] =	ssyncset.s32 $0xFFFFF086  }
0x25: {  	[simem:s6], [sflag:s4] =	dma.local [hbm:s3], $0xF7A  }
0x26: {  	[smem:$0x3F95] =	sst s1;
	(tag) =	ssettag s2;
	_ =	strace s9  }
0x27: {  	s1 =	sld [smem:$0x3FA5]  }
0x28: {  	s2 =	sld [smem:$0x3FA6]  }
0x29: {  	s4 =	sld [smem:$0x3FA8]  }
0x2a: {  	p0 =	seq.s32 s5, $0x0;
	s5 =	sld [smem:$0x3FA9]  }
0x2b: {  	s6 =	sld [smem:$0x3FAA]  }
0x2c: {  	s7 =	sld [smem:$0x3FAB]  }
0x2d: {  	s3 =	simm.s32 $0x108;
	s8 =	sld [smem:$0x3FAC]  }
0x2e: {  	s3 =	simm.s32 @!p0 $0x1082;
	s9 =	sld [smem:$0x3FAD]  }
0x2f: {  	lr =	sadd.s32 s0, s3;
	s0 =	sld [smem:$0x3FA4]  }
0x30: {  	s3 =	sld [smem:$0x3FA7]  }
0x31: {  	[smem:$0x3FB0] =	sst s10  }
0x32: {  	s10 =	sld [smem:$0x3FAE];
	_ =	sdelay $0x3  }
0x33: {  	p0 =	seq.s32 s10, $0x1;
	s10 =	sld [smem:$0x3FB0];
	_ =	sdelay $0x3  }
0x34: {  	[smem:$0x3FB0] =	sst s10  }
0x35: {  	s10 =	sld [smem:$0x3FAF];
	_ =	sdelay $0x3  }
0x36: {  	p1 =	seq.s32 s10, $0x1;
	s10 =	sld [smem:$0x3FB0];
	_ =	sdelay $0x3  }
0x37: {  	[smem:$0x3FB0] =	sst s10  }
0x38: {  	s10 =	sld [smem:$0x3FB1]  }
0x39: {  	_ = 	snop;
	(pc) =	sbr.ind lr, $3  }
0x3a: {  	_ = 	snop  }
0x3b: {  	_ = 	snop  }
0x3c: {  	p2 =	seq.s32 s10, $0x1;
	s10 =	sld [smem:$0x3FB0]  }
0x3d: {  	_ =	shalt  }
0x3e: {  	_ =	shalt  }
0x3f: {  	_ =	shalt  }
0x40: {  	_ =	shalt  }
0x41: {  	_ =	shalt  }
0x42: {  	_ =	shalt  }
0x43: {  	_ =	shalt  }
0x44: {  	_ =	shalt  }
0x45: {  	_ =	shalt  }
0x46: {  	_ =	shalt  }
0x47: {  	_ =	shalt  }
0x48: {  	_ =	shalt  }
0x49: {  	_ =	shalt  }
0x4a: {  	_ =	shalt  }
0x4b: {  	_ =	shalt  }
0x4c: {  	_ =	shalt  }
0x4d: {  	_ =	shalt  }
0x4e: {  	_ =	shalt  }
0x4f: {  	_ =	shalt  }
0x50: {  	_ =	shalt  }
0x51: {  	_ =	shalt  }
0x52: {  	_ =	shalt  }
0x53: {  	_ =	shalt  }
0x54: {  	_ =	shalt  }
0x55: {  	_ =	shalt  }
0x56: {  	_ =	shalt  }
0x57: {  	_ =	shalt  }
0x58: {  	_ =	shalt  }
0x59: {  	_ =	shalt  }
0x5a: {  	_ =	shalt  }
0x5b: {  	_ =	shalt  }
0x5c: {  	_ =	shalt  }
0x5d: {  	_ =	shalt  }
0x5e: {  	_ =	shalt  }
0x5f: {  	_ =	shalt  }
0x60: {  	_ =	shalt  }
0x61: {  	_ =	shalt  }
0x62: {  	_ =	shalt  }
0x63: {  	_ =	shalt  }
0x64: {  	_ =	shalt  }
0x65: {  	_ =	shalt  }
0x66: {  	_ =	shalt  }
0x67: {  	_ =	shalt  }
0x68: {  	_ =	shalt  }
0x69: {  	_ =	shalt  }
0x6a: {  	_ =	shalt  }
0x6b: {  	_ =	shalt  }
0x6c: {  	_ =	shalt  }
0x6d: {  	_ =	shalt  }
0x6e: {  	_ =	shalt  }
0x6f: {  	_ =	shalt  }
0x70: {  	_ =	shalt  }
0x71: {  	_ =	shalt  }
0x72: {  	_ =	shalt  }
0x73: {  	_ =	shalt  }
0x74: {  	_ =	shalt  }
0x75: {  	_ =	shalt  }
0x76: {  	_ =	shalt  }
0x77: {  	_ =	shalt  }
0x78: {  	_ =	shalt  }
0x79: {  	_ =	shalt  }
0x7a: {  	_ =	shalt  }
0x7b: {  	_ =	shalt  }
0x7c: {  	_ =	shalt  }
0x7d: {  	_ =	shalt  }
0x7e: {  	_ =	shalt  }
0x7f: {  	_ =	shalt  }
0x80: {  	_ =	shalt  }
0x81: {  	_ =	shalt  }
0x82: {  	_ =	shalt  }
0x83: {  	_ =	shalt  }
0x84: {  	_ =	shalt  }
0x85: {  	_ =	shalt  }
0x86: {  	_ =	shalt  }
0x87: {  	_ =	shalt  }
.Lfunc_end0:
.L_simem_size_0:
called_computation.3_lowered:
.L_overlay_start_0:
0x88: {  	s2 =	sld [smem:$0x3FD9]  }
0x89: {  	s3 =	sld [smem:$0x3FFE];
	_ =	sdelay $0x1  }
0x8a: {  	s1 =	srdreg.scid  }
0x8b: {  	s0 =	sand.u32 $0x1, s1  }
0x8c: {  	s14 =	sshll.u32 s0, $0xA;
	s2 =	sadd.s32 s3, s2  }
0x8d: {  	s2 =	sadd.s32 s2, s14  }
0x8e: {  	[smem:$0x3FBC] =	sst s2  }
0x8f: {  	_ = 	snop  }
0x90: {  	s2 =	sld [smem:$0x3FD0];
	_ =	sdelay $0x2  }
0x91: {  	s15 =	simm.s32 $0xA;
	s4 =	simm.s32 $0x10  }
0x92: {  	[smem:s4], [sflag:s15] =	dma.local [hbm:s2], $0x1  }
0x93: {  	_ =	swait.eq [sflag:s15], $0x1  }
0x94: {  	[sflag:s15] =	ssyncset.done $0x0  }
0x95: {  	[sflag:s15] =	ssyncadd.s32 $0xFFFFFFFF  }
0x96: {  	s16 =	sld [smem:$0x10];
	(tm) =	ssettm $0x1  }
0x97: {  	s17 =	sld [smem:$0x3FFB];
	_ =	sdelay $0x3  }
0x98: {  	_ =	strace s17  }
0x99: {  	s3 =	sld [smem:$0x3FFC];
	_ =	sdelay $0x3  }
0x9a: {  	_ =	strace s3  }
0x9b: {  	s3 =	sld [smem:$0x3FFD];
	_ =	sdelay $0x3  }
0x9c: {  	_ =	strace s3  }
0x9d: {  	_ =	strace $0x8FFFFFFF  }
0x9e: {  	s18 =	sld [smem:$0x3FDB];
	_ =	sdelay $0x1  }
0x9f: {  	s19 =	simm.s32 $_scs_section_size  }
0xa0: {  	s5 =	simm.s32 $_size__tile_overlayer_lowered;
	s6 =	simm.s32 $_tile_overlayer_lowered  }
0xa1: {  	s22 =	simm.s32 $0x1BFF;
	s21 =	sshll.u32 s6, $0x1;
	s3 =	sadd.s32 s19, s18  }
0xa2: {  	s7 =	simm.s32 $0x0;
	s20 =	sshll.u32 s5, $0x1;
	s5 =	sadd.s32 s21, s3  }
0xa3: {  	[timem:s7], [sflag:s22] =	dma.local [hbm:s5], s20  }
0xa4: {  	_ =	swait.ge [sflag:s22], s20  }
0xa5: {  	s4 =	ssub.s32 $0x0, s20;
	[sflag:s22] =	ssyncset.done $0x0  }
0xa6: {  	[sflag:s22] =	ssyncadd.s32 s4;
	_ =	sdelay $0x1  }
0xa7: {  	s23 =	simm.s32 $0x1B8B  }
0xa8: {  	_ =	swait.ge [sflag:s23], $0x1  }
0xa9: {  	[sflag:s23] =	ssyncset.done $0x0  }
0xaa: {  	s25 =	simm.s32 $0x1B8E;
	s24 =	sld [smem:$0x3FFE];
	[sflag:s23] =	ssyncadd.s32 $0xFFFFFFFF  }
0xab: {  	s26 =	simm.s32 $execute0_lowered;
	[smem:$0x3FD2] =	sst s25  }
0xac: {  	s5 =	sshll.u32 s26, $0x1;
	_ =	strace $0x8000004F;
	[dreg:$0x1] =	wrdreg $0xFFFFFFFF  }
0xad: {  	s28 =	simm.s32 $_size_execute0_lowered;
	s3 =	sadd.s32 s3, s5;
	[dreg:$0x0] =	wrdreg $0x0  }
0xae: {  	s5 =	sshll.u32 s28, $0x1;
	[dreg:$0x2] =	wrdreg s3  }
0xaf: {  	[dreg:$0x3] =	wrdreg s5  }
0xb0: {  	[dreg:$0x4] =	wrdreg $0xC0  }
0xb1: {  	_ =	task [dreg:s7], $0x5FFFF  }
0xb2: {  	[dreg:$0x1] =	wrdreg $0xFFFFFFFF  }
0xb3: {  	[dreg:$0x0] =	wrdreg $0x60  }
0xb4: {  	[dreg:$0x2] =	wrdreg s16  }
0xb5: {  	[dreg:$0x3] =	wrdreg s24  }
0xb6: {  	[dreg:$0x4] =	wrdreg $0x61000  }
0xb7: {  	[dreg:$0x5] =	wrdreg $0x9  }
0xb8: {  	_ =	task.clear_ibuf [dreg:s7], $0x6FFFF;
	_ =	strace $0x9000004F  }
0xb9: {  	s29 =	simm.s32 $0x9;
	_ =	strace $0x80000051  }
0xba: {  	_ =	swait.ge [sflag:s29], $0x1  }
0xbb: {  	[sflag:s29] =	ssyncadd.s32 $0xFFFFFFFF  }
0xbc: {  	_ =	strace $0x90000051  }
0xbd: {  	_ =	sfence  }
0xbe: {  	s30 =	sld [smem:$0x0];
	_ =	sdelay $0x2  }
0xbf: {  	s31 =	sshll.u32 s1, $0xD;
	s1 =	sshrl.u32 s1, $0x2  }
0xc0: {  	s3 =	sand.u32 $0x4000, s31;
	s1 =	sadd.s32 s1, s30  }
0xc1: {  	s0 =	sor.u32 s3, s0;
	s1 =	sshll.u32 s1, $0x11  }
0xc2: {  	s0 =	sor.u32 s1, s0  }
0xc3: {  	s0 =	sadd.s32 $0x8F2B, s0  }
0xc4: {  	[sflag:s0] =	ssyncadd.remote.s32 $0x1  }
0xc5: {  	_ =	sfence.sel $0xFFFF  }
0xc6: {  	[dreg:$0x0] =	wrdreg $0xFFFFFFFF;
	(pc) =	sbr.abs _section_cstart, $3  }
0xc7: {  	[dreg:$0x1] =	wrdreg $0xFFFFFFFF  }
0xc8: {  	_ =	task.clear_ibuf [dreg:s7], $0x2FFFF;
	_ =	strace $0x9FFFFFFF  }
0xc9: {  	(tm) =	ssettm $0x7FFFFFFF  }
tec
execute0_lowered:
.L_overlay_start_1:
0x0: {  	(tag) =	ssettag $0x1  }
0x1: {  	s1 =	rddreg [dreg:$0x0]  }
0x2: {  	s0 =	rddreg [dreg:$0x1]  }
0x3: {  	s2 =	rddreg [dreg:$0x2]  }
0x4: {  	s3 =	simm.s32 $0x0;
	s4 =	srdreg.scid;
	s25 =	stileid.u32  }
0x5: {  	s23 =	simm.s32 $0x4100;
	s24 =	simm.s32 $0x2;
	s6 =	smul.u32 $0x50000, s25  }
0x6: {  	s28 =	simm.s32 $0x1;
	s29 =	simm.s32 $0x0;
	s15 =	smul.u32 $0x14000, s25  }
0x7: {  	[smem:$0x7FF] =	sst s3;
	s11 =	sand.u32 $0x1, s4;
	s30 =	smul.u32 $0x4F0, s25  }
0x8: {  	s25 =	simm.s32 $0x80;
	s5 =	smul.u32 $0x4F00, s11;
	s26 =	ssub.s32 $0x2, s11  }
0x9: {  	_ =	strace $0x80000050;
	s22 =	smul.u32 $0x140000, s11;
	s7 =	sshrl.u32 s26, $0x1  }
0xa: {  	s6 =	sshrl.u32 s6, $0x2;
	s16 =	sadd.s32 $0x4000, s15;
	s17 =	sadd.s32 $0x8000, s15  }
0xb: {  	s18 =	sadd.s32 $0xC000, s15;
	s19 =	sadd.s32 $0x10000, s15;
	s20 =	sadd.s32 s5, s0  }
0xc: {  	s0 =	sadd.s32 $0x68E00, s0;
	s21 =	ssub.s32 s26, s7;
	s5 =	sadd.s32 s6, s2  }
0xd: {  	s7 =	sadd.s32 s16, s2;
	s9 =	sadd.s32 s17, s2;
	s11 =	sadd.s32 s18, s2  }
0xe: {  	s13 =	sadd.s32 s19, s2;
	s15 =	sadd.s32 s15, s22;
	s16 =	sadd.s32 s22, s16  }
0xf: {  	s17 =	sadd.s32 s22, s17;
	s18 =	sadd.s32 s22, s18;
	s19 =	sadd.s32 s22, s19  }
0x10: {  	s26 =	simm.s32 $0x100;
	s6 =	sadd.s32 $0x2000, s5;
	s8 =	sadd.s32 $0x6000, s5  }
0x11: {  	s10 =	sadd.s32 $0xA000, s5;
	s12 =	sadd.s32 $0xE000, s5;
	s14 =	sadd.s32 $0x12000, s5  }
0x12: {  	s15 =	sshrl.u32 s15, $0x3;
	s16 =	sshrl.u32 s16, $0x3;
	s17 =	sshrl.u32 s17, $0x3  }
0x13: {  	s18 =	sshrl.u32 s18, $0x3;
	s19 =	sshrl.u32 s19, $0x3;
	s31 =	sadd.s32 s30, s20  }
0x14: {  	s20 =	smax.u32 s21, $0x1;
	[dreg:$0x4] =	wrdreg s6;
	s15 =	sadd.s32 s0, s15  }
0x15: {  	s16 =	sadd.s32 s0, s16;
	s17 =	sadd.s32 s0, s17;
	s18 =	sadd.s32 s0, s18  }
0x16: {  	v0 =	vimm.f32 $0.0e+00;
	s19 =	sadd.s32 s0, s19;
	s21 =	sadd.s32 $0x5200, s31;
	s22 =	sadd.s32 $0x5F000, s31  }
.LBB2_1:
0x17: {  	s0 =	sand.u32 $0x7E00, s3  }
0x18: {  	s31 =	sand.u32 $0x70, s3;
	s0 =	sshrl.u32 s0, $0x2  }
0x19: {  	s30 =	simm.s32 $0x40;
	s0 =	sor.u32 s31, s0;
	s31 =	simm.s32 $0x0  }
.LBB2_2:
0x1a: {  	p0 =	sne.s32 s30, $0x7FC0  }
0x1b: {  	[tilespmem:s0+$0x4100] =	vst v0;
	s31 =	sadd.s32 $0x10, s31;
	s0 =	smov.u32 s30;
	s30 =	sadd.s32 $0x40, s30  }
.Ltmp0:
0x1c: {  	(pc) =	sbr.rel @p0 .LBB2_2-.Ltmp0, $4  }
0x1d: {  	_ = 	snop  }
0x1e: {  	s0 =	sand.u32 $0x7E00, s0  }
0x1f: {  	s4 =	sand.u32 $0x70, s31;
	s0 =	sshrl.u32 s0, $0x2  }
0x20: {  	s0 =	sor.u32 s4, s0  }
0x21: {  	[tilespmem:s0+$0x4100] =	vst v0  }
0x22: {  	[spmem:s5] =	stream.linear.scatter [tilespmem:s23], [sflag:$0x2], $0x2000, $0x38;
	[tilespmem:$0x1A100] =	vst v63  }
0x23: {  	_ =	swait.ge [sflag:s24], $0x2000  }
0x24: {  	[sflag:s24] =	ssyncset.done $0x0  }
0x25: {  	s6 =	rddreg [dreg:$0x4];
	[sflag:s24] =	ssyncadd.s32 $0xFFFFE000  }
0x26: {  	[spmem:s6] =	stream.linear.scatter [tilespmem:s23], [sflag:$0x2], $0x2000, $0x38;
	[tilespmem:$0x1A100] =	vst v63  }
0x27: {  	_ =	swait.ge [sflag:s24], $0x2000  }
0x28: {  	[sflag:s24] =	ssyncset.done $0x0  }
0x29: {  	[sflag:s24] =	ssyncadd.s32 $0xFFFFE000  }
0x2a: {  	[spmem:s7] =	stream.linear.scatter [tilespmem:s23], [sflag:$0x2], $0x2000, $0x38;
	[tilespmem:$0x1A100] =	vst v63  }
0x2b: {  	_ =	swait.ge [sflag:s24], $0x2000  }
0x2c: {  	[sflag:s24] =	ssyncset.done $0x0  }
0x2d: {  	[sflag:s24] =	ssyncadd.s32 $0xFFFFE000  }
0x2e: {  	[spmem:s8] =	stream.linear.scatter [tilespmem:s23], [sflag:$0x2], $0x2000, $0x38;
	[tilespmem:$0x1A100] =	vst v63  }
0x2f: {  	_ =	swait.ge [sflag:s24], $0x2000  }
0x30: {  	[sflag:s24] =	ssyncset.done $0x0  }
0x31: {  	[sflag:s24] =	ssyncadd.s32 $0xFFFFE000  }
0x32: {  	[spmem:s9] =	stream.linear.scatter [tilespmem:s23], [sflag:$0x2], $0x2000, $0x38;
	[tilespmem:$0x1A100] =	vst v63  }
0x33: {  	_ =	swait.ge [sflag:s24], $0x2000  }
0x34: {  	[sflag:s24] =	ssyncset.done $0x0  }
0x35: {  	[sflag:s24] =	ssyncadd.s32 $0xFFFFE000  }
0x36: {  	[spmem:s10] =	stream.linear.scatter [tilespmem:s23], [sflag:$0x2], $0x2000, $0x38;
	[tilespmem:$0x1A100] =	vst v63  }
0x37: {  	_ =	swait.ge [sflag:s24], $0x2000  }
0x38: {  	[sflag:s24] =	ssyncset.done $0x0  }
0x39: {  	[sflag:s24] =	ssyncadd.s32 $0xFFFFE000  }
0x3a: {  	[spmem:s11] =	stream.linear.scatter [tilespmem:s23], [sflag:$0x2], $0x2000, $0x38;
	[tilespmem:$0x1A100] =	vst v63  }
0x3b: {  	_ =	swait.ge [sflag:s24], $0x2000  }
0x3c: {  	[sflag:s24] =	ssyncset.done $0x0  }
0x3d: {  	[sflag:s24] =	ssyncadd.s32 $0xFFFFE000  }
0x3e: {  	[spmem:s12] =	stream.linear.scatter [tilespmem:s23], [sflag:$0x2], $0x2000, $0x38;
	[tilespmem:$0x1A100] =	vst v63  }
0x3f: {  	_ =	swait.ge [sflag:s24], $0x2000  }
0x40: {  	[sflag:s24] =	ssyncset.done $0x0  }
0x41: {  	[sflag:s24] =	ssyncadd.s32 $0xFFFFE000  }
0x42: {  	[spmem:s13] =	stream.linear.scatter [tilespmem:s23], [sflag:$0x2], $0x2000, $0x38;
	[tilespmem:$0x1A100] =	vst v63  }
0x43: {  	_ =	swait.ge [sflag:s24], $0x2000  }
0x44: {  	[sflag:s24] =	ssyncset.done $0x0  }
0x45: {  	[sflag:s24] =	ssyncadd.s32 $0xFFFFE000  }
0x46: {  	[spmem:s14] =	stream.linear.scatter [tilespmem:s23], [sflag:$0x2], $0x2000, $0x38;
	[tilespmem:$0x1A100] =	vst v63  }
0x47: {  	_ =	swait.ge [sflag:s24], $0x2000  }
0x48: {  	[sflag:s24] =	ssyncset.done $0x0  }
0x49: {  	[sflag:s24] =	ssyncadd.s32 $0xFFFFE000  }
0x4a: {  	s4 =	sadd.s32 $0x0, s22;
	[bflag:$0x0] =	sbarrier.arrive $0xFFFF  }
0x4b: {  	[tilespmem:s3], [sflag:$0x2] =	stream.linear.gather [hbm4b:s4+s3], $0x80, $0x38;
	[tilespmem:$0x1A100] =	vst v63  }
0x4c: {  	_ =	swait.ge [sflag:s24], $0x80  }
0x4d: {  	[sflag:s24] =	ssyncset.done $0x0  }
0x4e: {  	s6 =	sadd.s32 $0x0, s21;
	[sflag:s24] =	ssyncadd.s32 $0xFFFFFF80  }
0x4f: {  	[tilespmem:s25], [sflag:$0x2] =	stream.linear.gather [hbm4b:s6+s3], $0x80, $0x38;
	[tilespmem:$0x1A100] =	vst v63  }
0x50: {  	_ =	swait.ge [sflag:s24], $0x80  }
0x51: {  	[sflag:s24] =	ssyncset.done $0x0  }
0x52: {  	[sflag:s24] =	ssyncadd.s32 $0xFFFFFF80  }
0x53: {  	[tilespmem:s26], [sflag:$0x1] =	stream.indirect.gather [hbm4b:s1+s25], $0x80, s3, s25, $0xb8;
	[tilespmem:$0x1A100] =	vst v63  }
0x54: {  	_ =	swait.ge [sflag:s28], $0x4000  }
0x55: {  	[sflag:s28] =	ssyncset.done $0x0  }
0x56: {  	[sflag:s28] =	ssyncadd.s32 $0xFFFFC000  }
0x57: {  	[spmem:s2] =	stream.indirect.scatter.add.f32 [tilespmem:s26], [sflag:$0x2], $0x80, s25, s25, $0xb8;
	[tilespmem:$0x1A100] =	vst v63  }
0x58: {  	_ =	swait.ge [sflag:s24], $0x4000  }
0x59: {  	s30 =	simm.s32 $0x10;
	s31 =	simm.s32 $0x20;
	[sflag:s24] =	ssyncset.done $0x0  }
.LBB2_4:
0x5a: {  	s0 =	sadd.s32 s30, s22  }
0x5b: {  	[sflag:s24] =	ssyncadd.s32 $0xFFFFC000;
	s4 =	smov.u32 s31;
	s6 =	sadd.s32 $0x10, s31  }
0x5c: {  	[tilespmem:s3], [sflag:$0x2] =	stream.linear.gather [hbm4b:s0+s3], $0x80, $0x38;
	[tilespmem:$0x1A100] =	vst v63  }
0x5d: {  	p0 =	sne.s32 s31, $0x4E0;
	_ =	swait.ge [sflag:s24], $0x80  }
0x5e: {  	[sflag:s24] =	ssyncset.done $0x0  }
0x5f: {  	s0 =	sadd.s32 s30, s21;
	s30 =	smov.u32 s4;
	[sflag:s24] =	ssyncadd.s32 $0xFFFFFF80  }
0x60: {  	[tilespmem:s25], [sflag:$0x2] =	stream.linear.gather [hbm4b:s0+s3], $0x80, $0x38;
	[tilespmem:$0x1A100] =	vst v63  }
0x61: {  	_ =	swait.ge [sflag:s24], $0x80  }
0x62: {  	[sflag:s24] =	ssyncset.done $0x0  }
0x63: {  	[sflag:s24] =	ssyncadd.s32 $0xFFFFFF80  }
0x64: {  	[tilespmem:s26], [sflag:$0x1] =	stream.indirect.gather [hbm4b:s1+s25], $0x80, s3, s25, $0xb8;
	[tilespmem:$0x1A100] =	vst v63  }
0x65: {  	_ =	swait.ge [sflag:s28], $0x4000  }
.Ltmp1:
0x66: {  	[sflag:s28] =	ssyncset.done $0x0;
	(pc) =	sbr.rel @p0 .LBB2_4-.Ltmp1, $4  }
0x67: {  	[sflag:s28] =	ssyncadd.s32 $0xFFFFC000  }
0x68: {  	[spmem:s2] =	stream.indirect.scatter.add.f32 [tilespmem:s26], [sflag:$0x2], $0x80, s25, s25, $0xb8;
	[tilespmem:$0x1A100] =	vst v63  }
0x69: {  	_ =	swait.ge [sflag:s24], $0x4000  }
0x6a: {  	s31 =	smov.u32 s6;
	[sflag:s24] =	ssyncset.done $0x0  }
0x6b: {  	s0 =	sadd.s32 s30, s22;
	[sflag:s24] =	ssyncadd.s32 $0xFFFFC000  }
0x6c: {  	[tilespmem:s3], [sflag:$0x2] =	stream.linear.gather [hbm4b:s0+s3], $0x80, $0x38;
	[tilespmem:$0x1A100] =	vst v63  }
0x6d: {  	_ =	swait.ge [sflag:s24], $0x80  }
0x6e: {  	[sflag:s24] =	ssyncset.done $0x0  }
0x6f: {  	s31 =	sadd.s32 s30, s21;
	[sflag:s24] =	ssyncadd.s32 $0xFFFFFF80  }
0x70: {  	[tilespmem:s25], [sflag:$0x2] =	stream.linear.gather [hbm4b:s31+s3], $0x80, $0x38;
	[tilespmem:$0x1A100] =	vst v63  }
0x71: {  	_ =	swait.ge [sflag:s24], $0x80  }
0x72: {  	[sflag:s24] =	ssyncset.done $0x0  }
0x73: {  	[sflag:s24] =	ssyncadd.s32 $0xFFFFFF80  }
0x74: {  	[tilespmem:s26], [sflag:$0x1] =	stream.indirect.gather [hbm4b:s1+s25], $0x80, s3, s25, $0xb8;
	[tilespmem:$0x1A100] =	vst v63  }
0x75: {  	_ =	swait.ge [sflag:s28], $0x4000  }
0x76: {  	[sflag:s28] =	ssyncset.done $0x0  }
0x77: {  	[sflag:s28] =	ssyncadd.s32 $0xFFFFC000  }
0x78: {  	[spmem:s2] =	stream.indirect.scatter.add.f32 [tilespmem:s26], [sflag:$0x2], $0x80, s25, s25, $0xb8;
	[tilespmem:$0x1A100] =	vst v63  }
0x79: {  	_ =	swait.ge [sflag:s24], $0x4000  }
0x7a: {  	[sflag:s24] =	ssyncset.done $0x0  }
0x7b: {  	[sflag:s24] =	ssyncadd.s32 $0xFFFFC000  }
0x7c: {  	[bflag:$0x0] =	sbarrier.arrive $0xFFFF  }
0x7d: {  	[tilespmem:s26], [sflag:$0x2] =	stream.linear.gather [spmem:s5], $0x4000, $0x38;
	[tilespmem:$0x1A100] =	vst v63  }
0x7e: {  	_ =	swait.ge [sflag:s24], $0x4000  }
0x7f: {  	[sflag:s24] =	ssyncset.done $0x0  }
0x80: {  	[sflag:s24] =	ssyncadd.s32 $0xFFFFC000  }
0x81: {  	[hbm4b:s15+s3] =	stream.linear.scatter [tilespmem:s26], [sflag:$0x2], $0x4000, $0x38;
	[tilespmem:$0x1A100] =	vst v63  }
0x82: {  	_ =	swait.ge [sflag:s24], $0x4000  }
0x83: {  	[sflag:s24] =	ssyncset.done $0x0  }
0x84: {  	[sflag:s24] =	ssyncadd.s32 $0xFFFFC000  }
0x85: {  	[tilespmem:s26], [sflag:$0x2] =	stream.linear.gather [spmem:s7], $0x4000, $0x38;
	[tilespmem:$0x1A100] =	vst v63  }
0x86: {  	_ =	swait.ge [sflag:s24], $0x4000  }
0x87: {  	[sflag:s24] =	ssyncset.done $0x0  }
0x88: {  	[sflag:s24] =	ssyncadd.s32 $0xFFFFC000  }
0x89: {  	[hbm4b:s16+s3] =	stream.linear.scatter [tilespmem:s26], [sflag:$0x2], $0x4000, $0x38;
	[tilespmem:$0x1A100] =	vst v63  }
0x8a: {  	_ =	swait.ge [sflag:s24], $0x4000  }
0x8b: {  	[sflag:s24] =	ssyncset.done $0x0  }
0x8c: {  	[sflag:s24] =	ssyncadd.s32 $0xFFFFC000  }
0x8d: {  	[tilespmem:s26], [sflag:$0x2] =	stream.linear.gather [spmem:s9], $0x4000, $0x38;
	[tilespmem:$0x1A100] =	vst v63  }
0x8e: {  	_ =	swait.ge [sflag:s24], $0x4000  }
0x8f: {  	[sflag:s24] =	ssyncset.done $0x0  }
0x90: {  	[sflag:s24] =	ssyncadd.s32 $0xFFFFC000  }
0x91: {  	[hbm4b:s17+s3] =	stream.linear.scatter [tilespmem:s26], [sflag:$0x2], $0x4000, $0x38;
	[tilespmem:$0x1A100] =	vst v63  }
0x92: {  	_ =	swait.ge [sflag:s24], $0x4000  }
0x93: {  	[sflag:s24] =	ssyncset.done $0x0  }
0x94: {  	[sflag:s24] =	ssyncadd.s32 $0xFFFFC000  }
0x95: {  	[tilespmem:s26], [sflag:$0x2] =	stream.linear.gather [spmem:s11], $0x4000, $0x38;
	[tilespmem:$0x1A100] =	vst v63  }
0x96: {  	_ =	swait.ge [sflag:s24], $0x4000  }
0x97: {  	[sflag:s24] =	ssyncset.done $0x0  }
0x98: {  	[sflag:s24] =	ssyncadd.s32 $0xFFFFC000  }
0x99: {  	[hbm4b:s18+s3] =	stream.linear.scatter [tilespmem:s26], [sflag:$0x2], $0x4000, $0x38;
	[tilespmem:$0x1A100] =	vst v63  }
0x9a: {  	_ =	swait.ge [sflag:s24], $0x4000  }
0x9b: {  	[sflag:s24] =	ssyncset.done $0x0  }
0x9c: {  	[sflag:s24] =	ssyncadd.s32 $0xFFFFC000  }
0x9d: {  	[tilespmem:s26], [sflag:$0x2] =	stream.linear.gather [spmem:s13], $0x4000, $0x38;
	[tilespmem:$0x1A100] =	vst v63  }
0x9e: {  	s29 =	sadd.s32 $0x1, s29;
	_ =	swait.ge [sflag:s24], $0x4000  }
0x9f: {  	p0 =	sne.s32 s29, s20;
	[sflag:s24] =	ssyncset.done $0x0  }
.Ltmp2:
0xa0: {  	[sflag:s24] =	ssyncadd.s32 $0xFFFFC000;
	(pc) =	sbr.rel @p0 .LBB2_1-.Ltmp2, $4  }
0xa1: {  	[hbm4b:s19+s3] =	stream.linear.scatter [tilespmem:s26], [sflag:$0x2], $0x4000, $0x38;
	[tilespmem:$0x1A100] =	vst v63  }
0xa2: {  	_ =	swait.ge [sflag:s24], $0x4000  }
0xa3: {  	[sflag:s24] =	ssyncset.done $0x0  }
0xa4: {  	[sflag:s24] =	ssyncadd.s32 $0xFFFFC000  }
0xa5: {  	_ =	sfence.sel $0x180000  }
0xa6: {  	[bflag:$0x0] =	sbarrier.arrive $0xFFFF  }
0xa7: {  	_ =	strace $0x90000050  }
0xa8: {  	s0 =	stileid.u32;
	[bflag:$0x2] =	sbarrier.arrive $0xFFFF  }
0xa9: {  	p0 =	sne.s32 s0, $0x0;
	s0 =	rddreg [dreg:$0x3]  }
0xaa: {  	s0 =	sadd.s32 @!p0 $0x100000, s0  }
0xab: {  	[sflag:s0] =	ssyncadd.tile.s32 @!p0 $0x1;
	_ =	shalt  }
.Lfunc_end2:
_tile_overlayer_lowered:
.L_overlay_start_2:
0xac: {  	(tag) =	ssettag $0x2  }
0xad: {  	s0 =	rddreg [dreg:$0x0];
	s2 =	stileid.u32  }
0xae: {  	s1 =	rddreg [dreg:$0x1];
	p0 =	sne.s32 s2, $0x0  }
0xaf: {  	s3 =	rddreg [dreg:$0x2];
	[bflag:$0x3] =	sbarrier.arrive $0xFFFF;
	s2 =	simm.s32 @!p0 $0x1C02  }
0xb0: {  	[timem:s3], [sflag:s2] =	dma.local @!p0 [hbm:s0], s1  }
0xb1: {  	s0 =	simm.s32 @!p0 $0x2  }
0xb2: {  	_ =	swait.ge @!p0 [sflag:s0], s1  }
0xb3: {  	s1 =	ssub.s32 @!p0 $0x0, s1;
	[sflag:s0] =	ssyncset.done @!p0 $0x0  }
0xb4: {  	[sflag:s0] =	ssyncadd.s32 @!p0 s1  }
0xb5: {  	[bflag:$0x3] =	sbarrier.arrive $0xFFFF  }
0xb6: {  	_ =	shalt  }

// kernel: kernel.24.cloned.1.call-start
scs
__scs_entry_jumppad:
0x0: {  	(pc) =	sbr.rel $0x88, $3  }
0x1: {  	(tag) =	ssettag $0x0;
	lr =	simm.s32 $0x1  }
0x2: {  	[smem:$0x3F95] =	sst lr;
	_ =	strace $0xD0000000  }
0x3: {  	_ = 	snop  }
0x4: {  	_ = 	snop  }
0x5: {  	_ = 	snop  }
0x6: {  	_ = 	snop  }
0x7: {  	_ = 	snop  }
__scs_overlays_trampoline_lowered:
0x8: {  	[smem:$0x3FA4] =	sst s0  }
0x9: {  	[smem:$0x3FA5] =	sst s1  }
0xa: {  	[smem:$0x3FA6] =	sst s2  }
0xb: {  	[smem:$0x3FA7] =	sst s3  }
0xc: {  	[smem:$0x3FA8] =	sst s4  }
0xd: {  	[smem:$0x3FA9] =	sst s5  }
0xe: {  	[smem:$0x3FAA] =	sst s6  }
0xf: {  	[smem:$0x3FAB] =	sst s7  }
0x10: {  	[smem:$0x3FAC] =	sst s8  }
0x11: {  	[smem:$0x3FAD] =	sst s9;
	s0 =	simm.s32 @!p0 $0x0  }
0x12: {  	s1 =	sld [smem:$0x3F93];
	s0 =	simm.s32 @p0 $0x1  }
0x13: {  	[smem:$0x3FAE] =	sst s0;
	s0 =	simm.s32 @!p1 $0x0  }
0x14: {  	s2 =	sld [smem:$0x3F92];
	s0 =	simm.s32 @p1 $0x1  }
0x15: {  	[smem:$0x3FAF] =	sst s0;
	s0 =	simm.s32 @!p2 $0x0  }
0x16: {  	s3 =	sld [smem:$0x3FDB];
	s0 =	simm.s32 @p2 $0x1  }
0x17: {  	s4 =	simm.s32 $0x1BF5;
	[smem:$0x3FB1] =	sst s0  }
0x18: {  	s0 =	sld [smem:$0x3F94];
	_ =	swait.ge [sflag:s4], $0x0  }
0x19: {  	s7 =	sld [smem:$0x3F95]  }
0x1a: {  	s8 =	sadd.s32 $0xFFFFE003, lr  }
0x1b: {  	s9 =	sadd.s32 $0xFFFFFEF7, lr;
	s5 =	simm.s32 $0xFFFFFFFF;
	p2 =	slt.u32 s8, $0xFFFFF086  }
0x1c: {  	p1 =	slt.u32 s9, $0xF7A;
	s5 =	simm.s32 @!p2 $0x0  }
0x1d: {  	s5 =	simm.s32 @p1 $0x1;
	p0 =	seq.s32 s7, s2  }
0x1e: {  	s7 =	smul.u32 @!p0 $0xF7A, s2;
	p2 =	seq.s32 @!p0 s5, $0x0  }
0x1f: {  	s9 =	smul.u32 $0xF7A, s1;
	s8 =	simm.s32 @!p0 $0x1BF5;
	p2 =	por !p2, p0  }
0x20: {  	[sflag:s8] =	ssyncset.s32 @!p0 $0xFFFFF086;
	s6 =	sadd.s32 @!p0 s3, s7;
	s7 =	simm.s32 @!p0 $0x108  }
0x21: {  	s3 =	sadd.s32 s3, s9;
	s6 =	sadd.s32 @!p0 $0x88, s6;
	s7 =	simm.s32 @p2 $0x1082  }
0x22: {  	[simem:s7], [sflag:s8] =	dma.local @!p0 [hbm:s6], $0xF7A  }
0x23: {  	s9 =	sor.u32 $0xD0000000, s2;
	s6 =	simm.s32 $0x108;
	_ =	swait.ge @!p0 [sflag:s8], $0x0  }
0x24: {  	s3 =	sadd.s32 $0x88, s3;
	s6 =	simm.s32 @!p1 $0x1082;
	[sflag:s4] =	ssyncset.s32 $0xFFFFF086  }
0x25: {  	[simem:s6], [sflag:s4] =	dma.local [hbm:s3], $0xF7A  }
0x26: {  	[smem:$0x3F95] =	sst s1;
	(tag) =	ssettag s2;
	_ =	strace s9  }
0x27: {  	s1 =	sld [smem:$0x3FA5]  }
0x28: {  	s2 =	sld [smem:$0x3FA6]  }
0x29: {  	s4 =	sld [smem:$0x3FA8]  }
0x2a: {  	p0 =	seq.s32 s5, $0x0;
	s5 =	sld [smem:$0x3FA9]  }
0x2b: {  	s6 =	sld [smem:$0x3FAA]  }
0x2c: {  	s7 =	sld [smem:$0x3FAB]  }
0x2d: {  	s3 =	simm.s32 $0x108;
	s8 =	sld [smem:$0x3FAC]  }
0x2e: {  	s3 =	simm.s32 @!p0 $0x1082;
	s9 =	sld [smem:$0x3FAD]  }
0x2f: {  	lr =	sadd.s32 s0, s3;
	s0 =	sld [smem:$0x3FA4]  }
0x30: {  	s3 =	sld [smem:$0x3FA7]  }
0x31: {  	[smem:$0x3FB0] =	sst s10  }
0x32: {  	s10 =	sld [smem:$0x3FAE];
	_ =	sdelay $0x3  }
0x33: {  	p0 =	seq.s32 s10, $0x1;
	s10 =	sld [smem:$0x3FB0];
	_ =	sdelay $0x3  }
0x34: {  	[smem:$0x3FB0] =	sst s10  }
0x35: {  	s10 =	sld [smem:$0x3FAF];
	_ =	sdelay $0x3  }
0x36: {  	p1 =	seq.s32 s10, $0x1;
	s10 =	sld [smem:$0x3FB0];
	_ =	sdelay $0x3  }
0x37: {  	[smem:$0x3FB0] =	sst s10  }
0x38: {  	s10 =	sld [smem:$0x3FB1]  }
0x39: {  	_ = 	snop;
	(pc) =	sbr.ind lr, $3  }
0x3a: {  	_ = 	snop  }
0x3b: {  	_ = 	snop  }
0x3c: {  	p2 =	seq.s32 s10, $0x1;
	s10 =	sld [smem:$0x3FB0]  }
0x3d: {  	_ =	shalt  }
0x3e: {  	_ =	shalt  }
0x3f: {  	_ =	shalt  }
0x40: {  	_ =	shalt  }
0x41: {  	_ =	shalt  }
0x42: {  	_ =	shalt  }
0x43: {  	_ =	shalt  }
0x44: {  	_ =	shalt  }
0x45: {  	_ =	shalt  }
0x46: {  	_ =	shalt  }
0x47: {  	_ =	shalt  }
0x48: {  	_ =	shalt  }
0x49: {  	_ =	shalt  }
0x4a: {  	_ =	shalt  }
0x4b: {  	_ =	shalt  }
0x4c: {  	_ =	shalt  }
0x4d: {  	_ =	shalt  }
0x4e: {  	_ =	shalt  }
0x4f: {  	_ =	shalt  }
0x50: {  	_ =	shalt  }
0x51: {  	_ =	shalt  }
0x52: {  	_ =	shalt  }
0x53: {  	_ =	shalt  }
0x54: {  	_ =	shalt  }
0x55: {  	_ =	shalt  }
0x56: {  	_ =	shalt  }
0x57: {  	_ =	shalt  }
0x58: {  	_ =	shalt  }
0x59: {  	_ =	shalt  }
0x5a: {  	_ =	shalt  }
0x5b: {  	_ =	shalt  }
0x5c: {  	_ =	shalt  }
0x5d: {  	_ =	shalt  }
0x5e: {  	_ =	shalt  }
0x5f: {  	_ =	shalt  }
0x60: {  	_ =	shalt  }
0x61: {  	_ =	shalt  }
0x62: {  	_ =	shalt  }
0x63: {  	_ =	shalt  }
0x64: {  	_ =	shalt  }
0x65: {  	_ =	shalt  }
0x66: {  	_ =	shalt  }
0x67: {  	_ =	shalt  }
0x68: {  	_ =	shalt  }
0x69: {  	_ =	shalt  }
0x6a: {  	_ =	shalt  }
0x6b: {  	_ =	shalt  }
0x6c: {  	_ =	shalt  }
0x6d: {  	_ =	shalt  }
0x6e: {  	_ =	shalt  }
0x6f: {  	_ =	shalt  }
0x70: {  	_ =	shalt  }
0x71: {  	_ =	shalt  }
0x72: {  	_ =	shalt  }
0x73: {  	_ =	shalt  }
0x74: {  	_ =	shalt  }
0x75: {  	_ =	shalt  }
0x76: {  	_ =	shalt  }
0x77: {  	_ =	shalt  }
0x78: {  	_ =	shalt  }
0x79: {  	_ =	shalt  }
0x7a: {  	_ =	shalt  }
0x7b: {  	_ =	shalt  }
0x7c: {  	_ =	shalt  }
0x7d: {  	_ =	shalt  }
0x7e: {  	_ =	shalt  }
0x7f: {  	_ =	shalt  }
0x80: {  	_ =	shalt  }
0x81: {  	_ =	shalt  }
0x82: {  	_ =	shalt  }
0x83: {  	_ =	shalt  }
0x84: {  	_ =	shalt  }
0x85: {  	_ =	shalt  }
0x86: {  	_ =	shalt  }
0x87: {  	_ =	shalt  }
.Lfunc_end0:
.L_simem_size_0:
called_computation.4_lowered:
.L_overlay_start_0:
0x88: {  	s2 =	sld [smem:$0x3FD9]  }
0x89: {  	s3 =	sld [smem:$0x3FFE];
	_ =	sdelay $0x1  }
0x8a: {  	s1 =	srdreg.scid  }
0x8b: {  	s0 =	sand.u32 $0x1, s1  }
0x8c: {  	s14 =	sshll.u32 s0, $0xA;
	s2 =	sadd.s32 s3, s2  }
0x8d: {  	s2 =	sadd.s32 s2, s14  }
0x8e: {  	[smem:$0x3FBC] =	sst s2  }
0x8f: {  	_ = 	snop  }
0x90: {  	s2 =	sld [smem:$0x3FD0];
	_ =	sdelay $0x2  }
0x91: {  	s15 =	simm.s32 $0xA;
	s4 =	simm.s32 $0x10  }
0x92: {  	[smem:s4], [sflag:s15] =	dma.local [hbm:s2], $0x1  }
0x93: {  	_ =	swait.eq [sflag:s15], $0x1  }
0x94: {  	[sflag:s15] =	ssyncset.done $0x0  }
0x95: {  	[sflag:s15] =	ssyncadd.s32 $0xFFFFFFFF  }
0x96: {  	s16 =	sld [smem:$0x10];
	(tm) =	ssettm $0x1  }
0x97: {  	s17 =	sld [smem:$0x3FFB];
	_ =	sdelay $0x3  }
0x98: {  	_ =	strace s17  }
0x99: {  	s3 =	sld [smem:$0x3FFC];
	_ =	sdelay $0x3  }
0x9a: {  	_ =	strace s3  }
0x9b: {  	s3 =	sld [smem:$0x3FFD];
	_ =	sdelay $0x3  }
0x9c: {  	_ =	strace s3  }
0x9d: {  	_ =	strace $0x8FFFFFFF  }
0x9e: {  	s18 =	sld [smem:$0x3FDB];
	_ =	sdelay $0x1  }
0x9f: {  	s19 =	simm.s32 $_scs_section_size  }
0xa0: {  	s5 =	simm.s32 $_size__tile_overlayer_lowered;
	s6 =	simm.s32 $_tile_overlayer_lowered  }
0xa1: {  	s22 =	simm.s32 $0x1BFF;
	s21 =	sshll.u32 s6, $0x1;
	s3 =	sadd.s32 s19, s18  }
0xa2: {  	s7 =	simm.s32 $0x0;
	s20 =	sshll.u32 s5, $0x1;
	s5 =	sadd.s32 s21, s3  }
0xa3: {  	[timem:s7], [sflag:s22] =	dma.local [hbm:s5], s20  }
0xa4: {  	_ =	swait.ge [sflag:s22], s20  }
0xa5: {  	s4 =	ssub.s32 $0x0, s20;
	[sflag:s22] =	ssyncset.done $0x0  }
0xa6: {  	[sflag:s22] =	ssyncadd.s32 s4;
	_ =	sdelay $0x1  }
0xa7: {  	s23 =	simm.s32 $0x1B8B  }
0xa8: {  	_ =	swait.ge [sflag:s23], $0x1  }
0xa9: {  	[sflag:s23] =	ssyncset.done $0x0  }
0xaa: {  	s25 =	simm.s32 $0x1B8E;
	s24 =	sld [smem:$0x3FFE];
	[sflag:s23] =	ssyncadd.s32 $0xFFFFFFFF  }
0xab: {  	s26 =	simm.s32 $execute0_lowered;
	[smem:$0x3FD2] =	sst s25  }
0xac: {  	s5 =	sshll.u32 s26, $0x1;
	_ =	strace $0x80000052;
	[dreg:$0x1] =	wrdreg $0xFFFFFFFF  }
0xad: {  	s28 =	simm.s32 $_size_execute0_lowered;
	s3 =	sadd.s32 s3, s5;
	[dreg:$0x0] =	wrdreg $0x0  }
0xae: {  	s5 =	sshll.u32 s28, $0x1;
	[dreg:$0x2] =	wrdreg s3  }
0xaf: {  	[dreg:$0x3] =	wrdreg s5  }
0xb0: {  	[dreg:$0x4] =	wrdreg $0xC0  }
0xb1: {  	_ =	task [dreg:s7], $0x5FFFF  }
0xb2: {  	[dreg:$0x1] =	wrdreg $0xFFFFFFFF  }
0xb3: {  	[dreg:$0x0] =	wrdreg $0x60  }
0xb4: {  	[dreg:$0x2] =	wrdreg s16  }
0xb5: {  	[dreg:$0x3] =	wrdreg s24  }
0xb6: {  	[dreg:$0x4] =	wrdreg $0x61000  }
0xb7: {  	[dreg:$0x5] =	wrdreg $0x9  }
0xb8: {  	_ =	task.clear_ibuf [dreg:s7], $0x6FFFF;
	_ =	strace $0x90000052  }
0xb9: {  	s29 =	simm.s32 $0x9;
	_ =	strace $0x80000054  }
0xba: {  	_ =	swait.ge [sflag:s29], $0x1  }
0xbb: {  	[sflag:s29] =	ssyncadd.s32 $0xFFFFFFFF  }
0xbc: {  	_ =	strace $0x90000054  }
0xbd: {  	_ =	sfence  }
0xbe: {  	s30 =	sld [smem:$0x0];
	_ =	sdelay $0x2  }
0xbf: {  	s31 =	sshll.u32 s1, $0xD;
	s1 =	sshrl.u32 s1, $0x2  }
0xc0: {  	s3 =	sand.u32 $0x4000, s31;
	s1 =	sadd.s32 s1, s30  }
0xc1: {  	s0 =	sor.u32 s3, s0;
	s1 =	sshll.u32 s1, $0x11  }
0xc2: {  	s0 =	sor.u32 s1, s0  }
0xc3: {  	s0 =	sadd.s32 $0x8F2B, s0  }
0xc4: {  	[sflag:s0] =	ssyncadd.remote.s32 $0x1  }
0xc5: {  	_ =	sfence.sel $0xFFFF  }
0xc6: {  	[dreg:$0x0] =	wrdreg $0xFFFFFFFF;
	(pc) =	sbr.abs _section_cstart, $3  }
0xc7: {  	[dreg:$0x1] =	wrdreg $0xFFFFFFFF  }
0xc8: {  	_ =	task.clear_ibuf [dreg:s7], $0x2FFFF;
	_ =	strace $0x9FFFFFFF  }
0xc9: {  	(tm) =	ssettm $0x7FFFFFFF  }
tec
execute0_lowered:
.L_overlay_start_1:
0x0: {  	(tag) =	ssettag $0x1  }
0x1: {  	s1 =	rddreg [dreg:$0x0]  }
0x2: {  	s0 =	rddreg [dreg:$0x1]  }
0x3: {  	s2 =	rddreg [dreg:$0x2]  }
0x4: {  	s3 =	simm.s32 $0x0;
	s4 =	srdreg.scid;
	s25 =	stileid.u32  }
0x5: {  	s23 =	simm.s32 $0x4100;
	s24 =	simm.s32 $0x2;
	s6 =	smul.u32 $0x50000, s25  }
0x6: {  	s28 =	simm.s32 $0x1;
	s29 =	simm.s32 $0x0;
	s15 =	smul.u32 $0x14000, s25  }
0x7: {  	[smem:$0x7FF] =	sst s3;
	s11 =	sand.u32 $0x1, s4;
	s30 =	smul.u32 $0x4F0, s25  }
0x8: {  	s25 =	simm.s32 $0x80;
	s5 =	smul.u32 $0x4F00, s11;
	s26 =	ssub.s32 $0x2, s11  }
0x9: {  	_ =	strace $0x80000053;
	s22 =	smul.u32 $0x140000, s11;
	s7 =	sshrl.u32 s26, $0x1  }
0xa: {  	s6 =	sshrl.u32 s6, $0x2;
	s16 =	sadd.s32 $0x4000, s15;
	s17 =	sadd.s32 $0x8000, s15  }
0xb: {  	s18 =	sadd.s32 $0xC000, s15;
	s19 =	sadd.s32 $0x10000, s15;
	s20 =	sadd.s32 s5, s0  }
0xc: {  	s0 =	sadd.s32 $0xF000, s0;
	s21 =	ssub.s32 s26, s7;
	s5 =	sadd.s32 s6, s2  }
0xd: {  	s7 =	sadd.s32 s16, s2;
	s9 =	sadd.s32 s17, s2;
	s11 =	sadd.s32 s18, s2  }
0xe: {  	s13 =	sadd.s32 s19, s2;
	s15 =	sadd.s32 s15, s22;
	s16 =	sadd.s32 s22, s16  }
0xf: {  	s17 =	sadd.s32 s22, s17;
	s18 =	sadd.s32 s22, s18;
	s19 =	sadd.s32 s22, s19  }
0x10: {  	s26 =	simm.s32 $0x100;
	s6 =	sadd.s32 $0x2000, s5;
	s8 =	sadd.s32 $0x6000, s5  }
0x11: {  	s10 =	sadd.s32 $0xA000, s5;
	s12 =	sadd.s32 $0xE000, s5;
	s14 =	sadd.s32 $0x12000, s5  }
0x12: {  	s15 =	sshrl.u32 s15, $0x3;
	s16 =	sshrl.u32 s16, $0x3;
	s17 =	sshrl.u32 s17, $0x3  }
0x13: {  	s18 =	sshrl.u32 s18, $0x3;
	s19 =	sshrl.u32 s19, $0x3;
	s31 =	sadd.s32 s30, s20  }
0x14: {  	s20 =	smax.u32 s21, $0x1;
	[dreg:$0x4] =	wrdreg s6;
	s15 =	sadd.s32 s0, s15  }
0x15: {  	s16 =	sadd.s32 s0, s16;
	s17 =	sadd.s32 s0, s17;
	s18 =	sadd.s32 s0, s18  }
0x16: {  	v0 =	vimm.f32 $0.0e+00;
	s19 =	sadd.s32 s0, s19;
	s21 =	sadd.s32 $0x5200, s31;
	s22 =	sadd.s32 $0x5F000, s31  }
.LBB2_1:
0x17: {  	s0 =	sand.u32 $0x7E00, s3  }
0x18: {  	s31 =	sand.u32 $0x70, s3;
	s0 =	sshrl.u32 s0, $0x2  }
0x19: {  	s30 =	simm.s32 $0x40;
	s0 =	sor.u32 s31, s0;
	s31 =	simm.s32 $0x0  }
.LBB2_2:
0x1a: {  	p0 =	sne.s32 s30, $0x7FC0  }
0x1b: {  	[tilespmem:s0+$0x4100] =	vst v0;
	s31 =	sadd.s32 $0x10, s31;
	s0 =	smov.u32 s30;
	s30 =	sadd.s32 $0x40, s30  }
.Ltmp0:
0x1c: {  	(pc) =	sbr.rel @p0 .LBB2_2-.Ltmp0, $4  }
0x1d: {  	_ = 	snop  }
0x1e: {  	s0 =	sand.u32 $0x7E00, s0  }
0x1f: {  	s4 =	sand.u32 $0x70, s31;
	s0 =	sshrl.u32 s0, $0x2  }
0x20: {  	s0 =	sor.u32 s4, s0  }
0x21: {  	[tilespmem:s0+$0x4100] =	vst v0  }
0x22: {  	[spmem:s5] =	stream.linear.scatter [tilespmem:s23], [sflag:$0x2], $0x2000, $0x38;
	[tilespmem:$0x1A100] =	vst v63  }
0x23: {  	_ =	swait.ge [sflag:s24], $0x2000  }
0x24: {  	[sflag:s24] =	ssyncset.done $0x0  }
0x25: {  	s6 =	rddreg [dreg:$0x4];
	[sflag:s24] =	ssyncadd.s32 $0xFFFFE000  }
0x26: {  	[spmem:s6] =	stream.linear.scatter [tilespmem:s23], [sflag:$0x2], $0x2000, $0x38;
	[tilespmem:$0x1A100] =	vst v63  }
0x27: {  	_ =	swait.ge [sflag:s24], $0x2000  }
0x28: {  	[sflag:s24] =	ssyncset.done $0x0  }
0x29: {  	[sflag:s24] =	ssyncadd.s32 $0xFFFFE000  }
0x2a: {  	[spmem:s7] =	stream.linear.scatter [tilespmem:s23], [sflag:$0x2], $0x2000, $0x38;
	[tilespmem:$0x1A100] =	vst v63  }
0x2b: {  	_ =	swait.ge [sflag:s24], $0x2000  }
0x2c: {  	[sflag:s24] =	ssyncset.done $0x0  }
0x2d: {  	[sflag:s24] =	ssyncadd.s32 $0xFFFFE000  }
0x2e: {  	[spmem:s8] =	stream.linear.scatter [tilespmem:s23], [sflag:$0x2], $0x2000, $0x38;
	[tilespmem:$0x1A100] =	vst v63  }
0x2f: {  	_ =	swait.ge [sflag:s24], $0x2000  }
0x30: {  	[sflag:s24] =	ssyncset.done $0x0  }
0x31: {  	[sflag:s24] =	ssyncadd.s32 $0xFFFFE000  }
0x32: {  	[spmem:s9] =	stream.linear.scatter [tilespmem:s23], [sflag:$0x2], $0x2000, $0x38;
	[tilespmem:$0x1A100] =	vst v63  }
0x33: {  	_ =	swait.ge [sflag:s24], $0x2000  }
0x34: {  	[sflag:s24] =	ssyncset.done $0x0  }
0x35: {  	[sflag:s24] =	ssyncadd.s32 $0xFFFFE000  }
0x36: {  	[spmem:s10] =	stream.linear.scatter [tilespmem:s23], [sflag:$0x2], $0x2000, $0x38;
	[tilespmem:$0x1A100] =	vst v63  }
0x37: {  	_ =	swait.ge [sflag:s24], $0x2000  }
0x38: {  	[sflag:s24] =	ssyncset.done $0x0  }
0x39: {  	[sflag:s24] =	ssyncadd.s32 $0xFFFFE000  }
0x3a: {  	[spmem:s11] =	stream.linear.scatter [tilespmem:s23], [sflag:$0x2], $0x2000, $0x38;
	[tilespmem:$0x1A100] =	vst v63  }
0x3b: {  	_ =	swait.ge [sflag:s24], $0x2000  }
0x3c: {  	[sflag:s24] =	ssyncset.done $0x0  }
0x3d: {  	[sflag:s24] =	ssyncadd.s32 $0xFFFFE000  }
0x3e: {  	[spmem:s12] =	stream.linear.scatter [tilespmem:s23], [sflag:$0x2], $0x2000, $0x38;
	[tilespmem:$0x1A100] =	vst v63  }
0x3f: {  	_ =	swait.ge [sflag:s24], $0x2000  }
0x40: {  	[sflag:s24] =	ssyncset.done $0x0  }
0x41: {  	[sflag:s24] =	ssyncadd.s32 $0xFFFFE000  }
0x42: {  	[spmem:s13] =	stream.linear.scatter [tilespmem:s23], [sflag:$0x2], $0x2000, $0x38;
	[tilespmem:$0x1A100] =	vst v63  }
0x43: {  	_ =	swait.ge [sflag:s24], $0x2000  }
0x44: {  	[sflag:s24] =	ssyncset.done $0x0  }
0x45: {  	[sflag:s24] =	ssyncadd.s32 $0xFFFFE000  }
0x46: {  	[spmem:s14] =	stream.linear.scatter [tilespmem:s23], [sflag:$0x2], $0x2000, $0x38;
	[tilespmem:$0x1A100] =	vst v63  }
0x47: {  	_ =	swait.ge [sflag:s24], $0x2000  }
0x48: {  	[sflag:s24] =	ssyncset.done $0x0  }
0x49: {  	[sflag:s24] =	ssyncadd.s32 $0xFFFFE000  }
0x4a: {  	s4 =	sadd.s32 $0x0, s22;
	[bflag:$0x0] =	sbarrier.arrive $0xFFFF  }
0x4b: {  	[tilespmem:s3], [sflag:$0x2] =	stream.linear.gather [hbm4b:s4+s3], $0x80, $0x38;
	[tilespmem:$0x1A100] =	vst v63  }
0x4c: {  	_ =	swait.ge [sflag:s24], $0x80  }
0x4d: {  	[sflag:s24] =	ssyncset.done $0x0  }
0x4e: {  	s6 =	sadd.s32 $0x0, s21;
	[sflag:s24] =	ssyncadd.s32 $0xFFFFFF80  }
0x4f: {  	[tilespmem:s25], [sflag:$0x2] =	stream.linear.gather [hbm4b:s6+s3], $0x80, $0x38;
	[tilespmem:$0x1A100] =	vst v63  }
0x50: {  	_ =	swait.ge [sflag:s24], $0x80  }
0x51: {  	[sflag:s24] =	ssyncset.done $0x0  }
0x52: {  	[sflag:s24] =	ssyncadd.s32 $0xFFFFFF80  }
0x53: {  	[tilespmem:s26], [sflag:$0x1] =	stream.indirect.gather [hbm4b:s1+s25], $0x80, s3, s25, $0xb8;
	[tilespmem:$0x1A100] =	vst v63  }
0x54: {  	_ =	swait.ge [sflag:s28], $0x4000  }
0x55: {  	[sflag:s28] =	ssyncset.done $0x0  }
0x56: {  	[sflag:s28] =	ssyncadd.s32 $0xFFFFC000  }
0x57: {  	[spmem:s2] =	stream.indirect.scatter.add.f32 [tilespmem:s26], [sflag:$0x2], $0x80, s25, s25, $0xb8;
	[tilespmem:$0x1A100] =	vst v63  }
0x58: {  	_ =	swait.ge [sflag:s24], $0x4000  }
0x59: {  	s30 =	simm.s32 $0x10;
	s31 =	simm.s32 $0x20;
	[sflag:s24] =	ssyncset.done $0x0  }
.LBB2_4:
0x5a: {  	s0 =	sadd.s32 s30, s22  }
0x5b: {  	[sflag:s24] =	ssyncadd.s32 $0xFFFFC000;
	s4 =	smov.u32 s31;
	s6 =	sadd.s32 $0x10, s31  }
0x5c: {  	[tilespmem:s3], [sflag:$0x2] =	stream.linear.gather [hbm4b:s0+s3], $0x80, $0x38;
	[tilespmem:$0x1A100] =	vst v63  }
0x5d: {  	p0 =	sne.s32 s31, $0x4E0;
	_ =	swait.ge [sflag:s24], $0x80  }
0x5e: {  	[sflag:s24] =	ssyncset.done $0x0  }
0x5f: {  	s0 =	sadd.s32 s30, s21;
	s30 =	smov.u32 s4;
	[sflag:s24] =	ssyncadd.s32 $0xFFFFFF80  }
0x60: {  	[tilespmem:s25], [sflag:$0x2] =	stream.linear.gather [hbm4b:s0+s3], $0x80, $0x38;
	[tilespmem:$0x1A100] =	vst v63  }
0x61: {  	_ =	swait.ge [sflag:s24], $0x80  }
0x62: {  	[sflag:s24] =	ssyncset.done $0x0  }
0x63: {  	[sflag:s24] =	ssyncadd.s32 $0xFFFFFF80  }
0x64: {  	[tilespmem:s26], [sflag:$0x1] =	stream.indirect.gather [hbm4b:s1+s25], $0x80, s3, s25, $0xb8;
	[tilespmem:$0x1A100] =	vst v63  }
0x65: {  	_ =	swait.ge [sflag:s28], $0x4000  }
.Ltmp1:
0x66: {  	[sflag:s28] =	ssyncset.done $0x0;
	(pc) =	sbr.rel @p0 .LBB2_4-.Ltmp1, $4  }
0x67: {  	[sflag:s28] =	ssyncadd.s32 $0xFFFFC000  }
0x68: {  	[spmem:s2] =	stream.indirect.scatter.add.f32 [tilespmem:s26], [sflag:$0x2], $0x80, s25, s25, $0xb8;
	[tilespmem:$0x1A100] =	vst v63  }
0x69: {  	_ =	swait.ge [sflag:s24], $0x4000  }
0x6a: {  	s31 =	smov.u32 s6;
	[sflag:s24] =	ssyncset.done $0x0  }
0x6b: {  	s0 =	sadd.s32 s30, s22;
	[sflag:s24] =	ssyncadd.s32 $0xFFFFC000  }
0x6c: {  	[tilespmem:s3], [sflag:$0x2] =	stream.linear.gather [hbm4b:s0+s3], $0x80, $0x38;
	[tilespmem:$0x1A100] =	vst v63  }
0x6d: {  	_ =	swait.ge [sflag:s24], $0x80  }
0x6e: {  	[sflag:s24] =	ssyncset.done $0x0  }
0x6f: {  	s31 =	sadd.s32 s30, s21;
	[sflag:s24] =	ssyncadd.s32 $0xFFFFFF80  }
0x70: {  	[tilespmem:s25], [sflag:$0x2] =	stream.linear.gather [hbm4b:s31+s3], $0x80, $0x38;
	[tilespmem:$0x1A100] =	vst v63  }
0x71: {  	_ =	swait.ge [sflag:s24], $0x80  }
0x72: {  	[sflag:s24] =	ssyncset.done $0x0  }
0x73: {  	[sflag:s24] =	ssyncadd.s32 $0xFFFFFF80  }
0x74: {  	[tilespmem:s26], [sflag:$0x1] =	stream.indirect.gather [hbm4b:s1+s25], $0x80, s3, s25, $0xb8;
	[tilespmem:$0x1A100] =	vst v63  }
0x75: {  	_ =	swait.ge [sflag:s28], $0x4000  }
0x76: {  	[sflag:s28] =	ssyncset.done $0x0  }
0x77: {  	[sflag:s28] =	ssyncadd.s32 $0xFFFFC000  }
0x78: {  	[spmem:s2] =	stream.indirect.scatter.add.f32 [tilespmem:s26], [sflag:$0x2], $0x80, s25, s25, $0xb8;
	[tilespmem:$0x1A100] =	vst v63  }
0x79: {  	_ =	swait.ge [sflag:s24], $0x4000  }
0x7a: {  	[sflag:s24] =	ssyncset.done $0x0  }
0x7b: {  	[sflag:s24] =	ssyncadd.s32 $0xFFFFC000  }
0x7c: {  	[bflag:$0x0] =	sbarrier.arrive $0xFFFF  }
0x7d: {  	[tilespmem:s26], [sflag:$0x2] =	stream.linear.gather [spmem:s5], $0x4000, $0x38;
	[tilespmem:$0x1A100] =	vst v63  }
0x7e: {  	_ =	swait.ge [sflag:s24], $0x4000  }
0x7f: {  	[sflag:s24] =	ssyncset.done $0x0  }
0x80: {  	[sflag:s24] =	ssyncadd.s32 $0xFFFFC000  }
0x81: {  	[hbm4b:s15+s3] =	stream.linear.scatter [tilespmem:s26], [sflag:$0x2], $0x4000, $0x38;
	[tilespmem:$0x1A100] =	vst v63  }
0x82: {  	_ =	swait.ge [sflag:s24], $0x4000  }
0x83: {  	[sflag:s24] =	ssyncset.done $0x0  }
0x84: {  	[sflag:s24] =	ssyncadd.s32 $0xFFFFC000  }
0x85: {  	[tilespmem:s26], [sflag:$0x2] =	stream.linear.gather [spmem:s7], $0x4000, $0x38;
	[tilespmem:$0x1A100] =	vst v63  }
0x86: {  	_ =	swait.ge [sflag:s24], $0x4000  }
0x87: {  	[sflag:s24] =	ssyncset.done $0x0  }
0x88: {  	[sflag:s24] =	ssyncadd.s32 $0xFFFFC000  }
0x89: {  	[hbm4b:s16+s3] =	stream.linear.scatter [tilespmem:s26], [sflag:$0x2], $0x4000, $0x38;
	[tilespmem:$0x1A100] =	vst v63  }
0x8a: {  	_ =	swait.ge [sflag:s24], $0x4000  }
0x8b: {  	[sflag:s24] =	ssyncset.done $0x0  }
0x8c: {  	[sflag:s24] =	ssyncadd.s32 $0xFFFFC000  }
0x8d: {  	[tilespmem:s26], [sflag:$0x2] =	stream.linear.gather [spmem:s9], $0x4000, $0x38;
	[tilespmem:$0x1A100] =	vst v63  }
0x8e: {  	_ =	swait.ge [sflag:s24], $0x4000  }
0x8f: {  	[sflag:s24] =	ssyncset.done $0x0  }
0x90: {  	[sflag:s24] =	ssyncadd.s32 $0xFFFFC000  }
0x91: {  	[hbm4b:s17+s3] =	stream.linear.scatter [tilespmem:s26], [sflag:$0x2], $0x4000, $0x38;
	[tilespmem:$0x1A100] =	vst v63  }
0x92: {  	_ =	swait.ge [sflag:s24], $0x4000  }
0x93: {  	[sflag:s24] =	ssyncset.done $0x0  }
0x94: {  	[sflag:s24] =	ssyncadd.s32 $0xFFFFC000  }
0x95: {  	[tilespmem:s26], [sflag:$0x2] =	stream.linear.gather [spmem:s11], $0x4000, $0x38;
	[tilespmem:$0x1A100] =	vst v63  }
0x96: {  	_ =	swait.ge [sflag:s24], $0x4000  }
0x97: {  	[sflag:s24] =	ssyncset.done $0x0  }
0x98: {  	[sflag:s24] =	ssyncadd.s32 $0xFFFFC000  }
0x99: {  	[hbm4b:s18+s3] =	stream.linear.scatter [tilespmem:s26], [sflag:$0x2], $0x4000, $0x38;
	[tilespmem:$0x1A100] =	vst v63  }
0x9a: {  	_ =	swait.ge [sflag:s24], $0x4000  }
0x9b: {  	[sflag:s24] =	ssyncset.done $0x0  }
0x9c: {  	[sflag:s24] =	ssyncadd.s32 $0xFFFFC000  }
0x9d: {  	[tilespmem:s26], [sflag:$0x2] =	stream.linear.gather [spmem:s13], $0x4000, $0x38;
	[tilespmem:$0x1A100] =	vst v63  }
0x9e: {  	s29 =	sadd.s32 $0x1, s29;
	_ =	swait.ge [sflag:s24], $0x4000  }
0x9f: {  	p0 =	sne.s32 s29, s20;
	[sflag:s24] =	ssyncset.done $0x0  }
.Ltmp2:
0xa0: {  	[sflag:s24] =	ssyncadd.s32 $0xFFFFC000;
	(pc) =	sbr.rel @p0 .LBB2_1-.Ltmp2, $4  }
0xa1: {  	[hbm4b:s19+s3] =	stream.linear.scatter [tilespmem:s26], [sflag:$0x2], $0x4000, $0x38;
	[tilespmem:$0x1A100] =	vst v63  }
0xa2: {  	_ =	swait.ge [sflag:s24], $0x4000  }
0xa3: {  	[sflag:s24] =	ssyncset.done $0x0  }
0xa4: {  	[sflag:s24] =	ssyncadd.s32 $0xFFFFC000  }
0xa5: {  	_ =	sfence.sel $0x180000  }
0xa6: {  	[bflag:$0x0] =	sbarrier.arrive $0xFFFF  }
0xa7: {  	_ =	strace $0x90000053  }
0xa8: {  	s0 =	stileid.u32;
	[bflag:$0x2] =	sbarrier.arrive $0xFFFF  }
0xa9: {  	p0 =	sne.s32 s0, $0x0;
	s0 =	rddreg [dreg:$0x3]  }
0xaa: {  	s0 =	sadd.s32 @!p0 $0x100000, s0  }
0xab: {  	[sflag:s0] =	ssyncadd.tile.s32 @!p0 $0x1;
	_ =	shalt  }
.Lfunc_end2:
_tile_overlayer_lowered:
.L_overlay_start_2:
0xac: {  	(tag) =	ssettag $0x2  }
0xad: {  	s0 =	rddreg [dreg:$0x0];
	s2 =	stileid.u32  }
0xae: {  	s1 =	rddreg [dreg:$0x1];
	p0 =	sne.s32 s2, $0x0  }
0xaf: {  	s3 =	rddreg [dreg:$0x2];
	[bflag:$0x3] =	sbarrier.arrive $0xFFFF;
	s2 =	simm.s32 @!p0 $0x1C02  }
0xb0: {  	[timem:s3], [sflag:s2] =	dma.local @!p0 [hbm:s0], s1  }
0xb1: {  	s0 =	simm.s32 @!p0 $0x2  }
0xb2: {  	_ =	swait.ge @!p0 [sflag:s0], s1  }
0xb3: {  	s1 =	ssub.s32 @!p0 $0x0, s1;
	[sflag:s0] =	ssyncset.done @!p0 $0x0  }
0xb4: {  	[sflag:s0] =	ssyncadd.s32 @!p0 s1  }
0xb5: {  	[bflag:$0x3] =	sbarrier.arrive $0xFFFF  }
0xb6: {  	_ =	shalt  }

</sc_bundles>
